<compile_context>
chip_gen: v7x
topology: tpu7x:2x2x1
jax: 0.10.2.dev20260603
libtpu: 0.0.44.dev20260713+nightly
codegen_flags: <defaults>
</compile_context>

<pallas_src>
import functools

import jax
import jax.numpy as jnp
from jax import lax
from jax.experimental import pallas as pl
from jax.experimental.pallas import tpu as pltpu
from jax.experimental.pallas import tpu_sc as plsc

HD = 64
SC_L = 16
PREC = lax.Precision.DEFAULT
F32 = jnp.float32


def _dot(a, b, dims):
    return lax.dot_general(a, b, (dims, ((), ())), precision=PREC,
                           preferred_element_type=F32)


def _mm(a, b):
    return _dot(a, b, (((a.ndim - 1,), (0,))))


def _shift_mask(x, m, n, w, nrow):
    N = nrow * w
    d = m * w + n
    sh = pltpu.roll(x, (-d) % N, axis=1)
    li = lax.broadcasted_iota(jnp.int32, (1, N), 1)
    col = li - (li // w) * w
    src = li + d
    valid = jnp.logical_and(
        jnp.logical_and(src >= 0, src < N),
        jnp.logical_and(col + n >= 0, col + n < w))
    return jnp.where(valid, sh, 0.0)


def _down_body(w_, nrow, x_ref, w_ref, b_ref, o_ref):
    t = pl.program_id(1)
    pp, i = t // 4, t % 4
    a, b2 = pp // 2, pp % 2
    kh = (1 - a) + 2 * (i // 2)
    kw = (1 - b2) + 2 * (i % 2)
    m = (kh + 1) // 2 - 1
    n = (kw + 1) // 2 - 1
    op = _shift_mask(x_ref[0, 0], m, n, w_, nrow)
    acc = _mm(w_ref[0], op)

    @pl.when(t == 0)
    def _():
        o_ref[0] = acc

    @pl.when(t > 0)
    def _():
        o_ref[0] = o_ref[0] + acc

    @pl.when(t == 15)
    def _():
        o_ref[0] = o_ref[0] + b_ref[...]


def _wmap_down(b_, t):
    pp, i = t // 4, t % 4
    a, b2 = pp // 2, pp % 2
    kh = (1 - a) + 2 * (i // 2)
    kw = (1 - b2) + 2 * (i % 2)
    return (kh * 4 + kw, 0, 0)


def _down_conv(x, W, b):
    B, C, H, Wd = x.shape
    h, w = H // 2, Wd // 2
    N = h * w
    pln = (x.reshape(B, C, h, 2, w, 2).transpose(0, 3, 5, 1, 2, 4)
           .reshape(B, 4, C, N))
    Wt = W.transpose(2, 3, 0, 1).reshape(16, C, C)
    b2 = b.reshape(C, 1)

    return pl.pallas_call(
        functools.partial(_down_body, w, h),
        grid=(B, 16),
        in_specs=[
            pl.BlockSpec((1, 1, C, N), lambda b_, t: (b_, t // 4, 0, 0)),
            pl.BlockSpec((1, C, C), _wmap_down),
            pl.BlockSpec((C, 1), lambda b_, t: (0, 0)),
        ],
        out_specs=pl.BlockSpec((1, C, N), lambda b_, t: (b_, 0, 0)),
        out_shape=jax.ShapeDtypeStruct((B, C, N), F32),
    )(pln, Wt, b2)


def _coarse_body(kf, xd_ref, w_ref, b_ref, o_ref, sel_ref):
    tok = xd_ref[0]
    N = tok.shape[1]
    scale = HD ** (-0.5)
    t = tok.T
    qkv = _mm(t, w_ref[...]) + b_ref[...]
    q = qkv[:, :HD]
    k = qkv[:, HD:2 * HD]
    v = qkv[:, 2 * HD:]
    ls = _dot(q, k, ((1,), (1,))) * scale
    m = jnp.max(ls, axis=1, keepdims=True)
    p = jnp.exp(ls - m)
    s = jnp.sum(p, axis=1, keepdims=True)
    attn = p / s
    score = jnp.sum(attn, axis=0, keepdims=True)
    out = _mm(attn, v)
    o_ref[0] = out.T
    sel_ref[0, 0] = lax.bitcast_convert_type(score, jnp.int32)


def _coarse_attn(xd, cW, cb, kf):
    B, C, N = xd.shape
    nh = C // HD
    cb2 = cb.reshape(1, 3 * HD)
    return pl.pallas_call(
        functools.partial(_coarse_body, kf),
        grid=(B, nh),
        in_specs=[
            pl.BlockSpec((1, HD, N), lambda b_, h_: (b_, h_, 0)),
            pl.BlockSpec((HD, 3 * HD), lambda b_, h_: (0, 0)),
            pl.BlockSpec((1, 3 * HD), lambda b_, h_: (0, 0)),
        ],
        out_specs=(
            pl.BlockSpec((1, HD, N), lambda b_, h_: (b_, h_, 0)),
            pl.BlockSpec((1, 1, 1, N), lambda b_, h_: (b_, h_, 0, 0)),
        ),
        out_shape=(
            jax.ShapeDtypeStruct((B, C, N), F32),
            jax.ShapeDtypeStruct((B, nh, 1, N), jnp.int32),
        ),
    )(xd, cW, cb2)


def _sc_topk_body(kf, R, N, score_ref, mask_ref, vbuf, mbuf, sem):
    cid = lax.axis_index("c")
    sid = lax.axis_index("s")
    tid = cid * 16 + sid
    nchunk = N // SC_L
    zero_v = jnp.zeros((SC_L,), jnp.int32)

    def total_ge(cand):
        cand_v = jnp.full((SC_L,), cand, jnp.int32)

        def body(i, acc):
            m = vbuf[pl.ds(i * SC_L, SC_L)] >= cand_v
            return acc + jnp.where(m, 1, 0)

        acc = lax.fori_loop(0, nchunk, body, zero_v)
        tot = acc[0]
        for l in range(1, SC_L):
            tot = tot + acc[l]
        return tot

    def do_row(r):
        cp = pltpu.make_async_copy(score_ref.at[r], vbuf, sem)
        cp.start()
        cp.wait()

        def bs_body(b, th):
            cand = th | lax.shift_left(jnp.int32(1), 30 - b)
            cnt = total_ge(cand)
            return jnp.where(cnt >= kf, cand, th)

        th = lax.fori_loop(0, 31, bs_body, jnp.int32(0))
        th_v = jnp.full((SC_L,), th, jnp.int32)

        def sel_body(i, carry):
            bits = vbuf[pl.ds(i * SC_L, SC_L)]
            code = jnp.where(bits > th_v, 2, jnp.where(bits == th_v, 1, 0))
            mbuf[pl.ds(i * SC_L, SC_L)] = code
            return carry

        lax.fori_loop(0, nchunk, sel_body, jnp.int32(0))
        cp2 = pltpu.make_async_copy(mbuf, mask_ref.at[r], sem)
        cp2.start()
        cp2.wait()

    for k in range((R + 31) // 32):
        r = tid + 32 * k

        @pl.when(r < R)
        def _():
            do_row(r)


def _sc_topk_mask(score2d, kf):
    R, N = score2d.shape
    return pl.kernel(
        functools.partial(_sc_topk_body, kf, R, N),
        out_type=jax.ShapeDtypeStruct((R, N), jnp.int32),
        mesh=plsc.VectorSubcoreMesh(core_axis_name="c", subcore_axis_name="s"),
        scratch_types=[
            pltpu.VMEM((N,), jnp.int32),
            pltpu.VMEM((N,), jnp.int32),
            pltpu.SemaphoreType.DMA,
        ],
    )(score2d)


def _up_body(w_, nrow, x_ref, w_ref, b_ref, o_ref):
    f = pl.program_id(1)
    j = pl.program_id(2)
    m = f // 2 - j // 2
    n = f % 2 - j % 2
    op = _shift_mask(x_ref[0], m, n, w_, nrow)
    acc = _mm(w_ref[0, 0], op.astype(jnp.bfloat16))

    @pl.when(j == 0)
    def _():
        o_ref[0, 0] = acc

    @pl.when(j > 0)
    def _():
        o_ref[0, 0] = o_ref[0, 0] + acc

    @pl.when(j == 3)
    def _():
        o_ref[0, 0] = o_ref[0, 0] + b_ref[...]


def _up_conv(x, W, b, h, w):
    B, C, N = x.shape
    Wt = W.transpose(2, 3, 1, 0)
    Wup = jnp.stack([
        jnp.stack([Wt[2 * jh + (1 - ei), 2 * jw + (1 - ej)]
                   for jh in range(2) for jw in range(2)], axis=0)
        for ei in range(2) for ej in range(2)], axis=0)
    Wup = Wup.astype(jnp.bfloat16)
    b2 = b.reshape(C, 1)
    return pl.pallas_call(
        functools.partial(_up_body, w, h),
        grid=(B, 4, 4),
        in_specs=[
            pl.BlockSpec((1, C, N), lambda b_, f, j: (b_, 0, 0)),
            pl.BlockSpec((1, 1, C, C), lambda b_, f, j: (f, j, 0, 0)),
            pl.BlockSpec((C, 1), lambda b_, f, j: (0, 0)),
        ],
        out_specs=pl.BlockSpec((1, 1, C, N), lambda b_, f, j: (b_, f, 0, 0)),
        out_shape=jax.ShapeDtypeStruct((B, 4, C, N), F32),
    )(x, Wup, b2)


def _topk_body(kf, co_ref, msk_ref, w_ref, b_ref, o_ref):
    code = msk_ref[0, 0]
    cp = co_ref[0]
    N = cp.shape[2]
    scale = HD ** (-0.5)
    gt = code == 2
    eq = code == 1
    n_gt = jnp.sum(gt.astype(jnp.int32))
    deficit = (kf - n_gt).astype(F32)
    r = lax.broadcasted_iota(jnp.int32, (N, N), 0)
    c = lax.broadcasted_iota(jnp.int32, (N, N), 1)
    ut = (r <= c).astype(F32)
    cum_eq = _mm(eq.astype(F32), ut)
    msk = jnp.logical_or(gt, jnp.logical_and(eq, cum_eq <= deficit))
    slot = (_mm(msk.astype(F32), ut) - 1.0).astype(jnp.int32)
    si = lax.broadcasted_iota(jnp.int32, (N, kf), 1)
    sel = jnp.logical_and(slot.T == si, msk.T).astype(F32)
    tsel = [_dot(sel, cp[f], ((0,), (1,))) for f in range(4)]
    toks = jnp.concatenate(tsel, axis=0)
    qkv = _mm(toks, w_ref[...]) + b_ref[...]
    q = qkv[:, :HD]
    k = qkv[:, HD:2 * HD]
    v = qkv[:, 2 * HD:]
    ls = _dot(q, k, ((1,), (1,))) * scale
    m = jnp.max(ls, axis=1, keepdims=True)
    p = jnp.exp(ls - m)
    s = jnp.sum(p, axis=1, keepdims=True)
    out = _mm(p / s, v)
    for f in range(4):
        og = out[f * kf:(f + 1) * kf, :]
        scat = _dot(og, sel, ((0,), (1,)))
        o_ref[0, f] = (scat + cp[f]).astype(jnp.bfloat16)


def _topk_attn(co_ph, msk, kf, tW, tb):
    B, _, C, N = co_ph.shape
    nh = C // HD
    tb2 = tb.reshape(1, 3 * HD)
    return pl.pallas_call(
        functools.partial(_topk_body, kf),
        grid=(B, nh),
        in_specs=[
            pl.BlockSpec((1, 4, HD, N), lambda b_, h_: (b_, 0, h_, 0)),
            pl.BlockSpec((1, 1, 1, N), lambda b_, h_: (b_, h_, 0, 0)),
            pl.BlockSpec((HD, 3 * HD), lambda b_, h_: (0, 0)),
            pl.BlockSpec((1, 3 * HD), lambda b_, h_: (0, 0)),
        ],
        out_specs=pl.BlockSpec((1, 4, HD, N), lambda b_, h_: (b_, 0, h_, 0)),
        out_shape=jax.ShapeDtypeStruct((B, 4, C, N), jnp.bfloat16),
    )(co_ph, msk, tW, tb2)


def _dw_body(w_, nrow, x_ref, w_ref, g_ref, be_ref, o_ref):
    xp = x_ref[0]
    cb = xp.shape[1]
    N = xp.shape[2]
    for a in range(2):
        for b2 in range(2):
            y = jnp.zeros((cb, N), F32)
            for u in range(3):
                for v in range(3):
                    ap, m = (a + u - 1) % 2, (a + u - 1) // 2
                    bp, n = (b2 + v - 1) % 2, (b2 + v - 1) // 2
                    src = _shift_mask(xp[ap * 2 + bp].astype(F32),
                                      m, n, w_, nrow)
                    y = y + w_ref[u * 3 + v] * src
            y = y * g_ref[...] + be_ref[...]
            o_ref[0, a * 2 + b2] = jnp.clip(y, 0.0, 6.0).astype(jnp.bfloat16)


def _dw_conv(x2_ph, dw_W, dw_g, dw_be, h, w):
    B, _, C, N = x2_ph.shape
    cbs = 128 if C % 128 == 0 else C
    nc = C // cbs
    dwr = dw_W.reshape(C, 9).T.reshape(9, C, 1)
    g = dw_g.reshape(C, 1)
    be = dw_be.reshape(C, 1)
    return pl.pallas_call(
        functools.partial(_dw_body, w, h),
        grid=(B, nc),
        in_specs=[
            pl.BlockSpec((1, 4, cbs, N), lambda b_, c_: (b_, 0, c_, 0)),
            pl.BlockSpec((9, cbs, 1), lambda b_, c_: (0, c_, 0)),
            pl.BlockSpec((cbs, 1), lambda b_, c_: (c_, 0)),
            pl.BlockSpec((cbs, 1), lambda b_, c_: (c_, 0)),
        ],
        out_specs=pl.BlockSpec((1, 4, cbs, N), lambda b_, c_: (b_, 0, c_, 0)),
        out_shape=jax.ShapeDtypeStruct((B, 4, C, N), jnp.bfloat16),
    )(x2_ph, dwr, g, be)


def _pw_body(x_ref, w_ref, g_ref, be_ref, o_ref):
    z = _mm(w_ref[...], x_ref[0, 0])
    z = z * g_ref[...] + be_ref[...]
    o_ref[0, 0] = jnp.clip(z, 0.0, 6.0)


def _pw_conv(t_ph, pw_W, pw_g, pw_be):
    B, _, C, N = t_ph.shape
    W2 = pw_W.reshape(C, C).astype(jnp.bfloat16)
    g = pw_g.reshape(C, 1)
    be = pw_be.reshape(C, 1)
    return pl.pallas_call(
        _pw_body,
        grid=(B, 4),
        in_specs=[
            pl.BlockSpec((1, 1, C, N), lambda b_, f: (b_, f, 0, 0)),
            pl.BlockSpec((C, C), lambda b_, f: (0, 0)),
            pl.BlockSpec((C, 1), lambda b_, f: (0, 0)),
            pl.BlockSpec((C, 1), lambda b_, f: (0, 0)),
        ],
        out_specs=pl.BlockSpec((1, 1, C, N), lambda b_, f: (b_, f, 0, 0)),
        out_shape=jax.ShapeDtypeStruct((B, 4, C, N), F32),
    )(t_ph, W2, g, be)


def kernel(x, down_W, down_b, up_W, up_b, cW, cb, tW, tb,
           dw_W, dw_g, dw_be, pw_W, pw_g, pw_be):
    B, C, H, W = x.shape
    h, w = H // 2, W // 2
    N = h * w
    kf = max(1, N // 4)

    nh = C // HD
    xd = _down_conv(x, down_W, down_b)
    att, score = _coarse_attn(xd, cW, cb, kf)
    msk = _sc_topk_mask(score.reshape(B * nh, N), kf)
    co_ph = _up_conv(att, up_W, up_b, h, w)
    x2_ph = _topk_attn(co_ph, msk.reshape(B, nh, 1, N), kf, tW, tb)
    t_ph = _dw_conv(x2_ph, dw_W, dw_g, dw_be, h, w)
    z_ph = _pw_conv(t_ph, pw_W, pw_g, pw_be)
    return (z_ph.reshape(B, 2, 2, C, h, w)
            .transpose(0, 3, 4, 1, 5, 2).reshape(B, C, H, W))

# --- scband reference (transcript-rebuilt; emitter-appended) ---
"""Pipeline reference for scband-region-selection-attention-71090298683454 (READ-ONLY COPY).

The authoritative reference and input builder live on the scoring server;
editing this copy changes nothing except your own understanding.
"""

import jax, jax.numpy as jnp
import numpy as np
from jax import lax

HEAD_DIM = 64

def conv2d(x, W, b=None, stride=1, pad=0, groups=1):
    y = lax.conv_general_dilated(x, W, (stride, stride), ((pad, pad), (pad, pad)),
                                 dimension_numbers=('NCHW', 'OIHW', 'NCHW'),
                                 feature_group_count=groups)
    if b is not None:
        y = y + b[None, :, None, None]
    return y

def conv_transpose2d(x, W, b, stride=2, pad=1):
    # W: [in, out, kh, kw] (PyTorch ConvTranspose2d layout)
    kh, kw = W.shape[2], W.shape[3]
    Wf = jnp.flip(W, (2, 3)).transpose(1, 0, 2, 3)  # [out, in, kh, kw]
    y = lax.conv_general_dilated(x, Wf, (1, 1),
                                 ((kh - 1 - pad, kh - 1 - pad), (kw - 1 - pad, kw - 1 - pad)),
                                 lhs_dilation=(stride, stride),
                                 dimension_numbers=('NCHW', 'OIHW', 'NCHW'))
    return y + b[None, :, None, None]

def _forward(x, down_W, down_b, up_W, up_b, cW, cb, tW, tb, dw_W, dw_g, dw_be, pw_W, pw_g, pw_be):
    B, C, H, W = x.shape
    hd = HEAD_DIM
    nh = C // hd
    scale = hd ** (-0.5)
    # ---- CoarseSelfAttention ----
    xd = conv2d(x, down_W, down_b, stride=2, pad=1)
    h, w = xd.shape[2], xd.shape[3]
    N = h * w
    tokens = xd.reshape(B, nh, hd, N).transpose(0, 1, 3, 2)
    qkv = tokens @ cW + cb
    q, k, v = jnp.split(qkv, 3, axis=-1)
    attn = jax.nn.softmax(jnp.einsum('bhnd,bhmd->bhnm', q, k) * scale, axis=-1)
    score = attn.sum(axis=-2)
    kf = max(1, N // 4)
    _, top_idx = lax.top_k(score, kf)  # [B, nh, kf]
    out = jnp.einsum('bhnm,bhmd->bhnd', attn, v)
    out = out.transpose(0, 1, 3, 2).reshape(B, C, h, w)
    out = conv_transpose2d(out, up_W, up_b, stride=2, pad=1)
    coarse_out = jax.image.resize(out, (B, C, H, W), method='bilinear')
    # ---- TopkSelfAttention ----
    ps = 2
    ph, pw2 = H // ps, W // ps
    P = ph * pw2
    xh = coarse_out.reshape(B, nh, hd, H, W)
    patches = xh.reshape(B, nh, hd, ph, ps, pw2, ps).transpose(0, 1, 2, 3, 5, 4, 6).reshape(B, nh, hd, P, ps, ps)
    idx = jnp.broadcast_to(top_idx[:, :, None, :, None, None], (B, nh, hd, kf, ps, ps))
    selected = jnp.take_along_axis(patches, idx, axis=3)
    toks = selected.reshape(B, nh, hd, kf, ps * ps).transpose(0, 1, 3, 4, 2).reshape(B, nh, kf * ps * ps, hd)
    qkv2 = toks @ tW + tb
    q2, k2, v2 = jnp.split(qkv2, 3, axis=-1)
    attn2 = jax.nn.softmax(jnp.einsum('bhnd,bhmd->bhnm', q2, k2) * scale, axis=-1)
    ot = jnp.einsum('bhnm,bhmd->bhnd', attn2, v2)
    ot = ot.reshape(B, nh, kf, ps * ps, hd).transpose(0, 1, 4, 2, 3).reshape(B, nh, hd, kf, ps, ps)
    vals = ot.transpose(0, 1, 3, 2, 4, 5)  # [B, nh, kf, hd, ps, ps]
    res0 = jnp.zeros((B, nh, P, hd, ps, ps), x.dtype)
    scat = jax.vmap(jax.vmap(lambda r, i, vv: r.at[i].set(vv)))(res0, top_idx, vals)
    result_patches = scat.transpose(0, 1, 3, 2, 4, 5)  # [B, nh, hd, P, ps, ps]
    result = result_patches.reshape(B, nh, hd, ph, pw2, ps, ps).transpose(0, 1, 2, 3, 5, 4, 6).reshape(B, C, H, W)
    x2 = coarse_out + result
    # ---- DWConv feed-forward (BN in eval mode: mean=0, var=1) ----
    y = conv2d(x2, dw_W, None, stride=1, pad=1, groups=C)
    y = jnp.clip(y * dw_g[None, :, None, None] + dw_be[None, :, None, None], 0.0, 6.0)
    y = conv2d(y, pw_W, None, stride=1, pad=0)
    y = jnp.clip(y * pw_g[None, :, None, None] + pw_be[None, :, None, None], 0.0, 6.0)
    return y

def setup_inputs(seed: int = 0) -> dict:
    key = jax.random.key(seed)
    ks = jax.random.split(key, 10)
    B, C, H, W = 4, 768, 56, 56
    hd = HEAD_DIM
    inp = {}
    inp['x'] = jax.random.normal(ks[0], (B, C, H, W), jnp.float32)
    inp['down_W'] = jax.random.normal(ks[1], (C, C, 4, 4), jnp.float32) * 0.01
    inp['down_b'] = jnp.zeros((C,), jnp.float32)
    inp['up_W'] = jax.random.normal(ks[2], (C, C, 4, 4), jnp.float32) * 0.01
    inp['up_b'] = jnp.zeros((C,), jnp.float32)
    inp['cW'] = jax.random.normal(ks[3], (hd, 3 * hd), jnp.float32) * 0.05
    inp['cb'] = jnp.zeros((3 * hd,), jnp.float32)
    inp['tW'] = jax.random.normal(ks[4], (hd, 3 * hd), jnp.float32) * 0.05
    inp['tb'] = jnp.zeros((3 * hd,), jnp.float32)
    inp['dw_W'] = jax.random.normal(ks[5], (C, 1, 3, 3), jnp.float32) * 0.1
    inp['dw_g'] = jnp.ones((C,), jnp.float32)
    inp['dw_be'] = jnp.zeros((C,), jnp.float32)
    inp['pw_W'] = jax.random.normal(ks[6], (C, C, 1, 1), jnp.float32) * 0.02
    inp['pw_g'] = jnp.ones((C,), jnp.float32)
    inp['pw_be'] = jnp.zeros((C,), jnp.float32)
    return inp

def reference(x, down_W, down_b, up_W, up_b, cW, cb, tW, tb, dw_W, dw_g, dw_be, pw_W, pw_g, pw_be):
    return _forward(x, down_W, down_b, up_W, up_b, cW, cb, tW, tb, dw_W, dw_g, dw_be, pw_W, pw_g, pw_be)

if __name__ == "__main__":
    import jax
    _d = setup_inputs()
    print(jax.jit(kernel)(*tuple(_d.values())))

</pallas_src>

<mosaic_0001>
#map = affine_map<(d0, d1) -> (0, 0)>
module attributes {stable_mosaic.version = 14 : i64} {
  func.func @_sc_topk_body(%arg0: i32, %arg1: i32, %arg2: memref<48x784xi32, #tpu.memory_space<hbm>>, %arg3: memref<48x784xi32, #tpu.memory_space<hbm>>, %arg4: memref<784xi32, #tpu.memory_space<vmem>>, %arg5: memref<784xi32, #tpu.memory_space<vmem>>, %arg6: memref<!tpu.dma_semaphore, #tpu.memory_space<semaphore_mem>>) attributes {dimension_semantics = [#tpu.dimension_semantics<core_parallel>, #tpu.dimension_semantics<subcore_parallel>], iteration_bounds = array<i64: 2, 16>, scalar_prefetch = 0 : i64, scratch_operands = 3 : i64, tpu.core_type = #tpu.core_type<sc_vector_subcore>, window_params = [{transform_indices = #map}, {transform_indices = #map}]} {
    %mul3A = arith.constant 16 : i32
    %mul3A_0 = arith.muli %arg0, %mul3A : i32
    %add3A = arith.addi %mul3A_0, %arg1 : i32
    %broadcast_in_dim3A = arith.constant 0 : i32
    %broadcast_in_dim3A_1 = vector.broadcast %broadcast_in_dim3A : i32 to vector<16xi32>
    %add3A_2 = arith.constant 0 : i32
    %add3A_3 = arith.addi %add3A, %add3A_2 : i32
    %lt3A = arith.constant 48 : i32
    %lt3A_4 = arith.cmpi slt, %add3A_3, %lt3A : i32
    %convert_element_type3A = arith.extui %lt3A_4 : i1 to i32
    %cond3A = arith.constant 0 : i32
    %cond3A_5 = arith.cmpi ne, %convert_element_type3A, %cond3A : i32
    scf.if %cond3A_5 {
      %dma_start3A = arith.constant 0 : i32
      %dma_start3A_13 = tpu.memref_slice %arg2[%add3A_3, %dma_start3A] : memref<48x784xi32, #tpu.memory_space<hbm>> -> memref<1x784xi32, #tpu.memory_space<hbm>>
      %dma_start3A_14 = tpu.memref_squeeze %dma_start3A_13 : memref<1x784xi32, #tpu.memory_space<hbm>> -> memref<784xi32, #tpu.memory_space<hbm>>
      %dma_start3A_15 = arith.constant 0 : i32
      %dma_start3A_16 = tpu.memref_slice %arg2[%add3A_3, %dma_start3A_15] : memref<48x784xi32, #tpu.memory_space<hbm>> -> memref<1x784xi32, #tpu.memory_space<hbm>>
      %dma_start3A_17 = tpu.memref_squeeze %dma_start3A_16 : memref<1x784xi32, #tpu.memory_space<hbm>> -> memref<784xi32, #tpu.memory_space<hbm>>
      tpu.enqueue_dma source(%dma_start3A_17 : memref<784xi32, #tpu.memory_space<hbm>>) target(%arg4 : memref<784xi32, #tpu.memory_space<vmem>>) target_semaphore(%arg6 : memref<!tpu.dma_semaphore, #tpu.memory_space<semaphore_mem>>)
      %dma_wait3A = arith.constant 0 : i32
      %dma_wait3A_18 = tpu.memref_slice %arg2[%add3A_3, %dma_wait3A] : memref<48x784xi32, #tpu.memory_space<hbm>> -> memref<1x784xi32, #tpu.memory_space<hbm>>
      %dma_wait3A_19 = tpu.memref_squeeze %dma_wait3A_18 : memref<1x784xi32, #tpu.memory_space<hbm>> -> memref<784xi32, #tpu.memory_space<hbm>>
      %dma_wait3A_20 = arith.constant 0 : i32
      %dma_wait3A_21 = tpu.memref_slice %arg2[%add3A_3, %dma_wait3A_20] : memref<48x784xi32, #tpu.memory_space<hbm>> -> memref<1x784xi32, #tpu.memory_space<hbm>>
      %dma_wait3A_22 = tpu.memref_squeeze %dma_wait3A_21 : memref<1x784xi32, #tpu.memory_space<hbm>> -> memref<784xi32, #tpu.memory_space<hbm>>
      tpu.wait_dma2 semaphore(%arg6 : memref<!tpu.dma_semaphore, #tpu.memory_space<semaphore_mem>>) src(%dma_wait3A_22 : memref<784xi32, #tpu.memory_space<hbm>>) dst(%arg4 : memref<784xi32, #tpu.memory_space<vmem>>)
      %scan3A = arith.constant 0 : i32
      %scan3A_23 = arith.constant 0 : i32
      %scan3A_24 = arith.constant 31 : i32
      %scan3A_25 = arith.addi %scan3A_23, %scan3A_24 : i32
      %scan3A_26 = arith.constant 1 : i32
      %scan3A_27 = scf.for %scan3A_48 = %scan3A_23 to %scan3A_25 step %scan3A_26 iter_args(%scan3A_49 = %scan3A) -> (i32)  : i32 {
        %sub3A = arith.constant 30 : i32
        %sub3A_50 = arith.subi %sub3A, %scan3A_48 : i32
        %shift_left3A = arith.constant 1 : i32
        %shift_left3A_51 = arith.shli %shift_left3A, %sub3A_50 : i32
        %or3A = arith.ori %scan3A_49, %shift_left3A_51 : i32
        %broadcast_in_dim3A_52 = vector.broadcast %or3A : i32 to vector<16xi32>
        %scan3A_53 = arith.constant 0 : i32
        %scan3A_54 = arith.constant 49 : i32
        %scan3A_55 = arith.addi %scan3A_53, %scan3A_54 : i32
        %scan3A_56 = arith.constant 1 : i32
        %scan3A_57 = scf.for %scan3A_105 = %scan3A_53 to %scan3A_55 step %scan3A_56 iter_args(%scan3A_106 = %broadcast_in_dim3A_1) -> (vector<16xi32>)  : i32 {
          %mul3A_107 = arith.constant 16 : i32
          %mul3A_108 = arith.muli %scan3A_105, %mul3A_107 : i32
          %get3A = arith.index_cast %mul3A_108 : i32 to index
          %get3A_109 = tpu.vector_load %arg4[%get3A] {strides = array<i32>} : memref<784xi32, #tpu.memory_space<vmem>>, vector<16xi32>,
          %get3A_110 = vector.shape_cast %get3A_109 : vector<16xi32> to vector<16xi32>
          %ge3A_111 = arith.cmpi sge, %get3A_110, %broadcast_in_dim3A_52 : vector<16xi32>
          %jit3A = arith.constant 1 : i32
          %jit3A_112 = arith.constant 0 : i32
          %broadcast_in_dim3A_113 = vector.broadcast %jit3A : i32 to vector<16xi32>
          %broadcast_in_dim3A_114 = vector.broadcast %jit3A_112 : i32 to vector<16xi32>
          %select_n3A_115 = arith.select %ge3A_111, %broadcast_in_dim3A_113, %broadcast_in_dim3A_114 : vector<16xi1>, vector<16xi32>
          %add3A_116 = arith.addi %scan3A_106, %select_n3A_115 : vector<16xi32>
          scf.yield %add3A_116 : vector<16xi32>
        }
        %scan3A_58 = arith.constant 49 : i32
        %slice3A = vector.extract_strided_slice %scan3A_57 {offsets = [0], sizes = [1], strides = [1]} : vector<16xi32> to vector<1xi32>
        %squeeze3A = vector.extract %slice3A[0] : i32 from vector<1xi32>
        %slice3A_59 = vector.extract_strided_slice %scan3A_57 {offsets = [1], sizes = [1], strides = [1]} : vector<16xi32> to vector<1xi32>
        %squeeze3A_60 = vector.extract %slice3A_59[0] : i32 from vector<1xi32>
        %add3A_61 = arith.addi %squeeze3A, %squeeze3A_60 : i32
        %slice3A_62 = vector.extract_strided_slice %scan3A_57 {offsets = [2], sizes = [1], strides = [1]} : vector<16xi32> to vector<1xi32>
        %squeeze3A_63 = vector.extract %slice3A_62[0] : i32 from vector<1xi32>
        %add3A_64 = arith.addi %add3A_61, %squeeze3A_63 : i32
        %slice3A_65 = vector.extract_strided_slice %scan3A_57 {offsets = [3], sizes = [1], strides = [1]} : vector<16xi32> to vector<1xi32>
        %squeeze3A_66 = vector.extract %slice3A_65[0] : i32 from vector<1xi32>
        %add3A_67 = arith.addi %add3A_64, %squeeze3A_66 : i32
        %slice3A_68 = vector.extract_strided_slice %scan3A_57 {offsets = [4], sizes = [1], strides = [1]} : vector<16xi32> to vector<1xi32>
        %squeeze3A_69 = vector.extract %slice3A_68[0] : i32 from vector<1xi32>
        %add3A_70 = arith.addi %add3A_67, %squeeze3A_69 : i32
        %slice3A_71 = vector.extract_strided_slice %scan3A_57 {offsets = [5], sizes = [1], strides = [1]} : vector<16xi32> to vector<1xi32>
        %squeeze3A_72 = vector.extract %slice3A_71[0] : i32 from vector<1xi32>
        %add3A_73 = arith.addi %add3A_70, %squeeze3A_72 : i32
        %slice3A_74 = vector.extract_strided_slice %scan3A_57 {offsets = [6], sizes = [1], strides = [1]} : vector<16xi32> to vector<1xi32>
        %squeeze3A_75 = vector.extract %slice3A_74[0] : i32 from vector<1xi32>
        %add3A_76 = arith.addi %add3A_73, %squeeze3A_75 : i32
        %slice3A_77 = vector.extract_strided_slice %scan3A_57 {offsets = [7], sizes = [1], strides = [1]} : vector<16xi32> to vector<1xi32>
        %squeeze3A_78 = vector.extract %slice3A_77[0] : i32 from vector<1xi32>
        %add3A_79 = arith.addi %add3A_76, %squeeze3A_78 : i32
        %slice3A_80 = vector.extract_strided_slice %scan3A_57 {offsets = [8], sizes = [1], strides = [1]} : vector<16xi32> to vector<1xi32>
        %squeeze3A_81 = vector.extract %slice3A_80[0] : i32 from vector<1xi32>
        %add3A_82 = arith.addi %add3A_79, %squeeze3A_81 : i32
        %slice3A_83 = vector.extract_strided_slice %scan3A_57 {offsets = [9], sizes = [1], strides = [1]} : vector<16xi32> to vector<1xi32>
        %squeeze3A_84 = vector.extract %slice3A_83[0] : i32 from vector<1xi32>
        %add3A_85 = arith.addi %add3A_82, %squeeze3A_84 : i32
        %slice3A_86 = vector.extract_strided_slice %scan3A_57 {offsets = [10], sizes = [1], strides = [1]} : vector<16xi32> to vector<1xi32>
        %squeeze3A_87 = vector.extract %slice3A_86[0] : i32 from vector<1xi32>
        %add3A_88 = arith.addi %add3A_85, %squeeze3A_87 : i32
        %slice3A_89 = vector.extract_strided_slice %scan3A_57 {offsets = [11], sizes = [1], strides = [1]} : vector<16xi32> to vector<1xi32>
        %squeeze3A_90 = vector.extract %slice3A_89[0] : i32 from vector<1xi32>
        %add3A_91 = arith.addi %add3A_88, %squeeze3A_90 : i32
        %slice3A_92 = vector.extract_strided_slice %scan3A_57 {offsets = [12], sizes = [1], strides = [1]} : vector<16xi32> to vector<1xi32>
        %squeeze3A_93 = vector.extract %slice3A_92[0] : i32 from vector<1xi32>
        %add3A_94 = arith.addi %add3A_91, %squeeze3A_93 : i32
        %slice3A_95 = vector.extract_strided_slice %scan3A_57 {offsets = [13], sizes = [1], strides = [1]} : vector<16xi32> to vector<1xi32>
        %squeeze3A_96 = vector.extract %slice3A_95[0] : i32 from vector<1xi32>
        %add3A_97 = arith.addi %add3A_94, %squeeze3A_96 : i32
        %slice3A_98 = vector.extract_strided_slice %scan3A_57 {offsets = [14], sizes = [1], strides = [1]} : vector<16xi32> to vector<1xi32>
        %squeeze3A_99 = vector.extract %slice3A_98[0] : i32 from vector<1xi32>
        %add3A_100 = arith.addi %add3A_97, %squeeze3A_99 : i32
        %slice3A_101 = vector.extract_strided_slice %scan3A_57 {offsets = [15], sizes = [1], strides = [1]} : vector<16xi32> to vector<1xi32>
        %squeeze3A_102 = vector.extract %slice3A_101[0] : i32 from vector<1xi32>
        %add3A_103 = arith.addi %add3A_100, %squeeze3A_102 : i32
        %ge3A = arith.constant 196 : i32
        %ge3A_104 = arith.cmpi sge, %add3A_103, %ge3A : i32
        %select_n3A = arith.select %ge3A_104, %or3A, %scan3A_49 : i32
        scf.yield %select_n3A : i32
      }
      %scan3A_28 = arith.constant 31 : i32
      %broadcast_in_dim3A_29 = vector.broadcast %scan3A_27 : i32 to vector<16xi32>
      %scan3A_30 = arith.constant 0 : i32
      %scan3A_31 = arith.constant 0 : i32
      %scan3A_32 = arith.constant 49 : i32
      %scan3A_33 = arith.addi %scan3A_31, %scan3A_32 : i32
      %scan3A_34 = arith.constant 1 : i32
      scf.for %scan3A_48 = %scan3A_31 to %scan3A_33 step %scan3A_34  : i32 {
        %mul3A_49 = arith.constant 16 : i32
        %mul3A_50 = arith.muli %scan3A_48, %mul3A_49 : i32
        %get3A = arith.index_cast %mul3A_50 : i32 to index
        %get3A_51 = tpu.vector_load %arg4[%get3A] {strides = array<i32>} : memref<784xi32, #tpu.memory_space<vmem>>, vector<16xi32>,
        %get3A_52 = vector.shape_cast %get3A_51 : vector<16xi32> to vector<16xi32>
        %gt3A = arith.cmpi sgt, %get3A_52, %broadcast_in_dim3A_29 : vector<16xi32>
        %eq3A = arith.cmpi eq, %get3A_52, %broadcast_in_dim3A_29 : vector<16xi32>
        %jit3A = arith.constant 1 : i32
        %jit3A_53 = arith.constant 0 : i32
        %broadcast_in_dim3A_54 = vector.broadcast %jit3A : i32 to vector<16xi32>
        %broadcast_in_dim3A_55 = vector.broadcast %jit3A_53 : i32 to vector<16xi32>
        %select_n3A = arith.select %eq3A, %broadcast_in_dim3A_54, %broadcast_in_dim3A_55 : vector<16xi1>, vector<16xi32>
        %jit3A_56 = arith.constant 2 : i32
        %broadcast_in_dim3A_57 = vector.broadcast %jit3A_56 : i32 to vector<16xi32>
        %select_n3A_58 = arith.select %gt3A, %broadcast_in_dim3A_57, %select_n3A : vector<16xi1>, vector<16xi32>
        %mul3A_59 = arith.constant 16 : i32
        %mul3A_60 = arith.muli %scan3A_48, %mul3A_59 : i32
        %swap3A = arith.index_cast %mul3A_60 : i32 to index
        %swap3A_61 = tpu.vector_load %arg5[%swap3A] {strides = array<i32>} : memref<784xi32, #tpu.memory_space<vmem>>, vector<16xi32>,
        %swap3A_62 = vector.shape_cast %swap3A_61 : vector<16xi32> to vector<16xi32>
        %swap3A_63 = vector.shape_cast %select_n3A_58 : vector<16xi32> to vector<16xi32>
        tpu.vector_store %arg5[%swap3A], %swap3A_63 {strides = array<i32>} : memref<784xi32, #tpu.memory_space<vmem>>, vector<16xi32>,
      }
      %scan3A_35 = arith.constant 49 : i32
      %dma_start3A_36 = arith.constant 0 : i32
      %dma_start3A_37 = tpu.memref_slice %arg3[%add3A_3, %dma_start3A_36] : memref<48x784xi32, #tpu.memory_space<hbm>> -> memref<1x784xi32, #tpu.memory_space<hbm>>
      %dma_start3A_38 = tpu.memref_squeeze %dma_start3A_37 : memref<1x784xi32, #tpu.memory_space<hbm>> -> memref<784xi32, #tpu.memory_space<hbm>>
      %dma_start3A_39 = arith.constant 0 : i32
      %dma_start3A_40 = tpu.memref_slice %arg3[%add3A_3, %dma_start3A_39] : memref<48x784xi32, #tpu.memory_space<hbm>> -> memref<1x784xi32, #tpu.memory_space<hbm>>
      %dma_start3A_41 = tpu.memref_squeeze %dma_start3A_40 : memref<1x784xi32, #tpu.memory_space<hbm>> -> memref<784xi32, #tpu.memory_space<hbm>>
      tpu.enqueue_dma source(%arg5 : memref<784xi32, #tpu.memory_space<vmem>>) target(%dma_start3A_41 : memref<784xi32, #tpu.memory_space<hbm>>) target_semaphore(%arg6 : memref<!tpu.dma_semaphore, #tpu.memory_space<semaphore_mem>>)
      %dma_wait3A_42 = arith.constant 0 : i32
      %dma_wait3A_43 = tpu.memref_slice %arg3[%add3A_3, %dma_wait3A_42] : memref<48x784xi32, #tpu.memory_space<hbm>> -> memref<1x784xi32, #tpu.memory_space<hbm>>
      %dma_wait3A_44 = tpu.memref_squeeze %dma_wait3A_43 : memref<1x784xi32, #tpu.memory_space<hbm>> -> memref<784xi32, #tpu.memory_space<hbm>>
      %dma_wait3A_45 = arith.constant 0 : i32
      %dma_wait3A_46 = tpu.memref_slice %arg3[%add3A_3, %dma_wait3A_45] : memref<48x784xi32, #tpu.memory_space<hbm>> -> memref<1x784xi32, #tpu.memory_space<hbm>>
      %dma_wait3A_47 = tpu.memref_squeeze %dma_wait3A_46 : memref<1x784xi32, #tpu.memory_space<hbm>> -> memref<784xi32, #tpu.memory_space<hbm>>
      tpu.wait_dma2 semaphore(%arg6 : memref<!tpu.dma_semaphore, #tpu.memory_space<semaphore_mem>>) src(%arg5 : memref<784xi32, #tpu.memory_space<vmem>>) dst(%dma_wait3A_47 : memref<784xi32, #tpu.memory_space<hbm>>)
    } else {
    }
    %add3A_6 = arith.constant 32 : i32
    %add3A_7 = arith.addi %add3A, %add3A_6 : i32
    %lt3A_8 = arith.constant 48 : i32
    %lt3A_9 = arith.cmpi slt, %add3A_7, %lt3A_8 : i32
    %convert_element_type3A_10 = arith.extui %lt3A_9 : i1 to i32
    %cond3A_11 = arith.constant 0 : i32
    %cond3A_12 = arith.cmpi ne, %convert_element_type3A_10, %cond3A_11 : i32
    scf.if %cond3A_12 {
      %dma_start3A = arith.constant 0 : i32
      %dma_start3A_13 = tpu.memref_slice %arg2[%add3A_7, %dma_start3A] : memref<48x784xi32, #tpu.memory_space<hbm>> -> memref<1x784xi32, #tpu.memory_space<hbm>>
      %dma_start3A_14 = tpu.memref_squeeze %dma_start3A_13 : memref<1x784xi32, #tpu.memory_space<hbm>> -> memref<784xi32, #tpu.memory_space<hbm>>
      %dma_start3A_15 = arith.constant 0 : i32
      %dma_start3A_16 = tpu.memref_slice %arg2[%add3A_7, %dma_start3A_15] : memref<48x784xi32, #tpu.memory_space<hbm>> -> memref<1x784xi32, #tpu.memory_space<hbm>>
      %dma_start3A_17 = tpu.memref_squeeze %dma_start3A_16 : memref<1x784xi32, #tpu.memory_space<hbm>> -> memref<784xi32, #tpu.memory_space<hbm>>
      tpu.enqueue_dma source(%dma_start3A_17 : memref<784xi32, #tpu.memory_space<hbm>>) target(%arg4 : memref<784xi32, #tpu.memory_space<vmem>>) target_semaphore(%arg6 : memref<!tpu.dma_semaphore, #tpu.memory_space<semaphore_mem>>)
      %dma_wait3A = arith.constant 0 : i32
      %dma_wait3A_18 = tpu.memref_slice %arg2[%add3A_7, %dma_wait3A] : memref<48x784xi32, #tpu.memory_space<hbm>> -> memref<1x784xi32, #tpu.memory_space<hbm>>
      %dma_wait3A_19 = tpu.memref_squeeze %dma_wait3A_18 : memref<1x784xi32, #tpu.memory_space<hbm>> -> memref<784xi32, #tpu.memory_space<hbm>>
      %dma_wait3A_20 = arith.constant 0 : i32
      %dma_wait3A_21 = tpu.memref_slice %arg2[%add3A_7, %dma_wait3A_20] : memref<48x784xi32, #tpu.memory_space<hbm>> -> memref<1x784xi32, #tpu.memory_space<hbm>>
      %dma_wait3A_22 = tpu.memref_squeeze %dma_wait3A_21 : memref<1x784xi32, #tpu.memory_space<hbm>> -> memref<784xi32, #tpu.memory_space<hbm>>
      tpu.wait_dma2 semaphore(%arg6 : memref<!tpu.dma_semaphore, #tpu.memory_space<semaphore_mem>>) src(%dma_wait3A_22 : memref<784xi32, #tpu.memory_space<hbm>>) dst(%arg4 : memref<784xi32, #tpu.memory_space<vmem>>)
      %scan3A = arith.constant 0 : i32
      %scan3A_23 = arith.constant 0 : i32
      %scan3A_24 = arith.constant 31 : i32
      %scan3A_25 = arith.addi %scan3A_23, %scan3A_24 : i32
      %scan3A_26 = arith.constant 1 : i32
      %scan3A_27 = scf.for %scan3A_48 = %scan3A_23 to %scan3A_25 step %scan3A_26 iter_args(%scan3A_49 = %scan3A) -> (i32)  : i32 {
        %sub3A = arith.constant 30 : i32
        %sub3A_50 = arith.subi %sub3A, %scan3A_48 : i32
        %shift_left3A = arith.constant 1 : i32
        %shift_left3A_51 = arith.shli %shift_left3A, %sub3A_50 : i32
        %or3A = arith.ori %scan3A_49, %shift_left3A_51 : i32
        %broadcast_in_dim3A_52 = vector.broadcast %or3A : i32 to vector<16xi32>
        %scan3A_53 = arith.constant 0 : i32
        %scan3A_54 = arith.constant 49 : i32
        %scan3A_55 = arith.addi %scan3A_53, %scan3A_54 : i32
        %scan3A_56 = arith.constant 1 : i32
        %scan3A_57 = scf.for %scan3A_105 = %scan3A_53 to %scan3A_55 step %scan3A_56 iter_args(%scan3A_106 = %broadcast_in_dim3A_1) -> (vector<16xi32>)  : i32 {
          %mul3A_107 = arith.constant 16 : i32
          %mul3A_108 = arith.muli %scan3A_105, %mul3A_107 : i32
          %get3A = arith.index_cast %mul3A_108 : i32 to index
          %get3A_109 = tpu.vector_load %arg4[%get3A] {strides = array<i32>} : memref<784xi32, #tpu.memory_space<vmem>>, vector<16xi32>,
          %get3A_110 = vector.shape_cast %get3A_109 : vector<16xi32> to vector<16xi32>
          %ge3A_111 = arith.cmpi sge, %get3A_110, %broadcast_in_dim3A_52 : vector<16xi32>
          %jit3A = arith.constant 1 : i32
          %jit3A_112 = arith.constant 0 : i32
          %broadcast_in_dim3A_113 = vector.broadcast %jit3A : i32 to vector<16xi32>
          %broadcast_in_dim3A_114 = vector.broadcast %jit3A_112 : i32 to vector<16xi32>
          %select_n3A_115 = arith.select %ge3A_111, %broadcast_in_dim3A_113, %broadcast_in_dim3A_114 : vector<16xi1>, vector<16xi32>
          %add3A_116 = arith.addi %scan3A_106, %select_n3A_115 : vector<16xi32>
          scf.yield %add3A_116 : vector<16xi32>
        }
        %scan3A_58 = arith.constant 49 : i32
        %slice3A = vector.extract_strided_slice %scan3A_57 {offsets = [0], sizes = [1], strides = [1]} : vector<16xi32> to vector<1xi32>
        %squeeze3A = vector.extract %slice3A[0] : i32 from vector<1xi32>
        %slice3A_59 = vector.extract_strided_slice %scan3A_57 {offsets = [1], sizes = [1], strides = [1]} : vector<16xi32> to vector<1xi32>
        %squeeze3A_60 = vector.extract %slice3A_59[0] : i32 from vector<1xi32>
        %add3A_61 = arith.addi %squeeze3A, %squeeze3A_60 : i32
        %slice3A_62 = vector.extract_strided_slice %scan3A_57 {offsets = [2], sizes = [1], strides = [1]} : vector<16xi32> to vector<1xi32>
        %squeeze3A_63 = vector.extract %slice3A_62[0] : i32 from vector<1xi32>
        %add3A_64 = arith.addi %add3A_61, %squeeze3A_63 : i32
        %slice3A_65 = vector.extract_strided_slice %scan3A_57 {offsets = [3], sizes = [1], strides = [1]} : vector<16xi32> to vector<1xi32>
        %squeeze3A_66 = vector.extract %slice3A_65[0] : i32 from vector<1xi32>
        %add3A_67 = arith.addi %add3A_64, %squeeze3A_66 : i32
        %slice3A_68 = vector.extract_strided_slice %scan3A_57 {offsets = [4], sizes = [1], strides = [1]} : vector<16xi32> to vector<1xi32>
        %squeeze3A_69 = vector.extract %slice3A_68[0] : i32 from vector<1xi32>
        %add3A_70 = arith.addi %add3A_67, %squeeze3A_69 : i32
        %slice3A_71 = vector.extract_strided_slice %scan3A_57 {offsets = [5], sizes = [1], strides = [1]} : vector<16xi32> to vector<1xi32>
        %squeeze3A_72 = vector.extract %slice3A_71[0] : i32 from vector<1xi32>
        %add3A_73 = arith.addi %add3A_70, %squeeze3A_72 : i32
        %slice3A_74 = vector.extract_strided_slice %scan3A_57 {offsets = [6], sizes = [1], strides = [1]} : vector<16xi32> to vector<1xi32>
        %squeeze3A_75 = vector.extract %slice3A_74[0] : i32 from vector<1xi32>
        %add3A_76 = arith.addi %add3A_73, %squeeze3A_75 : i32
        %slice3A_77 = vector.extract_strided_slice %scan3A_57 {offsets = [7], sizes = [1], strides = [1]} : vector<16xi32> to vector<1xi32>
        %squeeze3A_78 = vector.extract %slice3A_77[0] : i32 from vector<1xi32>
        %add3A_79 = arith.addi %add3A_76, %squeeze3A_78 : i32
        %slice3A_80 = vector.extract_strided_slice %scan3A_57 {offsets = [8], sizes = [1], strides = [1]} : vector<16xi32> to vector<1xi32>
        %squeeze3A_81 = vector.extract %slice3A_80[0] : i32 from vector<1xi32>
        %add3A_82 = arith.addi %add3A_79, %squeeze3A_81 : i32
        %slice3A_83 = vector.extract_strided_slice %scan3A_57 {offsets = [9], sizes = [1], strides = [1]} : vector<16xi32> to vector<1xi32>
        %squeeze3A_84 = vector.extract %slice3A_83[0] : i32 from vector<1xi32>
        %add3A_85 = arith.addi %add3A_82, %squeeze3A_84 : i32
        %slice3A_86 = vector.extract_strided_slice %scan3A_57 {offsets = [10], sizes = [1], strides = [1]} : vector<16xi32> to vector<1xi32>
        %squeeze3A_87 = vector.extract %slice3A_86[0] : i32 from vector<1xi32>
        %add3A_88 = arith.addi %add3A_85, %squeeze3A_87 : i32
        %slice3A_89 = vector.extract_strided_slice %scan3A_57 {offsets = [11], sizes = [1], strides = [1]} : vector<16xi32> to vector<1xi32>
        %squeeze3A_90 = vector.extract %slice3A_89[0] : i32 from vector<1xi32>
        %add3A_91 = arith.addi %add3A_88, %squeeze3A_90 : i32
        %slice3A_92 = vector.extract_strided_slice %scan3A_57 {offsets = [12], sizes = [1], strides = [1]} : vector<16xi32> to vector<1xi32>
        %squeeze3A_93 = vector.extract %slice3A_92[0] : i32 from vector<1xi32>
        %add3A_94 = arith.addi %add3A_91, %squeeze3A_93 : i32
        %slice3A_95 = vector.extract_strided_slice %scan3A_57 {offsets = [13], sizes = [1], strides = [1]} : vector<16xi32> to vector<1xi32>
        %squeeze3A_96 = vector.extract %slice3A_95[0] : i32 from vector<1xi32>
        %add3A_97 = arith.addi %add3A_94, %squeeze3A_96 : i32
        %slice3A_98 = vector.extract_strided_slice %scan3A_57 {offsets = [14], sizes = [1], strides = [1]} : vector<16xi32> to vector<1xi32>
        %squeeze3A_99 = vector.extract %slice3A_98[0] : i32 from vector<1xi32>
        %add3A_100 = arith.addi %add3A_97, %squeeze3A_99 : i32
        %slice3A_101 = vector.extract_strided_slice %scan3A_57 {offsets = [15], sizes = [1], strides = [1]} : vector<16xi32> to vector<1xi32>
        %squeeze3A_102 = vector.extract %slice3A_101[0] : i32 from vector<1xi32>
        %add3A_103 = arith.addi %add3A_100, %squeeze3A_102 : i32
        %ge3A = arith.constant 196 : i32
        %ge3A_104 = arith.cmpi sge, %add3A_103, %ge3A : i32
        %select_n3A = arith.select %ge3A_104, %or3A, %scan3A_49 : i32
        scf.yield %select_n3A : i32
      }
      %scan3A_28 = arith.constant 31 : i32
      %broadcast_in_dim3A_29 = vector.broadcast %scan3A_27 : i32 to vector<16xi32>
      %scan3A_30 = arith.constant 0 : i32
      %scan3A_31 = arith.constant 0 : i32
      %scan3A_32 = arith.constant 49 : i32
      %scan3A_33 = arith.addi %scan3A_31, %scan3A_32 : i32
      %scan3A_34 = arith.constant 1 : i32
      scf.for %scan3A_48 = %scan3A_31 to %scan3A_33 step %scan3A_34  : i32 {
        %mul3A_49 = arith.constant 16 : i32
        %mul3A_50 = arith.muli %scan3A_48, %mul3A_49 : i32
        %get3A = arith.index_cast %mul3A_50 : i32 to index
        %get3A_51 = tpu.vector_load %arg4[%get3A] {strides = array<i32>} : memref<784xi32, #tpu.memory_space<vmem>>, vector<16xi32>,
        %get3A_52 = vector.shape_cast %get3A_51 : vector<16xi32> to vector<16xi32>
        %gt3A = arith.cmpi sgt, %get3A_52, %broadcast_in_dim3A_29 : vector<16xi32>
        %eq3A = arith.cmpi eq, %get3A_52, %broadcast_in_dim3A_29 : vector<16xi32>
        %jit3A = arith.constant 1 : i32
        %jit3A_53 = arith.constant 0 : i32
        %broadcast_in_dim3A_54 = vector.broadcast %jit3A : i32 to vector<16xi32>
        %broadcast_in_dim3A_55 = vector.broadcast %jit3A_53 : i32 to vector<16xi32>
        %select_n3A = arith.select %eq3A, %broadcast_in_dim3A_54, %broadcast_in_dim3A_55 : vector<16xi1>, vector<16xi32>
        %jit3A_56 = arith.constant 2 : i32
        %broadcast_in_dim3A_57 = vector.broadcast %jit3A_56 : i32 to vector<16xi32>
        %select_n3A_58 = arith.select %gt3A, %broadcast_in_dim3A_57, %select_n3A : vector<16xi1>, vector<16xi32>
        %mul3A_59 = arith.constant 16 : i32
        %mul3A_60 = arith.muli %scan3A_48, %mul3A_59 : i32
        %swap3A = arith.index_cast %mul3A_60 : i32 to index
        %swap3A_61 = tpu.vector_load %arg5[%swap3A] {strides = array<i32>} : memref<784xi32, #tpu.memory_space<vmem>>, vector<16xi32>,
        %swap3A_62 = vector.shape_cast %swap3A_61 : vector<16xi32> to vector<16xi32>
        %swap3A_63 = vector.shape_cast %select_n3A_58 : vector<16xi32> to vector<16xi32>
        tpu.vector_store %arg5[%swap3A], %swap3A_63 {strides = array<i32>} : memref<784xi32, #tpu.memory_space<vmem>>, vector<16xi32>,
      }
      %scan3A_35 = arith.constant 49 : i32
      %dma_start3A_36 = arith.constant 0 : i32
      %dma_start3A_37 = tpu.memref_slice %arg3[%add3A_7, %dma_start3A_36] : memref<48x784xi32, #tpu.memory_space<hbm>> -> memref<1x784xi32, #tpu.memory_space<hbm>>
      %dma_start3A_38 = tpu.memref_squeeze %dma_start3A_37 : memref<1x784xi32, #tpu.memory_space<hbm>> -> memref<784xi32, #tpu.memory_space<hbm>>
      %dma_start3A_39 = arith.constant 0 : i32
      %dma_start3A_40 = tpu.memref_slice %arg3[%add3A_7, %dma_start3A_39] : memref<48x784xi32, #tpu.memory_space<hbm>> -> memref<1x784xi32, #tpu.memory_space<hbm>>
      %dma_start3A_41 = tpu.memref_squeeze %dma_start3A_40 : memref<1x784xi32, #tpu.memory_space<hbm>> -> memref<784xi32, #tpu.memory_space<hbm>>
      tpu.enqueue_dma source(%arg5 : memref<784xi32, #tpu.memory_space<vmem>>) target(%dma_start3A_41 : memref<784xi32, #tpu.memory_space<hbm>>) target_semaphore(%arg6 : memref<!tpu.dma_semaphore, #tpu.memory_space<semaphore_mem>>)
      %dma_wait3A_42 = arith.constant 0 : i32
      %dma_wait3A_43 = tpu.memref_slice %arg3[%add3A_7, %dma_wait3A_42] : memref<48x784xi32, #tpu.memory_space<hbm>> -> memref<1x784xi32, #tpu.memory_space<hbm>>
      %dma_wait3A_44 = tpu.memref_squeeze %dma_wait3A_43 : memref<1x784xi32, #tpu.memory_space<hbm>> -> memref<784xi32, #tpu.memory_space<hbm>>
      %dma_wait3A_45 = arith.constant 0 : i32
      %dma_wait3A_46 = tpu.memref_slice %arg3[%add3A_7, %dma_wait3A_45] : memref<48x784xi32, #tpu.memory_space<hbm>> -> memref<1x784xi32, #tpu.memory_space<hbm>>
      %dma_wait3A_47 = tpu.memref_squeeze %dma_wait3A_46 : memref<1x784xi32, #tpu.memory_space<hbm>> -> memref<784xi32, #tpu.memory_space<hbm>>
      tpu.wait_dma2 semaphore(%arg6 : memref<!tpu.dma_semaphore, #tpu.memory_space<semaphore_mem>>) src(%arg5 : memref<784xi32, #tpu.memory_space<vmem>>) dst(%dma_wait3A_47 : memref<784xi32, #tpu.memory_space<hbm>>)
    } else {
    }
    return
  }
}

module attributes {stable_mosaic.version = 14 : i64} {
  func.func @_down_body(%arg0: i32, %arg1: i32, %arg2: memref<1x1x768x784xf32, #tpu.memory_space<vmem>>, %arg3: memref<1x768x768xf32, #tpu.memory_space<vmem>>, %arg4: memref<768x1xf32, #tpu.memory_space<vmem>>, %arg5: memref<1x768x784xf32, #tpu.memory_space<vmem>>) attributes {dimension_semantics = [#tpu.dimension_semantics<arbitrary>, #tpu.dimension_semantics<arbitrary>], iteration_bounds = array<i64: 4, 16>, scalar_prefetch = 0 : i64, scratch_operands = 0 : i64, tpu.core_type = #tpu.core_type<tc>, window_params = [{transform_indices = @transform_0, window_bounds = array<i64: 1, 1, 768, 784>}, {transform_indices = @transform_1, window_bounds = array<i64: 1, 768, 768>}, {pipeline_mode = #tpu.pipeline_mode<synchronous>, transform_indices = @transform_2, window_bounds = array<i64: 768, 1>}, {transform_indices = @transform_3, window_bounds = array<i64: 1, 768, 784>}]} {
    %jit3A = arith.constant 4 : i32
    %div3A = arith.divsi %arg1, %jit3A : i32
    %sign3A = arith.constant 0 : i32
    %sign3A_0 = arith.cmpi sgt, %arg1, %sign3A : i32
    %sign3A_1 = arith.extui %sign3A_0 : i1 to i32
    %sign3A_2 = arith.constant 0 : i32
    %sign3A_3 = arith.cmpi slt, %arg1, %sign3A_2 : i32
    %sign3A_4 = arith.extui %sign3A_3 : i1 to i32
    %sign3A_5 = arith.subi %sign3A_1, %sign3A_4 : i32
    %sign3A_6 = arith.constant 0 : i32
    %sign3A_7 = arith.cmpi sgt, %jit3A, %sign3A_6 : i32
    %sign3A_8 = arith.extui %sign3A_7 : i1 to i32
    %sign3A_9 = arith.constant 0 : i32
    %sign3A_10 = arith.cmpi slt, %jit3A, %sign3A_9 : i32
    %sign3A_11 = arith.extui %sign3A_10 : i1 to i32
    %sign3A_12 = arith.subi %sign3A_8, %sign3A_11 : i32
    %ne3A = arith.cmpi ne, %sign3A_5, %sign3A_12 : i32
    %rem3A = arith.remsi %arg1, %jit3A : i32
    %ne3A_13 = arith.constant 0 : i32
    %ne3A_14 = arith.cmpi ne, %rem3A, %ne3A_13 : i32
    %and3A = arith.andi %ne3A, %ne3A_14 : i1
    %sub3A = arith.constant 1 : i32
    %sub3A_15 = arith.subi %div3A, %sub3A : i32
    %select_n3A = arith.select %and3A, %sub3A_15, %div3A : i32
    %jit3A_16 = arith.constant 4 : i32
    %eq3A = arith.constant 0 : i32
    %eq3A_17 = arith.cmpi eq, %jit3A_16, %eq3A : i32
    %jit3A_18 = arith.constant 1 : i32
    %select_n3A_19 = arith.select %eq3A_17, %jit3A_18, %jit3A_16 : i32
    %rem3A_20 = arith.remsi %arg1, %select_n3A_19 : i32
    %ne3A_21 = arith.constant 0 : i32
    %ne3A_22 = arith.cmpi ne, %rem3A_20, %ne3A_21 : i32
    %lt3A = arith.constant 0 : i32
    %lt3A_23 = arith.cmpi slt, %rem3A_20, %lt3A : i32
    %lt3A_24 = arith.constant 0 : i32
    %lt3A_25 = arith.cmpi slt, %select_n3A_19, %lt3A_24 : i32
    %ne3A_26 = arith.xori %lt3A_23, %lt3A_25 : i1
    %and3A_27 = arith.andi %ne3A_26, %ne3A_22 : i1
    %add3A = arith.addi %rem3A_20, %select_n3A_19 : i32
    %select_n3A_28 = arith.select %and3A_27, %add3A, %rem3A_20 : i32
    %jit3A_29 = arith.constant 2 : i32
    %div3A_30 = arith.divsi %select_n3A, %jit3A_29 : i32
    %sign3A_31 = arith.constant 0 : i32
    %sign3A_32 = arith.cmpi sgt, %select_n3A, %sign3A_31 : i32
    %sign3A_33 = arith.extui %sign3A_32 : i1 to i32
    %sign3A_34 = arith.constant 0 : i32
    %sign3A_35 = arith.cmpi slt, %select_n3A, %sign3A_34 : i32
    %sign3A_36 = arith.extui %sign3A_35 : i1 to i32
    %sign3A_37 = arith.subi %sign3A_33, %sign3A_36 : i32
    %sign3A_38 = arith.constant 0 : i32
    %sign3A_39 = arith.cmpi sgt, %jit3A_29, %sign3A_38 : i32
    %sign3A_40 = arith.extui %sign3A_39 : i1 to i32
    %sign3A_41 = arith.constant 0 : i32
    %sign3A_42 = arith.cmpi slt, %jit3A_29, %sign3A_41 : i32
    %sign3A_43 = arith.extui %sign3A_42 : i1 to i32
    %sign3A_44 = arith.subi %sign3A_40, %sign3A_43 : i32
    %ne3A_45 = arith.cmpi ne, %sign3A_37, %sign3A_44 : i32
    %rem3A_46 = arith.remsi %select_n3A, %jit3A_29 : i32
    %ne3A_47 = arith.constant 0 : i32
    %ne3A_48 = arith.cmpi ne, %rem3A_46, %ne3A_47 : i32
    %and3A_49 = arith.andi %ne3A_45, %ne3A_48 : i1
    %sub3A_50 = arith.constant 1 : i32
    %sub3A_51 = arith.subi %div3A_30, %sub3A_50 : i32
    %select_n3A_52 = arith.select %and3A_49, %sub3A_51, %div3A_30 : i32
    %jit3A_53 = arith.constant 2 : i32
    %eq3A_54 = arith.constant 0 : i32
    %eq3A_55 = arith.cmpi eq, %jit3A_53, %eq3A_54 : i32
    %jit3A_56 = arith.constant 1 : i32
    %select_n3A_57 = arith.select %eq3A_55, %jit3A_56, %jit3A_53 : i32
    %rem3A_58 = arith.remsi %select_n3A, %select_n3A_57 : i32
    %ne3A_59 = arith.constant 0 : i32
    %ne3A_60 = arith.cmpi ne, %rem3A_58, %ne3A_59 : i32
    %lt3A_61 = arith.constant 0 : i32
    %lt3A_62 = arith.cmpi slt, %rem3A_58, %lt3A_61 : i32
    %lt3A_63 = arith.constant 0 : i32
    %lt3A_64 = arith.cmpi slt, %select_n3A_57, %lt3A_63 : i32
    %ne3A_65 = arith.xori %lt3A_62, %lt3A_64 : i1
    %and3A_66 = arith.andi %ne3A_65, %ne3A_60 : i1
    %add3A_67 = arith.addi %rem3A_58, %select_n3A_57 : i32
    %select_n3A_68 = arith.select %and3A_66, %add3A_67, %rem3A_58 : i32
    %sub3A_69 = arith.constant 1 : i32
    %sub3A_70 = arith.subi %sub3A_69, %select_n3A_52 : i32
    %jit3A_71 = arith.constant 2 : i32
    %div3A_72 = arith.divsi %select_n3A_28, %jit3A_71 : i32
    %sign3A_73 = arith.constant 0 : i32
    %sign3A_74 = arith.cmpi sgt, %select_n3A_28, %sign3A_73 : i32
    %sign3A_75 = arith.extui %sign3A_74 : i1 to i32
    %sign3A_76 = arith.constant 0 : i32
    %sign3A_77 = arith.cmpi slt, %select_n3A_28, %sign3A_76 : i32
    %sign3A_78 = arith.extui %sign3A_77 : i1 to i32
    %sign3A_79 = arith.subi %sign3A_75, %sign3A_78 : i32
    %sign3A_80 = arith.constant 0 : i32
    %sign3A_81 = arith.cmpi sgt, %jit3A_71, %sign3A_80 : i32
    %sign3A_82 = arith.extui %sign3A_81 : i1 to i32
    %sign3A_83 = arith.constant 0 : i32
    %sign3A_84 = arith.cmpi slt, %jit3A_71, %sign3A_83 : i32
    %sign3A_85 = arith.extui %sign3A_84 : i1 to i32
    %sign3A_86 = arith.subi %sign3A_82, %sign3A_85 : i32
    %ne3A_87 = arith.cmpi ne, %sign3A_79, %sign3A_86 : i32
    %rem3A_88 = arith.remsi %select_n3A_28, %jit3A_71 : i32
    %ne3A_89 = arith.constant 0 : i32
    %ne3A_90 = arith.cmpi ne, %rem3A_88, %ne3A_89 : i32
    %and3A_91 = arith.andi %ne3A_87, %ne3A_90 : i1
    %sub3A_92 = arith.constant 1 : i32
    %sub3A_93 = arith.subi %div3A_72, %sub3A_92 : i32
    %select_n3A_94 = arith.select %and3A_91, %sub3A_93, %div3A_72 : i32
    %mul3A = arith.constant 2 : i32
    %mul3A_95 = arith.muli %mul3A, %select_n3A_94 : i32
    %add3A_96 = arith.addi %sub3A_70, %mul3A_95 : i32
    %sub3A_97 = arith.constant 1 : i32
    %sub3A_98 = arith.subi %sub3A_97, %select_n3A_68 : i32
    %jit3A_99 = arith.constant 2 : i32
    %eq3A_100 = arith.constant 0 : i32
    %eq3A_101 = arith.cmpi eq, %jit3A_99, %eq3A_100 : i32
    %jit3A_102 = arith.constant 1 : i32
    %select_n3A_103 = arith.select %eq3A_101, %jit3A_102, %jit3A_99 : i32
    %rem3A_104 = arith.remsi %select_n3A_28, %select_n3A_103 : i32
    %ne3A_105 = arith.constant 0 : i32
    %ne3A_106 = arith.cmpi ne, %rem3A_104, %ne3A_105 : i32
    %lt3A_107 = arith.constant 0 : i32
    %lt3A_108 = arith.cmpi slt, %rem3A_104, %lt3A_107 : i32
    %lt3A_109 = arith.constant 0 : i32
    %lt3A_110 = arith.cmpi slt, %select_n3A_103, %lt3A_109 : i32
    %ne3A_111 = arith.xori %lt3A_108, %lt3A_110 : i1
    %and3A_112 = arith.andi %ne3A_111, %ne3A_106 : i1
    %add3A_113 = arith.addi %rem3A_104, %select_n3A_103 : i32
    %select_n3A_114 = arith.select %and3A_112, %add3A_113, %rem3A_104 : i32
    %mul3A_115 = arith.constant 2 : i32
    %mul3A_116 = arith.muli %mul3A_115, %select_n3A_114 : i32
    %add3A_117 = arith.addi %sub3A_98, %mul3A_116 : i32
    %add3A_118 = arith.constant 1 : i32
    %add3A_119 = arith.addi %add3A_96, %add3A_118 : i32
    %jit3A_120 = arith.constant 2 : i32
    %div3A_121 = arith.divsi %add3A_119, %jit3A_120 : i32
    %sign3A_122 = arith.constant 0 : i32
    %sign3A_123 = arith.cmpi sgt, %add3A_119, %sign3A_122 : i32
    %sign3A_124 = arith.extui %sign3A_123 : i1 to i32
    %sign3A_125 = arith.constant 0 : i32
    %sign3A_126 = arith.cmpi slt, %add3A_119, %sign3A_125 : i32
    %sign3A_127 = arith.extui %sign3A_126 : i1 to i32
    %sign3A_128 = arith.subi %sign3A_124, %sign3A_127 : i32
    %sign3A_129 = arith.constant 0 : i32
    %sign3A_130 = arith.cmpi sgt, %jit3A_120, %sign3A_129 : i32
    %sign3A_131 = arith.extui %sign3A_130 : i1 to i32
    %sign3A_132 = arith.constant 0 : i32
    %sign3A_133 = arith.cmpi slt, %jit3A_120, %sign3A_132 : i32
    %sign3A_134 = arith.extui %sign3A_133 : i1 to i32
    %sign3A_135 = arith.subi %sign3A_131, %sign3A_134 : i32
    %ne3A_136 = arith.cmpi ne, %sign3A_128, %sign3A_135 : i32
    %rem3A_137 = arith.remsi %add3A_119, %jit3A_120 : i32
    %ne3A_138 = arith.constant 0 : i32
    %ne3A_139 = arith.cmpi ne, %rem3A_137, %ne3A_138 : i32
    %and3A_140 = arith.andi %ne3A_136, %ne3A_139 : i1
    %sub3A_141 = arith.constant 1 : i32
    %sub3A_142 = arith.subi %div3A_121, %sub3A_141 : i32
    %select_n3A_143 = arith.select %and3A_140, %sub3A_142, %div3A_121 : i32
    %sub3A_144 = arith.constant 1 : i32
    %sub3A_145 = arith.subi %select_n3A_143, %sub3A_144 : i32
    %add3A_146 = arith.constant 1 : i32
    %add3A_147 = arith.addi %add3A_117, %add3A_146 : i32
    %jit3A_148 = arith.constant 2 : i32
    %div3A_149 = arith.divsi %add3A_147, %jit3A_148 : i32
    %sign3A_150 = arith.constant 0 : i32
    %sign3A_151 = arith.cmpi sgt, %add3A_147, %sign3A_150 : i32
    %sign3A_152 = arith.extui %sign3A_151 : i1 to i32
    %sign3A_153 = arith.constant 0 : i32
    %sign3A_154 = arith.cmpi slt, %add3A_147, %sign3A_153 : i32
    %sign3A_155 = arith.extui %sign3A_154 : i1 to i32
    %sign3A_156 = arith.subi %sign3A_152, %sign3A_155 : i32
    %sign3A_157 = arith.constant 0 : i32
    %sign3A_158 = arith.cmpi sgt, %jit3A_148, %sign3A_157 : i32
    %sign3A_159 = arith.extui %sign3A_158 : i1 to i32
    %sign3A_160 = arith.constant 0 : i32
    %sign3A_161 = arith.cmpi slt, %jit3A_148, %sign3A_160 : i32
    %sign3A_162 = arith.extui %sign3A_161 : i1 to i32
    %sign3A_163 = arith.subi %sign3A_159, %sign3A_162 : i32
    %ne3A_164 = arith.cmpi ne, %sign3A_156, %sign3A_163 : i32
    %rem3A_165 = arith.remsi %add3A_147, %jit3A_148 : i32
    %ne3A_166 = arith.constant 0 : i32
    %ne3A_167 = arith.cmpi ne, %rem3A_165, %ne3A_166 : i32
    %and3A_168 = arith.andi %ne3A_164, %ne3A_167 : i1
    %sub3A_169 = arith.constant 1 : i32
    %sub3A_170 = arith.subi %div3A_149, %sub3A_169 : i32
    %select_n3A_171 = arith.select %and3A_168, %sub3A_170, %div3A_149 : i32
    %sub3A_172 = arith.constant 1 : i32
    %sub3A_173 = arith.subi %select_n3A_171, %sub3A_172 : i32
    %get3A = arith.constant 0 : index
    %get3A_174 = arith.constant 0 : index
    %get3A_175 = arith.constant 0 : index
    %get3A_176 = arith.constant 0 : index
    %get3A_177 = vector.load %arg2[%get3A, %get3A_174, %get3A_175, %get3A_176] : memref<1x1x768x784xf32, #tpu.memory_space<vmem>>, vector<1x1x768x784xf32>
    %get3A_178 = vector.shape_cast %get3A_177 : vector<1x1x768x784xf32> to vector<768x784xf32>
    %mul3A_179 = arith.constant 28 : i32
    %mul3A_180 = arith.muli %sub3A_145, %mul3A_179 : i32
    %add3A_181 = arith.addi %mul3A_180, %sub3A_173 : i32
    %neg3A = arith.constant 0 : i32
    %neg3A_182 = arith.subi %neg3A, %add3A_181 : i32
    %jit3A_183 = arith.constant 784 : i32
    %eq3A_184 = arith.constant 0 : i32
    %eq3A_185 = arith.cmpi eq, %jit3A_183, %eq3A_184 : i32
    %jit3A_186 = arith.constant 1 : i32
    %select_n3A_187 = arith.select %eq3A_185, %jit3A_186, %jit3A_183 : i32
    %rem3A_188 = arith.remsi %neg3A_182, %select_n3A_187 : i32
    %ne3A_189 = arith.constant 0 : i32
    %ne3A_190 = arith.cmpi ne, %rem3A_188, %ne3A_189 : i32
    %lt3A_191 = arith.constant 0 : i32
    %lt3A_192 = arith.cmpi slt, %rem3A_188, %lt3A_191 : i32
    %lt3A_193 = arith.constant 0 : i32
    %lt3A_194 = arith.cmpi slt, %select_n3A_187, %lt3A_193 : i32
    %ne3A_195 = arith.xori %lt3A_192, %lt3A_194 : i1
    %and3A_196 = arith.andi %ne3A_195, %ne3A_190 : i1
    %add3A_197 = arith.addi %rem3A_188, %select_n3A_187 : i32
    %select_n3A_198 = arith.select %and3A_196, %add3A_197, %rem3A_188 : i32
    %roll3A = tpu.dynamic_rotate %get3A_178 by %select_n3A_198 dim 1 : vector<768x784xf32>, i32 -> vector<768x784xf32>
    %iota3A = tpu.iota {dimensions = array<i32: 1>} : vector<1x784xi32>
    %jit3A_199 = arith.constant 28 : i32
    %div3A_200 = vector.broadcast %jit3A_199 : i32 to vector<1x784xi32>
    %div3A_201 = arith.divsi %iota3A, %div3A_200 : vector<1x784xi32>
    %sign3A_202 = arith.constant 0 : i32
    %sign3A_203 = vector.broadcast %sign3A_202 : i32 to vector<1x784xi32>
    %sign3A_204 = arith.cmpi sgt, %iota3A, %sign3A_203 : vector<1x784xi32>
    %sign3A_205 = arith.extui %sign3A_204 : vector<1x784xi1> to vector<1x784xi32>
    %sign3A_206 = arith.constant 0 : i32
    %sign3A_207 = vector.broadcast %sign3A_206 : i32 to vector<1x784xi32>
    %sign3A_208 = arith.cmpi slt, %iota3A, %sign3A_207 : vector<1x784xi32>
    %sign3A_209 = arith.extui %sign3A_208 : vector<1x784xi1> to vector<1x784xi32>
    %sign3A_210 = arith.subi %sign3A_205, %sign3A_209 : vector<1x784xi32>
    %sign3A_211 = arith.constant 0 : i32
    %sign3A_212 = arith.cmpi sgt, %jit3A_199, %sign3A_211 : i32
    %sign3A_213 = arith.extui %sign3A_212 : i1 to i32
    %sign3A_214 = arith.constant 0 : i32
    %sign3A_215 = arith.cmpi slt, %jit3A_199, %sign3A_214 : i32
    %sign3A_216 = arith.extui %sign3A_215 : i1 to i32
    %sign3A_217 = arith.subi %sign3A_213, %sign3A_216 : i32
    %ne3A_218 = vector.broadcast %sign3A_217 : i32 to vector<1x784xi32>
    %ne3A_219 = arith.cmpi ne, %sign3A_210, %ne3A_218 : vector<1x784xi32>
    %rem3A_220 = vector.broadcast %jit3A_199 : i32 to vector<1x784xi32>
    %rem3A_221 = arith.remsi %iota3A, %rem3A_220 : vector<1x784xi32>
    %ne3A_222 = arith.constant 0 : i32
    %ne3A_223 = vector.broadcast %ne3A_222 : i32 to vector<1x784xi32>
    %ne3A_224 = arith.cmpi ne, %rem3A_221, %ne3A_223 : vector<1x784xi32>
    %and3A_225 = arith.andi %ne3A_219, %ne3A_224 : vector<1x784xi1>
    %sub3A_226 = arith.constant 1 : i32
    %sub3A_227 = vector.broadcast %sub3A_226 : i32 to vector<1x784xi32>
    %sub3A_228 = arith.subi %div3A_201, %sub3A_227 : vector<1x784xi32>
    %select_n3A_229 = arith.select %and3A_225, %sub3A_228, %div3A_201 : vector<1x784xi1>, vector<1x784xi32>
    %mul3A_230 = arith.constant 28 : i32
    %mul3A_231 = vector.broadcast %mul3A_230 : i32 to vector<1x784xi32>
    %mul3A_232 = arith.muli %select_n3A_229, %mul3A_231 : vector<1x784xi32>
    %sub3A_233 = arith.subi %iota3A, %mul3A_232 : vector<1x784xi32>
    %add3A_234 = vector.broadcast %add3A_181 : i32 to vector<1x784xi32>
    %add3A_235 = arith.addi %iota3A, %add3A_234 : vector<1x784xi32>
    %ge3A = arith.constant 0 : i32
    %ge3A_236 = vector.broadcast %ge3A : i32 to vector<1x784xi32>
    %ge3A_237 = arith.cmpi sge, %add3A_235, %ge3A_236 : vector<1x784xi32>
    %lt3A_238 = arith.constant 784 : i32
    %lt3A_239 = vector.broadcast %lt3A_238 : i32 to vector<1x784xi32>
    %lt3A_240 = arith.cmpi slt, %add3A_235, %lt3A_239 : vector<1x784xi32>
    %and3A_241 = arith.andi %ge3A_237, %lt3A_240 : vector<1x784xi1>
    %add3A_242 = vector.broadcast %sub3A_173 : i32 to vector<1x784xi32>
    %add3A_243 = arith.addi %sub3A_233, %add3A_242 : vector<1x784xi32>
    %ge3A_244 = arith.constant 0 : i32
    %ge3A_245 = vector.broadcast %ge3A_244 : i32 to vector<1x784xi32>
    %ge3A_246 = arith.cmpi sge, %add3A_243, %ge3A_245 : vector<1x784xi32>
    %add3A_247 = vector.broadcast %sub3A_173 : i32 to vector<1x784xi32>
    %add3A_248 = arith.addi %sub3A_233, %add3A_247 : vector<1x784xi32>
    %lt3A_249 = arith.constant 28 : i32
    %lt3A_250 = vector.broadcast %lt3A_249 : i32 to vector<1x784xi32>
    %lt3A_251 = arith.cmpi slt, %add3A_248, %lt3A_250 : vector<1x784xi32>
    %and3A_252 = arith.andi %ge3A_246, %lt3A_251 : vector<1x784xi1>
    %and3A_253 = arith.andi %and3A_241, %and3A_252 : vector<1x784xi1>
    %jit3A_254 = arith.constant 0.000000e+00 : f32
    %broadcast_in_dim3A = vector.shape_cast %and3A_253 : vector<1x784xi1> to vector<1x784xi1>
    %broadcast_in_dim3A_255 = vector.broadcast %broadcast_in_dim3A : vector<1x784xi1> to vector<768x784xi1>
    %broadcast_in_dim3A_256 = vector.broadcast %jit3A_254 : f32 to vector<768x784xf32>
    %select_n3A_257 = arith.select %broadcast_in_dim3A_255, %roll3A, %broadcast_in_dim3A_256 : vector<768x784xi1>, vector<768x784xf32>
    %get3A_258 = arith.constant 0 : index
    %get3A_259 = arith.constant 0 : index
    %get3A_260 = arith.constant 0 : index
    %get3A_261 = vector.load %arg3[%get3A_258, %get3A_259, %get3A_260] : memref<1x768x768xf32, #tpu.memory_space<vmem>>, vector<1x768x768xf32>
    %get3A_262 = vector.shape_cast %get3A_261 : vector<1x768x768xf32> to vector<768x768xf32>
    %dot_general3A = arith.constant dense<0.000000e+00> : vector<768x784xf32>
    %dot_general3A_263 = tpu.matmul %get3A_262, %select_n3A_257, %dot_general3A {dimension_numbers = #tpu.dot_dimension_numbers<[1], [0], [0], [1], [0, 0, 1, 1], [], []>, transpose_lhs_hint = false} : vector<768x768xf32>, vector<768x784xf32>, vector<768x784xf32> -> vector<768x784xf32>
    %eq3A_264 = arith.constant 0 : i32
    %eq3A_265 = arith.cmpi eq, %arg1, %eq3A_264 : i32
    %convert_element_type3A = arith.extui %eq3A_265 : i1 to i32
    %cond3A = arith.constant 0 : i32
    %cond3A_266 = arith.cmpi ne, %convert_element_type3A, %cond3A : i32
    scf.if %cond3A_266 {
      %swap3A = arith.constant 0 : index
      %swap3A_276 = arith.constant 0 : index
      %swap3A_277 = arith.constant 0 : index
      %swap3A_278 = vector.load %arg5[%swap3A, %swap3A_276, %swap3A_277] : memref<1x768x784xf32, #tpu.memory_space<vmem>>, vector<1x768x784xf32>
      %swap3A_279 = vector.shape_cast %swap3A_278 : vector<1x768x784xf32> to vector<768x784xf32>
      %swap3A_280 = vector.shape_cast %dot_general3A_263 : vector<768x784xf32> to vector<1x768x784xf32>
      tpu.vector_store %arg5[%swap3A, %swap3A_276, %swap3A_277], %swap3A_280 {strides = array<i32>} : memref<1x768x784xf32, #tpu.memory_space<vmem>>, vector<1x768x784xf32>,
    } else {
    }
    %gt3A = arith.constant 0 : i32
    %gt3A_267 = arith.cmpi sgt, %arg1, %gt3A : i32
    %convert_element_type3A_268 = arith.extui %gt3A_267 : i1 to i32
    %cond3A_269 = arith.constant 0 : i32
    %cond3A_270 = arith.cmpi ne, %convert_element_type3A_268, %cond3A_269 : i32
    scf.if %cond3A_270 {
      %get3A_276 = arith.constant 0 : index
      %get3A_277 = arith.constant 0 : index
      %get3A_278 = arith.constant 0 : index
      %get3A_279 = vector.load %arg5[%get3A_276, %get3A_277, %get3A_278] : memref<1x768x784xf32, #tpu.memory_space<vmem>>, vector<1x768x784xf32>
      %get3A_280 = vector.shape_cast %get3A_279 : vector<1x768x784xf32> to vector<768x784xf32>
      %add3A_281 = arith.addf %get3A_280, %dot_general3A_263 : vector<768x784xf32>
      %swap3A = arith.constant 0 : index
      %swap3A_282 = arith.constant 0 : index
      %swap3A_283 = arith.constant 0 : index
      %swap3A_284 = vector.load %arg5[%swap3A, %swap3A_282, %swap3A_283] : memref<1x768x784xf32, #tpu.memory_space<vmem>>, vector<1x768x784xf32>
      %swap3A_285 = vector.shape_cast %swap3A_284 : vector<1x768x784xf32> to vector<768x784xf32>
      %swap3A_286 = vector.shape_cast %add3A_281 : vector<768x784xf32> to vector<1x768x784xf32>
      tpu.vector_store %arg5[%swap3A, %swap3A_282, %swap3A_283], %swap3A_286 {strides = array<i32>} : memref<1x768x784xf32, #tpu.memory_space<vmem>>, vector<1x768x784xf32>,
    } else {
    }
    %eq3A_271 = arith.constant 15 : i32
    %eq3A_272 = arith.cmpi eq, %arg1, %eq3A_271 : i32
    %convert_element_type3A_273 = arith.extui %eq3A_272 : i1 to i32
    %cond3A_274 = arith.constant 0 : i32
    %cond3A_275 = arith.cmpi ne, %convert_element_type3A_273, %cond3A_274 : i32
    scf.if %cond3A_275 {
      %get3A_276 = arith.constant 0 : index
      %get3A_277 = arith.constant 0 : index
      %get3A_278 = arith.constant 0 : index
      %get3A_279 = vector.load %arg5[%get3A_276, %get3A_277, %get3A_278] : memref<1x768x784xf32, #tpu.memory_space<vmem>>, vector<1x768x784xf32>
      %get3A_280 = vector.shape_cast %get3A_279 : vector<1x768x784xf32> to vector<768x784xf32>
      %get3A_281 = arith.constant 0 : index
      %get3A_282 = arith.constant 0 : index
      %get3A_283 = vector.load %arg4[%get3A_281, %get3A_282] : memref<768x1xf32, #tpu.memory_space<vmem>>, vector<768x1xf32>
      %add3A_284 = vector.broadcast %get3A_283 : vector<768x1xf32> to vector<768x784xf32>
      %add3A_285 = arith.addf %get3A_280, %add3A_284 : vector<768x784xf32>
      %swap3A = arith.constant 0 : index
      %swap3A_286 = arith.constant 0 : index
      %swap3A_287 = arith.constant 0 : index
      %swap3A_288 = vector.load %arg5[%swap3A, %swap3A_286, %swap3A_287] : memref<1x768x784xf32, #tpu.memory_space<vmem>>, vector<1x768x784xf32>
      %swap3A_289 = vector.shape_cast %swap3A_288 : vector<1x768x784xf32> to vector<768x784xf32>
      %swap3A_290 = vector.shape_cast %add3A_285 : vector<768x784xf32> to vector<1x768x784xf32>
      tpu.vector_store %arg5[%swap3A, %swap3A_286, %swap3A_287], %swap3A_290 {strides = array<i32>} : memref<1x768x784xf32, #tpu.memory_space<vmem>>, vector<1x768x784xf32>,
    } else {
    }
    return
  }
  func.func @transform_0(%arg0: i32, %arg1: i32) -> (i32, i32, i32, i32) {
    %jit3A = arith.constant 4 : i32
    %div3A = arith.divsi %arg1, %jit3A : i32
    %sign3A = arith.constant 0 : i32
    %sign3A_0 = arith.cmpi sgt, %arg1, %sign3A : i32
    %sign3A_1 = arith.extui %sign3A_0 : i1 to i32
    %sign3A_2 = arith.constant 0 : i32
    %sign3A_3 = arith.cmpi slt, %arg1, %sign3A_2 : i32
    %sign3A_4 = arith.extui %sign3A_3 : i1 to i32
    %sign3A_5 = arith.subi %sign3A_1, %sign3A_4 : i32
    %sign3A_6 = arith.constant 0 : i32
    %sign3A_7 = arith.cmpi sgt, %jit3A, %sign3A_6 : i32
    %sign3A_8 = arith.extui %sign3A_7 : i1 to i32
    %sign3A_9 = arith.constant 0 : i32
    %sign3A_10 = arith.cmpi slt, %jit3A, %sign3A_9 : i32
    %sign3A_11 = arith.extui %sign3A_10 : i1 to i32
    %sign3A_12 = arith.subi %sign3A_8, %sign3A_11 : i32
    %ne3A = arith.cmpi ne, %sign3A_5, %sign3A_12 : i32
    %rem3A = arith.remsi %arg1, %jit3A : i32
    %ne3A_13 = arith.constant 0 : i32
    %ne3A_14 = arith.cmpi ne, %rem3A, %ne3A_13 : i32
    %and3A = arith.andi %ne3A, %ne3A_14 : i1
    %sub3A = arith.constant 1 : i32
    %sub3A_15 = arith.subi %div3A, %sub3A : i32
    %select_n3A = arith.select %and3A, %sub3A_15, %div3A : i32
    %c0_i32 = arith.constant 0 : i32
    %c0_i32_16 = arith.constant 0 : i32
    %c0_i32_17 = arith.constant 0 : i32
    return %arg0, %select_n3A, %c0_i32, %c0_i32_16 : i32, i32, i32, i32
  }
  func.func @transform_1(%arg0: i32, %arg1: i32) -> (i32, i32, i32) {
    %jit3A = arith.constant 4 : i32
    %div3A = arith.divsi %arg1, %jit3A : i32
    %sign3A = arith.constant 0 : i32
    %sign3A_0 = arith.cmpi sgt, %arg1, %sign3A : i32
    %sign3A_1 = arith.extui %sign3A_0 : i1 to i32
    %sign3A_2 = arith.constant 0 : i32
    %sign3A_3 = arith.cmpi slt, %arg1, %sign3A_2 : i32
    %sign3A_4 = arith.extui %sign3A_3 : i1 to i32
    %sign3A_5 = arith.subi %sign3A_1, %sign3A_4 : i32
    %sign3A_6 = arith.constant 0 : i32
    %sign3A_7 = arith.cmpi sgt, %jit3A, %sign3A_6 : i32
    %sign3A_8 = arith.extui %sign3A_7 : i1 to i32
    %sign3A_9 = arith.constant 0 : i32
    %sign3A_10 = arith.cmpi slt, %jit3A, %sign3A_9 : i32
    %sign3A_11 = arith.extui %sign3A_10 : i1 to i32
    %sign3A_12 = arith.subi %sign3A_8, %sign3A_11 : i32
    %ne3A = arith.cmpi ne, %sign3A_5, %sign3A_12 : i32
    %rem3A = arith.remsi %arg1, %jit3A : i32
    %ne3A_13 = arith.constant 0 : i32
    %ne3A_14 = arith.cmpi ne, %rem3A, %ne3A_13 : i32
    %and3A = arith.andi %ne3A, %ne3A_14 : i1
    %sub3A = arith.constant 1 : i32
    %sub3A_15 = arith.subi %div3A, %sub3A : i32
    %select_n3A = arith.select %and3A, %sub3A_15, %div3A : i32
    %jit3A_16 = arith.constant 4 : i32
    %eq3A = arith.constant 0 : i32
    %eq3A_17 = arith.cmpi eq, %jit3A_16, %eq3A : i32
    %jit3A_18 = arith.constant 1 : i32
    %select_n3A_19 = arith.select %eq3A_17, %jit3A_18, %jit3A_16 : i32
    %rem3A_20 = arith.remsi %arg1, %select_n3A_19 : i32
    %ne3A_21 = arith.constant 0 : i32
    %ne3A_22 = arith.cmpi ne, %rem3A_20, %ne3A_21 : i32
    %lt3A = arith.constant 0 : i32
    %lt3A_23 = arith.cmpi slt, %rem3A_20, %lt3A : i32
    %lt3A_24 = arith.constant 0 : i32
    %lt3A_25 = arith.cmpi slt, %select_n3A_19, %lt3A_24 : i32
    %ne3A_26 = arith.xori %lt3A_23, %lt3A_25 : i1
    %and3A_27 = arith.andi %ne3A_26, %ne3A_22 : i1
    %add3A = arith.addi %rem3A_20, %select_n3A_19 : i32
    %select_n3A_28 = arith.select %and3A_27, %add3A, %rem3A_20 : i32
    %jit3A_29 = arith.constant 2 : i32
    %div3A_30 = arith.divsi %select_n3A, %jit3A_29 : i32
    %sign3A_31 = arith.constant 0 : i32
    %sign3A_32 = arith.cmpi sgt, %select_n3A, %sign3A_31 : i32
    %sign3A_33 = arith.extui %sign3A_32 : i1 to i32
    %sign3A_34 = arith.constant 0 : i32
    %sign3A_35 = arith.cmpi slt, %select_n3A, %sign3A_34 : i32
    %sign3A_36 = arith.extui %sign3A_35 : i1 to i32
    %sign3A_37 = arith.subi %sign3A_33, %sign3A_36 : i32
    %sign3A_38 = arith.constant 0 : i32
    %sign3A_39 = arith.cmpi sgt, %jit3A_29, %sign3A_38 : i32
    %sign3A_40 = arith.extui %sign3A_39 : i1 to i32
    %sign3A_41 = arith.constant 0 : i32
    %sign3A_42 = arith.cmpi slt, %jit3A_29, %sign3A_41 : i32
    %sign3A_43 = arith.extui %sign3A_42 : i1 to i32
    %sign3A_44 = arith.subi %sign3A_40, %sign3A_43 : i32
    %ne3A_45 = arith.cmpi ne, %sign3A_37, %sign3A_44 : i32
    %rem3A_46 = arith.remsi %select_n3A, %jit3A_29 : i32
    %ne3A_47 = arith.constant 0 : i32
    %ne3A_48 = arith.cmpi ne, %rem3A_46, %ne3A_47 : i32
    %and3A_49 = arith.andi %ne3A_45, %ne3A_48 : i1
    %sub3A_50 = arith.constant 1 : i32
    %sub3A_51 = arith.subi %div3A_30, %sub3A_50 : i32
    %select_n3A_52 = arith.select %and3A_49, %sub3A_51, %div3A_30 : i32
    %jit3A_53 = arith.constant 2 : i32
    %eq3A_54 = arith.constant 0 : i32
    %eq3A_55 = arith.cmpi eq, %jit3A_53, %eq3A_54 : i32
    %jit3A_56 = arith.constant 1 : i32
    %select_n3A_57 = arith.select %eq3A_55, %jit3A_56, %jit3A_53 : i32
    %rem3A_58 = arith.remsi %select_n3A, %select_n3A_57 : i32
    %ne3A_59 = arith.constant 0 : i32
    %ne3A_60 = arith.cmpi ne, %rem3A_58, %ne3A_59 : i32
    %lt3A_61 = arith.constant 0 : i32
    %lt3A_62 = arith.cmpi slt, %rem3A_58, %lt3A_61 : i32
    %lt3A_63 = arith.constant 0 : i32
    %lt3A_64 = arith.cmpi slt, %select_n3A_57, %lt3A_63 : i32
    %ne3A_65 = arith.xori %lt3A_62, %lt3A_64 : i1
    %and3A_66 = arith.andi %ne3A_65, %ne3A_60 : i1
    %add3A_67 = arith.addi %rem3A_58, %select_n3A_57 : i32
    %select_n3A_68 = arith.select %and3A_66, %add3A_67, %rem3A_58 : i32
    %sub3A_69 = arith.constant 1 : i32
    %sub3A_70 = arith.subi %sub3A_69, %select_n3A_52 : i32
    %jit3A_71 = arith.constant 2 : i32
    %div3A_72 = arith.divsi %select_n3A_28, %jit3A_71 : i32
    %sign3A_73 = arith.constant 0 : i32
    %sign3A_74 = arith.cmpi sgt, %select_n3A_28, %sign3A_73 : i32
    %sign3A_75 = arith.extui %sign3A_74 : i1 to i32
    %sign3A_76 = arith.constant 0 : i32
    %sign3A_77 = arith.cmpi slt, %select_n3A_28, %sign3A_76 : i32
    %sign3A_78 = arith.extui %sign3A_77 : i1 to i32
    %sign3A_79 = arith.subi %sign3A_75, %sign3A_78 : i32
    %sign3A_80 = arith.constant 0 : i32
    %sign3A_81 = arith.cmpi sgt, %jit3A_71, %sign3A_80 : i32
    %sign3A_82 = arith.extui %sign3A_81 : i1 to i32
    %sign3A_83 = arith.constant 0 : i32
    %sign3A_84 = arith.cmpi slt, %jit3A_71, %sign3A_83 : i32
    %sign3A_85 = arith.extui %sign3A_84 : i1 to i32
    %sign3A_86 = arith.subi %sign3A_82, %sign3A_85 : i32
    %ne3A_87 = arith.cmpi ne, %sign3A_79, %sign3A_86 : i32
    %rem3A_88 = arith.remsi %select_n3A_28, %jit3A_71 : i32
    %ne3A_89 = arith.constant 0 : i32
    %ne3A_90 = arith.cmpi ne, %rem3A_88, %ne3A_89 : i32
    %and3A_91 = arith.andi %ne3A_87, %ne3A_90 : i1
    %sub3A_92 = arith.constant 1 : i32
    %sub3A_93 = arith.subi %div3A_72, %sub3A_92 : i32
    %select_n3A_94 = arith.select %and3A_91, %sub3A_93, %div3A_72 : i32
    %mul3A = arith.constant 2 : i32
    %mul3A_95 = arith.muli %mul3A, %select_n3A_94 : i32
    %add3A_96 = arith.addi %sub3A_70, %mul3A_95 : i32
    %sub3A_97 = arith.constant 1 : i32
    %sub3A_98 = arith.subi %sub3A_97, %select_n3A_68 : i32
    %jit3A_99 = arith.constant 2 : i32
    %eq3A_100 = arith.constant 0 : i32
    %eq3A_101 = arith.cmpi eq, %jit3A_99, %eq3A_100 : i32
    %jit3A_102 = arith.constant 1 : i32
    %select_n3A_103 = arith.select %eq3A_101, %jit3A_102, %jit3A_99 : i32
    %rem3A_104 = arith.remsi %select_n3A_28, %select_n3A_103 : i32
    %ne3A_105 = arith.constant 0 : i32
    %ne3A_106 = arith.cmpi ne, %rem3A_104, %ne3A_105 : i32
    %lt3A_107 = arith.constant 0 : i32
    %lt3A_108 = arith.cmpi slt, %rem3A_104, %lt3A_107 : i32
    %lt3A_109 = arith.constant 0 : i32
    %lt3A_110 = arith.cmpi slt, %select_n3A_103, %lt3A_109 : i32
    %ne3A_111 = arith.xori %lt3A_108, %lt3A_110 : i1
    %and3A_112 = arith.andi %ne3A_111, %ne3A_106 : i1
    %add3A_113 = arith.addi %rem3A_104, %select_n3A_103 : i32
    %select_n3A_114 = arith.select %and3A_112, %add3A_113, %rem3A_104 : i32
    %mul3A_115 = arith.constant 2 : i32
    %mul3A_116 = arith.muli %mul3A_115, %select_n3A_114 : i32
    %add3A_117 = arith.addi %sub3A_98, %mul3A_116 : i32
    %mul3A_118 = arith.constant 4 : i32
    %mul3A_119 = arith.muli %add3A_96, %mul3A_118 : i32
    %add3A_120 = arith.addi %mul3A_119, %add3A_117 : i32
    %c0_i32 = arith.constant 0 : i32
    %c0_i32_121 = arith.constant 0 : i32
    %c0_i32_122 = arith.constant 0 : i32
    return %add3A_120, %c0_i32, %c0_i32_121 : i32, i32, i32
  }
  func.func @transform_2(%arg0: i32, %arg1: i32) -> (i32, i32) {
    %c0_i32 = arith.constant 0 : i32
    %c0_i32_0 = arith.constant 0 : i32
    %c0_i32_1 = arith.constant 0 : i32
    return %c0_i32, %c0_i32_0 : i32, i32
  }
  func.func @transform_3(%arg0: i32, %arg1: i32) -> (i32, i32, i32) {
    %c0_i32 = arith.constant 0 : i32
    %c0_i32_0 = arith.constant 0 : i32
    %c0_i32_1 = arith.constant 0 : i32
    return %arg0, %c0_i32, %c0_i32_0 : i32, i32, i32
  }
}

module attributes {stable_mosaic.version = 14 : i64} {
  func.func @_coarse_body(%arg0: i32, %arg1: i32, %arg2: memref<1x64x784xf32, #tpu.memory_space<vmem>>, %arg3: memref<64x192xf32, #tpu.memory_space<vmem>>, %arg4: memref<1x192xf32, #tpu.memory_space<vmem>>, %arg5: memref<1x64x784xf32, #tpu.memory_space<vmem>>, %arg6: memref<1x1x1x784xi32, #tpu.memory_space<vmem>>) attributes {dimension_semantics = [#tpu.dimension_semantics<arbitrary>, #tpu.dimension_semantics<arbitrary>], iteration_bounds = array<i64: 4, 12>, scalar_prefetch = 0 : i64, scratch_operands = 0 : i64, tpu.core_type = #tpu.core_type<tc>, window_params = [{transform_indices = @transform_0, window_bounds = array<i64: 1, 64, 784>}, {pipeline_mode = #tpu.pipeline_mode<synchronous>, transform_indices = @transform_1, window_bounds = array<i64: 64, 192>}, {pipeline_mode = #tpu.pipeline_mode<synchronous>, transform_indices = @transform_2, window_bounds = array<i64: 1, 192>}, {transform_indices = @transform_3, window_bounds = array<i64: 1, 64, 784>}, {transform_indices = @transform_4, window_bounds = array<i64: 1, 1, 1, 784>}]} {
    %get3A = arith.constant 0 : index
    %get3A_0 = arith.constant 0 : index
    %get3A_1 = arith.constant 0 : index
    %get3A_2 = vector.load %arg2[%get3A, %get3A_0, %get3A_1] : memref<1x64x784xf32, #tpu.memory_space<vmem>>, vector<1x64x784xf32>
    %get3A_3 = vector.shape_cast %get3A_2 : vector<1x64x784xf32> to vector<64x784xf32>
    %transpose3A = tpu.transpose %get3A_3, [1, 0] : vector<64x784xf32> -> vector<784x64xf32>
    %get3A_4 = arith.constant 0 : index
    %get3A_5 = arith.constant 0 : index
    %get3A_6 = vector.load %arg3[%get3A_4, %get3A_5] : memref<64x192xf32, #tpu.memory_space<vmem>>, vector<64x192xf32>
    %dot_general3A = arith.constant dense<0.000000e+00> : vector<784x192xf32>
    %dot_general3A_7 = tpu.matmul %transpose3A, %get3A_6, %dot_general3A {dimension_numbers = #tpu.dot_dimension_numbers<[1], [0], [0], [1], [0, 0, 1, 1], [], []>, transpose_lhs_hint = false} : vector<784x64xf32>, vector<64x192xf32>, vector<784x192xf32> -> vector<784x192xf32>
    %get3A_8 = arith.constant 0 : index
    %get3A_9 = arith.constant 0 : index
    %get3A_10 = vector.load %arg4[%get3A_8, %get3A_9] : memref<1x192xf32, #tpu.memory_space<vmem>>, vector<1x192xf32>
    %add3A = vector.broadcast %get3A_10 : vector<1x192xf32> to vector<784x192xf32>
    %add3A_11 = arith.addf %dot_general3A_7, %add3A : vector<784x192xf32>
    %slice3A = vector.extract_strided_slice %add3A_11 {offsets = [0, 0], sizes = [784, 64], strides = [1, 1]} : vector<784x192xf32> to vector<784x64xf32>
    %slice3A_12 = vector.extract_strided_slice %add3A_11 {offsets = [0, 64], sizes = [784, 64], strides = [1, 1]} : vector<784x192xf32> to vector<784x64xf32>
    %slice3A_13 = vector.extract_strided_slice %add3A_11 {offsets = [0, 128], sizes = [784, 64], strides = [1, 1]} : vector<784x192xf32> to vector<784x64xf32>
    %dot_general3A_14 = arith.constant dense<0.000000e+00> : vector<784x784xf32>
    %dot_general3A_15 = tpu.matmul %slice3A, %slice3A_12, %dot_general3A_14 {dimension_numbers = #tpu.dot_dimension_numbers<[1], [1], [0], [0], [0, 0, 1, 0], [], []>, transpose_lhs_hint = false} : vector<784x64xf32>, vector<784x64xf32>, vector<784x784xf32> -> vector<784x784xf32>
    %mul3A = arith.constant 1.250000e-01 : f32
    %mul3A_16 = vector.broadcast %mul3A : f32 to vector<784x784xf32>
    %mul3A_17 = arith.mulf %dot_general3A_15, %mul3A_16 : vector<784x784xf32>
    %reduce_max3A = arith.constant dense<0xFF800000> : vector<784xf32>
    %reduce_max3A_18 = vector.multi_reduction <maximumf>, %mul3A_17, %reduce_max3A [1] : vector<784x784xf32> to vector<784xf32>
    %broadcast_in_dim3A = vector.shape_cast %reduce_max3A_18 : vector<784xf32> to vector<784x1xf32>
    %sub3A = vector.broadcast %broadcast_in_dim3A : vector<784x1xf32> to vector<784x784xf32>
    %sub3A_19 = arith.subf %mul3A_17, %sub3A : vector<784x784xf32>
    %exp3A = math.exp %sub3A_19 : vector<784x784xf32>
    %reduce_sum3A = arith.constant dense<0.000000e+00> : vector<784xf32>
    %reduce_sum3A_20 = vector.multi_reduction <add>, %exp3A, %reduce_sum3A [1] : vector<784x784xf32> to vector<784xf32>
    %broadcast_in_dim3A_21 = vector.shape_cast %reduce_sum3A_20 : vector<784xf32> to vector<784x1xf32>
    %div3A = vector.broadcast %broadcast_in_dim3A_21 : vector<784x1xf32> to vector<784x784xf32>
    %div3A_22 = arith.divf %exp3A, %div3A : vector<784x784xf32>
    %reduce_sum3A_23 = arith.constant dense<0.000000e+00> : vector<784xf32>
    %reduce_sum3A_24 = vector.multi_reduction <add>, %div3A_22, %reduce_sum3A_23 [0] : vector<784x784xf32> to vector<784xf32>
    %broadcast_in_dim3A_25 = vector.shape_cast %reduce_sum3A_24 : vector<784xf32> to vector<1x784xf32>
    %dot_general3A_26 = arith.constant dense<0.000000e+00> : vector<784x64xf32>
    %dot_general3A_27 = tpu.matmul %div3A_22, %slice3A_13, %dot_general3A_26 {dimension_numbers = #tpu.dot_dimension_numbers<[1], [0], [0], [1], [0, 0, 1, 1], [], []>, transpose_lhs_hint = false} : vector<784x784xf32>, vector<784x64xf32>, vector<784x64xf32> -> vector<784x64xf32>
    %transpose3A_28 = tpu.transpose %dot_general3A_27, [1, 0] : vector<784x64xf32> -> vector<64x784xf32>
    %swap3A = arith.constant 0 : index
    %swap3A_29 = arith.constant 0 : index
    %swap3A_30 = arith.constant 0 : index
    %swap3A_31 = vector.load %arg5[%swap3A, %swap3A_29, %swap3A_30] : memref<1x64x784xf32, #tpu.memory_space<vmem>>, vector<1x64x784xf32>
    %swap3A_32 = vector.shape_cast %swap3A_31 : vector<1x64x784xf32> to vector<64x784xf32>
    %swap3A_33 = vector.shape_cast %transpose3A_28 : vector<64x784xf32> to vector<1x64x784xf32>
    tpu.vector_store %arg5[%swap3A, %swap3A_29, %swap3A_30], %swap3A_33 {strides = array<i32>} : memref<1x64x784xf32, #tpu.memory_space<vmem>>, vector<1x64x784xf32>,
    %bitcast_convert_type3A = tpu.bitcast %broadcast_in_dim3A_25 : vector<1x784xf32> -> vector<1x784xi32>
    %swap3A_34 = arith.constant 0 : index
    %swap3A_35 = arith.constant 0 : index
    %swap3A_36 = arith.constant 0 : index
    %swap3A_37 = arith.constant 0 : index
    %swap3A_38 = vector.load %arg6[%swap3A_34, %swap3A_35, %swap3A_36, %swap3A_37] : memref<1x1x1x784xi32, #tpu.memory_space<vmem>>, vector<1x1x1x784xi32>
    %swap3A_39 = vector.shape_cast %swap3A_38 : vector<1x1x1x784xi32> to vector<1x784xi32>
    %swap3A_40 = vector.shape_cast %bitcast_convert_type3A : vector<1x784xi32> to vector<1x1x1x784xi32>
    tpu.vector_store %arg6[%swap3A_34, %swap3A_35, %swap3A_36, %swap3A_37], %swap3A_40 {strides = array<i32>} : memref<1x1x1x784xi32, #tpu.memory_space<vmem>>, vector<1x1x1x784xi32>,
    return
  }
  func.func @transform_0(%arg0: i32, %arg1: i32) -> (i32, i32, i32) {
    %c0_i32 = arith.constant 0 : i32
    %c0_i32_0 = arith.constant 0 : i32
    return %arg0, %arg1, %c0_i32 : i32, i32, i32
  }
  func.func @transform_1(%arg0: i32, %arg1: i32) -> (i32, i32) {
    %c0_i32 = arith.constant 0 : i32
    %c0_i32_0 = arith.constant 0 : i32
    %c0_i32_1 = arith.constant 0 : i32
    return %c0_i32, %c0_i32_0 : i32, i32
  }
  func.func @transform_2(%arg0: i32, %arg1: i32) -> (i32, i32) {
    %c0_i32 = arith.constant 0 : i32
    %c0_i32_0 = arith.constant 0 : i32
    %c0_i32_1 = arith.constant 0 : i32
    return %c0_i32, %c0_i32_0 : i32, i32
  }
  func.func @transform_3(%arg0: i32, %arg1: i32) -> (i32, i32, i32) {
    %c0_i32 = arith.constant 0 : i32
    %c0_i32_0 = arith.constant 0 : i32
    return %arg0, %arg1, %c0_i32 : i32, i32, i32
  }
  func.func @transform_4(%arg0: i32, %arg1: i32) -> (i32, i32, i32, i32) {
    %c0_i32 = arith.constant 0 : i32
    %c0_i32_0 = arith.constant 0 : i32
    %c0_i32_1 = arith.constant 0 : i32
    return %arg0, %arg1, %c0_i32, %c0_i32_0 : i32, i32, i32, i32
  }
}

module attributes {stable_mosaic.version = 14 : i64} {
  func.func @_up_body(%arg0: i32, %arg1: i32, %arg2: i32, %arg3: memref<1x768x784xf32, #tpu.memory_space<vmem>>, %arg4: memref<1x1x768x768xbf16, #tpu.memory_space<vmem>>, %arg5: memref<768x1xf32, #tpu.memory_space<vmem>>, %arg6: memref<1x1x768x784xf32, #tpu.memory_space<vmem>>) attributes {dimension_semantics = [#tpu.dimension_semantics<arbitrary>, #tpu.dimension_semantics<arbitrary>, #tpu.dimension_semantics<arbitrary>], iteration_bounds = array<i64: 4, 4, 4>, scalar_prefetch = 0 : i64, scratch_operands = 0 : i64, tpu.core_type = #tpu.core_type<tc>, window_params = [{transform_indices = @transform_0, window_bounds = array<i64: 1, 768, 784>}, {transform_indices = @transform_1, window_bounds = array<i64: 1, 1, 768, 768>}, {pipeline_mode = #tpu.pipeline_mode<synchronous>, transform_indices = @transform_2, window_bounds = array<i64: 768, 1>}, {transform_indices = @transform_3, window_bounds = array<i64: 1, 1, 768, 784>}]} {
    %jit3A = arith.constant 2 : i32
    %div3A = arith.divsi %arg1, %jit3A : i32
    %sign3A = arith.constant 0 : i32
    %sign3A_0 = arith.cmpi sgt, %arg1, %sign3A : i32
    %sign3A_1 = arith.extui %sign3A_0 : i1 to i32
    %sign3A_2 = arith.constant 0 : i32
    %sign3A_3 = arith.cmpi slt, %arg1, %sign3A_2 : i32
    %sign3A_4 = arith.extui %sign3A_3 : i1 to i32
    %sign3A_5 = arith.subi %sign3A_1, %sign3A_4 : i32
    %sign3A_6 = arith.constant 0 : i32
    %sign3A_7 = arith.cmpi sgt, %jit3A, %sign3A_6 : i32
    %sign3A_8 = arith.extui %sign3A_7 : i1 to i32
    %sign3A_9 = arith.constant 0 : i32
    %sign3A_10 = arith.cmpi slt, %jit3A, %sign3A_9 : i32
    %sign3A_11 = arith.extui %sign3A_10 : i1 to i32
    %sign3A_12 = arith.subi %sign3A_8, %sign3A_11 : i32
    %ne3A = arith.cmpi ne, %sign3A_5, %sign3A_12 : i32
    %rem3A = arith.remsi %arg1, %jit3A : i32
    %ne3A_13 = arith.constant 0 : i32
    %ne3A_14 = arith.cmpi ne, %rem3A, %ne3A_13 : i32
    %and3A = arith.andi %ne3A, %ne3A_14 : i1
    %sub3A = arith.constant 1 : i32
    %sub3A_15 = arith.subi %div3A, %sub3A : i32
    %select_n3A = arith.select %and3A, %sub3A_15, %div3A : i32
    %jit3A_16 = arith.constant 2 : i32
    %div3A_17 = arith.divsi %arg2, %jit3A_16 : i32
    %sign3A_18 = arith.constant 0 : i32
    %sign3A_19 = arith.cmpi sgt, %arg2, %sign3A_18 : i32
    %sign3A_20 = arith.extui %sign3A_19 : i1 to i32
    %sign3A_21 = arith.constant 0 : i32
    %sign3A_22 = arith.cmpi slt, %arg2, %sign3A_21 : i32
    %sign3A_23 = arith.extui %sign3A_22 : i1 to i32
    %sign3A_24 = arith.subi %sign3A_20, %sign3A_23 : i32
    %sign3A_25 = arith.constant 0 : i32
    %sign3A_26 = arith.cmpi sgt, %jit3A_16, %sign3A_25 : i32
    %sign3A_27 = arith.extui %sign3A_26 : i1 to i32
    %sign3A_28 = arith.constant 0 : i32
    %sign3A_29 = arith.cmpi slt, %jit3A_16, %sign3A_28 : i32
    %sign3A_30 = arith.extui %sign3A_29 : i1 to i32
    %sign3A_31 = arith.subi %sign3A_27, %sign3A_30 : i32
    %ne3A_32 = arith.cmpi ne, %sign3A_24, %sign3A_31 : i32
    %rem3A_33 = arith.remsi %arg2, %jit3A_16 : i32
    %ne3A_34 = arith.constant 0 : i32
    %ne3A_35 = arith.cmpi ne, %rem3A_33, %ne3A_34 : i32
    %and3A_36 = arith.andi %ne3A_32, %ne3A_35 : i1
    %sub3A_37 = arith.constant 1 : i32
    %sub3A_38 = arith.subi %div3A_17, %sub3A_37 : i32
    %select_n3A_39 = arith.select %and3A_36, %sub3A_38, %div3A_17 : i32
    %sub3A_40 = arith.subi %select_n3A, %select_n3A_39 : i32
    %jit3A_41 = arith.constant 2 : i32
    %eq3A = arith.constant 0 : i32
    %eq3A_42 = arith.cmpi eq, %jit3A_41, %eq3A : i32
    %jit3A_43 = arith.constant 1 : i32
    %select_n3A_44 = arith.select %eq3A_42, %jit3A_43, %jit3A_41 : i32
    %rem3A_45 = arith.remsi %arg1, %select_n3A_44 : i32
    %ne3A_46 = arith.constant 0 : i32
    %ne3A_47 = arith.cmpi ne, %rem3A_45, %ne3A_46 : i32
    %lt3A = arith.constant 0 : i32
    %lt3A_48 = arith.cmpi slt, %rem3A_45, %lt3A : i32
    %lt3A_49 = arith.constant 0 : i32
    %lt3A_50 = arith.cmpi slt, %select_n3A_44, %lt3A_49 : i32
    %ne3A_51 = arith.xori %lt3A_48, %lt3A_50 : i1
    %and3A_52 = arith.andi %ne3A_51, %ne3A_47 : i1
    %add3A = arith.addi %rem3A_45, %select_n3A_44 : i32
    %select_n3A_53 = arith.select %and3A_52, %add3A, %rem3A_45 : i32
    %jit3A_54 = arith.constant 2 : i32
    %eq3A_55 = arith.constant 0 : i32
    %eq3A_56 = arith.cmpi eq, %jit3A_54, %eq3A_55 : i32
    %jit3A_57 = arith.constant 1 : i32
    %select_n3A_58 = arith.select %eq3A_56, %jit3A_57, %jit3A_54 : i32
    %rem3A_59 = arith.remsi %arg2, %select_n3A_58 : i32
    %ne3A_60 = arith.constant 0 : i32
    %ne3A_61 = arith.cmpi ne, %rem3A_59, %ne3A_60 : i32
    %lt3A_62 = arith.constant 0 : i32
    %lt3A_63 = arith.cmpi slt, %rem3A_59, %lt3A_62 : i32
    %lt3A_64 = arith.constant 0 : i32
    %lt3A_65 = arith.cmpi slt, %select_n3A_58, %lt3A_64 : i32
    %ne3A_66 = arith.xori %lt3A_63, %lt3A_65 : i1
    %and3A_67 = arith.andi %ne3A_66, %ne3A_61 : i1
    %add3A_68 = arith.addi %rem3A_59, %select_n3A_58 : i32
    %select_n3A_69 = arith.select %and3A_67, %add3A_68, %rem3A_59 : i32
    %sub3A_70 = arith.subi %select_n3A_53, %select_n3A_69 : i32
    %get3A = arith.constant 0 : index
    %get3A_71 = arith.constant 0 : index
    %get3A_72 = arith.constant 0 : index
    %get3A_73 = vector.load %arg3[%get3A, %get3A_71, %get3A_72] : memref<1x768x784xf32, #tpu.memory_space<vmem>>, vector<1x768x784xf32>
    %get3A_74 = vector.shape_cast %get3A_73 : vector<1x768x784xf32> to vector<768x784xf32>
    %mul3A = arith.constant 28 : i32
    %mul3A_75 = arith.muli %sub3A_40, %mul3A : i32
    %add3A_76 = arith.addi %mul3A_75, %sub3A_70 : i32
    %neg3A = arith.constant 0 : i32
    %neg3A_77 = arith.subi %neg3A, %add3A_76 : i32
    %jit3A_78 = arith.constant 784 : i32
    %eq3A_79 = arith.constant 0 : i32
    %eq3A_80 = arith.cmpi eq, %jit3A_78, %eq3A_79 : i32
    %jit3A_81 = arith.constant 1 : i32
    %select_n3A_82 = arith.select %eq3A_80, %jit3A_81, %jit3A_78 : i32
    %rem3A_83 = arith.remsi %neg3A_77, %select_n3A_82 : i32
    %ne3A_84 = arith.constant 0 : i32
    %ne3A_85 = arith.cmpi ne, %rem3A_83, %ne3A_84 : i32
    %lt3A_86 = arith.constant 0 : i32
    %lt3A_87 = arith.cmpi slt, %rem3A_83, %lt3A_86 : i32
    %lt3A_88 = arith.constant 0 : i32
    %lt3A_89 = arith.cmpi slt, %select_n3A_82, %lt3A_88 : i32
    %ne3A_90 = arith.xori %lt3A_87, %lt3A_89 : i1
    %and3A_91 = arith.andi %ne3A_90, %ne3A_85 : i1
    %add3A_92 = arith.addi %rem3A_83, %select_n3A_82 : i32
    %select_n3A_93 = arith.select %and3A_91, %add3A_92, %rem3A_83 : i32
    %roll3A = tpu.dynamic_rotate %get3A_74 by %select_n3A_93 dim 1 : vector<768x784xf32>, i32 -> vector<768x784xf32>
    %iota3A = tpu.iota {dimensions = array<i32: 1>} : vector<1x784xi32>
    %jit3A_94 = arith.constant 28 : i32
    %div3A_95 = vector.broadcast %jit3A_94 : i32 to vector<1x784xi32>
    %div3A_96 = arith.divsi %iota3A, %div3A_95 : vector<1x784xi32>
    %sign3A_97 = arith.constant 0 : i32
    %sign3A_98 = vector.broadcast %sign3A_97 : i32 to vector<1x784xi32>
    %sign3A_99 = arith.cmpi sgt, %iota3A, %sign3A_98 : vector<1x784xi32>
    %sign3A_100 = arith.extui %sign3A_99 : vector<1x784xi1> to vector<1x784xi32>
    %sign3A_101 = arith.constant 0 : i32
    %sign3A_102 = vector.broadcast %sign3A_101 : i32 to vector<1x784xi32>
    %sign3A_103 = arith.cmpi slt, %iota3A, %sign3A_102 : vector<1x784xi32>
    %sign3A_104 = arith.extui %sign3A_103 : vector<1x784xi1> to vector<1x784xi32>
    %sign3A_105 = arith.subi %sign3A_100, %sign3A_104 : vector<1x784xi32>
    %sign3A_106 = arith.constant 0 : i32
    %sign3A_107 = arith.cmpi sgt, %jit3A_94, %sign3A_106 : i32
    %sign3A_108 = arith.extui %sign3A_107 : i1 to i32
    %sign3A_109 = arith.constant 0 : i32
    %sign3A_110 = arith.cmpi slt, %jit3A_94, %sign3A_109 : i32
    %sign3A_111 = arith.extui %sign3A_110 : i1 to i32
    %sign3A_112 = arith.subi %sign3A_108, %sign3A_111 : i32
    %ne3A_113 = vector.broadcast %sign3A_112 : i32 to vector<1x784xi32>
    %ne3A_114 = arith.cmpi ne, %sign3A_105, %ne3A_113 : vector<1x784xi32>
    %rem3A_115 = vector.broadcast %jit3A_94 : i32 to vector<1x784xi32>
    %rem3A_116 = arith.remsi %iota3A, %rem3A_115 : vector<1x784xi32>
    %ne3A_117 = arith.constant 0 : i32
    %ne3A_118 = vector.broadcast %ne3A_117 : i32 to vector<1x784xi32>
    %ne3A_119 = arith.cmpi ne, %rem3A_116, %ne3A_118 : vector<1x784xi32>
    %and3A_120 = arith.andi %ne3A_114, %ne3A_119 : vector<1x784xi1>
    %sub3A_121 = arith.constant 1 : i32
    %sub3A_122 = vector.broadcast %sub3A_121 : i32 to vector<1x784xi32>
    %sub3A_123 = arith.subi %div3A_96, %sub3A_122 : vector<1x784xi32>
    %select_n3A_124 = arith.select %and3A_120, %sub3A_123, %div3A_96 : vector<1x784xi1>, vector<1x784xi32>
    %mul3A_125 = arith.constant 28 : i32
    %mul3A_126 = vector.broadcast %mul3A_125 : i32 to vector<1x784xi32>
    %mul3A_127 = arith.muli %select_n3A_124, %mul3A_126 : vector<1x784xi32>
    %sub3A_128 = arith.subi %iota3A, %mul3A_127 : vector<1x784xi32>
    %add3A_129 = vector.broadcast %add3A_76 : i32 to vector<1x784xi32>
    %add3A_130 = arith.addi %iota3A, %add3A_129 : vector<1x784xi32>
    %ge3A = arith.constant 0 : i32
    %ge3A_131 = vector.broadcast %ge3A : i32 to vector<1x784xi32>
    %ge3A_132 = arith.cmpi sge, %add3A_130, %ge3A_131 : vector<1x784xi32>
    %lt3A_133 = arith.constant 784 : i32
    %lt3A_134 = vector.broadcast %lt3A_133 : i32 to vector<1x784xi32>
    %lt3A_135 = arith.cmpi slt, %add3A_130, %lt3A_134 : vector<1x784xi32>
    %and3A_136 = arith.andi %ge3A_132, %lt3A_135 : vector<1x784xi1>
    %add3A_137 = vector.broadcast %sub3A_70 : i32 to vector<1x784xi32>
    %add3A_138 = arith.addi %sub3A_128, %add3A_137 : vector<1x784xi32>
    %ge3A_139 = arith.constant 0 : i32
    %ge3A_140 = vector.broadcast %ge3A_139 : i32 to vector<1x784xi32>
    %ge3A_141 = arith.cmpi sge, %add3A_138, %ge3A_140 : vector<1x784xi32>
    %add3A_142 = vector.broadcast %sub3A_70 : i32 to vector<1x784xi32>
    %add3A_143 = arith.addi %sub3A_128, %add3A_142 : vector<1x784xi32>
    %lt3A_144 = arith.constant 28 : i32
    %lt3A_145 = vector.broadcast %lt3A_144 : i32 to vector<1x784xi32>
    %lt3A_146 = arith.cmpi slt, %add3A_143, %lt3A_145 : vector<1x784xi32>
    %and3A_147 = arith.andi %ge3A_141, %lt3A_146 : vector<1x784xi1>
    %and3A_148 = arith.andi %and3A_136, %and3A_147 : vector<1x784xi1>
    %jit3A_149 = arith.constant 0.000000e+00 : f32
    %broadcast_in_dim3A = vector.shape_cast %and3A_148 : vector<1x784xi1> to vector<1x784xi1>
    %broadcast_in_dim3A_150 = vector.broadcast %broadcast_in_dim3A : vector<1x784xi1> to vector<768x784xi1>
    %broadcast_in_dim3A_151 = vector.broadcast %jit3A_149 : f32 to vector<768x784xf32>
    %select_n3A_152 = arith.select %broadcast_in_dim3A_150, %roll3A, %broadcast_in_dim3A_151 : vector<768x784xi1>, vector<768x784xf32>
    %get3A_153 = arith.constant 0 : index
    %get3A_154 = arith.constant 0 : index
    %get3A_155 = arith.constant 0 : index
    %get3A_156 = arith.constant 0 : index
    %get3A_157 = vector.load %arg4[%get3A_153, %get3A_154, %get3A_155, %get3A_156] : memref<1x1x768x768xbf16, #tpu.memory_space<vmem>>, vector<1x1x768x768xbf16>
    %get3A_158 = vector.shape_cast %get3A_157 : vector<1x1x768x768xbf16> to vector<768x768xbf16>
    %convert_element_type3A = arith.truncf %select_n3A_152 : vector<768x784xf32> to vector<768x784xbf16>
    %dot_general3A = arith.constant dense<0.000000e+00> : vector<768x784xf32>
    %dot_general3A_159 = tpu.matmul %get3A_158, %convert_element_type3A, %dot_general3A {dimension_numbers = #tpu.dot_dimension_numbers<[1], [0], [0], [1], [0, 0, 1, 1], [], []>, transpose_lhs_hint = false} : vector<768x768xbf16>, vector<768x784xbf16>, vector<768x784xf32> -> vector<768x784xf32>
    %eq3A_160 = arith.constant 0 : i32
    %eq3A_161 = arith.cmpi eq, %arg2, %eq3A_160 : i32
    %convert_element_type3A_162 = arith.extui %eq3A_161 : i1 to i32
    %cond3A = arith.constant 0 : i32
    %cond3A_163 = arith.cmpi ne, %convert_element_type3A_162, %cond3A : i32
    scf.if %cond3A_163 {
      %swap3A = arith.constant 0 : index
      %swap3A_173 = arith.constant 0 : index
      %swap3A_174 = arith.constant 0 : index
      %swap3A_175 = arith.constant 0 : index
      %swap3A_176 = vector.load %arg6[%swap3A, %swap3A_173, %swap3A_174, %swap3A_175] : memref<1x1x768x784xf32, #tpu.memory_space<vmem>>, vector<1x1x768x784xf32>
      %swap3A_177 = vector.shape_cast %swap3A_176 : vector<1x1x768x784xf32> to vector<768x784xf32>
      %swap3A_178 = vector.shape_cast %dot_general3A_159 : vector<768x784xf32> to vector<1x1x768x784xf32>
      tpu.vector_store %arg6[%swap3A, %swap3A_173, %swap3A_174, %swap3A_175], %swap3A_178 {strides = array<i32>} : memref<1x1x768x784xf32, #tpu.memory_space<vmem>>, vector<1x1x768x784xf32>,
    } else {
    }
    %gt3A = arith.constant 0 : i32
    %gt3A_164 = arith.cmpi sgt, %arg2, %gt3A : i32
    %convert_element_type3A_165 = arith.extui %gt3A_164 : i1 to i32
    %cond3A_166 = arith.constant 0 : i32
    %cond3A_167 = arith.cmpi ne, %convert_element_type3A_165, %cond3A_166 : i32
    scf.if %cond3A_167 {
      %get3A_173 = arith.constant 0 : index
      %get3A_174 = arith.constant 0 : index
      %get3A_175 = arith.constant 0 : index
      %get3A_176 = arith.constant 0 : index
      %get3A_177 = vector.load %arg6[%get3A_173, %get3A_174, %get3A_175, %get3A_176] : memref<1x1x768x784xf32, #tpu.memory_space<vmem>>, vector<1x1x768x784xf32>
      %get3A_178 = vector.shape_cast %get3A_177 : vector<1x1x768x784xf32> to vector<768x784xf32>
      %add3A_179 = arith.addf %get3A_178, %dot_general3A_159 : vector<768x784xf32>
      %swap3A = arith.constant 0 : index
      %swap3A_180 = arith.constant 0 : index
      %swap3A_181 = arith.constant 0 : index
      %swap3A_182 = arith.constant 0 : index
      %swap3A_183 = vector.load %arg6[%swap3A, %swap3A_180, %swap3A_181, %swap3A_182] : memref<1x1x768x784xf32, #tpu.memory_space<vmem>>, vector<1x1x768x784xf32>
      %swap3A_184 = vector.shape_cast %swap3A_183 : vector<1x1x768x784xf32> to vector<768x784xf32>
      %swap3A_185 = vector.shape_cast %add3A_179 : vector<768x784xf32> to vector<1x1x768x784xf32>
      tpu.vector_store %arg6[%swap3A, %swap3A_180, %swap3A_181, %swap3A_182], %swap3A_185 {strides = array<i32>} : memref<1x1x768x784xf32, #tpu.memory_space<vmem>>, vector<1x1x768x784xf32>,
    } else {
    }
    %eq3A_168 = arith.constant 3 : i32
    %eq3A_169 = arith.cmpi eq, %arg2, %eq3A_168 : i32
    %convert_element_type3A_170 = arith.extui %eq3A_169 : i1 to i32
    %cond3A_171 = arith.constant 0 : i32
    %cond3A_172 = arith.cmpi ne, %convert_element_type3A_170, %cond3A_171 : i32
    scf.if %cond3A_172 {
      %get3A_173 = arith.constant 0 : index
      %get3A_174 = arith.constant 0 : index
      %get3A_175 = arith.constant 0 : index
      %get3A_176 = arith.constant 0 : index
      %get3A_177 = vector.load %arg6[%get3A_173, %get3A_174, %get3A_175, %get3A_176] : memref<1x1x768x784xf32, #tpu.memory_space<vmem>>, vector<1x1x768x784xf32>
      %get3A_178 = vector.shape_cast %get3A_177 : vector<1x1x768x784xf32> to vector<768x784xf32>
      %get3A_179 = arith.constant 0 : index
      %get3A_180 = arith.constant 0 : index
      %get3A_181 = vector.load %arg5[%get3A_179, %get3A_180] : memref<768x1xf32, #tpu.memory_space<vmem>>, vector<768x1xf32>
      %add3A_182 = vector.broadcast %get3A_181 : vector<768x1xf32> to vector<768x784xf32>
      %add3A_183 = arith.addf %get3A_178, %add3A_182 : vector<768x784xf32>
      %swap3A = arith.constant 0 : index
      %swap3A_184 = arith.constant 0 : index
      %swap3A_185 = arith.constant 0 : index
      %swap3A_186 = arith.constant 0 : index
      %swap3A_187 = vector.load %arg6[%swap3A, %swap3A_184, %swap3A_185, %swap3A_186] : memref<1x1x768x784xf32, #tpu.memory_space<vmem>>, vector<1x1x768x784xf32>
      %swap3A_188 = vector.shape_cast %swap3A_187 : vector<1x1x768x784xf32> to vector<768x784xf32>
      %swap3A_189 = vector.shape_cast %add3A_183 : vector<768x784xf32> to vector<1x1x768x784xf32>
      tpu.vector_store %arg6[%swap3A, %swap3A_184, %swap3A_185, %swap3A_186], %swap3A_189 {strides = array<i32>} : memref<1x1x768x784xf32, #tpu.memory_space<vmem>>, vector<1x1x768x784xf32>,
    } else {
    }
    return
  }
  func.func @transform_0(%arg0: i32, %arg1: i32, %arg2: i32) -> (i32, i32, i32) {
    %c0_i32 = arith.constant 0 : i32
    %c0_i32_0 = arith.constant 0 : i32
    %c0_i32_1 = arith.constant 0 : i32
    return %arg0, %c0_i32, %c0_i32_0 : i32, i32, i32
  }
  func.func @transform_1(%arg0: i32, %arg1: i32, %arg2: i32) -> (i32, i32, i32, i32) {
    %c0_i32 = arith.constant 0 : i32
    %c0_i32_0 = arith.constant 0 : i32
    %c0_i32_1 = arith.constant 0 : i32
    return %arg1, %arg2, %c0_i32, %c0_i32_0 : i32, i32, i32, i32
  }
  func.func @transform_2(%arg0: i32, %arg1: i32, %arg2: i32) -> (i32, i32) {
    %c0_i32 = arith.constant 0 : i32
    %c0_i32_0 = arith.constant 0 : i32
    %c0_i32_1 = arith.constant 0 : i32
    return %c0_i32, %c0_i32_0 : i32, i32
  }
  func.func @transform_3(%arg0: i32, %arg1: i32, %arg2: i32) -> (i32, i32, i32, i32) {
    %c0_i32 = arith.constant 0 : i32
    %c0_i32_0 = arith.constant 0 : i32
    %c0_i32_1 = arith.constant 0 : i32
    return %arg0, %arg1, %c0_i32, %c0_i32_0 : i32, i32, i32, i32
  }
}

module attributes {stable_mosaic.version = 14 : i64} {
  func.func @_topk_body(%arg0: i32, %arg1: i32, %arg2: memref<1x4x64x784xf32, #tpu.memory_space<vmem>>, %arg3: memref<1x1x1x784xi32, #tpu.memory_space<vmem>>, %arg4: memref<64x192xf32, #tpu.memory_space<vmem>>, %arg5: memref<1x192xf32, #tpu.memory_space<vmem>>, %arg6: memref<1x4x64x784xbf16, #tpu.memory_space<vmem>>) attributes {dimension_semantics = [#tpu.dimension_semantics<arbitrary>, #tpu.dimension_semantics<arbitrary>], iteration_bounds = array<i64: 4, 12>, scalar_prefetch = 0 : i64, scratch_operands = 0 : i64, tpu.core_type = #tpu.core_type<tc>, window_params = [{transform_indices = @transform_0, window_bounds = array<i64: 1, 4, 64, 784>}, {transform_indices = @transform_1, window_bounds = array<i64: 1, 1, 1, 784>}, {pipeline_mode = #tpu.pipeline_mode<synchronous>, transform_indices = @transform_2, window_bounds = array<i64: 64, 192>}, {pipeline_mode = #tpu.pipeline_mode<synchronous>, transform_indices = @transform_3, window_bounds = array<i64: 1, 192>}, {transform_indices = @transform_4, window_bounds = array<i64: 1, 4, 64, 784>}]} {
    %get3A = arith.constant 0 : index
    %get3A_0 = arith.constant 0 : index
    %get3A_1 = arith.constant 0 : index
    %get3A_2 = arith.constant 0 : index
    %get3A_3 = vector.load %arg3[%get3A, %get3A_0, %get3A_1, %get3A_2] : memref<1x1x1x784xi32, #tpu.memory_space<vmem>>, vector<1x1x1x784xi32>
    %get3A_4 = vector.shape_cast %get3A_3 : vector<1x1x1x784xi32> to vector<1x784xi32>
    %get3A_5 = arith.constant 0 : index
    %get3A_6 = arith.constant 0 : index
    %get3A_7 = arith.constant 0 : index
    %get3A_8 = arith.constant 0 : index
    %get3A_9 = vector.load %arg2[%get3A_5, %get3A_6, %get3A_7, %get3A_8] : memref<1x4x64x784xf32, #tpu.memory_space<vmem>>, vector<1x4x64x784xf32>
    %get3A_10 = vector.shape_cast %get3A_9 : vector<1x4x64x784xf32> to vector<4x64x784xf32>
    %eq3A = arith.constant 2 : i32
    %eq3A_11 = vector.broadcast %eq3A : i32 to vector<1x784xi32>
    %eq3A_12 = arith.cmpi eq, %get3A_4, %eq3A_11 : vector<1x784xi32>
    %eq3A_13 = arith.constant 1 : i32
    %eq3A_14 = vector.broadcast %eq3A_13 : i32 to vector<1x784xi32>
    %eq3A_15 = arith.cmpi eq, %get3A_4, %eq3A_14 : vector<1x784xi32>
    %convert_element_type3A = arith.extui %eq3A_12 : vector<1x784xi1> to vector<1x784xi32>
    %reduce_sum3A = vector.shape_cast %convert_element_type3A : vector<1x784xi32> to vector<1x1x784xi32>
    %reduce_sum3A_16 = arith.constant dense<0> : vector<1xi32>
    %reduce_sum3A_17 = vector.multi_reduction <add>, %reduce_sum3A, %reduce_sum3A_16 [1, 2] : vector<1x1x784xi32> to vector<1xi32>
    %reduce_sum3A_18 = vector.shape_cast %reduce_sum3A_17 : vector<1xi32> to vector<1x1x1xi32>
    %reduce_sum3A_19 = vector.extract %reduce_sum3A_18[0, 0, 0] : i32 from vector<1x1x1xi32>
    %sub3A = arith.constant 196 : i32
    %sub3A_20 = arith.subi %sub3A, %reduce_sum3A_19 : i32
    %convert_element_type3A_21 = arith.sitofp %sub3A_20 : i32 to f32
    %iota3A = tpu.iota {dimensions = array<i32: 0>} : vector<784x784xi32>
    %iota3A_22 = tpu.iota {dimensions = array<i32: 1>} : vector<784x784xi32>
    %le3A = arith.cmpi sle, %iota3A, %iota3A_22 : vector<784x784xi32>
    %convert_element_type3A_23 = arith.extui %le3A : vector<784x784xi1> to vector<784x784xi32>
    %convert_element_type3A_24 = arith.sitofp %convert_element_type3A_23 : vector<784x784xi32> to vector<784x784xf32>
    %convert_element_type3A_25 = arith.extui %eq3A_15 : vector<1x784xi1> to vector<1x784xi32>
    %convert_element_type3A_26 = arith.sitofp %convert_element_type3A_25 : vector<1x784xi32> to vector<1x784xf32>
    %dot_general3A = arith.constant dense<0.000000e+00> : vector<1x784xf32>
    %dot_general3A_27 = tpu.matmul %convert_element_type3A_26, %convert_element_type3A_24, %dot_general3A {dimension_numbers = #tpu.dot_dimension_numbers<[1], [0], [0], [1], [0, 0, 1, 1], [], []>, transpose_lhs_hint = false} : vector<1x784xf32>, vector<784x784xf32>, vector<1x784xf32> -> vector<1x784xf32>
    %le3A_28 = vector.broadcast %convert_element_type3A_21 : f32 to vector<1x784xf32>
    %le3A_29 = arith.cmpf ole, %dot_general3A_27, %le3A_28 : vector<1x784xf32>
    %and3A = arith.andi %eq3A_15, %le3A_29 : vector<1x784xi1>
    %or3A = arith.ori %eq3A_12, %and3A : vector<1x784xi1>
    %convert_element_type3A_30 = arith.extui %or3A : vector<1x784xi1> to vector<1x784xi32>
    %convert_element_type3A_31 = arith.sitofp %convert_element_type3A_30 : vector<1x784xi32> to vector<1x784xf32>
    %dot_general3A_32 = arith.constant dense<0.000000e+00> : vector<1x784xf32>
    %dot_general3A_33 = tpu.matmul %convert_element_type3A_31, %convert_element_type3A_24, %dot_general3A_32 {dimension_numbers = #tpu.dot_dimension_numbers<[1], [0], [0], [1], [0, 0, 1, 1], [], []>, transpose_lhs_hint = false} : vector<1x784xf32>, vector<784x784xf32>, vector<1x784xf32> -> vector<1x784xf32>
    %sub3A_34 = arith.constant 1.000000e+00 : f32
    %sub3A_35 = vector.broadcast %sub3A_34 : f32 to vector<1x784xf32>
    %sub3A_36 = arith.subf %dot_general3A_33, %sub3A_35 : vector<1x784xf32>
    %convert_element_type3A_37 = arith.fptosi %sub3A_36 : vector<1x784xf32> to vector<1x784xi32>
    %iota3A_38 = tpu.iota {dimensions = array<i32: 1>} : vector<784x196xi32>
    %transpose3A = tpu.transpose %convert_element_type3A_37, [1, 0] : vector<1x784xi32> -> vector<784x1xi32>
    %eq3A_39 = vector.broadcast %transpose3A : vector<784x1xi32> to vector<784x196xi32>
    %eq3A_40 = arith.cmpi eq, %eq3A_39, %iota3A_38 : vector<784x196xi32>
    %transpose3A_41 = tpu.transpose %or3A, [1, 0] : vector<1x784xi1> -> vector<784x1xi1>
    %and3A_42 = vector.broadcast %transpose3A_41 : vector<784x1xi1> to vector<784x196xi1>
    %and3A_43 = arith.andi %eq3A_40, %and3A_42 : vector<784x196xi1>
    %convert_element_type3A_44 = arith.extui %and3A_43 : vector<784x196xi1> to vector<784x196xi32>
    %convert_element_type3A_45 = arith.sitofp %convert_element_type3A_44 : vector<784x196xi32> to vector<784x196xf32>
    %slice3A = vector.extract_strided_slice %get3A_10 {offsets = [0, 0, 0], sizes = [1, 64, 784], strides = [1, 1, 1]} : vector<4x64x784xf32> to vector<1x64x784xf32>
    %squeeze3A = vector.shape_cast %slice3A : vector<1x64x784xf32> to vector<64x784xf32>
    %dot_general3A_46 = arith.constant dense<0.000000e+00> : vector<196x64xf32>
    %dot_general3A_47 = tpu.matmul %convert_element_type3A_45, %squeeze3A, %dot_general3A_46 {dimension_numbers = #tpu.dot_dimension_numbers<[0], [1], [1], [0], [0, 1, 1, 0], [], []>, transpose_lhs_hint = false} : vector<784x196xf32>, vector<64x784xf32>, vector<196x64xf32> -> vector<196x64xf32>
    %slice3A_48 = vector.extract_strided_slice %get3A_10 {offsets = [1, 0, 0], sizes = [1, 64, 784], strides = [1, 1, 1]} : vector<4x64x784xf32> to vector<1x64x784xf32>
    %squeeze3A_49 = vector.shape_cast %slice3A_48 : vector<1x64x784xf32> to vector<64x784xf32>
    %dot_general3A_50 = arith.constant dense<0.000000e+00> : vector<196x64xf32>
    %dot_general3A_51 = tpu.matmul %convert_element_type3A_45, %squeeze3A_49, %dot_general3A_50 {dimension_numbers = #tpu.dot_dimension_numbers<[0], [1], [1], [0], [0, 1, 1, 0], [], []>, transpose_lhs_hint = false} : vector<784x196xf32>, vector<64x784xf32>, vector<196x64xf32> -> vector<196x64xf32>
    %slice3A_52 = vector.extract_strided_slice %get3A_10 {offsets = [2, 0, 0], sizes = [1, 64, 784], strides = [1, 1, 1]} : vector<4x64x784xf32> to vector<1x64x784xf32>
    %squeeze3A_53 = vector.shape_cast %slice3A_52 : vector<1x64x784xf32> to vector<64x784xf32>
    %dot_general3A_54 = arith.constant dense<0.000000e+00> : vector<196x64xf32>
    %dot_general3A_55 = tpu.matmul %convert_element_type3A_45, %squeeze3A_53, %dot_general3A_54 {dimension_numbers = #tpu.dot_dimension_numbers<[0], [1], [1], [0], [0, 1, 1, 0], [], []>, transpose_lhs_hint = false} : vector<784x196xf32>, vector<64x784xf32>, vector<196x64xf32> -> vector<196x64xf32>
    %slice3A_56 = vector.extract_strided_slice %get3A_10 {offsets = [3, 0, 0], sizes = [1, 64, 784], strides = [1, 1, 1]} : vector<4x64x784xf32> to vector<1x64x784xf32>
    %squeeze3A_57 = vector.shape_cast %slice3A_56 : vector<1x64x784xf32> to vector<64x784xf32>
    %dot_general3A_58 = arith.constant dense<0.000000e+00> : vector<196x64xf32>
    %dot_general3A_59 = tpu.matmul %convert_element_type3A_45, %squeeze3A_57, %dot_general3A_58 {dimension_numbers = #tpu.dot_dimension_numbers<[0], [1], [1], [0], [0, 1, 1, 0], [], []>, transpose_lhs_hint = false} : vector<784x196xf32>, vector<64x784xf32>, vector<196x64xf32> -> vector<196x64xf32>
    %concatenate3A = tpu.concatenate %dot_general3A_47, %dot_general3A_51, %dot_general3A_55, %dot_general3A_59 in 0 : vector<196x64xf32>, vector<196x64xf32>, vector<196x64xf32>, vector<196x64xf32> -> vector<784x64xf32>
    %get3A_60 = arith.constant 0 : index
    %get3A_61 = arith.constant 0 : index
    %get3A_62 = vector.load %arg4[%get3A_60, %get3A_61] : memref<64x192xf32, #tpu.memory_space<vmem>>, vector<64x192xf32>
    %dot_general3A_63 = arith.constant dense<0.000000e+00> : vector<784x192xf32>
    %dot_general3A_64 = tpu.matmul %concatenate3A, %get3A_62, %dot_general3A_63 {dimension_numbers = #tpu.dot_dimension_numbers<[1], [0], [0], [1], [0, 0, 1, 1], [], []>, transpose_lhs_hint = false} : vector<784x64xf32>, vector<64x192xf32>, vector<784x192xf32> -> vector<784x192xf32>
    %get3A_65 = arith.constant 0 : index
    %get3A_66 = arith.constant 0 : index
    %get3A_67 = vector.load %arg5[%get3A_65, %get3A_66] : memref<1x192xf32, #tpu.memory_space<vmem>>, vector<1x192xf32>
    %add3A = vector.broadcast %get3A_67 : vector<1x192xf32> to vector<784x192xf32>
    %add3A_68 = arith.addf %dot_general3A_64, %add3A : vector<784x192xf32>
    %slice3A_69 = vector.extract_strided_slice %add3A_68 {offsets = [0, 0], sizes = [784, 64], strides = [1, 1]} : vector<784x192xf32> to vector<784x64xf32>
    %slice3A_70 = vector.extract_strided_slice %add3A_68 {offsets = [0, 64], sizes = [784, 64], strides = [1, 1]} : vector<784x192xf32> to vector<784x64xf32>
    %slice3A_71 = vector.extract_strided_slice %add3A_68 {offsets = [0, 128], sizes = [784, 64], strides = [1, 1]} : vector<784x192xf32> to vector<784x64xf32>
    %dot_general3A_72 = arith.constant dense<0.000000e+00> : vector<784x784xf32>
    %dot_general3A_73 = tpu.matmul %slice3A_69, %slice3A_70, %dot_general3A_72 {dimension_numbers = #tpu.dot_dimension_numbers<[1], [1], [0], [0], [0, 0, 1, 0], [], []>, transpose_lhs_hint = false} : vector<784x64xf32>, vector<784x64xf32>, vector<784x784xf32> -> vector<784x784xf32>
    %mul3A = arith.constant 1.250000e-01 : f32
    %mul3A_74 = vector.broadcast %mul3A : f32 to vector<784x784xf32>
    %mul3A_75 = arith.mulf %dot_general3A_73, %mul3A_74 : vector<784x784xf32>
    %reduce_max3A = arith.constant dense<0xFF800000> : vector<784xf32>
    %reduce_max3A_76 = vector.multi_reduction <maximumf>, %mul3A_75, %reduce_max3A [1] : vector<784x784xf32> to vector<784xf32>
    %broadcast_in_dim3A = vector.shape_cast %reduce_max3A_76 : vector<784xf32> to vector<784x1xf32>
    %sub3A_77 = vector.broadcast %broadcast_in_dim3A : vector<784x1xf32> to vector<784x784xf32>
    %sub3A_78 = arith.subf %mul3A_75, %sub3A_77 : vector<784x784xf32>
    %exp3A = math.exp %sub3A_78 : vector<784x784xf32>
    %reduce_sum3A_79 = arith.constant dense<0.000000e+00> : vector<784xf32>
    %reduce_sum3A_80 = vector.multi_reduction <add>, %exp3A, %reduce_sum3A_79 [1] : vector<784x784xf32> to vector<784xf32>
    %broadcast_in_dim3A_81 = vector.shape_cast %reduce_sum3A_80 : vector<784xf32> to vector<784x1xf32>
    %div3A = vector.broadcast %broadcast_in_dim3A_81 : vector<784x1xf32> to vector<784x784xf32>
    %div3A_82 = arith.divf %exp3A, %div3A : vector<784x784xf32>
    %dot_general3A_83 = arith.constant dense<0.000000e+00> : vector<784x64xf32>
    %dot_general3A_84 = tpu.matmul %div3A_82, %slice3A_71, %dot_general3A_83 {dimension_numbers = #tpu.dot_dimension_numbers<[1], [0], [0], [1], [0, 0, 1, 1], [], []>, transpose_lhs_hint = false} : vector<784x784xf32>, vector<784x64xf32>, vector<784x64xf32> -> vector<784x64xf32>
    %slice3A_85 = vector.extract_strided_slice %dot_general3A_84 {offsets = [0, 0], sizes = [196, 64], strides = [1, 1]} : vector<784x64xf32> to vector<196x64xf32>
    %dot_general3A_86 = arith.constant dense<0.000000e+00> : vector<64x784xf32>
    %dot_general3A_87 = tpu.matmul %slice3A_85, %convert_element_type3A_45, %dot_general3A_86 {dimension_numbers = #tpu.dot_dimension_numbers<[0], [1], [1], [0], [0, 1, 1, 0], [], []>, transpose_lhs_hint = false} : vector<196x64xf32>, vector<784x196xf32>, vector<64x784xf32> -> vector<64x784xf32>
    %slice3A_88 = vector.extract_strided_slice %get3A_10 {offsets = [0, 0, 0], sizes = [1, 64, 784], strides = [1, 1, 1]} : vector<4x64x784xf32> to vector<1x64x784xf32>
    %squeeze3A_89 = vector.shape_cast %slice3A_88 : vector<1x64x784xf32> to vector<64x784xf32>
    %add3A_90 = arith.addf %dot_general3A_87, %squeeze3A_89 : vector<64x784xf32>
    %convert_element_type3A_91 = arith.truncf %add3A_90 : vector<64x784xf32> to vector<64x784xbf16>
    %swap3A = arith.constant 0 : index
    %swap3A_92 = arith.constant 0 : index
    %swap3A_93 = arith.constant 0 : index
    %swap3A_94 = arith.constant 0 : index
    %swap3A_95 = vector.load %arg6[%swap3A, %swap3A_92, %swap3A_93, %swap3A_94] : memref<1x4x64x784xbf16, #tpu.memory_space<vmem>>, vector<1x1x64x784xbf16>
    %swap3A_96 = vector.shape_cast %swap3A_95 : vector<1x1x64x784xbf16> to vector<64x784xbf16>
    %swap3A_97 = vector.shape_cast %convert_element_type3A_91 : vector<64x784xbf16> to vector<1x1x64x784xbf16>
    tpu.vector_store %arg6[%swap3A, %swap3A_92, %swap3A_93, %swap3A_94], %swap3A_97 {strides = array<i32>} : memref<1x4x64x784xbf16, #tpu.memory_space<vmem>>, vector<1x1x64x784xbf16>,
    %slice3A_98 = vector.extract_strided_slice %dot_general3A_84 {offsets = [196, 0], sizes = [196, 64], strides = [1, 1]} : vector<784x64xf32> to vector<196x64xf32>
    %dot_general3A_99 = arith.constant dense<0.000000e+00> : vector<64x784xf32>
    %dot_general3A_100 = tpu.matmul %slice3A_98, %convert_element_type3A_45, %dot_general3A_99 {dimension_numbers = #tpu.dot_dimension_numbers<[0], [1], [1], [0], [0, 1, 1, 0], [], []>, transpose_lhs_hint = false} : vector<196x64xf32>, vector<784x196xf32>, vector<64x784xf32> -> vector<64x784xf32>
    %slice3A_101 = vector.extract_strided_slice %get3A_10 {offsets = [1, 0, 0], sizes = [1, 64, 784], strides = [1, 1, 1]} : vector<4x64x784xf32> to vector<1x64x784xf32>
    %squeeze3A_102 = vector.shape_cast %slice3A_101 : vector<1x64x784xf32> to vector<64x784xf32>
    %add3A_103 = arith.addf %dot_general3A_100, %squeeze3A_102 : vector<64x784xf32>
    %convert_element_type3A_104 = arith.truncf %add3A_103 : vector<64x784xf32> to vector<64x784xbf16>
    %swap3A_105 = arith.constant 0 : index
    %swap3A_106 = arith.constant 1 : index
    %swap3A_107 = arith.constant 0 : index
    %swap3A_108 = arith.constant 0 : index
    %swap3A_109 = vector.load %arg6[%swap3A_105, %swap3A_106, %swap3A_107, %swap3A_108] : memref<1x4x64x784xbf16, #tpu.memory_space<vmem>>, vector<1x1x64x784xbf16>
    %swap3A_110 = vector.shape_cast %swap3A_109 : vector<1x1x64x784xbf16> to vector<64x784xbf16>
    %swap3A_111 = vector.shape_cast %convert_element_type3A_104 : vector<64x784xbf16> to vector<1x1x64x784xbf16>
    tpu.vector_store %arg6[%swap3A_105, %swap3A_106, %swap3A_107, %swap3A_108], %swap3A_111 {strides = array<i32>} : memref<1x4x64x784xbf16, #tpu.memory_space<vmem>>, vector<1x1x64x784xbf16>,
    %slice3A_112 = vector.extract_strided_slice %dot_general3A_84 {offsets = [392, 0], sizes = [196, 64], strides = [1, 1]} : vector<784x64xf32> to vector<196x64xf32>
    %dot_general3A_113 = arith.constant dense<0.000000e+00> : vector<64x784xf32>
    %dot_general3A_114 = tpu.matmul %slice3A_112, %convert_element_type3A_45, %dot_general3A_113 {dimension_numbers = #tpu.dot_dimension_numbers<[0], [1], [1], [0], [0, 1, 1, 0], [], []>, transpose_lhs_hint = false} : vector<196x64xf32>, vector<784x196xf32>, vector<64x784xf32> -> vector<64x784xf32>
    %slice3A_115 = vector.extract_strided_slice %get3A_10 {offsets = [2, 0, 0], sizes = [1, 64, 784], strides = [1, 1, 1]} : vector<4x64x784xf32> to vector<1x64x784xf32>
    %squeeze3A_116 = vector.shape_cast %slice3A_115 : vector<1x64x784xf32> to vector<64x784xf32>
    %add3A_117 = arith.addf %dot_general3A_114, %squeeze3A_116 : vector<64x784xf32>
    %convert_element_type3A_118 = arith.truncf %add3A_117 : vector<64x784xf32> to vector<64x784xbf16>
    %swap3A_119 = arith.constant 0 : index
    %swap3A_120 = arith.constant 2 : index
    %swap3A_121 = arith.constant 0 : index
    %swap3A_122 = arith.constant 0 : index
    %swap3A_123 = vector.load %arg6[%swap3A_119, %swap3A_120, %swap3A_121, %swap3A_122] : memref<1x4x64x784xbf16, #tpu.memory_space<vmem>>, vector<1x1x64x784xbf16>
    %swap3A_124 = vector.shape_cast %swap3A_123 : vector<1x1x64x784xbf16> to vector<64x784xbf16>
    %swap3A_125 = vector.shape_cast %convert_element_type3A_118 : vector<64x784xbf16> to vector<1x1x64x784xbf16>
    tpu.vector_store %arg6[%swap3A_119, %swap3A_120, %swap3A_121, %swap3A_122], %swap3A_125 {strides = array<i32>} : memref<1x4x64x784xbf16, #tpu.memory_space<vmem>>, vector<1x1x64x784xbf16>,
    %slice3A_126 = vector.extract_strided_slice %dot_general3A_84 {offsets = [588, 0], sizes = [196, 64], strides = [1, 1]} : vector<784x64xf32> to vector<196x64xf32>
    %dot_general3A_127 = arith.constant dense<0.000000e+00> : vector<64x784xf32>
    %dot_general3A_128 = tpu.matmul %slice3A_126, %convert_element_type3A_45, %dot_general3A_127 {dimension_numbers = #tpu.dot_dimension_numbers<[0], [1], [1], [0], [0, 1, 1, 0], [], []>, transpose_lhs_hint = false} : vector<196x64xf32>, vector<784x196xf32>, vector<64x784xf32> -> vector<64x784xf32>
    %slice3A_129 = vector.extract_strided_slice %get3A_10 {offsets = [3, 0, 0], sizes = [1, 64, 784], strides = [1, 1, 1]} : vector<4x64x784xf32> to vector<1x64x784xf32>
    %squeeze3A_130 = vector.shape_cast %slice3A_129 : vector<1x64x784xf32> to vector<64x784xf32>
    %add3A_131 = arith.addf %dot_general3A_128, %squeeze3A_130 : vector<64x784xf32>
    %convert_element_type3A_132 = arith.truncf %add3A_131 : vector<64x784xf32> to vector<64x784xbf16>
    %swap3A_133 = arith.constant 0 : index
    %swap3A_134 = arith.constant 3 : index
    %swap3A_135 = arith.constant 0 : index
    %swap3A_136 = arith.constant 0 : index
    %swap3A_137 = vector.load %arg6[%swap3A_133, %swap3A_134, %swap3A_135, %swap3A_136] : memref<1x4x64x784xbf16, #tpu.memory_space<vmem>>, vector<1x1x64x784xbf16>
    %swap3A_138 = vector.shape_cast %swap3A_137 : vector<1x1x64x784xbf16> to vector<64x784xbf16>
    %swap3A_139 = vector.shape_cast %convert_element_type3A_132 : vector<64x784xbf16> to vector<1x1x64x784xbf16>
    tpu.vector_store %arg6[%swap3A_133, %swap3A_134, %swap3A_135, %swap3A_136], %swap3A_139 {strides = array<i32>} : memref<1x4x64x784xbf16, #tpu.memory_space<vmem>>, vector<1x1x64x784xbf16>,
    return
  }
  func.func @transform_0(%arg0: i32, %arg1: i32) -> (i32, i32, i32, i32) {
    %c0_i32 = arith.constant 0 : i32
    %c0_i32_0 = arith.constant 0 : i32
    %c0_i32_1 = arith.constant 0 : i32
    return %arg0, %c0_i32, %arg1, %c0_i32_0 : i32, i32, i32, i32
  }
  func.func @transform_1(%arg0: i32, %arg1: i32) -> (i32, i32, i32, i32) {
    %c0_i32 = arith.constant 0 : i32
    %c0_i32_0 = arith.constant 0 : i32
    %c0_i32_1 = arith.constant 0 : i32
    return %arg0, %arg1, %c0_i32, %c0_i32_0 : i32, i32, i32, i32
  }
  func.func @transform_2(%arg0: i32, %arg1: i32) -> (i32, i32) {
    %c0_i32 = arith.constant 0 : i32
    %c0_i32_0 = arith.constant 0 : i32
    %c0_i32_1 = arith.constant 0 : i32
    return %c0_i32, %c0_i32_0 : i32, i32
  }
  func.func @transform_3(%arg0: i32, %arg1: i32) -> (i32, i32) {
    %c0_i32 = arith.constant 0 : i32
    %c0_i32_0 = arith.constant 0 : i32
    %c0_i32_1 = arith.constant 0 : i32
    return %c0_i32, %c0_i32_0 : i32, i32
  }
  func.func @transform_4(%arg0: i32, %arg1: i32) -> (i32, i32, i32, i32) {
    %c0_i32 = arith.constant 0 : i32
    %c0_i32_0 = arith.constant 0 : i32
    %c0_i32_1 = arith.constant 0 : i32
    return %arg0, %c0_i32, %arg1, %c0_i32_0 : i32, i32, i32, i32
  }
}

module attributes {stable_mosaic.version = 14 : i64} {
  func.func @_dw_body(%arg0: i32, %arg1: i32, %arg2: memref<1x4x128x784xbf16, #tpu.memory_space<vmem>>, %arg3: memref<9x128x1xf32, #tpu.memory_space<vmem>>, %arg4: memref<128x1xf32, #tpu.memory_space<vmem>>, %arg5: memref<128x1xf32, #tpu.memory_space<vmem>>, %arg6: memref<1x4x128x784xbf16, #tpu.memory_space<vmem>>) attributes {dimension_semantics = [#tpu.dimension_semantics<arbitrary>, #tpu.dimension_semantics<arbitrary>], iteration_bounds = array<i64: 4, 6>, scalar_prefetch = 0 : i64, scratch_operands = 0 : i64, tpu.core_type = #tpu.core_type<tc>, window_params = [{transform_indices = @transform_0, window_bounds = array<i64: 1, 4, 128, 784>}, {transform_indices = @transform_1, window_bounds = array<i64: 9, 128, 1>}, {transform_indices = @transform_2, window_bounds = array<i64: 128, 1>}, {transform_indices = @transform_3, window_bounds = array<i64: 128, 1>}, {transform_indices = @transform_4, window_bounds = array<i64: 1, 4, 128, 784>}]} {
    %get3A = arith.constant 0 : index
    %get3A_0 = arith.constant 0 : index
    %get3A_1 = arith.constant 0 : index
    %get3A_2 = arith.constant 0 : index
    %get3A_3 = vector.load %arg2[%get3A, %get3A_0, %get3A_1, %get3A_2] : memref<1x4x128x784xbf16, #tpu.memory_space<vmem>>, vector<1x4x128x784xbf16>
    %get3A_4 = vector.shape_cast %get3A_3 : vector<1x4x128x784xbf16> to vector<4x128x784xbf16>
    %broadcast_in_dim3A = arith.constant 0.000000e+00 : f32
    %broadcast_in_dim3A_5 = vector.broadcast %broadcast_in_dim3A : f32 to vector<128x784xf32>
    %slice3A = vector.extract_strided_slice %get3A_4 {offsets = [3, 0, 0], sizes = [1, 128, 784], strides = [1, 1, 1]} : vector<4x128x784xbf16> to vector<1x128x784xbf16>
    %squeeze3A = vector.shape_cast %slice3A : vector<1x128x784xbf16> to vector<128x784xbf16>
    %convert_element_type3A = arith.extf %squeeze3A : vector<128x784xbf16> to vector<128x784xf32>
    %roll3A = arith.constant 29 : i32
    %roll3A_6 = tpu.dynamic_rotate %convert_element_type3A by %roll3A dim 1 : vector<128x784xf32>, i32 -> vector<128x784xf32>
    %iota3A = tpu.iota {dimensions = array<i32: 1>} : vector<1x784xi32>
    %jit3A = arith.constant 28 : i32
    %div3A = vector.broadcast %jit3A : i32 to vector<1x784xi32>
    %div3A_7 = arith.divsi %iota3A, %div3A : vector<1x784xi32>
    %sign3A = arith.constant 0 : i32
    %sign3A_8 = vector.broadcast %sign3A : i32 to vector<1x784xi32>
    %sign3A_9 = arith.cmpi sgt, %iota3A, %sign3A_8 : vector<1x784xi32>
    %sign3A_10 = arith.extui %sign3A_9 : vector<1x784xi1> to vector<1x784xi32>
    %sign3A_11 = arith.constant 0 : i32
    %sign3A_12 = vector.broadcast %sign3A_11 : i32 to vector<1x784xi32>
    %sign3A_13 = arith.cmpi slt, %iota3A, %sign3A_12 : vector<1x784xi32>
    %sign3A_14 = arith.extui %sign3A_13 : vector<1x784xi1> to vector<1x784xi32>
    %sign3A_15 = arith.subi %sign3A_10, %sign3A_14 : vector<1x784xi32>
    %sign3A_16 = arith.constant 0 : i32
    %sign3A_17 = arith.cmpi sgt, %jit3A, %sign3A_16 : i32
    %sign3A_18 = arith.extui %sign3A_17 : i1 to i32
    %sign3A_19 = arith.constant 0 : i32
    %sign3A_20 = arith.cmpi slt, %jit3A, %sign3A_19 : i32
    %sign3A_21 = arith.extui %sign3A_20 : i1 to i32
    %sign3A_22 = arith.subi %sign3A_18, %sign3A_21 : i32
    %ne3A = vector.broadcast %sign3A_22 : i32 to vector<1x784xi32>
    %ne3A_23 = arith.cmpi ne, %sign3A_15, %ne3A : vector<1x784xi32>
    %rem3A = vector.broadcast %jit3A : i32 to vector<1x784xi32>
    %rem3A_24 = arith.remsi %iota3A, %rem3A : vector<1x784xi32>
    %ne3A_25 = arith.constant 0 : i32
    %ne3A_26 = vector.broadcast %ne3A_25 : i32 to vector<1x784xi32>
    %ne3A_27 = arith.cmpi ne, %rem3A_24, %ne3A_26 : vector<1x784xi32>
    %and3A = arith.andi %ne3A_23, %ne3A_27 : vector<1x784xi1>
    %sub3A = arith.constant 1 : i32
    %sub3A_28 = vector.broadcast %sub3A : i32 to vector<1x784xi32>
    %sub3A_29 = arith.subi %div3A_7, %sub3A_28 : vector<1x784xi32>
    %select_n3A = arith.select %and3A, %sub3A_29, %div3A_7 : vector<1x784xi1>, vector<1x784xi32>
    %mul3A = arith.constant 28 : i32
    %mul3A_30 = vector.broadcast %mul3A : i32 to vector<1x784xi32>
    %mul3A_31 = arith.muli %select_n3A, %mul3A_30 : vector<1x784xi32>
    %sub3A_32 = arith.subi %iota3A, %mul3A_31 : vector<1x784xi32>
    %add3A = arith.constant -29 : i32
    %add3A_33 = vector.broadcast %add3A : i32 to vector<1x784xi32>
    %add3A_34 = arith.addi %iota3A, %add3A_33 : vector<1x784xi32>
    %ge3A = arith.constant 0 : i32
    %ge3A_35 = vector.broadcast %ge3A : i32 to vector<1x784xi32>
    %ge3A_36 = arith.cmpi sge, %add3A_34, %ge3A_35 : vector<1x784xi32>
    %lt3A = arith.constant 784 : i32
    %lt3A_37 = vector.broadcast %lt3A : i32 to vector<1x784xi32>
    %lt3A_38 = arith.cmpi slt, %add3A_34, %lt3A_37 : vector<1x784xi32>
    %and3A_39 = arith.andi %ge3A_36, %lt3A_38 : vector<1x784xi1>
    %add3A_40 = arith.constant -1 : i32
    %add3A_41 = vector.broadcast %add3A_40 : i32 to vector<1x784xi32>
    %add3A_42 = arith.addi %sub3A_32, %add3A_41 : vector<1x784xi32>
    %ge3A_43 = arith.constant 0 : i32
    %ge3A_44 = vector.broadcast %ge3A_43 : i32 to vector<1x784xi32>
    %ge3A_45 = arith.cmpi sge, %add3A_42, %ge3A_44 : vector<1x784xi32>
    %add3A_46 = arith.constant -1 : i32
    %add3A_47 = vector.broadcast %add3A_46 : i32 to vector<1x784xi32>
    %add3A_48 = arith.addi %sub3A_32, %add3A_47 : vector<1x784xi32>
    %lt3A_49 = arith.constant 28 : i32
    %lt3A_50 = vector.broadcast %lt3A_49 : i32 to vector<1x784xi32>
    %lt3A_51 = arith.cmpi slt, %add3A_48, %lt3A_50 : vector<1x784xi32>
    %and3A_52 = arith.andi %ge3A_45, %lt3A_51 : vector<1x784xi1>
    %and3A_53 = arith.andi %and3A_39, %and3A_52 : vector<1x784xi1>
    %jit3A_54 = arith.constant 0.000000e+00 : f32
    %broadcast_in_dim3A_55 = vector.shape_cast %and3A_53 : vector<1x784xi1> to vector<1x784xi1>
    %broadcast_in_dim3A_56 = vector.broadcast %broadcast_in_dim3A_55 : vector<1x784xi1> to vector<128x784xi1>
    %broadcast_in_dim3A_57 = vector.broadcast %jit3A_54 : f32 to vector<128x784xf32>
    %select_n3A_58 = arith.select %broadcast_in_dim3A_56, %roll3A_6, %broadcast_in_dim3A_57 : vector<128x784xi1>, vector<128x784xf32>
    %get3A_59 = arith.constant 0 : index
    %get3A_60 = arith.constant 0 : index
    %get3A_61 = arith.constant 0 : index
    %get3A_62 = vector.load %arg3[%get3A_59, %get3A_60, %get3A_61] : memref<9x128x1xf32, #tpu.memory_space<vmem>>, vector<1x128x1xf32>
    %get3A_63 = vector.shape_cast %get3A_62 : vector<1x128x1xf32> to vector<128x1xf32>
    %mul3A_64 = vector.broadcast %get3A_63 : vector<128x1xf32> to vector<128x784xf32>
    %mul3A_65 = arith.mulf %mul3A_64, %select_n3A_58 : vector<128x784xf32>
    %add3A_66 = arith.addf %broadcast_in_dim3A_5, %mul3A_65 : vector<128x784xf32>
    %slice3A_67 = vector.extract_strided_slice %get3A_4 {offsets = [2, 0, 0], sizes = [1, 128, 784], strides = [1, 1, 1]} : vector<4x128x784xbf16> to vector<1x128x784xbf16>
    %squeeze3A_68 = vector.shape_cast %slice3A_67 : vector<1x128x784xbf16> to vector<128x784xbf16>
    %convert_element_type3A_69 = arith.extf %squeeze3A_68 : vector<128x784xbf16> to vector<128x784xf32>
    %roll3A_70 = arith.constant 28 : i32
    %roll3A_71 = tpu.dynamic_rotate %convert_element_type3A_69 by %roll3A_70 dim 1 : vector<128x784xf32>, i32 -> vector<128x784xf32>
    %iota3A_72 = tpu.iota {dimensions = array<i32: 1>} : vector<1x784xi32>
    %jit3A_73 = arith.constant 28 : i32
    %div3A_74 = vector.broadcast %jit3A_73 : i32 to vector<1x784xi32>
    %div3A_75 = arith.divsi %iota3A_72, %div3A_74 : vector<1x784xi32>
    %sign3A_76 = arith.constant 0 : i32
    %sign3A_77 = vector.broadcast %sign3A_76 : i32 to vector<1x784xi32>
    %sign3A_78 = arith.cmpi sgt, %iota3A_72, %sign3A_77 : vector<1x784xi32>
    %sign3A_79 = arith.extui %sign3A_78 : vector<1x784xi1> to vector<1x784xi32>
    %sign3A_80 = arith.constant 0 : i32
    %sign3A_81 = vector.broadcast %sign3A_80 : i32 to vector<1x784xi32>
    %sign3A_82 = arith.cmpi slt, %iota3A_72, %sign3A_81 : vector<1x784xi32>
    %sign3A_83 = arith.extui %sign3A_82 : vector<1x784xi1> to vector<1x784xi32>
    %sign3A_84 = arith.subi %sign3A_79, %sign3A_83 : vector<1x784xi32>
    %sign3A_85 = arith.constant 0 : i32
    %sign3A_86 = arith.cmpi sgt, %jit3A_73, %sign3A_85 : i32
    %sign3A_87 = arith.extui %sign3A_86 : i1 to i32
    %sign3A_88 = arith.constant 0 : i32
    %sign3A_89 = arith.cmpi slt, %jit3A_73, %sign3A_88 : i32
    %sign3A_90 = arith.extui %sign3A_89 : i1 to i32
    %sign3A_91 = arith.subi %sign3A_87, %sign3A_90 : i32
    %ne3A_92 = vector.broadcast %sign3A_91 : i32 to vector<1x784xi32>
    %ne3A_93 = arith.cmpi ne, %sign3A_84, %ne3A_92 : vector<1x784xi32>
    %rem3A_94 = vector.broadcast %jit3A_73 : i32 to vector<1x784xi32>
    %rem3A_95 = arith.remsi %iota3A_72, %rem3A_94 : vector<1x784xi32>
    %ne3A_96 = arith.constant 0 : i32
    %ne3A_97 = vector.broadcast %ne3A_96 : i32 to vector<1x784xi32>
    %ne3A_98 = arith.cmpi ne, %rem3A_95, %ne3A_97 : vector<1x784xi32>
    %and3A_99 = arith.andi %ne3A_93, %ne3A_98 : vector<1x784xi1>
    %sub3A_100 = arith.constant 1 : i32
    %sub3A_101 = vector.broadcast %sub3A_100 : i32 to vector<1x784xi32>
    %sub3A_102 = arith.subi %div3A_75, %sub3A_101 : vector<1x784xi32>
    %select_n3A_103 = arith.select %and3A_99, %sub3A_102, %div3A_75 : vector<1x784xi1>, vector<1x784xi32>
    %mul3A_104 = arith.constant 28 : i32
    %mul3A_105 = vector.broadcast %mul3A_104 : i32 to vector<1x784xi32>
    %mul3A_106 = arith.muli %select_n3A_103, %mul3A_105 : vector<1x784xi32>
    %sub3A_107 = arith.subi %iota3A_72, %mul3A_106 : vector<1x784xi32>
    %add3A_108 = arith.constant -28 : i32
    %add3A_109 = vector.broadcast %add3A_108 : i32 to vector<1x784xi32>
    %add3A_110 = arith.addi %iota3A_72, %add3A_109 : vector<1x784xi32>
    %ge3A_111 = arith.constant 0 : i32
    %ge3A_112 = vector.broadcast %ge3A_111 : i32 to vector<1x784xi32>
    %ge3A_113 = arith.cmpi sge, %add3A_110, %ge3A_112 : vector<1x784xi32>
    %lt3A_114 = arith.constant 784 : i32
    %lt3A_115 = vector.broadcast %lt3A_114 : i32 to vector<1x784xi32>
    %lt3A_116 = arith.cmpi slt, %add3A_110, %lt3A_115 : vector<1x784xi32>
    %and3A_117 = arith.andi %ge3A_113, %lt3A_116 : vector<1x784xi1>
    %add3A_118 = arith.constant 0 : i32
    %add3A_119 = vector.broadcast %add3A_118 : i32 to vector<1x784xi32>
    %add3A_120 = arith.addi %sub3A_107, %add3A_119 : vector<1x784xi32>
    %ge3A_121 = arith.constant 0 : i32
    %ge3A_122 = vector.broadcast %ge3A_121 : i32 to vector<1x784xi32>
    %ge3A_123 = arith.cmpi sge, %add3A_120, %ge3A_122 : vector<1x784xi32>
    %add3A_124 = arith.constant 0 : i32
    %add3A_125 = vector.broadcast %add3A_124 : i32 to vector<1x784xi32>
    %add3A_126 = arith.addi %sub3A_107, %add3A_125 : vector<1x784xi32>
    %lt3A_127 = arith.constant 28 : i32
    %lt3A_128 = vector.broadcast %lt3A_127 : i32 to vector<1x784xi32>
    %lt3A_129 = arith.cmpi slt, %add3A_126, %lt3A_128 : vector<1x784xi32>
    %and3A_130 = arith.andi %ge3A_123, %lt3A_129 : vector<1x784xi1>
    %and3A_131 = arith.andi %and3A_117, %and3A_130 : vector<1x784xi1>
    %jit3A_132 = arith.constant 0.000000e+00 : f32
    %broadcast_in_dim3A_133 = vector.shape_cast %and3A_131 : vector<1x784xi1> to vector<1x784xi1>
    %broadcast_in_dim3A_134 = vector.broadcast %broadcast_in_dim3A_133 : vector<1x784xi1> to vector<128x784xi1>
    %broadcast_in_dim3A_135 = vector.broadcast %jit3A_132 : f32 to vector<128x784xf32>
    %select_n3A_136 = arith.select %broadcast_in_dim3A_134, %roll3A_71, %broadcast_in_dim3A_135 : vector<128x784xi1>, vector<128x784xf32>
    %get3A_137 = arith.constant 1 : index
    %get3A_138 = arith.constant 0 : index
    %get3A_139 = arith.constant 0 : index
    %get3A_140 = vector.load %arg3[%get3A_137, %get3A_138, %get3A_139] : memref<9x128x1xf32, #tpu.memory_space<vmem>>, vector<1x128x1xf32>
    %get3A_141 = vector.shape_cast %get3A_140 : vector<1x128x1xf32> to vector<128x1xf32>
    %mul3A_142 = vector.broadcast %get3A_141 : vector<128x1xf32> to vector<128x784xf32>
    %mul3A_143 = arith.mulf %mul3A_142, %select_n3A_136 : vector<128x784xf32>
    %add3A_144 = arith.addf %add3A_66, %mul3A_143 : vector<128x784xf32>
    %slice3A_145 = vector.extract_strided_slice %get3A_4 {offsets = [3, 0, 0], sizes = [1, 128, 784], strides = [1, 1, 1]} : vector<4x128x784xbf16> to vector<1x128x784xbf16>
    %squeeze3A_146 = vector.shape_cast %slice3A_145 : vector<1x128x784xbf16> to vector<128x784xbf16>
    %convert_element_type3A_147 = arith.extf %squeeze3A_146 : vector<128x784xbf16> to vector<128x784xf32>
    %roll3A_148 = arith.constant 28 : i32
    %roll3A_149 = tpu.dynamic_rotate %convert_element_type3A_147 by %roll3A_148 dim 1 : vector<128x784xf32>, i32 -> vector<128x784xf32>
    %iota3A_150 = tpu.iota {dimensions = array<i32: 1>} : vector<1x784xi32>
    %jit3A_151 = arith.constant 28 : i32
    %div3A_152 = vector.broadcast %jit3A_151 : i32 to vector<1x784xi32>
    %div3A_153 = arith.divsi %iota3A_150, %div3A_152 : vector<1x784xi32>
    %sign3A_154 = arith.constant 0 : i32
    %sign3A_155 = vector.broadcast %sign3A_154 : i32 to vector<1x784xi32>
    %sign3A_156 = arith.cmpi sgt, %iota3A_150, %sign3A_155 : vector<1x784xi32>
    %sign3A_157 = arith.extui %sign3A_156 : vector<1x784xi1> to vector<1x784xi32>
    %sign3A_158 = arith.constant 0 : i32
    %sign3A_159 = vector.broadcast %sign3A_158 : i32 to vector<1x784xi32>
    %sign3A_160 = arith.cmpi slt, %iota3A_150, %sign3A_159 : vector<1x784xi32>
    %sign3A_161 = arith.extui %sign3A_160 : vector<1x784xi1> to vector<1x784xi32>
    %sign3A_162 = arith.subi %sign3A_157, %sign3A_161 : vector<1x784xi32>
    %sign3A_163 = arith.constant 0 : i32
    %sign3A_164 = arith.cmpi sgt, %jit3A_151, %sign3A_163 : i32
    %sign3A_165 = arith.extui %sign3A_164 : i1 to i32
    %sign3A_166 = arith.constant 0 : i32
    %sign3A_167 = arith.cmpi slt, %jit3A_151, %sign3A_166 : i32
    %sign3A_168 = arith.extui %sign3A_167 : i1 to i32
    %sign3A_169 = arith.subi %sign3A_165, %sign3A_168 : i32
    %ne3A_170 = vector.broadcast %sign3A_169 : i32 to vector<1x784xi32>
    %ne3A_171 = arith.cmpi ne, %sign3A_162, %ne3A_170 : vector<1x784xi32>
    %rem3A_172 = vector.broadcast %jit3A_151 : i32 to vector<1x784xi32>
    %rem3A_173 = arith.remsi %iota3A_150, %rem3A_172 : vector<1x784xi32>
    %ne3A_174 = arith.constant 0 : i32
    %ne3A_175 = vector.broadcast %ne3A_174 : i32 to vector<1x784xi32>
    %ne3A_176 = arith.cmpi ne, %rem3A_173, %ne3A_175 : vector<1x784xi32>
    %and3A_177 = arith.andi %ne3A_171, %ne3A_176 : vector<1x784xi1>
    %sub3A_178 = arith.constant 1 : i32
    %sub3A_179 = vector.broadcast %sub3A_178 : i32 to vector<1x784xi32>
    %sub3A_180 = arith.subi %div3A_153, %sub3A_179 : vector<1x784xi32>
    %select_n3A_181 = arith.select %and3A_177, %sub3A_180, %div3A_153 : vector<1x784xi1>, vector<1x784xi32>
    %mul3A_182 = arith.constant 28 : i32
    %mul3A_183 = vector.broadcast %mul3A_182 : i32 to vector<1x784xi32>
    %mul3A_184 = arith.muli %select_n3A_181, %mul3A_183 : vector<1x784xi32>
    %sub3A_185 = arith.subi %iota3A_150, %mul3A_184 : vector<1x784xi32>
    %add3A_186 = arith.constant -28 : i32
    %add3A_187 = vector.broadcast %add3A_186 : i32 to vector<1x784xi32>
    %add3A_188 = arith.addi %iota3A_150, %add3A_187 : vector<1x784xi32>
    %ge3A_189 = arith.constant 0 : i32
    %ge3A_190 = vector.broadcast %ge3A_189 : i32 to vector<1x784xi32>
    %ge3A_191 = arith.cmpi sge, %add3A_188, %ge3A_190 : vector<1x784xi32>
    %lt3A_192 = arith.constant 784 : i32
    %lt3A_193 = vector.broadcast %lt3A_192 : i32 to vector<1x784xi32>
    %lt3A_194 = arith.cmpi slt, %add3A_188, %lt3A_193 : vector<1x784xi32>
    %and3A_195 = arith.andi %ge3A_191, %lt3A_194 : vector<1x784xi1>
    %add3A_196 = arith.constant 0 : i32
    %add3A_197 = vector.broadcast %add3A_196 : i32 to vector<1x784xi32>
    %add3A_198 = arith.addi %sub3A_185, %add3A_197 : vector<1x784xi32>
    %ge3A_199 = arith.constant 0 : i32
    %ge3A_200 = vector.broadcast %ge3A_199 : i32 to vector<1x784xi32>
    %ge3A_201 = arith.cmpi sge, %add3A_198, %ge3A_200 : vector<1x784xi32>
    %add3A_202 = arith.constant 0 : i32
    %add3A_203 = vector.broadcast %add3A_202 : i32 to vector<1x784xi32>
    %add3A_204 = arith.addi %sub3A_185, %add3A_203 : vector<1x784xi32>
    %lt3A_205 = arith.constant 28 : i32
    %lt3A_206 = vector.broadcast %lt3A_205 : i32 to vector<1x784xi32>
    %lt3A_207 = arith.cmpi slt, %add3A_204, %lt3A_206 : vector<1x784xi32>
    %and3A_208 = arith.andi %ge3A_201, %lt3A_207 : vector<1x784xi1>
    %and3A_209 = arith.andi %and3A_195, %and3A_208 : vector<1x784xi1>
    %jit3A_210 = arith.constant 0.000000e+00 : f32
    %broadcast_in_dim3A_211 = vector.shape_cast %and3A_209 : vector<1x784xi1> to vector<1x784xi1>
    %broadcast_in_dim3A_212 = vector.broadcast %broadcast_in_dim3A_211 : vector<1x784xi1> to vector<128x784xi1>
    %broadcast_in_dim3A_213 = vector.broadcast %jit3A_210 : f32 to vector<128x784xf32>
    %select_n3A_214 = arith.select %broadcast_in_dim3A_212, %roll3A_149, %broadcast_in_dim3A_213 : vector<128x784xi1>, vector<128x784xf32>
    %get3A_215 = arith.constant 2 : index
    %get3A_216 = arith.constant 0 : index
    %get3A_217 = arith.constant 0 : index
    %get3A_218 = vector.load %arg3[%get3A_215, %get3A_216, %get3A_217] : memref<9x128x1xf32, #tpu.memory_space<vmem>>, vector<1x128x1xf32>
    %get3A_219 = vector.shape_cast %get3A_218 : vector<1x128x1xf32> to vector<128x1xf32>
    %mul3A_220 = vector.broadcast %get3A_219 : vector<128x1xf32> to vector<128x784xf32>
    %mul3A_221 = arith.mulf %mul3A_220, %select_n3A_214 : vector<128x784xf32>
    %add3A_222 = arith.addf %add3A_144, %mul3A_221 : vector<128x784xf32>
    %slice3A_223 = vector.extract_strided_slice %get3A_4 {offsets = [1, 0, 0], sizes = [1, 128, 784], strides = [1, 1, 1]} : vector<4x128x784xbf16> to vector<1x128x784xbf16>
    %squeeze3A_224 = vector.shape_cast %slice3A_223 : vector<1x128x784xbf16> to vector<128x784xbf16>
    %convert_element_type3A_225 = arith.extf %squeeze3A_224 : vector<128x784xbf16> to vector<128x784xf32>
    %roll3A_226 = arith.constant 1 : i32
    %roll3A_227 = tpu.dynamic_rotate %convert_element_type3A_225 by %roll3A_226 dim 1 : vector<128x784xf32>, i32 -> vector<128x784xf32>
    %iota3A_228 = tpu.iota {dimensions = array<i32: 1>} : vector<1x784xi32>
    %jit3A_229 = arith.constant 28 : i32
    %div3A_230 = vector.broadcast %jit3A_229 : i32 to vector<1x784xi32>
    %div3A_231 = arith.divsi %iota3A_228, %div3A_230 : vector<1x784xi32>
    %sign3A_232 = arith.constant 0 : i32
    %sign3A_233 = vector.broadcast %sign3A_232 : i32 to vector<1x784xi32>
    %sign3A_234 = arith.cmpi sgt, %iota3A_228, %sign3A_233 : vector<1x784xi32>
    %sign3A_235 = arith.extui %sign3A_234 : vector<1x784xi1> to vector<1x784xi32>
    %sign3A_236 = arith.constant 0 : i32
    %sign3A_237 = vector.broadcast %sign3A_236 : i32 to vector<1x784xi32>
    %sign3A_238 = arith.cmpi slt, %iota3A_228, %sign3A_237 : vector<1x784xi32>
    %sign3A_239 = arith.extui %sign3A_238 : vector<1x784xi1> to vector<1x784xi32>
    %sign3A_240 = arith.subi %sign3A_235, %sign3A_239 : vector<1x784xi32>
    %sign3A_241 = arith.constant 0 : i32
    %sign3A_242 = arith.cmpi sgt, %jit3A_229, %sign3A_241 : i32
    %sign3A_243 = arith.extui %sign3A_242 : i1 to i32
    %sign3A_244 = arith.constant 0 : i32
    %sign3A_245 = arith.cmpi slt, %jit3A_229, %sign3A_244 : i32
    %sign3A_246 = arith.extui %sign3A_245 : i1 to i32
    %sign3A_247 = arith.subi %sign3A_243, %sign3A_246 : i32
    %ne3A_248 = vector.broadcast %sign3A_247 : i32 to vector<1x784xi32>
    %ne3A_249 = arith.cmpi ne, %sign3A_240, %ne3A_248 : vector<1x784xi32>
    %rem3A_250 = vector.broadcast %jit3A_229 : i32 to vector<1x784xi32>
    %rem3A_251 = arith.remsi %iota3A_228, %rem3A_250 : vector<1x784xi32>
    %ne3A_252 = arith.constant 0 : i32
    %ne3A_253 = vector.broadcast %ne3A_252 : i32 to vector<1x784xi32>
    %ne3A_254 = arith.cmpi ne, %rem3A_251, %ne3A_253 : vector<1x784xi32>
    %and3A_255 = arith.andi %ne3A_249, %ne3A_254 : vector<1x784xi1>
    %sub3A_256 = arith.constant 1 : i32
    %sub3A_257 = vector.broadcast %sub3A_256 : i32 to vector<1x784xi32>
    %sub3A_258 = arith.subi %div3A_231, %sub3A_257 : vector<1x784xi32>
    %select_n3A_259 = arith.select %and3A_255, %sub3A_258, %div3A_231 : vector<1x784xi1>, vector<1x784xi32>
    %mul3A_260 = arith.constant 28 : i32
    %mul3A_261 = vector.broadcast %mul3A_260 : i32 to vector<1x784xi32>
    %mul3A_262 = arith.muli %select_n3A_259, %mul3A_261 : vector<1x784xi32>
    %sub3A_263 = arith.subi %iota3A_228, %mul3A_262 : vector<1x784xi32>
    %add3A_264 = arith.constant -1 : i32
    %add3A_265 = vector.broadcast %add3A_264 : i32 to vector<1x784xi32>
    %add3A_266 = arith.addi %iota3A_228, %add3A_265 : vector<1x784xi32>
    %ge3A_267 = arith.constant 0 : i32
    %ge3A_268 = vector.broadcast %ge3A_267 : i32 to vector<1x784xi32>
    %ge3A_269 = arith.cmpi sge, %add3A_266, %ge3A_268 : vector<1x784xi32>
    %lt3A_270 = arith.constant 784 : i32
    %lt3A_271 = vector.broadcast %lt3A_270 : i32 to vector<1x784xi32>
    %lt3A_272 = arith.cmpi slt, %add3A_266, %lt3A_271 : vector<1x784xi32>
    %and3A_273 = arith.andi %ge3A_269, %lt3A_272 : vector<1x784xi1>
    %add3A_274 = arith.constant -1 : i32
    %add3A_275 = vector.broadcast %add3A_274 : i32 to vector<1x784xi32>
    %add3A_276 = arith.addi %sub3A_263, %add3A_275 : vector<1x784xi32>
    %ge3A_277 = arith.constant 0 : i32
    %ge3A_278 = vector.broadcast %ge3A_277 : i32 to vector<1x784xi32>
    %ge3A_279 = arith.cmpi sge, %add3A_276, %ge3A_278 : vector<1x784xi32>
    %add3A_280 = arith.constant -1 : i32
    %add3A_281 = vector.broadcast %add3A_280 : i32 to vector<1x784xi32>
    %add3A_282 = arith.addi %sub3A_263, %add3A_281 : vector<1x784xi32>
    %lt3A_283 = arith.constant 28 : i32
    %lt3A_284 = vector.broadcast %lt3A_283 : i32 to vector<1x784xi32>
    %lt3A_285 = arith.cmpi slt, %add3A_282, %lt3A_284 : vector<1x784xi32>
    %and3A_286 = arith.andi %ge3A_279, %lt3A_285 : vector<1x784xi1>
    %and3A_287 = arith.andi %and3A_273, %and3A_286 : vector<1x784xi1>
    %jit3A_288 = arith.constant 0.000000e+00 : f32
    %broadcast_in_dim3A_289 = vector.shape_cast %and3A_287 : vector<1x784xi1> to vector<1x784xi1>
    %broadcast_in_dim3A_290 = vector.broadcast %broadcast_in_dim3A_289 : vector<1x784xi1> to vector<128x784xi1>
    %broadcast_in_dim3A_291 = vector.broadcast %jit3A_288 : f32 to vector<128x784xf32>
    %select_n3A_292 = arith.select %broadcast_in_dim3A_290, %roll3A_227, %broadcast_in_dim3A_291 : vector<128x784xi1>, vector<128x784xf32>
    %get3A_293 = arith.constant 3 : index
    %get3A_294 = arith.constant 0 : index
    %get3A_295 = arith.constant 0 : index
    %get3A_296 = vector.load %arg3[%get3A_293, %get3A_294, %get3A_295] : memref<9x128x1xf32, #tpu.memory_space<vmem>>, vector<1x128x1xf32>
    %get3A_297 = vector.shape_cast %get3A_296 : vector<1x128x1xf32> to vector<128x1xf32>
    %mul3A_298 = vector.broadcast %get3A_297 : vector<128x1xf32> to vector<128x784xf32>
    %mul3A_299 = arith.mulf %mul3A_298, %select_n3A_292 : vector<128x784xf32>
    %add3A_300 = arith.addf %add3A_222, %mul3A_299 : vector<128x784xf32>
    %slice3A_301 = vector.extract_strided_slice %get3A_4 {offsets = [0, 0, 0], sizes = [1, 128, 784], strides = [1, 1, 1]} : vector<4x128x784xbf16> to vector<1x128x784xbf16>
    %squeeze3A_302 = vector.shape_cast %slice3A_301 : vector<1x128x784xbf16> to vector<128x784xbf16>
    %convert_element_type3A_303 = arith.extf %squeeze3A_302 : vector<128x784xbf16> to vector<128x784xf32>
    %roll3A_304 = arith.constant 0 : i32
    %roll3A_305 = tpu.dynamic_rotate %convert_element_type3A_303 by %roll3A_304 dim 1 : vector<128x784xf32>, i32 -> vector<128x784xf32>
    %iota3A_306 = tpu.iota {dimensions = array<i32: 1>} : vector<1x784xi32>
    %jit3A_307 = arith.constant 28 : i32
    %div3A_308 = vector.broadcast %jit3A_307 : i32 to vector<1x784xi32>
    %div3A_309 = arith.divsi %iota3A_306, %div3A_308 : vector<1x784xi32>
    %sign3A_310 = arith.constant 0 : i32
    %sign3A_311 = vector.broadcast %sign3A_310 : i32 to vector<1x784xi32>
    %sign3A_312 = arith.cmpi sgt, %iota3A_306, %sign3A_311 : vector<1x784xi32>
    %sign3A_313 = arith.extui %sign3A_312 : vector<1x784xi1> to vector<1x784xi32>
    %sign3A_314 = arith.constant 0 : i32
    %sign3A_315 = vector.broadcast %sign3A_314 : i32 to vector<1x784xi32>
    %sign3A_316 = arith.cmpi slt, %iota3A_306, %sign3A_315 : vector<1x784xi32>
    %sign3A_317 = arith.extui %sign3A_316 : vector<1x784xi1> to vector<1x784xi32>
    %sign3A_318 = arith.subi %sign3A_313, %sign3A_317 : vector<1x784xi32>
    %sign3A_319 = arith.constant 0 : i32
    %sign3A_320 = arith.cmpi sgt, %jit3A_307, %sign3A_319 : i32
    %sign3A_321 = arith.extui %sign3A_320 : i1 to i32
    %sign3A_322 = arith.constant 0 : i32
    %sign3A_323 = arith.cmpi slt, %jit3A_307, %sign3A_322 : i32
    %sign3A_324 = arith.extui %sign3A_323 : i1 to i32
    %sign3A_325 = arith.subi %sign3A_321, %sign3A_324 : i32
    %ne3A_326 = vector.broadcast %sign3A_325 : i32 to vector<1x784xi32>
    %ne3A_327 = arith.cmpi ne, %sign3A_318, %ne3A_326 : vector<1x784xi32>
    %rem3A_328 = vector.broadcast %jit3A_307 : i32 to vector<1x784xi32>
    %rem3A_329 = arith.remsi %iota3A_306, %rem3A_328 : vector<1x784xi32>
    %ne3A_330 = arith.constant 0 : i32
    %ne3A_331 = vector.broadcast %ne3A_330 : i32 to vector<1x784xi32>
    %ne3A_332 = arith.cmpi ne, %rem3A_329, %ne3A_331 : vector<1x784xi32>
    %and3A_333 = arith.andi %ne3A_327, %ne3A_332 : vector<1x784xi1>
    %sub3A_334 = arith.constant 1 : i32
    %sub3A_335 = vector.broadcast %sub3A_334 : i32 to vector<1x784xi32>
    %sub3A_336 = arith.subi %div3A_309, %sub3A_335 : vector<1x784xi32>
    %select_n3A_337 = arith.select %and3A_333, %sub3A_336, %div3A_309 : vector<1x784xi1>, vector<1x784xi32>
    %mul3A_338 = arith.constant 28 : i32
    %mul3A_339 = vector.broadcast %mul3A_338 : i32 to vector<1x784xi32>
    %mul3A_340 = arith.muli %select_n3A_337, %mul3A_339 : vector<1x784xi32>
    %sub3A_341 = arith.subi %iota3A_306, %mul3A_340 : vector<1x784xi32>
    %add3A_342 = arith.constant 0 : i32
    %add3A_343 = vector.broadcast %add3A_342 : i32 to vector<1x784xi32>
    %add3A_344 = arith.addi %iota3A_306, %add3A_343 : vector<1x784xi32>
    %ge3A_345 = arith.constant 0 : i32
    %ge3A_346 = vector.broadcast %ge3A_345 : i32 to vector<1x784xi32>
    %ge3A_347 = arith.cmpi sge, %add3A_344, %ge3A_346 : vector<1x784xi32>
    %lt3A_348 = arith.constant 784 : i32
    %lt3A_349 = vector.broadcast %lt3A_348 : i32 to vector<1x784xi32>
    %lt3A_350 = arith.cmpi slt, %add3A_344, %lt3A_349 : vector<1x784xi32>
    %and3A_351 = arith.andi %ge3A_347, %lt3A_350 : vector<1x784xi1>
    %add3A_352 = arith.constant 0 : i32
    %add3A_353 = vector.broadcast %add3A_352 : i32 to vector<1x784xi32>
    %add3A_354 = arith.addi %sub3A_341, %add3A_353 : vector<1x784xi32>
    %ge3A_355 = arith.constant 0 : i32
    %ge3A_356 = vector.broadcast %ge3A_355 : i32 to vector<1x784xi32>
    %ge3A_357 = arith.cmpi sge, %add3A_354, %ge3A_356 : vector<1x784xi32>
    %add3A_358 = arith.constant 0 : i32
    %add3A_359 = vector.broadcast %add3A_358 : i32 to vector<1x784xi32>
    %add3A_360 = arith.addi %sub3A_341, %add3A_359 : vector<1x784xi32>
    %lt3A_361 = arith.constant 28 : i32
    %lt3A_362 = vector.broadcast %lt3A_361 : i32 to vector<1x784xi32>
    %lt3A_363 = arith.cmpi slt, %add3A_360, %lt3A_362 : vector<1x784xi32>
    %and3A_364 = arith.andi %ge3A_357, %lt3A_363 : vector<1x784xi1>
    %and3A_365 = arith.andi %and3A_351, %and3A_364 : vector<1x784xi1>
    %jit3A_366 = arith.constant 0.000000e+00 : f32
    %broadcast_in_dim3A_367 = vector.shape_cast %and3A_365 : vector<1x784xi1> to vector<1x784xi1>
    %broadcast_in_dim3A_368 = vector.broadcast %broadcast_in_dim3A_367 : vector<1x784xi1> to vector<128x784xi1>
    %broadcast_in_dim3A_369 = vector.broadcast %jit3A_366 : f32 to vector<128x784xf32>
    %select_n3A_370 = arith.select %broadcast_in_dim3A_368, %roll3A_305, %broadcast_in_dim3A_369 : vector<128x784xi1>, vector<128x784xf32>
    %get3A_371 = arith.constant 4 : index
    %get3A_372 = arith.constant 0 : index
    %get3A_373 = arith.constant 0 : index
    %get3A_374 = vector.load %arg3[%get3A_371, %get3A_372, %get3A_373] : memref<9x128x1xf32, #tpu.memory_space<vmem>>, vector<1x128x1xf32>
    %get3A_375 = vector.shape_cast %get3A_374 : vector<1x128x1xf32> to vector<128x1xf32>
    %mul3A_376 = vector.broadcast %get3A_375 : vector<128x1xf32> to vector<128x784xf32>
    %mul3A_377 = arith.mulf %mul3A_376, %select_n3A_370 : vector<128x784xf32>
    %add3A_378 = arith.addf %add3A_300, %mul3A_377 : vector<128x784xf32>
    %slice3A_379 = vector.extract_strided_slice %get3A_4 {offsets = [1, 0, 0], sizes = [1, 128, 784], strides = [1, 1, 1]} : vector<4x128x784xbf16> to vector<1x128x784xbf16>
    %squeeze3A_380 = vector.shape_cast %slice3A_379 : vector<1x128x784xbf16> to vector<128x784xbf16>
    %convert_element_type3A_381 = arith.extf %squeeze3A_380 : vector<128x784xbf16> to vector<128x784xf32>
    %roll3A_382 = arith.constant 0 : i32
    %roll3A_383 = tpu.dynamic_rotate %convert_element_type3A_381 by %roll3A_382 dim 1 : vector<128x784xf32>, i32 -> vector<128x784xf32>
    %iota3A_384 = tpu.iota {dimensions = array<i32: 1>} : vector<1x784xi32>
    %jit3A_385 = arith.constant 28 : i32
    %div3A_386 = vector.broadcast %jit3A_385 : i32 to vector<1x784xi32>
    %div3A_387 = arith.divsi %iota3A_384, %div3A_386 : vector<1x784xi32>
    %sign3A_388 = arith.constant 0 : i32
    %sign3A_389 = vector.broadcast %sign3A_388 : i32 to vector<1x784xi32>
    %sign3A_390 = arith.cmpi sgt, %iota3A_384, %sign3A_389 : vector<1x784xi32>
    %sign3A_391 = arith.extui %sign3A_390 : vector<1x784xi1> to vector<1x784xi32>
    %sign3A_392 = arith.constant 0 : i32
    %sign3A_393 = vector.broadcast %sign3A_392 : i32 to vector<1x784xi32>
    %sign3A_394 = arith.cmpi slt, %iota3A_384, %sign3A_393 : vector<1x784xi32>
    %sign3A_395 = arith.extui %sign3A_394 : vector<1x784xi1> to vector<1x784xi32>
    %sign3A_396 = arith.subi %sign3A_391, %sign3A_395 : vector<1x784xi32>
    %sign3A_397 = arith.constant 0 : i32
    %sign3A_398 = arith.cmpi sgt, %jit3A_385, %sign3A_397 : i32
    %sign3A_399 = arith.extui %sign3A_398 : i1 to i32
    %sign3A_400 = arith.constant 0 : i32
    %sign3A_401 = arith.cmpi slt, %jit3A_385, %sign3A_400 : i32
    %sign3A_402 = arith.extui %sign3A_401 : i1 to i32
    %sign3A_403 = arith.subi %sign3A_399, %sign3A_402 : i32
    %ne3A_404 = vector.broadcast %sign3A_403 : i32 to vector<1x784xi32>
    %ne3A_405 = arith.cmpi ne, %sign3A_396, %ne3A_404 : vector<1x784xi32>
    %rem3A_406 = vector.broadcast %jit3A_385 : i32 to vector<1x784xi32>
    %rem3A_407 = arith.remsi %iota3A_384, %rem3A_406 : vector<1x784xi32>
    %ne3A_408 = arith.constant 0 : i32
    %ne3A_409 = vector.broadcast %ne3A_408 : i32 to vector<1x784xi32>
    %ne3A_410 = arith.cmpi ne, %rem3A_407, %ne3A_409 : vector<1x784xi32>
    %and3A_411 = arith.andi %ne3A_405, %ne3A_410 : vector<1x784xi1>
    %sub3A_412 = arith.constant 1 : i32
    %sub3A_413 = vector.broadcast %sub3A_412 : i32 to vector<1x784xi32>
    %sub3A_414 = arith.subi %div3A_387, %sub3A_413 : vector<1x784xi32>
    %select_n3A_415 = arith.select %and3A_411, %sub3A_414, %div3A_387 : vector<1x784xi1>, vector<1x784xi32>
    %mul3A_416 = arith.constant 28 : i32
    %mul3A_417 = vector.broadcast %mul3A_416 : i32 to vector<1x784xi32>
    %mul3A_418 = arith.muli %select_n3A_415, %mul3A_417 : vector<1x784xi32>
    %sub3A_419 = arith.subi %iota3A_384, %mul3A_418 : vector<1x784xi32>
    %add3A_420 = arith.constant 0 : i32
    %add3A_421 = vector.broadcast %add3A_420 : i32 to vector<1x784xi32>
    %add3A_422 = arith.addi %iota3A_384, %add3A_421 : vector<1x784xi32>
    %ge3A_423 = arith.constant 0 : i32
    %ge3A_424 = vector.broadcast %ge3A_423 : i32 to vector<1x784xi32>
    %ge3A_425 = arith.cmpi sge, %add3A_422, %ge3A_424 : vector<1x784xi32>
    %lt3A_426 = arith.constant 784 : i32
    %lt3A_427 = vector.broadcast %lt3A_426 : i32 to vector<1x784xi32>
    %lt3A_428 = arith.cmpi slt, %add3A_422, %lt3A_427 : vector<1x784xi32>
    %and3A_429 = arith.andi %ge3A_425, %lt3A_428 : vector<1x784xi1>
    %add3A_430 = arith.constant 0 : i32
    %add3A_431 = vector.broadcast %add3A_430 : i32 to vector<1x784xi32>
    %add3A_432 = arith.addi %sub3A_419, %add3A_431 : vector<1x784xi32>
    %ge3A_433 = arith.constant 0 : i32
    %ge3A_434 = vector.broadcast %ge3A_433 : i32 to vector<1x784xi32>
    %ge3A_435 = arith.cmpi sge, %add3A_432, %ge3A_434 : vector<1x784xi32>
    %add3A_436 = arith.constant 0 : i32
    %add3A_437 = vector.broadcast %add3A_436 : i32 to vector<1x784xi32>
    %add3A_438 = arith.addi %sub3A_419, %add3A_437 : vector<1x784xi32>
    %lt3A_439 = arith.constant 28 : i32
    %lt3A_440 = vector.broadcast %lt3A_439 : i32 to vector<1x784xi32>
    %lt3A_441 = arith.cmpi slt, %add3A_438, %lt3A_440 : vector<1x784xi32>
    %and3A_442 = arith.andi %ge3A_435, %lt3A_441 : vector<1x784xi1>
    %and3A_443 = arith.andi %and3A_429, %and3A_442 : vector<1x784xi1>
    %jit3A_444 = arith.constant 0.000000e+00 : f32
    %broadcast_in_dim3A_445 = vector.shape_cast %and3A_443 : vector<1x784xi1> to vector<1x784xi1>
    %broadcast_in_dim3A_446 = vector.broadcast %broadcast_in_dim3A_445 : vector<1x784xi1> to vector<128x784xi1>
    %broadcast_in_dim3A_447 = vector.broadcast %jit3A_444 : f32 to vector<128x784xf32>
    %select_n3A_448 = arith.select %broadcast_in_dim3A_446, %roll3A_383, %broadcast_in_dim3A_447 : vector<128x784xi1>, vector<128x784xf32>
    %get3A_449 = arith.constant 5 : index
    %get3A_450 = arith.constant 0 : index
    %get3A_451 = arith.constant 0 : index
    %get3A_452 = vector.load %arg3[%get3A_449, %get3A_450, %get3A_451] : memref<9x128x1xf32, #tpu.memory_space<vmem>>, vector<1x128x1xf32>
    %get3A_453 = vector.shape_cast %get3A_452 : vector<1x128x1xf32> to vector<128x1xf32>
    %mul3A_454 = vector.broadcast %get3A_453 : vector<128x1xf32> to vector<128x784xf32>
    %mul3A_455 = arith.mulf %mul3A_454, %select_n3A_448 : vector<128x784xf32>
    %add3A_456 = arith.addf %add3A_378, %mul3A_455 : vector<128x784xf32>
    %slice3A_457 = vector.extract_strided_slice %get3A_4 {offsets = [3, 0, 0], sizes = [1, 128, 784], strides = [1, 1, 1]} : vector<4x128x784xbf16> to vector<1x128x784xbf16>
    %squeeze3A_458 = vector.shape_cast %slice3A_457 : vector<1x128x784xbf16> to vector<128x784xbf16>
    %convert_element_type3A_459 = arith.extf %squeeze3A_458 : vector<128x784xbf16> to vector<128x784xf32>
    %roll3A_460 = arith.constant 1 : i32
    %roll3A_461 = tpu.dynamic_rotate %convert_element_type3A_459 by %roll3A_460 dim 1 : vector<128x784xf32>, i32 -> vector<128x784xf32>
    %iota3A_462 = tpu.iota {dimensions = array<i32: 1>} : vector<1x784xi32>
    %jit3A_463 = arith.constant 28 : i32
    %div3A_464 = vector.broadcast %jit3A_463 : i32 to vector<1x784xi32>
    %div3A_465 = arith.divsi %iota3A_462, %div3A_464 : vector<1x784xi32>
    %sign3A_466 = arith.constant 0 : i32
    %sign3A_467 = vector.broadcast %sign3A_466 : i32 to vector<1x784xi32>
    %sign3A_468 = arith.cmpi sgt, %iota3A_462, %sign3A_467 : vector<1x784xi32>
    %sign3A_469 = arith.extui %sign3A_468 : vector<1x784xi1> to vector<1x784xi32>
    %sign3A_470 = arith.constant 0 : i32
    %sign3A_471 = vector.broadcast %sign3A_470 : i32 to vector<1x784xi32>
    %sign3A_472 = arith.cmpi slt, %iota3A_462, %sign3A_471 : vector<1x784xi32>
    %sign3A_473 = arith.extui %sign3A_472 : vector<1x784xi1> to vector<1x784xi32>
    %sign3A_474 = arith.subi %sign3A_469, %sign3A_473 : vector<1x784xi32>
    %sign3A_475 = arith.constant 0 : i32
    %sign3A_476 = arith.cmpi sgt, %jit3A_463, %sign3A_475 : i32
    %sign3A_477 = arith.extui %sign3A_476 : i1 to i32
    %sign3A_478 = arith.constant 0 : i32
    %sign3A_479 = arith.cmpi slt, %jit3A_463, %sign3A_478 : i32
    %sign3A_480 = arith.extui %sign3A_479 : i1 to i32
    %sign3A_481 = arith.subi %sign3A_477, %sign3A_480 : i32
    %ne3A_482 = vector.broadcast %sign3A_481 : i32 to vector<1x784xi32>
    %ne3A_483 = arith.cmpi ne, %sign3A_474, %ne3A_482 : vector<1x784xi32>
    %rem3A_484 = vector.broadcast %jit3A_463 : i32 to vector<1x784xi32>
    %rem3A_485 = arith.remsi %iota3A_462, %rem3A_484 : vector<1x784xi32>
    %ne3A_486 = arith.constant 0 : i32
    %ne3A_487 = vector.broadcast %ne3A_486 : i32 to vector<1x784xi32>
    %ne3A_488 = arith.cmpi ne, %rem3A_485, %ne3A_487 : vector<1x784xi32>
    %and3A_489 = arith.andi %ne3A_483, %ne3A_488 : vector<1x784xi1>
    %sub3A_490 = arith.constant 1 : i32
    %sub3A_491 = vector.broadcast %sub3A_490 : i32 to vector<1x784xi32>
    %sub3A_492 = arith.subi %div3A_465, %sub3A_491 : vector<1x784xi32>
    %select_n3A_493 = arith.select %and3A_489, %sub3A_492, %div3A_465 : vector<1x784xi1>, vector<1x784xi32>
    %mul3A_494 = arith.constant 28 : i32
    %mul3A_495 = vector.broadcast %mul3A_494 : i32 to vector<1x784xi32>
    %mul3A_496 = arith.muli %select_n3A_493, %mul3A_495 : vector<1x784xi32>
    %sub3A_497 = arith.subi %iota3A_462, %mul3A_496 : vector<1x784xi32>
    %add3A_498 = arith.constant -1 : i32
    %add3A_499 = vector.broadcast %add3A_498 : i32 to vector<1x784xi32>
    %add3A_500 = arith.addi %iota3A_462, %add3A_499 : vector<1x784xi32>
    %ge3A_501 = arith.constant 0 : i32
    %ge3A_502 = vector.broadcast %ge3A_501 : i32 to vector<1x784xi32>
    %ge3A_503 = arith.cmpi sge, %add3A_500, %ge3A_502 : vector<1x784xi32>
    %lt3A_504 = arith.constant 784 : i32
    %lt3A_505 = vector.broadcast %lt3A_504 : i32 to vector<1x784xi32>
    %lt3A_506 = arith.cmpi slt, %add3A_500, %lt3A_505 : vector<1x784xi32>
    %and3A_507 = arith.andi %ge3A_503, %lt3A_506 : vector<1x784xi1>
    %add3A_508 = arith.constant -1 : i32
    %add3A_509 = vector.broadcast %add3A_508 : i32 to vector<1x784xi32>
    %add3A_510 = arith.addi %sub3A_497, %add3A_509 : vector<1x784xi32>
    %ge3A_511 = arith.constant 0 : i32
    %ge3A_512 = vector.broadcast %ge3A_511 : i32 to vector<1x784xi32>
    %ge3A_513 = arith.cmpi sge, %add3A_510, %ge3A_512 : vector<1x784xi32>
    %add3A_514 = arith.constant -1 : i32
    %add3A_515 = vector.broadcast %add3A_514 : i32 to vector<1x784xi32>
    %add3A_516 = arith.addi %sub3A_497, %add3A_515 : vector<1x784xi32>
    %lt3A_517 = arith.constant 28 : i32
    %lt3A_518 = vector.broadcast %lt3A_517 : i32 to vector<1x784xi32>
    %lt3A_519 = arith.cmpi slt, %add3A_516, %lt3A_518 : vector<1x784xi32>
    %and3A_520 = arith.andi %ge3A_513, %lt3A_519 : vector<1x784xi1>
    %and3A_521 = arith.andi %and3A_507, %and3A_520 : vector<1x784xi1>
    %jit3A_522 = arith.constant 0.000000e+00 : f32
    %broadcast_in_dim3A_523 = vector.shape_cast %and3A_521 : vector<1x784xi1> to vector<1x784xi1>
    %broadcast_in_dim3A_524 = vector.broadcast %broadcast_in_dim3A_523 : vector<1x784xi1> to vector<128x784xi1>
    %broadcast_in_dim3A_525 = vector.broadcast %jit3A_522 : f32 to vector<128x784xf32>
    %select_n3A_526 = arith.select %broadcast_in_dim3A_524, %roll3A_461, %broadcast_in_dim3A_525 : vector<128x784xi1>, vector<128x784xf32>
    %get3A_527 = arith.constant 6 : index
    %get3A_528 = arith.constant 0 : index
    %get3A_529 = arith.constant 0 : index
    %get3A_530 = vector.load %arg3[%get3A_527, %get3A_528, %get3A_529] : memref<9x128x1xf32, #tpu.memory_space<vmem>>, vector<1x128x1xf32>
    %get3A_531 = vector.shape_cast %get3A_530 : vector<1x128x1xf32> to vector<128x1xf32>
    %mul3A_532 = vector.broadcast %get3A_531 : vector<128x1xf32> to vector<128x784xf32>
    %mul3A_533 = arith.mulf %mul3A_532, %select_n3A_526 : vector<128x784xf32>
    %add3A_534 = arith.addf %add3A_456, %mul3A_533 : vector<128x784xf32>
    %slice3A_535 = vector.extract_strided_slice %get3A_4 {offsets = [2, 0, 0], sizes = [1, 128, 784], strides = [1, 1, 1]} : vector<4x128x784xbf16> to vector<1x128x784xbf16>
    %squeeze3A_536 = vector.shape_cast %slice3A_535 : vector<1x128x784xbf16> to vector<128x784xbf16>
    %convert_element_type3A_537 = arith.extf %squeeze3A_536 : vector<128x784xbf16> to vector<128x784xf32>
    %roll3A_538 = arith.constant 0 : i32
    %roll3A_539 = tpu.dynamic_rotate %convert_element_type3A_537 by %roll3A_538 dim 1 : vector<128x784xf32>, i32 -> vector<128x784xf32>
    %iota3A_540 = tpu.iota {dimensions = array<i32: 1>} : vector<1x784xi32>
    %jit3A_541 = arith.constant 28 : i32
    %div3A_542 = vector.broadcast %jit3A_541 : i32 to vector<1x784xi32>
    %div3A_543 = arith.divsi %iota3A_540, %div3A_542 : vector<1x784xi32>
    %sign3A_544 = arith.constant 0 : i32
    %sign3A_545 = vector.broadcast %sign3A_544 : i32 to vector<1x784xi32>
    %sign3A_546 = arith.cmpi sgt, %iota3A_540, %sign3A_545 : vector<1x784xi32>
    %sign3A_547 = arith.extui %sign3A_546 : vector<1x784xi1> to vector<1x784xi32>
    %sign3A_548 = arith.constant 0 : i32
    %sign3A_549 = vector.broadcast %sign3A_548 : i32 to vector<1x784xi32>
    %sign3A_550 = arith.cmpi slt, %iota3A_540, %sign3A_549 : vector<1x784xi32>
    %sign3A_551 = arith.extui %sign3A_550 : vector<1x784xi1> to vector<1x784xi32>
    %sign3A_552 = arith.subi %sign3A_547, %sign3A_551 : vector<1x784xi32>
    %sign3A_553 = arith.constant 0 : i32
    %sign3A_554 = arith.cmpi sgt, %jit3A_541, %sign3A_553 : i32
    %sign3A_555 = arith.extui %sign3A_554 : i1 to i32
    %sign3A_556 = arith.constant 0 : i32
    %sign3A_557 = arith.cmpi slt, %jit3A_541, %sign3A_556 : i32
    %sign3A_558 = arith.extui %sign3A_557 : i1 to i32
    %sign3A_559 = arith.subi %sign3A_555, %sign3A_558 : i32
    %ne3A_560 = vector.broadcast %sign3A_559 : i32 to vector<1x784xi32>
    %ne3A_561 = arith.cmpi ne, %sign3A_552, %ne3A_560 : vector<1x784xi32>
    %rem3A_562 = vector.broadcast %jit3A_541 : i32 to vector<1x784xi32>
    %rem3A_563 = arith.remsi %iota3A_540, %rem3A_562 : vector<1x784xi32>
    %ne3A_564 = arith.constant 0 : i32
    %ne3A_565 = vector.broadcast %ne3A_564 : i32 to vector<1x784xi32>
    %ne3A_566 = arith.cmpi ne, %rem3A_563, %ne3A_565 : vector<1x784xi32>
    %and3A_567 = arith.andi %ne3A_561, %ne3A_566 : vector<1x784xi1>
    %sub3A_568 = arith.constant 1 : i32
    %sub3A_569 = vector.broadcast %sub3A_568 : i32 to vector<1x784xi32>
    %sub3A_570 = arith.subi %div3A_543, %sub3A_569 : vector<1x784xi32>
    %select_n3A_571 = arith.select %and3A_567, %sub3A_570, %div3A_543 : vector<1x784xi1>, vector<1x784xi32>
    %mul3A_572 = arith.constant 28 : i32
    %mul3A_573 = vector.broadcast %mul3A_572 : i32 to vector<1x784xi32>
    %mul3A_574 = arith.muli %select_n3A_571, %mul3A_573 : vector<1x784xi32>
    %sub3A_575 = arith.subi %iota3A_540, %mul3A_574 : vector<1x784xi32>
    %add3A_576 = arith.constant 0 : i32
    %add3A_577 = vector.broadcast %add3A_576 : i32 to vector<1x784xi32>
    %add3A_578 = arith.addi %iota3A_540, %add3A_577 : vector<1x784xi32>
    %ge3A_579 = arith.constant 0 : i32
    %ge3A_580 = vector.broadcast %ge3A_579 : i32 to vector<1x784xi32>
    %ge3A_581 = arith.cmpi sge, %add3A_578, %ge3A_580 : vector<1x784xi32>
    %lt3A_582 = arith.constant 784 : i32
    %lt3A_583 = vector.broadcast %lt3A_582 : i32 to vector<1x784xi32>
    %lt3A_584 = arith.cmpi slt, %add3A_578, %lt3A_583 : vector<1x784xi32>
    %and3A_585 = arith.andi %ge3A_581, %lt3A_584 : vector<1x784xi1>
    %add3A_586 = arith.constant 0 : i32
    %add3A_587 = vector.broadcast %add3A_586 : i32 to vector<1x784xi32>
    %add3A_588 = arith.addi %sub3A_575, %add3A_587 : vector<1x784xi32>
    %ge3A_589 = arith.constant 0 : i32
    %ge3A_590 = vector.broadcast %ge3A_589 : i32 to vector<1x784xi32>
    %ge3A_591 = arith.cmpi sge, %add3A_588, %ge3A_590 : vector<1x784xi32>
    %add3A_592 = arith.constant 0 : i32
    %add3A_593 = vector.broadcast %add3A_592 : i32 to vector<1x784xi32>
    %add3A_594 = arith.addi %sub3A_575, %add3A_593 : vector<1x784xi32>
    %lt3A_595 = arith.constant 28 : i32
    %lt3A_596 = vector.broadcast %lt3A_595 : i32 to vector<1x784xi32>
    %lt3A_597 = arith.cmpi slt, %add3A_594, %lt3A_596 : vector<1x784xi32>
    %and3A_598 = arith.andi %ge3A_591, %lt3A_597 : vector<1x784xi1>
    %and3A_599 = arith.andi %and3A_585, %and3A_598 : vector<1x784xi1>
    %jit3A_600 = arith.constant 0.000000e+00 : f32
    %broadcast_in_dim3A_601 = vector.shape_cast %and3A_599 : vector<1x784xi1> to vector<1x784xi1>
    %broadcast_in_dim3A_602 = vector.broadcast %broadcast_in_dim3A_601 : vector<1x784xi1> to vector<128x784xi1>
    %broadcast_in_dim3A_603 = vector.broadcast %jit3A_600 : f32 to vector<128x784xf32>
    %select_n3A_604 = arith.select %broadcast_in_dim3A_602, %roll3A_539, %broadcast_in_dim3A_603 : vector<128x784xi1>, vector<128x784xf32>
    %get3A_605 = arith.constant 7 : index
    %get3A_606 = arith.constant 0 : index
    %get3A_607 = arith.constant 0 : index
    %get3A_608 = vector.load %arg3[%get3A_605, %get3A_606, %get3A_607] : memref<9x128x1xf32, #tpu.memory_space<vmem>>, vector<1x128x1xf32>
    %get3A_609 = vector.shape_cast %get3A_608 : vector<1x128x1xf32> to vector<128x1xf32>
    %mul3A_610 = vector.broadcast %get3A_609 : vector<128x1xf32> to vector<128x784xf32>
    %mul3A_611 = arith.mulf %mul3A_610, %select_n3A_604 : vector<128x784xf32>
    %add3A_612 = arith.addf %add3A_534, %mul3A_611 : vector<128x784xf32>
    %slice3A_613 = vector.extract_strided_slice %get3A_4 {offsets = [3, 0, 0], sizes = [1, 128, 784], strides = [1, 1, 1]} : vector<4x128x784xbf16> to vector<1x128x784xbf16>
    %squeeze3A_614 = vector.shape_cast %slice3A_613 : vector<1x128x784xbf16> to vector<128x784xbf16>
    %convert_element_type3A_615 = arith.extf %squeeze3A_614 : vector<128x784xbf16> to vector<128x784xf32>
    %roll3A_616 = arith.constant 0 : i32
    %roll3A_617 = tpu.dynamic_rotate %convert_element_type3A_615 by %roll3A_616 dim 1 : vector<128x784xf32>, i32 -> vector<128x784xf32>
    %iota3A_618 = tpu.iota {dimensions = array<i32: 1>} : vector<1x784xi32>
    %jit3A_619 = arith.constant 28 : i32
    %div3A_620 = vector.broadcast %jit3A_619 : i32 to vector<1x784xi32>
    %div3A_621 = arith.divsi %iota3A_618, %div3A_620 : vector<1x784xi32>
    %sign3A_622 = arith.constant 0 : i32
    %sign3A_623 = vector.broadcast %sign3A_622 : i32 to vector<1x784xi32>
    %sign3A_624 = arith.cmpi sgt, %iota3A_618, %sign3A_623 : vector<1x784xi32>
    %sign3A_625 = arith.extui %sign3A_624 : vector<1x784xi1> to vector<1x784xi32>
    %sign3A_626 = arith.constant 0 : i32
    %sign3A_627 = vector.broadcast %sign3A_626 : i32 to vector<1x784xi32>
    %sign3A_628 = arith.cmpi slt, %iota3A_618, %sign3A_627 : vector<1x784xi32>
    %sign3A_629 = arith.extui %sign3A_628 : vector<1x784xi1> to vector<1x784xi32>
    %sign3A_630 = arith.subi %sign3A_625, %sign3A_629 : vector<1x784xi32>
    %sign3A_631 = arith.constant 0 : i32
    %sign3A_632 = arith.cmpi sgt, %jit3A_619, %sign3A_631 : i32
    %sign3A_633 = arith.extui %sign3A_632 : i1 to i32
    %sign3A_634 = arith.constant 0 : i32
    %sign3A_635 = arith.cmpi slt, %jit3A_619, %sign3A_634 : i32
    %sign3A_636 = arith.extui %sign3A_635 : i1 to i32
    %sign3A_637 = arith.subi %sign3A_633, %sign3A_636 : i32
    %ne3A_638 = vector.broadcast %sign3A_637 : i32 to vector<1x784xi32>
    %ne3A_639 = arith.cmpi ne, %sign3A_630, %ne3A_638 : vector<1x784xi32>
    %rem3A_640 = vector.broadcast %jit3A_619 : i32 to vector<1x784xi32>
    %rem3A_641 = arith.remsi %iota3A_618, %rem3A_640 : vector<1x784xi32>
    %ne3A_642 = arith.constant 0 : i32
    %ne3A_643 = vector.broadcast %ne3A_642 : i32 to vector<1x784xi32>
    %ne3A_644 = arith.cmpi ne, %rem3A_641, %ne3A_643 : vector<1x784xi32>
    %and3A_645 = arith.andi %ne3A_639, %ne3A_644 : vector<1x784xi1>
    %sub3A_646 = arith.constant 1 : i32
    %sub3A_647 = vector.broadcast %sub3A_646 : i32 to vector<1x784xi32>
    %sub3A_648 = arith.subi %div3A_621, %sub3A_647 : vector<1x784xi32>
    %select_n3A_649 = arith.select %and3A_645, %sub3A_648, %div3A_621 : vector<1x784xi1>, vector<1x784xi32>
    %mul3A_650 = arith.constant 28 : i32
    %mul3A_651 = vector.broadcast %mul3A_650 : i32 to vector<1x784xi32>
    %mul3A_652 = arith.muli %select_n3A_649, %mul3A_651 : vector<1x784xi32>
    %sub3A_653 = arith.subi %iota3A_618, %mul3A_652 : vector<1x784xi32>
    %add3A_654 = arith.constant 0 : i32
    %add3A_655 = vector.broadcast %add3A_654 : i32 to vector<1x784xi32>
    %add3A_656 = arith.addi %iota3A_618, %add3A_655 : vector<1x784xi32>
    %ge3A_657 = arith.constant 0 : i32
    %ge3A_658 = vector.broadcast %ge3A_657 : i32 to vector<1x784xi32>
    %ge3A_659 = arith.cmpi sge, %add3A_656, %ge3A_658 : vector<1x784xi32>
    %lt3A_660 = arith.constant 784 : i32
    %lt3A_661 = vector.broadcast %lt3A_660 : i32 to vector<1x784xi32>
    %lt3A_662 = arith.cmpi slt, %add3A_656, %lt3A_661 : vector<1x784xi32>
    %and3A_663 = arith.andi %ge3A_659, %lt3A_662 : vector<1x784xi1>
    %add3A_664 = arith.constant 0 : i32
    %add3A_665 = vector.broadcast %add3A_664 : i32 to vector<1x784xi32>
    %add3A_666 = arith.addi %sub3A_653, %add3A_665 : vector<1x784xi32>
    %ge3A_667 = arith.constant 0 : i32
    %ge3A_668 = vector.broadcast %ge3A_667 : i32 to vector<1x784xi32>
    %ge3A_669 = arith.cmpi sge, %add3A_666, %ge3A_668 : vector<1x784xi32>
    %add3A_670 = arith.constant 0 : i32
    %add3A_671 = vector.broadcast %add3A_670 : i32 to vector<1x784xi32>
    %add3A_672 = arith.addi %sub3A_653, %add3A_671 : vector<1x784xi32>
    %lt3A_673 = arith.constant 28 : i32
    %lt3A_674 = vector.broadcast %lt3A_673 : i32 to vector<1x784xi32>
    %lt3A_675 = arith.cmpi slt, %add3A_672, %lt3A_674 : vector<1x784xi32>
    %and3A_676 = arith.andi %ge3A_669, %lt3A_675 : vector<1x784xi1>
    %and3A_677 = arith.andi %and3A_663, %and3A_676 : vector<1x784xi1>
    %jit3A_678 = arith.constant 0.000000e+00 : f32
    %broadcast_in_dim3A_679 = vector.shape_cast %and3A_677 : vector<1x784xi1> to vector<1x784xi1>
    %broadcast_in_dim3A_680 = vector.broadcast %broadcast_in_dim3A_679 : vector<1x784xi1> to vector<128x784xi1>
    %broadcast_in_dim3A_681 = vector.broadcast %jit3A_678 : f32 to vector<128x784xf32>
    %select_n3A_682 = arith.select %broadcast_in_dim3A_680, %roll3A_617, %broadcast_in_dim3A_681 : vector<128x784xi1>, vector<128x784xf32>
    %get3A_683 = arith.constant 8 : index
    %get3A_684 = arith.constant 0 : index
    %get3A_685 = arith.constant 0 : index
    %get3A_686 = vector.load %arg3[%get3A_683, %get3A_684, %get3A_685] : memref<9x128x1xf32, #tpu.memory_space<vmem>>, vector<1x128x1xf32>
    %get3A_687 = vector.shape_cast %get3A_686 : vector<1x128x1xf32> to vector<128x1xf32>
    %mul3A_688 = vector.broadcast %get3A_687 : vector<128x1xf32> to vector<128x784xf32>
    %mul3A_689 = arith.mulf %mul3A_688, %select_n3A_682 : vector<128x784xf32>
    %add3A_690 = arith.addf %add3A_612, %mul3A_689 : vector<128x784xf32>
    %get3A_691 = arith.constant 0 : index
    %get3A_692 = arith.constant 0 : index
    %get3A_693 = vector.load %arg4[%get3A_691, %get3A_692] : memref<128x1xf32, #tpu.memory_space<vmem>>, vector<128x1xf32>
    %mul3A_694 = vector.broadcast %get3A_693 : vector<128x1xf32> to vector<128x784xf32>
    %mul3A_695 = arith.mulf %add3A_690, %mul3A_694 : vector<128x784xf32>
    %get3A_696 = arith.constant 0 : index
    %get3A_697 = arith.constant 0 : index
    %get3A_698 = vector.load %arg5[%get3A_696, %get3A_697] : memref<128x1xf32, #tpu.memory_space<vmem>>, vector<128x1xf32>
    %add3A_699 = vector.broadcast %get3A_698 : vector<128x1xf32> to vector<128x784xf32>
    %add3A_700 = arith.addf %mul3A_695, %add3A_699 : vector<128x784xf32>
    %jit3A_701 = arith.constant 0.000000e+00 : f32
    %jit3A_702 = arith.constant 6.000000e+00 : f32
    %max3A = vector.broadcast %jit3A_701 : f32 to vector<128x784xf32>
    %max3A_703 = arith.maximumf %max3A, %add3A_700 : vector<128x784xf32>
    %min3A = vector.broadcast %jit3A_702 : f32 to vector<128x784xf32>
    %min3A_704 = arith.minimumf %min3A, %max3A_703 : vector<128x784xf32>
    %convert_element_type3A_705 = arith.truncf %min3A_704 : vector<128x784xf32> to vector<128x784xbf16>
    %swap3A = arith.constant 0 : index
    %swap3A_706 = arith.constant 0 : index
    %swap3A_707 = arith.constant 0 : index
    %swap3A_708 = arith.constant 0 : index
    %swap3A_709 = vector.load %arg6[%swap3A, %swap3A_706, %swap3A_707, %swap3A_708] : memref<1x4x128x784xbf16, #tpu.memory_space<vmem>>, vector<1x1x128x784xbf16>
    %swap3A_710 = vector.shape_cast %swap3A_709 : vector<1x1x128x784xbf16> to vector<128x784xbf16>
    %swap3A_711 = vector.shape_cast %convert_element_type3A_705 : vector<128x784xbf16> to vector<1x1x128x784xbf16>
    tpu.vector_store %arg6[%swap3A, %swap3A_706, %swap3A_707, %swap3A_708], %swap3A_711 {strides = array<i32>} : memref<1x4x128x784xbf16, #tpu.memory_space<vmem>>, vector<1x1x128x784xbf16>,
    %broadcast_in_dim3A_712 = arith.constant 0.000000e+00 : f32
    %broadcast_in_dim3A_713 = vector.broadcast %broadcast_in_dim3A_712 : f32 to vector<128x784xf32>
    %slice3A_714 = vector.extract_strided_slice %get3A_4 {offsets = [2, 0, 0], sizes = [1, 128, 784], strides = [1, 1, 1]} : vector<4x128x784xbf16> to vector<1x128x784xbf16>
    %squeeze3A_715 = vector.shape_cast %slice3A_714 : vector<1x128x784xbf16> to vector<128x784xbf16>
    %convert_element_type3A_716 = arith.extf %squeeze3A_715 : vector<128x784xbf16> to vector<128x784xf32>
    %roll3A_717 = arith.constant 28 : i32
    %roll3A_718 = tpu.dynamic_rotate %convert_element_type3A_716 by %roll3A_717 dim 1 : vector<128x784xf32>, i32 -> vector<128x784xf32>
    %iota3A_719 = tpu.iota {dimensions = array<i32: 1>} : vector<1x784xi32>
    %jit3A_720 = arith.constant 28 : i32
    %div3A_721 = vector.broadcast %jit3A_720 : i32 to vector<1x784xi32>
    %div3A_722 = arith.divsi %iota3A_719, %div3A_721 : vector<1x784xi32>
    %sign3A_723 = arith.constant 0 : i32
    %sign3A_724 = vector.broadcast %sign3A_723 : i32 to vector<1x784xi32>
    %sign3A_725 = arith.cmpi sgt, %iota3A_719, %sign3A_724 : vector<1x784xi32>
    %sign3A_726 = arith.extui %sign3A_725 : vector<1x784xi1> to vector<1x784xi32>
    %sign3A_727 = arith.constant 0 : i32
    %sign3A_728 = vector.broadcast %sign3A_727 : i32 to vector<1x784xi32>
    %sign3A_729 = arith.cmpi slt, %iota3A_719, %sign3A_728 : vector<1x784xi32>
    %sign3A_730 = arith.extui %sign3A_729 : vector<1x784xi1> to vector<1x784xi32>
    %sign3A_731 = arith.subi %sign3A_726, %sign3A_730 : vector<1x784xi32>
    %sign3A_732 = arith.constant 0 : i32
    %sign3A_733 = arith.cmpi sgt, %jit3A_720, %sign3A_732 : i32
    %sign3A_734 = arith.extui %sign3A_733 : i1 to i32
    %sign3A_735 = arith.constant 0 : i32
    %sign3A_736 = arith.cmpi slt, %jit3A_720, %sign3A_735 : i32
    %sign3A_737 = arith.extui %sign3A_736 : i1 to i32
    %sign3A_738 = arith.subi %sign3A_734, %sign3A_737 : i32
    %ne3A_739 = vector.broadcast %sign3A_738 : i32 to vector<1x784xi32>
    %ne3A_740 = arith.cmpi ne, %sign3A_731, %ne3A_739 : vector<1x784xi32>
    %rem3A_741 = vector.broadcast %jit3A_720 : i32 to vector<1x784xi32>
    %rem3A_742 = arith.remsi %iota3A_719, %rem3A_741 : vector<1x784xi32>
    %ne3A_743 = arith.constant 0 : i32
    %ne3A_744 = vector.broadcast %ne3A_743 : i32 to vector<1x784xi32>
    %ne3A_745 = arith.cmpi ne, %rem3A_742, %ne3A_744 : vector<1x784xi32>
    %and3A_746 = arith.andi %ne3A_740, %ne3A_745 : vector<1x784xi1>
    %sub3A_747 = arith.constant 1 : i32
    %sub3A_748 = vector.broadcast %sub3A_747 : i32 to vector<1x784xi32>
    %sub3A_749 = arith.subi %div3A_722, %sub3A_748 : vector<1x784xi32>
    %select_n3A_750 = arith.select %and3A_746, %sub3A_749, %div3A_722 : vector<1x784xi1>, vector<1x784xi32>
    %mul3A_751 = arith.constant 28 : i32
    %mul3A_752 = vector.broadcast %mul3A_751 : i32 to vector<1x784xi32>
    %mul3A_753 = arith.muli %select_n3A_750, %mul3A_752 : vector<1x784xi32>
    %sub3A_754 = arith.subi %iota3A_719, %mul3A_753 : vector<1x784xi32>
    %add3A_755 = arith.constant -28 : i32
    %add3A_756 = vector.broadcast %add3A_755 : i32 to vector<1x784xi32>
    %add3A_757 = arith.addi %iota3A_719, %add3A_756 : vector<1x784xi32>
    %ge3A_758 = arith.constant 0 : i32
    %ge3A_759 = vector.broadcast %ge3A_758 : i32 to vector<1x784xi32>
    %ge3A_760 = arith.cmpi sge, %add3A_757, %ge3A_759 : vector<1x784xi32>
    %lt3A_761 = arith.constant 784 : i32
    %lt3A_762 = vector.broadcast %lt3A_761 : i32 to vector<1x784xi32>
    %lt3A_763 = arith.cmpi slt, %add3A_757, %lt3A_762 : vector<1x784xi32>
    %and3A_764 = arith.andi %ge3A_760, %lt3A_763 : vector<1x784xi1>
    %add3A_765 = arith.constant 0 : i32
    %add3A_766 = vector.broadcast %add3A_765 : i32 to vector<1x784xi32>
    %add3A_767 = arith.addi %sub3A_754, %add3A_766 : vector<1x784xi32>
    %ge3A_768 = arith.constant 0 : i32
    %ge3A_769 = vector.broadcast %ge3A_768 : i32 to vector<1x784xi32>
    %ge3A_770 = arith.cmpi sge, %add3A_767, %ge3A_769 : vector<1x784xi32>
    %add3A_771 = arith.constant 0 : i32
    %add3A_772 = vector.broadcast %add3A_771 : i32 to vector<1x784xi32>
    %add3A_773 = arith.addi %sub3A_754, %add3A_772 : vector<1x784xi32>
    %lt3A_774 = arith.constant 28 : i32
    %lt3A_775 = vector.broadcast %lt3A_774 : i32 to vector<1x784xi32>
    %lt3A_776 = arith.cmpi slt, %add3A_773, %lt3A_775 : vector<1x784xi32>
    %and3A_777 = arith.andi %ge3A_770, %lt3A_776 : vector<1x784xi1>
    %and3A_778 = arith.andi %and3A_764, %and3A_777 : vector<1x784xi1>
    %jit3A_779 = arith.constant 0.000000e+00 : f32
    %broadcast_in_dim3A_780 = vector.shape_cast %and3A_778 : vector<1x784xi1> to vector<1x784xi1>
    %broadcast_in_dim3A_781 = vector.broadcast %broadcast_in_dim3A_780 : vector<1x784xi1> to vector<128x784xi1>
    %broadcast_in_dim3A_782 = vector.broadcast %jit3A_779 : f32 to vector<128x784xf32>
    %select_n3A_783 = arith.select %broadcast_in_dim3A_781, %roll3A_718, %broadcast_in_dim3A_782 : vector<128x784xi1>, vector<128x784xf32>
    %get3A_784 = arith.constant 0 : index
    %get3A_785 = arith.constant 0 : index
    %get3A_786 = arith.constant 0 : index
    %get3A_787 = vector.load %arg3[%get3A_784, %get3A_785, %get3A_786] : memref<9x128x1xf32, #tpu.memory_space<vmem>>, vector<1x128x1xf32>
    %get3A_788 = vector.shape_cast %get3A_787 : vector<1x128x1xf32> to vector<128x1xf32>
    %mul3A_789 = vector.broadcast %get3A_788 : vector<128x1xf32> to vector<128x784xf32>
    %mul3A_790 = arith.mulf %mul3A_789, %select_n3A_783 : vector<128x784xf32>
    %add3A_791 = arith.addf %broadcast_in_dim3A_713, %mul3A_790 : vector<128x784xf32>
    %slice3A_792 = vector.extract_strided_slice %get3A_4 {offsets = [3, 0, 0], sizes = [1, 128, 784], strides = [1, 1, 1]} : vector<4x128x784xbf16> to vector<1x128x784xbf16>
    %squeeze3A_793 = vector.shape_cast %slice3A_792 : vector<1x128x784xbf16> to vector<128x784xbf16>
    %convert_element_type3A_794 = arith.extf %squeeze3A_793 : vector<128x784xbf16> to vector<128x784xf32>
    %roll3A_795 = arith.constant 28 : i32
    %roll3A_796 = tpu.dynamic_rotate %convert_element_type3A_794 by %roll3A_795 dim 1 : vector<128x784xf32>, i32 -> vector<128x784xf32>
    %iota3A_797 = tpu.iota {dimensions = array<i32: 1>} : vector<1x784xi32>
    %jit3A_798 = arith.constant 28 : i32
    %div3A_799 = vector.broadcast %jit3A_798 : i32 to vector<1x784xi32>
    %div3A_800 = arith.divsi %iota3A_797, %div3A_799 : vector<1x784xi32>
    %sign3A_801 = arith.constant 0 : i32
    %sign3A_802 = vector.broadcast %sign3A_801 : i32 to vector<1x784xi32>
    %sign3A_803 = arith.cmpi sgt, %iota3A_797, %sign3A_802 : vector<1x784xi32>
    %sign3A_804 = arith.extui %sign3A_803 : vector<1x784xi1> to vector<1x784xi32>
    %sign3A_805 = arith.constant 0 : i32
    %sign3A_806 = vector.broadcast %sign3A_805 : i32 to vector<1x784xi32>
    %sign3A_807 = arith.cmpi slt, %iota3A_797, %sign3A_806 : vector<1x784xi32>
    %sign3A_808 = arith.extui %sign3A_807 : vector<1x784xi1> to vector<1x784xi32>
    %sign3A_809 = arith.subi %sign3A_804, %sign3A_808 : vector<1x784xi32>
    %sign3A_810 = arith.constant 0 : i32
    %sign3A_811 = arith.cmpi sgt, %jit3A_798, %sign3A_810 : i32
    %sign3A_812 = arith.extui %sign3A_811 : i1 to i32
    %sign3A_813 = arith.constant 0 : i32
    %sign3A_814 = arith.cmpi slt, %jit3A_798, %sign3A_813 : i32
    %sign3A_815 = arith.extui %sign3A_814 : i1 to i32
    %sign3A_816 = arith.subi %sign3A_812, %sign3A_815 : i32
    %ne3A_817 = vector.broadcast %sign3A_816 : i32 to vector<1x784xi32>
    %ne3A_818 = arith.cmpi ne, %sign3A_809, %ne3A_817 : vector<1x784xi32>
    %rem3A_819 = vector.broadcast %jit3A_798 : i32 to vector<1x784xi32>
    %rem3A_820 = arith.remsi %iota3A_797, %rem3A_819 : vector<1x784xi32>
    %ne3A_821 = arith.constant 0 : i32
    %ne3A_822 = vector.broadcast %ne3A_821 : i32 to vector<1x784xi32>
    %ne3A_823 = arith.cmpi ne, %rem3A_820, %ne3A_822 : vector<1x784xi32>
    %and3A_824 = arith.andi %ne3A_818, %ne3A_823 : vector<1x784xi1>
    %sub3A_825 = arith.constant 1 : i32
    %sub3A_826 = vector.broadcast %sub3A_825 : i32 to vector<1x784xi32>
    %sub3A_827 = arith.subi %div3A_800, %sub3A_826 : vector<1x784xi32>
    %select_n3A_828 = arith.select %and3A_824, %sub3A_827, %div3A_800 : vector<1x784xi1>, vector<1x784xi32>
    %mul3A_829 = arith.constant 28 : i32
    %mul3A_830 = vector.broadcast %mul3A_829 : i32 to vector<1x784xi32>
    %mul3A_831 = arith.muli %select_n3A_828, %mul3A_830 : vector<1x784xi32>
    %sub3A_832 = arith.subi %iota3A_797, %mul3A_831 : vector<1x784xi32>
    %add3A_833 = arith.constant -28 : i32
    %add3A_834 = vector.broadcast %add3A_833 : i32 to vector<1x784xi32>
    %add3A_835 = arith.addi %iota3A_797, %add3A_834 : vector<1x784xi32>
    %ge3A_836 = arith.constant 0 : i32
    %ge3A_837 = vector.broadcast %ge3A_836 : i32 to vector<1x784xi32>
    %ge3A_838 = arith.cmpi sge, %add3A_835, %ge3A_837 : vector<1x784xi32>
    %lt3A_839 = arith.constant 784 : i32
    %lt3A_840 = vector.broadcast %lt3A_839 : i32 to vector<1x784xi32>
    %lt3A_841 = arith.cmpi slt, %add3A_835, %lt3A_840 : vector<1x784xi32>
    %and3A_842 = arith.andi %ge3A_838, %lt3A_841 : vector<1x784xi1>
    %add3A_843 = arith.constant 0 : i32
    %add3A_844 = vector.broadcast %add3A_843 : i32 to vector<1x784xi32>
    %add3A_845 = arith.addi %sub3A_832, %add3A_844 : vector<1x784xi32>
    %ge3A_846 = arith.constant 0 : i32
    %ge3A_847 = vector.broadcast %ge3A_846 : i32 to vector<1x784xi32>
    %ge3A_848 = arith.cmpi sge, %add3A_845, %ge3A_847 : vector<1x784xi32>
    %add3A_849 = arith.constant 0 : i32
    %add3A_850 = vector.broadcast %add3A_849 : i32 to vector<1x784xi32>
    %add3A_851 = arith.addi %sub3A_832, %add3A_850 : vector<1x784xi32>
    %lt3A_852 = arith.constant 28 : i32
    %lt3A_853 = vector.broadcast %lt3A_852 : i32 to vector<1x784xi32>
    %lt3A_854 = arith.cmpi slt, %add3A_851, %lt3A_853 : vector<1x784xi32>
    %and3A_855 = arith.andi %ge3A_848, %lt3A_854 : vector<1x784xi1>
    %and3A_856 = arith.andi %and3A_842, %and3A_855 : vector<1x784xi1>
    %jit3A_857 = arith.constant 0.000000e+00 : f32
    %broadcast_in_dim3A_858 = vector.shape_cast %and3A_856 : vector<1x784xi1> to vector<1x784xi1>
    %broadcast_in_dim3A_859 = vector.broadcast %broadcast_in_dim3A_858 : vector<1x784xi1> to vector<128x784xi1>
    %broadcast_in_dim3A_860 = vector.broadcast %jit3A_857 : f32 to vector<128x784xf32>
    %select_n3A_861 = arith.select %broadcast_in_dim3A_859, %roll3A_796, %broadcast_in_dim3A_860 : vector<128x784xi1>, vector<128x784xf32>
    %get3A_862 = arith.constant 1 : index
    %get3A_863 = arith.constant 0 : index
    %get3A_864 = arith.constant 0 : index
    %get3A_865 = vector.load %arg3[%get3A_862, %get3A_863, %get3A_864] : memref<9x128x1xf32, #tpu.memory_space<vmem>>, vector<1x128x1xf32>
    %get3A_866 = vector.shape_cast %get3A_865 : vector<1x128x1xf32> to vector<128x1xf32>
    %mul3A_867 = vector.broadcast %get3A_866 : vector<128x1xf32> to vector<128x784xf32>
    %mul3A_868 = arith.mulf %mul3A_867, %select_n3A_861 : vector<128x784xf32>
    %add3A_869 = arith.addf %add3A_791, %mul3A_868 : vector<128x784xf32>
    %slice3A_870 = vector.extract_strided_slice %get3A_4 {offsets = [2, 0, 0], sizes = [1, 128, 784], strides = [1, 1, 1]} : vector<4x128x784xbf16> to vector<1x128x784xbf16>
    %squeeze3A_871 = vector.shape_cast %slice3A_870 : vector<1x128x784xbf16> to vector<128x784xbf16>
    %convert_element_type3A_872 = arith.extf %squeeze3A_871 : vector<128x784xbf16> to vector<128x784xf32>
    %roll3A_873 = arith.constant 27 : i32
    %roll3A_874 = tpu.dynamic_rotate %convert_element_type3A_872 by %roll3A_873 dim 1 : vector<128x784xf32>, i32 -> vector<128x784xf32>
    %iota3A_875 = tpu.iota {dimensions = array<i32: 1>} : vector<1x784xi32>
    %jit3A_876 = arith.constant 28 : i32
    %div3A_877 = vector.broadcast %jit3A_876 : i32 to vector<1x784xi32>
    %div3A_878 = arith.divsi %iota3A_875, %div3A_877 : vector<1x784xi32>
    %sign3A_879 = arith.constant 0 : i32
    %sign3A_880 = vector.broadcast %sign3A_879 : i32 to vector<1x784xi32>
    %sign3A_881 = arith.cmpi sgt, %iota3A_875, %sign3A_880 : vector<1x784xi32>
    %sign3A_882 = arith.extui %sign3A_881 : vector<1x784xi1> to vector<1x784xi32>
    %sign3A_883 = arith.constant 0 : i32
    %sign3A_884 = vector.broadcast %sign3A_883 : i32 to vector<1x784xi32>
    %sign3A_885 = arith.cmpi slt, %iota3A_875, %sign3A_884 : vector<1x784xi32>
    %sign3A_886 = arith.extui %sign3A_885 : vector<1x784xi1> to vector<1x784xi32>
    %sign3A_887 = arith.subi %sign3A_882, %sign3A_886 : vector<1x784xi32>
    %sign3A_888 = arith.constant 0 : i32
    %sign3A_889 = arith.cmpi sgt, %jit3A_876, %sign3A_888 : i32
    %sign3A_890 = arith.extui %sign3A_889 : i1 to i32
    %sign3A_891 = arith.constant 0 : i32
    %sign3A_892 = arith.cmpi slt, %jit3A_876, %sign3A_891 : i32
    %sign3A_893 = arith.extui %sign3A_892 : i1 to i32
    %sign3A_894 = arith.subi %sign3A_890, %sign3A_893 : i32
    %ne3A_895 = vector.broadcast %sign3A_894 : i32 to vector<1x784xi32>
    %ne3A_896 = arith.cmpi ne, %sign3A_887, %ne3A_895 : vector<1x784xi32>
    %rem3A_897 = vector.broadcast %jit3A_876 : i32 to vector<1x784xi32>
    %rem3A_898 = arith.remsi %iota3A_875, %rem3A_897 : vector<1x784xi32>
    %ne3A_899 = arith.constant 0 : i32
    %ne3A_900 = vector.broadcast %ne3A_899 : i32 to vector<1x784xi32>
    %ne3A_901 = arith.cmpi ne, %rem3A_898, %ne3A_900 : vector<1x784xi32>
    %and3A_902 = arith.andi %ne3A_896, %ne3A_901 : vector<1x784xi1>
    %sub3A_903 = arith.constant 1 : i32
    %sub3A_904 = vector.broadcast %sub3A_903 : i32 to vector<1x784xi32>
    %sub3A_905 = arith.subi %div3A_878, %sub3A_904 : vector<1x784xi32>
    %select_n3A_906 = arith.select %and3A_902, %sub3A_905, %div3A_878 : vector<1x784xi1>, vector<1x784xi32>
    %mul3A_907 = arith.constant 28 : i32
    %mul3A_908 = vector.broadcast %mul3A_907 : i32 to vector<1x784xi32>
    %mul3A_909 = arith.muli %select_n3A_906, %mul3A_908 : vector<1x784xi32>
    %sub3A_910 = arith.subi %iota3A_875, %mul3A_909 : vector<1x784xi32>
    %add3A_911 = arith.constant -27 : i32
    %add3A_912 = vector.broadcast %add3A_911 : i32 to vector<1x784xi32>
    %add3A_913 = arith.addi %iota3A_875, %add3A_912 : vector<1x784xi32>
    %ge3A_914 = arith.constant 0 : i32
    %ge3A_915 = vector.broadcast %ge3A_914 : i32 to vector<1x784xi32>
    %ge3A_916 = arith.cmpi sge, %add3A_913, %ge3A_915 : vector<1x784xi32>
    %lt3A_917 = arith.constant 784 : i32
    %lt3A_918 = vector.broadcast %lt3A_917 : i32 to vector<1x784xi32>
    %lt3A_919 = arith.cmpi slt, %add3A_913, %lt3A_918 : vector<1x784xi32>
    %and3A_920 = arith.andi %ge3A_916, %lt3A_919 : vector<1x784xi1>
    %add3A_921 = arith.constant 1 : i32
    %add3A_922 = vector.broadcast %add3A_921 : i32 to vector<1x784xi32>
    %add3A_923 = arith.addi %sub3A_910, %add3A_922 : vector<1x784xi32>
    %ge3A_924 = arith.constant 0 : i32
    %ge3A_925 = vector.broadcast %ge3A_924 : i32 to vector<1x784xi32>
    %ge3A_926 = arith.cmpi sge, %add3A_923, %ge3A_925 : vector<1x784xi32>
    %add3A_927 = arith.constant 1 : i32
    %add3A_928 = vector.broadcast %add3A_927 : i32 to vector<1x784xi32>
    %add3A_929 = arith.addi %sub3A_910, %add3A_928 : vector<1x784xi32>
    %lt3A_930 = arith.constant 28 : i32
    %lt3A_931 = vector.broadcast %lt3A_930 : i32 to vector<1x784xi32>
    %lt3A_932 = arith.cmpi slt, %add3A_929, %lt3A_931 : vector<1x784xi32>
    %and3A_933 = arith.andi %ge3A_926, %lt3A_932 : vector<1x784xi1>
    %and3A_934 = arith.andi %and3A_920, %and3A_933 : vector<1x784xi1>
    %jit3A_935 = arith.constant 0.000000e+00 : f32
    %broadcast_in_dim3A_936 = vector.shape_cast %and3A_934 : vector<1x784xi1> to vector<1x784xi1>
    %broadcast_in_dim3A_937 = vector.broadcast %broadcast_in_dim3A_936 : vector<1x784xi1> to vector<128x784xi1>
    %broadcast_in_dim3A_938 = vector.broadcast %jit3A_935 : f32 to vector<128x784xf32>
    %select_n3A_939 = arith.select %broadcast_in_dim3A_937, %roll3A_874, %broadcast_in_dim3A_938 : vector<128x784xi1>, vector<128x784xf32>
    %get3A_940 = arith.constant 2 : index
    %get3A_941 = arith.constant 0 : index
    %get3A_942 = arith.constant 0 : index
    %get3A_943 = vector.load %arg3[%get3A_940, %get3A_941, %get3A_942] : memref<9x128x1xf32, #tpu.memory_space<vmem>>, vector<1x128x1xf32>
    %get3A_944 = vector.shape_cast %get3A_943 : vector<1x128x1xf32> to vector<128x1xf32>
    %mul3A_945 = vector.broadcast %get3A_944 : vector<128x1xf32> to vector<128x784xf32>
    %mul3A_946 = arith.mulf %mul3A_945, %select_n3A_939 : vector<128x784xf32>
    %add3A_947 = arith.addf %add3A_869, %mul3A_946 : vector<128x784xf32>
    %slice3A_948 = vector.extract_strided_slice %get3A_4 {offsets = [0, 0, 0], sizes = [1, 128, 784], strides = [1, 1, 1]} : vector<4x128x784xbf16> to vector<1x128x784xbf16>
    %squeeze3A_949 = vector.shape_cast %slice3A_948 : vector<1x128x784xbf16> to vector<128x784xbf16>
    %convert_element_type3A_950 = arith.extf %squeeze3A_949 : vector<128x784xbf16> to vector<128x784xf32>
    %roll3A_951 = arith.constant 0 : i32
    %roll3A_952 = tpu.dynamic_rotate %convert_element_type3A_950 by %roll3A_951 dim 1 : vector<128x784xf32>, i32 -> vector<128x784xf32>
    %iota3A_953 = tpu.iota {dimensions = array<i32: 1>} : vector<1x784xi32>
    %jit3A_954 = arith.constant 28 : i32
    %div3A_955 = vector.broadcast %jit3A_954 : i32 to vector<1x784xi32>
    %div3A_956 = arith.divsi %iota3A_953, %div3A_955 : vector<1x784xi32>
    %sign3A_957 = arith.constant 0 : i32
    %sign3A_958 = vector.broadcast %sign3A_957 : i32 to vector<1x784xi32>
    %sign3A_959 = arith.cmpi sgt, %iota3A_953, %sign3A_958 : vector<1x784xi32>
    %sign3A_960 = arith.extui %sign3A_959 : vector<1x784xi1> to vector<1x784xi32>
    %sign3A_961 = arith.constant 0 : i32
    %sign3A_962 = vector.broadcast %sign3A_961 : i32 to vector<1x784xi32>
    %sign3A_963 = arith.cmpi slt, %iota3A_953, %sign3A_962 : vector<1x784xi32>
    %sign3A_964 = arith.extui %sign3A_963 : vector<1x784xi1> to vector<1x784xi32>
    %sign3A_965 = arith.subi %sign3A_960, %sign3A_964 : vector<1x784xi32>
    %sign3A_966 = arith.constant 0 : i32
    %sign3A_967 = arith.cmpi sgt, %jit3A_954, %sign3A_966 : i32
    %sign3A_968 = arith.extui %sign3A_967 : i1 to i32
    %sign3A_969 = arith.constant 0 : i32
    %sign3A_970 = arith.cmpi slt, %jit3A_954, %sign3A_969 : i32
    %sign3A_971 = arith.extui %sign3A_970 : i1 to i32
    %sign3A_972 = arith.subi %sign3A_968, %sign3A_971 : i32
    %ne3A_973 = vector.broadcast %sign3A_972 : i32 to vector<1x784xi32>
    %ne3A_974 = arith.cmpi ne, %sign3A_965, %ne3A_973 : vector<1x784xi32>
    %rem3A_975 = vector.broadcast %jit3A_954 : i32 to vector<1x784xi32>
    %rem3A_976 = arith.remsi %iota3A_953, %rem3A_975 : vector<1x784xi32>
    %ne3A_977 = arith.constant 0 : i32
    %ne3A_978 = vector.broadcast %ne3A_977 : i32 to vector<1x784xi32>
    %ne3A_979 = arith.cmpi ne, %rem3A_976, %ne3A_978 : vector<1x784xi32>
    %and3A_980 = arith.andi %ne3A_974, %ne3A_979 : vector<1x784xi1>
    %sub3A_981 = arith.constant 1 : i32
    %sub3A_982 = vector.broadcast %sub3A_981 : i32 to vector<1x784xi32>
    %sub3A_983 = arith.subi %div3A_956, %sub3A_982 : vector<1x784xi32>
    %select_n3A_984 = arith.select %and3A_980, %sub3A_983, %div3A_956 : vector<1x784xi1>, vector<1x784xi32>
    %mul3A_985 = arith.constant 28 : i32
    %mul3A_986 = vector.broadcast %mul3A_985 : i32 to vector<1x784xi32>
    %mul3A_987 = arith.muli %select_n3A_984, %mul3A_986 : vector<1x784xi32>
    %sub3A_988 = arith.subi %iota3A_953, %mul3A_987 : vector<1x784xi32>
    %add3A_989 = arith.constant 0 : i32
    %add3A_990 = vector.broadcast %add3A_989 : i32 to vector<1x784xi32>
    %add3A_991 = arith.addi %iota3A_953, %add3A_990 : vector<1x784xi32>
    %ge3A_992 = arith.constant 0 : i32
    %ge3A_993 = vector.broadcast %ge3A_992 : i32 to vector<1x784xi32>
    %ge3A_994 = arith.cmpi sge, %add3A_991, %ge3A_993 : vector<1x784xi32>
    %lt3A_995 = arith.constant 784 : i32
    %lt3A_996 = vector.broadcast %lt3A_995 : i32 to vector<1x784xi32>
    %lt3A_997 = arith.cmpi slt, %add3A_991, %lt3A_996 : vector<1x784xi32>
    %and3A_998 = arith.andi %ge3A_994, %lt3A_997 : vector<1x784xi1>
    %add3A_999 = arith.constant 0 : i32
    %add3A_1000 = vector.broadcast %add3A_999 : i32 to vector<1x784xi32>
    %add3A_1001 = arith.addi %sub3A_988, %add3A_1000 : vector<1x784xi32>
    %ge3A_1002 = arith.constant 0 : i32
    %ge3A_1003 = vector.broadcast %ge3A_1002 : i32 to vector<1x784xi32>
    %ge3A_1004 = arith.cmpi sge, %add3A_1001, %ge3A_1003 : vector<1x784xi32>
    %add3A_1005 = arith.constant 0 : i32
    %add3A_1006 = vector.broadcast %add3A_1005 : i32 to vector<1x784xi32>
    %add3A_1007 = arith.addi %sub3A_988, %add3A_1006 : vector<1x784xi32>
    %lt3A_1008 = arith.constant 28 : i32
    %lt3A_1009 = vector.broadcast %lt3A_1008 : i32 to vector<1x784xi32>
    %lt3A_1010 = arith.cmpi slt, %add3A_1007, %lt3A_1009 : vector<1x784xi32>
    %and3A_1011 = arith.andi %ge3A_1004, %lt3A_1010 : vector<1x784xi1>
    %and3A_1012 = arith.andi %and3A_998, %and3A_1011 : vector<1x784xi1>
    %jit3A_1013 = arith.constant 0.000000e+00 : f32
    %broadcast_in_dim3A_1014 = vector.shape_cast %and3A_1012 : vector<1x784xi1> to vector<1x784xi1>
    %broadcast_in_dim3A_1015 = vector.broadcast %broadcast_in_dim3A_1014 : vector<1x784xi1> to vector<128x784xi1>
    %broadcast_in_dim3A_1016 = vector.broadcast %jit3A_1013 : f32 to vector<128x784xf32>
    %select_n3A_1017 = arith.select %broadcast_in_dim3A_1015, %roll3A_952, %broadcast_in_dim3A_1016 : vector<128x784xi1>, vector<128x784xf32>
    %get3A_1018 = arith.constant 3 : index
    %get3A_1019 = arith.constant 0 : index
    %get3A_1020 = arith.constant 0 : index
    %get3A_1021 = vector.load %arg3[%get3A_1018, %get3A_1019, %get3A_1020] : memref<9x128x1xf32, #tpu.memory_space<vmem>>, vector<1x128x1xf32>
    %get3A_1022 = vector.shape_cast %get3A_1021 : vector<1x128x1xf32> to vector<128x1xf32>
    %mul3A_1023 = vector.broadcast %get3A_1022 : vector<128x1xf32> to vector<128x784xf32>
    %mul3A_1024 = arith.mulf %mul3A_1023, %select_n3A_1017 : vector<128x784xf32>
    %add3A_1025 = arith.addf %add3A_947, %mul3A_1024 : vector<128x784xf32>
    %slice3A_1026 = vector.extract_strided_slice %get3A_4 {offsets = [1, 0, 0], sizes = [1, 128, 784], strides = [1, 1, 1]} : vector<4x128x784xbf16> to vector<1x128x784xbf16>
    %squeeze3A_1027 = vector.shape_cast %slice3A_1026 : vector<1x128x784xbf16> to vector<128x784xbf16>
    %convert_element_type3A_1028 = arith.extf %squeeze3A_1027 : vector<128x784xbf16> to vector<128x784xf32>
    %roll3A_1029 = arith.constant 0 : i32
    %roll3A_1030 = tpu.dynamic_rotate %convert_element_type3A_1028 by %roll3A_1029 dim 1 : vector<128x784xf32>, i32 -> vector<128x784xf32>
    %iota3A_1031 = tpu.iota {dimensions = array<i32: 1>} : vector<1x784xi32>
    %jit3A_1032 = arith.constant 28 : i32
    %div3A_1033 = vector.broadcast %jit3A_1032 : i32 to vector<1x784xi32>
    %div3A_1034 = arith.divsi %iota3A_1031, %div3A_1033 : vector<1x784xi32>
    %sign3A_1035 = arith.constant 0 : i32
    %sign3A_1036 = vector.broadcast %sign3A_1035 : i32 to vector<1x784xi32>
    %sign3A_1037 = arith.cmpi sgt, %iota3A_1031, %sign3A_1036 : vector<1x784xi32>
    %sign3A_1038 = arith.extui %sign3A_1037 : vector<1x784xi1> to vector<1x784xi32>
    %sign3A_1039 = arith.constant 0 : i32
    %sign3A_1040 = vector.broadcast %sign3A_1039 : i32 to vector<1x784xi32>
    %sign3A_1041 = arith.cmpi slt, %iota3A_1031, %sign3A_1040 : vector<1x784xi32>
    %sign3A_1042 = arith.extui %sign3A_1041 : vector<1x784xi1> to vector<1x784xi32>
    %sign3A_1043 = arith.subi %sign3A_1038, %sign3A_1042 : vector<1x784xi32>
    %sign3A_1044 = arith.constant 0 : i32
    %sign3A_1045 = arith.cmpi sgt, %jit3A_1032, %sign3A_1044 : i32
    %sign3A_1046 = arith.extui %sign3A_1045 : i1 to i32
    %sign3A_1047 = arith.constant 0 : i32
    %sign3A_1048 = arith.cmpi slt, %jit3A_1032, %sign3A_1047 : i32
    %sign3A_1049 = arith.extui %sign3A_1048 : i1 to i32
    %sign3A_1050 = arith.subi %sign3A_1046, %sign3A_1049 : i32
    %ne3A_1051 = vector.broadcast %sign3A_1050 : i32 to vector<1x784xi32>
    %ne3A_1052 = arith.cmpi ne, %sign3A_1043, %ne3A_1051 : vector<1x784xi32>
    %rem3A_1053 = vector.broadcast %jit3A_1032 : i32 to vector<1x784xi32>
    %rem3A_1054 = arith.remsi %iota3A_1031, %rem3A_1053 : vector<1x784xi32>
    %ne3A_1055 = arith.constant 0 : i32
    %ne3A_1056 = vector.broadcast %ne3A_1055 : i32 to vector<1x784xi32>
    %ne3A_1057 = arith.cmpi ne, %rem3A_1054, %ne3A_1056 : vector<1x784xi32>
    %and3A_1058 = arith.andi %ne3A_1052, %ne3A_1057 : vector<1x784xi1>
    %sub3A_1059 = arith.constant 1 : i32
    %sub3A_1060 = vector.broadcast %sub3A_1059 : i32 to vector<1x784xi32>
    %sub3A_1061 = arith.subi %div3A_1034, %sub3A_1060 : vector<1x784xi32>
    %select_n3A_1062 = arith.select %and3A_1058, %sub3A_1061, %div3A_1034 : vector<1x784xi1>, vector<1x784xi32>
    %mul3A_1063 = arith.constant 28 : i32
    %mul3A_1064 = vector.broadcast %mul3A_1063 : i32 to vector<1x784xi32>
    %mul3A_1065 = arith.muli %select_n3A_1062, %mul3A_1064 : vector<1x784xi32>
    %sub3A_1066 = arith.subi %iota3A_1031, %mul3A_1065 : vector<1x784xi32>
    %add3A_1067 = arith.constant 0 : i32
    %add3A_1068 = vector.broadcast %add3A_1067 : i32 to vector<1x784xi32>
    %add3A_1069 = arith.addi %iota3A_1031, %add3A_1068 : vector<1x784xi32>
    %ge3A_1070 = arith.constant 0 : i32
    %ge3A_1071 = vector.broadcast %ge3A_1070 : i32 to vector<1x784xi32>
    %ge3A_1072 = arith.cmpi sge, %add3A_1069, %ge3A_1071 : vector<1x784xi32>
    %lt3A_1073 = arith.constant 784 : i32
    %lt3A_1074 = vector.broadcast %lt3A_1073 : i32 to vector<1x784xi32>
    %lt3A_1075 = arith.cmpi slt, %add3A_1069, %lt3A_1074 : vector<1x784xi32>
    %and3A_1076 = arith.andi %ge3A_1072, %lt3A_1075 : vector<1x784xi1>
    %add3A_1077 = arith.constant 0 : i32
    %add3A_1078 = vector.broadcast %add3A_1077 : i32 to vector<1x784xi32>
    %add3A_1079 = arith.addi %sub3A_1066, %add3A_1078 : vector<1x784xi32>
    %ge3A_1080 = arith.constant 0 : i32
    %ge3A_1081 = vector.broadcast %ge3A_1080 : i32 to vector<1x784xi32>
    %ge3A_1082 = arith.cmpi sge, %add3A_1079, %ge3A_1081 : vector<1x784xi32>
    %add3A_1083 = arith.constant 0 : i32
    %add3A_1084 = vector.broadcast %add3A_1083 : i32 to vector<1x784xi32>
    %add3A_1085 = arith.addi %sub3A_1066, %add3A_1084 : vector<1x784xi32>
    %lt3A_1086 = arith.constant 28 : i32
    %lt3A_1087 = vector.broadcast %lt3A_1086 : i32 to vector<1x784xi32>
    %lt3A_1088 = arith.cmpi slt, %add3A_1085, %lt3A_1087 : vector<1x784xi32>
    %and3A_1089 = arith.andi %ge3A_1082, %lt3A_1088 : vector<1x784xi1>
    %and3A_1090 = arith.andi %and3A_1076, %and3A_1089 : vector<1x784xi1>
    %jit3A_1091 = arith.constant 0.000000e+00 : f32
    %broadcast_in_dim3A_1092 = vector.shape_cast %and3A_1090 : vector<1x784xi1> to vector<1x784xi1>
    %broadcast_in_dim3A_1093 = vector.broadcast %broadcast_in_dim3A_1092 : vector<1x784xi1> to vector<128x784xi1>
    %broadcast_in_dim3A_1094 = vector.broadcast %jit3A_1091 : f32 to vector<128x784xf32>
    %select_n3A_1095 = arith.select %broadcast_in_dim3A_1093, %roll3A_1030, %broadcast_in_dim3A_1094 : vector<128x784xi1>, vector<128x784xf32>
    %get3A_1096 = arith.constant 4 : index
    %get3A_1097 = arith.constant 0 : index
    %get3A_1098 = arith.constant 0 : index
    %get3A_1099 = vector.load %arg3[%get3A_1096, %get3A_1097, %get3A_1098] : memref<9x128x1xf32, #tpu.memory_space<vmem>>, vector<1x128x1xf32>
    %get3A_1100 = vector.shape_cast %get3A_1099 : vector<1x128x1xf32> to vector<128x1xf32>
    %mul3A_1101 = vector.broadcast %get3A_1100 : vector<128x1xf32> to vector<128x784xf32>
    %mul3A_1102 = arith.mulf %mul3A_1101, %select_n3A_1095 : vector<128x784xf32>
    %add3A_1103 = arith.addf %add3A_1025, %mul3A_1102 : vector<128x784xf32>
    %slice3A_1104 = vector.extract_strided_slice %get3A_4 {offsets = [0, 0, 0], sizes = [1, 128, 784], strides = [1, 1, 1]} : vector<4x128x784xbf16> to vector<1x128x784xbf16>
    %squeeze3A_1105 = vector.shape_cast %slice3A_1104 : vector<1x128x784xbf16> to vector<128x784xbf16>
    %convert_element_type3A_1106 = arith.extf %squeeze3A_1105 : vector<128x784xbf16> to vector<128x784xf32>
    %roll3A_1107 = arith.constant 783 : i32
    %roll3A_1108 = tpu.dynamic_rotate %convert_element_type3A_1106 by %roll3A_1107 dim 1 : vector<128x784xf32>, i32 -> vector<128x784xf32>
    %iota3A_1109 = tpu.iota {dimensions = array<i32: 1>} : vector<1x784xi32>
    %jit3A_1110 = arith.constant 28 : i32
    %div3A_1111 = vector.broadcast %jit3A_1110 : i32 to vector<1x784xi32>
    %div3A_1112 = arith.divsi %iota3A_1109, %div3A_1111 : vector<1x784xi32>
    %sign3A_1113 = arith.constant 0 : i32
    %sign3A_1114 = vector.broadcast %sign3A_1113 : i32 to vector<1x784xi32>
    %sign3A_1115 = arith.cmpi sgt, %iota3A_1109, %sign3A_1114 : vector<1x784xi32>
    %sign3A_1116 = arith.extui %sign3A_1115 : vector<1x784xi1> to vector<1x784xi32>
    %sign3A_1117 = arith.constant 0 : i32
    %sign3A_1118 = vector.broadcast %sign3A_1117 : i32 to vector<1x784xi32>
    %sign3A_1119 = arith.cmpi slt, %iota3A_1109, %sign3A_1118 : vector<1x784xi32>
    %sign3A_1120 = arith.extui %sign3A_1119 : vector<1x784xi1> to vector<1x784xi32>
    %sign3A_1121 = arith.subi %sign3A_1116, %sign3A_1120 : vector<1x784xi32>
    %sign3A_1122 = arith.constant 0 : i32
    %sign3A_1123 = arith.cmpi sgt, %jit3A_1110, %sign3A_1122 : i32
    %sign3A_1124 = arith.extui %sign3A_1123 : i1 to i32
    %sign3A_1125 = arith.constant 0 : i32
    %sign3A_1126 = arith.cmpi slt, %jit3A_1110, %sign3A_1125 : i32
    %sign3A_1127 = arith.extui %sign3A_1126 : i1 to i32
    %sign3A_1128 = arith.subi %sign3A_1124, %sign3A_1127 : i32
    %ne3A_1129 = vector.broadcast %sign3A_1128 : i32 to vector<1x784xi32>
    %ne3A_1130 = arith.cmpi ne, %sign3A_1121, %ne3A_1129 : vector<1x784xi32>
    %rem3A_1131 = vector.broadcast %jit3A_1110 : i32 to vector<1x784xi32>
    %rem3A_1132 = arith.remsi %iota3A_1109, %rem3A_1131 : vector<1x784xi32>
    %ne3A_1133 = arith.constant 0 : i32
    %ne3A_1134 = vector.broadcast %ne3A_1133 : i32 to vector<1x784xi32>
    %ne3A_1135 = arith.cmpi ne, %rem3A_1132, %ne3A_1134 : vector<1x784xi32>
    %and3A_1136 = arith.andi %ne3A_1130, %ne3A_1135 : vector<1x784xi1>
    %sub3A_1137 = arith.constant 1 : i32
    %sub3A_1138 = vector.broadcast %sub3A_1137 : i32 to vector<1x784xi32>
    %sub3A_1139 = arith.subi %div3A_1112, %sub3A_1138 : vector<1x784xi32>
    %select_n3A_1140 = arith.select %and3A_1136, %sub3A_1139, %div3A_1112 : vector<1x784xi1>, vector<1x784xi32>
    %mul3A_1141 = arith.constant 28 : i32
    %mul3A_1142 = vector.broadcast %mul3A_1141 : i32 to vector<1x784xi32>
    %mul3A_1143 = arith.muli %select_n3A_1140, %mul3A_1142 : vector<1x784xi32>
    %sub3A_1144 = arith.subi %iota3A_1109, %mul3A_1143 : vector<1x784xi32>
    %add3A_1145 = arith.constant 1 : i32
    %add3A_1146 = vector.broadcast %add3A_1145 : i32 to vector<1x784xi32>
    %add3A_1147 = arith.addi %iota3A_1109, %add3A_1146 : vector<1x784xi32>
    %ge3A_1148 = arith.constant 0 : i32
    %ge3A_1149 = vector.broadcast %ge3A_1148 : i32 to vector<1x784xi32>
    %ge3A_1150 = arith.cmpi sge, %add3A_1147, %ge3A_1149 : vector<1x784xi32>
    %lt3A_1151 = arith.constant 784 : i32
    %lt3A_1152 = vector.broadcast %lt3A_1151 : i32 to vector<1x784xi32>
    %lt3A_1153 = arith.cmpi slt, %add3A_1147, %lt3A_1152 : vector<1x784xi32>
    %and3A_1154 = arith.andi %ge3A_1150, %lt3A_1153 : vector<1x784xi1>
    %add3A_1155 = arith.constant 1 : i32
    %add3A_1156 = vector.broadcast %add3A_1155 : i32 to vector<1x784xi32>
    %add3A_1157 = arith.addi %sub3A_1144, %add3A_1156 : vector<1x784xi32>
    %ge3A_1158 = arith.constant 0 : i32
    %ge3A_1159 = vector.broadcast %ge3A_1158 : i32 to vector<1x784xi32>
    %ge3A_1160 = arith.cmpi sge, %add3A_1157, %ge3A_1159 : vector<1x784xi32>
    %add3A_1161 = arith.constant 1 : i32
    %add3A_1162 = vector.broadcast %add3A_1161 : i32 to vector<1x784xi32>
    %add3A_1163 = arith.addi %sub3A_1144, %add3A_1162 : vector<1x784xi32>
    %lt3A_1164 = arith.constant 28 : i32
    %lt3A_1165 = vector.broadcast %lt3A_1164 : i32 to vector<1x784xi32>
    %lt3A_1166 = arith.cmpi slt, %add3A_1163, %lt3A_1165 : vector<1x784xi32>
    %and3A_1167 = arith.andi %ge3A_1160, %lt3A_1166 : vector<1x784xi1>
    %and3A_1168 = arith.andi %and3A_1154, %and3A_1167 : vector<1x784xi1>
    %jit3A_1169 = arith.constant 0.000000e+00 : f32
    %broadcast_in_dim3A_1170 = vector.shape_cast %and3A_1168 : vector<1x784xi1> to vector<1x784xi1>
    %broadcast_in_dim3A_1171 = vector.broadcast %broadcast_in_dim3A_1170 : vector<1x784xi1> to vector<128x784xi1>
    %broadcast_in_dim3A_1172 = vector.broadcast %jit3A_1169 : f32 to vector<128x784xf32>
    %select_n3A_1173 = arith.select %broadcast_in_dim3A_1171, %roll3A_1108, %broadcast_in_dim3A_1172 : vector<128x784xi1>, vector<128x784xf32>
    %get3A_1174 = arith.constant 5 : index
    %get3A_1175 = arith.constant 0 : index
    %get3A_1176 = arith.constant 0 : index
    %get3A_1177 = vector.load %arg3[%get3A_1174, %get3A_1175, %get3A_1176] : memref<9x128x1xf32, #tpu.memory_space<vmem>>, vector<1x128x1xf32>
    %get3A_1178 = vector.shape_cast %get3A_1177 : vector<1x128x1xf32> to vector<128x1xf32>
    %mul3A_1179 = vector.broadcast %get3A_1178 : vector<128x1xf32> to vector<128x784xf32>
    %mul3A_1180 = arith.mulf %mul3A_1179, %select_n3A_1173 : vector<128x784xf32>
    %add3A_1181 = arith.addf %add3A_1103, %mul3A_1180 : vector<128x784xf32>
    %slice3A_1182 = vector.extract_strided_slice %get3A_4 {offsets = [2, 0, 0], sizes = [1, 128, 784], strides = [1, 1, 1]} : vector<4x128x784xbf16> to vector<1x128x784xbf16>
    %squeeze3A_1183 = vector.shape_cast %slice3A_1182 : vector<1x128x784xbf16> to vector<128x784xbf16>
    %convert_element_type3A_1184 = arith.extf %squeeze3A_1183 : vector<128x784xbf16> to vector<128x784xf32>
    %roll3A_1185 = arith.constant 0 : i32
    %roll3A_1186 = tpu.dynamic_rotate %convert_element_type3A_1184 by %roll3A_1185 dim 1 : vector<128x784xf32>, i32 -> vector<128x784xf32>
    %iota3A_1187 = tpu.iota {dimensions = array<i32: 1>} : vector<1x784xi32>
    %jit3A_1188 = arith.constant 28 : i32
    %div3A_1189 = vector.broadcast %jit3A_1188 : i32 to vector<1x784xi32>
    %div3A_1190 = arith.divsi %iota3A_1187, %div3A_1189 : vector<1x784xi32>
    %sign3A_1191 = arith.constant 0 : i32
    %sign3A_1192 = vector.broadcast %sign3A_1191 : i32 to vector<1x784xi32>
    %sign3A_1193 = arith.cmpi sgt, %iota3A_1187, %sign3A_1192 : vector<1x784xi32>
    %sign3A_1194 = arith.extui %sign3A_1193 : vector<1x784xi1> to vector<1x784xi32>
    %sign3A_1195 = arith.constant 0 : i32
    %sign3A_1196 = vector.broadcast %sign3A_1195 : i32 to vector<1x784xi32>
    %sign3A_1197 = arith.cmpi slt, %iota3A_1187, %sign3A_1196 : vector<1x784xi32>
    %sign3A_1198 = arith.extui %sign3A_1197 : vector<1x784xi1> to vector<1x784xi32>
    %sign3A_1199 = arith.subi %sign3A_1194, %sign3A_1198 : vector<1x784xi32>
    %sign3A_1200 = arith.constant 0 : i32
    %sign3A_1201 = arith.cmpi sgt, %jit3A_1188, %sign3A_1200 : i32
    %sign3A_1202 = arith.extui %sign3A_1201 : i1 to i32
    %sign3A_1203 = arith.constant 0 : i32
    %sign3A_1204 = arith.cmpi slt, %jit3A_1188, %sign3A_1203 : i32
    %sign3A_1205 = arith.extui %sign3A_1204 : i1 to i32
    %sign3A_1206 = arith.subi %sign3A_1202, %sign3A_1205 : i32
    %ne3A_1207 = vector.broadcast %sign3A_1206 : i32 to vector<1x784xi32>
    %ne3A_1208 = arith.cmpi ne, %sign3A_1199, %ne3A_1207 : vector<1x784xi32>
    %rem3A_1209 = vector.broadcast %jit3A_1188 : i32 to vector<1x784xi32>
    %rem3A_1210 = arith.remsi %iota3A_1187, %rem3A_1209 : vector<1x784xi32>
    %ne3A_1211 = arith.constant 0 : i32
    %ne3A_1212 = vector.broadcast %ne3A_1211 : i32 to vector<1x784xi32>
    %ne3A_1213 = arith.cmpi ne, %rem3A_1210, %ne3A_1212 : vector<1x784xi32>
    %and3A_1214 = arith.andi %ne3A_1208, %ne3A_1213 : vector<1x784xi1>
    %sub3A_1215 = arith.constant 1 : i32
    %sub3A_1216 = vector.broadcast %sub3A_1215 : i32 to vector<1x784xi32>
    %sub3A_1217 = arith.subi %div3A_1190, %sub3A_1216 : vector<1x784xi32>
    %select_n3A_1218 = arith.select %and3A_1214, %sub3A_1217, %div3A_1190 : vector<1x784xi1>, vector<1x784xi32>
    %mul3A_1219 = arith.constant 28 : i32
    %mul3A_1220 = vector.broadcast %mul3A_1219 : i32 to vector<1x784xi32>
    %mul3A_1221 = arith.muli %select_n3A_1218, %mul3A_1220 : vector<1x784xi32>
    %sub3A_1222 = arith.subi %iota3A_1187, %mul3A_1221 : vector<1x784xi32>
    %add3A_1223 = arith.constant 0 : i32
    %add3A_1224 = vector.broadcast %add3A_1223 : i32 to vector<1x784xi32>
    %add3A_1225 = arith.addi %iota3A_1187, %add3A_1224 : vector<1x784xi32>
    %ge3A_1226 = arith.constant 0 : i32
    %ge3A_1227 = vector.broadcast %ge3A_1226 : i32 to vector<1x784xi32>
    %ge3A_1228 = arith.cmpi sge, %add3A_1225, %ge3A_1227 : vector<1x784xi32>
    %lt3A_1229 = arith.constant 784 : i32
    %lt3A_1230 = vector.broadcast %lt3A_1229 : i32 to vector<1x784xi32>
    %lt3A_1231 = arith.cmpi slt, %add3A_1225, %lt3A_1230 : vector<1x784xi32>
    %and3A_1232 = arith.andi %ge3A_1228, %lt3A_1231 : vector<1x784xi1>
    %add3A_1233 = arith.constant 0 : i32
    %add3A_1234 = vector.broadcast %add3A_1233 : i32 to vector<1x784xi32>
    %add3A_1235 = arith.addi %sub3A_1222, %add3A_1234 : vector<1x784xi32>
    %ge3A_1236 = arith.constant 0 : i32
    %ge3A_1237 = vector.broadcast %ge3A_1236 : i32 to vector<1x784xi32>
    %ge3A_1238 = arith.cmpi sge, %add3A_1235, %ge3A_1237 : vector<1x784xi32>
    %add3A_1239 = arith.constant 0 : i32
    %add3A_1240 = vector.broadcast %add3A_1239 : i32 to vector<1x784xi32>
    %add3A_1241 = arith.addi %sub3A_1222, %add3A_1240 : vector<1x784xi32>
    %lt3A_1242 = arith.constant 28 : i32
    %lt3A_1243 = vector.broadcast %lt3A_1242 : i32 to vector<1x784xi32>
    %lt3A_1244 = arith.cmpi slt, %add3A_1241, %lt3A_1243 : vector<1x784xi32>
    %and3A_1245 = arith.andi %ge3A_1238, %lt3A_1244 : vector<1x784xi1>
    %and3A_1246 = arith.andi %and3A_1232, %and3A_1245 : vector<1x784xi1>
    %jit3A_1247 = arith.constant 0.000000e+00 : f32
    %broadcast_in_dim3A_1248 = vector.shape_cast %and3A_1246 : vector<1x784xi1> to vector<1x784xi1>
    %broadcast_in_dim3A_1249 = vector.broadcast %broadcast_in_dim3A_1248 : vector<1x784xi1> to vector<128x784xi1>
    %broadcast_in_dim3A_1250 = vector.broadcast %jit3A_1247 : f32 to vector<128x784xf32>
    %select_n3A_1251 = arith.select %broadcast_in_dim3A_1249, %roll3A_1186, %broadcast_in_dim3A_1250 : vector<128x784xi1>, vector<128x784xf32>
    %get3A_1252 = arith.constant 6 : index
    %get3A_1253 = arith.constant 0 : index
    %get3A_1254 = arith.constant 0 : index
    %get3A_1255 = vector.load %arg3[%get3A_1252, %get3A_1253, %get3A_1254] : memref<9x128x1xf32, #tpu.memory_space<vmem>>, vector<1x128x1xf32>
    %get3A_1256 = vector.shape_cast %get3A_1255 : vector<1x128x1xf32> to vector<128x1xf32>
    %mul3A_1257 = vector.broadcast %get3A_1256 : vector<128x1xf32> to vector<128x784xf32>
    %mul3A_1258 = arith.mulf %mul3A_1257, %select_n3A_1251 : vector<128x784xf32>
    %add3A_1259 = arith.addf %add3A_1181, %mul3A_1258 : vector<128x784xf32>
    %slice3A_1260 = vector.extract_strided_slice %get3A_4 {offsets = [3, 0, 0], sizes = [1, 128, 784], strides = [1, 1, 1]} : vector<4x128x784xbf16> to vector<1x128x784xbf16>
    %squeeze3A_1261 = vector.shape_cast %slice3A_1260 : vector<1x128x784xbf16> to vector<128x784xbf16>
    %convert_element_type3A_1262 = arith.extf %squeeze3A_1261 : vector<128x784xbf16> to vector<128x784xf32>
    %roll3A_1263 = arith.constant 0 : i32
    %roll3A_1264 = tpu.dynamic_rotate %convert_element_type3A_1262 by %roll3A_1263 dim 1 : vector<128x784xf32>, i32 -> vector<128x784xf32>
    %iota3A_1265 = tpu.iota {dimensions = array<i32: 1>} : vector<1x784xi32>
    %jit3A_1266 = arith.constant 28 : i32
    %div3A_1267 = vector.broadcast %jit3A_1266 : i32 to vector<1x784xi32>
    %div3A_1268 = arith.divsi %iota3A_1265, %div3A_1267 : vector<1x784xi32>
    %sign3A_1269 = arith.constant 0 : i32
    %sign3A_1270 = vector.broadcast %sign3A_1269 : i32 to vector<1x784xi32>
    %sign3A_1271 = arith.cmpi sgt, %iota3A_1265, %sign3A_1270 : vector<1x784xi32>
    %sign3A_1272 = arith.extui %sign3A_1271 : vector<1x784xi1> to vector<1x784xi32>
    %sign3A_1273 = arith.constant 0 : i32
    %sign3A_1274 = vector.broadcast %sign3A_1273 : i32 to vector<1x784xi32>
    %sign3A_1275 = arith.cmpi slt, %iota3A_1265, %sign3A_1274 : vector<1x784xi32>
    %sign3A_1276 = arith.extui %sign3A_1275 : vector<1x784xi1> to vector<1x784xi32>
    %sign3A_1277 = arith.subi %sign3A_1272, %sign3A_1276 : vector<1x784xi32>
    %sign3A_1278 = arith.constant 0 : i32
    %sign3A_1279 = arith.cmpi sgt, %jit3A_1266, %sign3A_1278 : i32
    %sign3A_1280 = arith.extui %sign3A_1279 : i1 to i32
    %sign3A_1281 = arith.constant 0 : i32
    %sign3A_1282 = arith.cmpi slt, %jit3A_1266, %sign3A_1281 : i32
    %sign3A_1283 = arith.extui %sign3A_1282 : i1 to i32
    %sign3A_1284 = arith.subi %sign3A_1280, %sign3A_1283 : i32
    %ne3A_1285 = vector.broadcast %sign3A_1284 : i32 to vector<1x784xi32>
    %ne3A_1286 = arith.cmpi ne, %sign3A_1277, %ne3A_1285 : vector<1x784xi32>
    %rem3A_1287 = vector.broadcast %jit3A_1266 : i32 to vector<1x784xi32>
    %rem3A_1288 = arith.remsi %iota3A_1265, %rem3A_1287 : vector<1x784xi32>
    %ne3A_1289 = arith.constant 0 : i32
    %ne3A_1290 = vector.broadcast %ne3A_1289 : i32 to vector<1x784xi32>
    %ne3A_1291 = arith.cmpi ne, %rem3A_1288, %ne3A_1290 : vector<1x784xi32>
    %and3A_1292 = arith.andi %ne3A_1286, %ne3A_1291 : vector<1x784xi1>
    %sub3A_1293 = arith.constant 1 : i32
    %sub3A_1294 = vector.broadcast %sub3A_1293 : i32 to vector<1x784xi32>
    %sub3A_1295 = arith.subi %div3A_1268, %sub3A_1294 : vector<1x784xi32>
    %select_n3A_1296 = arith.select %and3A_1292, %sub3A_1295, %div3A_1268 : vector<1x784xi1>, vector<1x784xi32>
    %mul3A_1297 = arith.constant 28 : i32
    %mul3A_1298 = vector.broadcast %mul3A_1297 : i32 to vector<1x784xi32>
    %mul3A_1299 = arith.muli %select_n3A_1296, %mul3A_1298 : vector<1x784xi32>
    %sub3A_1300 = arith.subi %iota3A_1265, %mul3A_1299 : vector<1x784xi32>
    %add3A_1301 = arith.constant 0 : i32
    %add3A_1302 = vector.broadcast %add3A_1301 : i32 to vector<1x784xi32>
    %add3A_1303 = arith.addi %iota3A_1265, %add3A_1302 : vector<1x784xi32>
    %ge3A_1304 = arith.constant 0 : i32
    %ge3A_1305 = vector.broadcast %ge3A_1304 : i32 to vector<1x784xi32>
    %ge3A_1306 = arith.cmpi sge, %add3A_1303, %ge3A_1305 : vector<1x784xi32>
    %lt3A_1307 = arith.constant 784 : i32
    %lt3A_1308 = vector.broadcast %lt3A_1307 : i32 to vector<1x784xi32>
    %lt3A_1309 = arith.cmpi slt, %add3A_1303, %lt3A_1308 : vector<1x784xi32>
    %and3A_1310 = arith.andi %ge3A_1306, %lt3A_1309 : vector<1x784xi1>
    %add3A_1311 = arith.constant 0 : i32
    %add3A_1312 = vector.broadcast %add3A_1311 : i32 to vector<1x784xi32>
    %add3A_1313 = arith.addi %sub3A_1300, %add3A_1312 : vector<1x784xi32>
    %ge3A_1314 = arith.constant 0 : i32
    %ge3A_1315 = vector.broadcast %ge3A_1314 : i32 to vector<1x784xi32>
    %ge3A_1316 = arith.cmpi sge, %add3A_1313, %ge3A_1315 : vector<1x784xi32>
    %add3A_1317 = arith.constant 0 : i32
    %add3A_1318 = vector.broadcast %add3A_1317 : i32 to vector<1x784xi32>
    %add3A_1319 = arith.addi %sub3A_1300, %add3A_1318 : vector<1x784xi32>
    %lt3A_1320 = arith.constant 28 : i32
    %lt3A_1321 = vector.broadcast %lt3A_1320 : i32 to vector<1x784xi32>
    %lt3A_1322 = arith.cmpi slt, %add3A_1319, %lt3A_1321 : vector<1x784xi32>
    %and3A_1323 = arith.andi %ge3A_1316, %lt3A_1322 : vector<1x784xi1>
    %and3A_1324 = arith.andi %and3A_1310, %and3A_1323 : vector<1x784xi1>
    %jit3A_1325 = arith.constant 0.000000e+00 : f32
    %broadcast_in_dim3A_1326 = vector.shape_cast %and3A_1324 : vector<1x784xi1> to vector<1x784xi1>
    %broadcast_in_dim3A_1327 = vector.broadcast %broadcast_in_dim3A_1326 : vector<1x784xi1> to vector<128x784xi1>
    %broadcast_in_dim3A_1328 = vector.broadcast %jit3A_1325 : f32 to vector<128x784xf32>
    %select_n3A_1329 = arith.select %broadcast_in_dim3A_1327, %roll3A_1264, %broadcast_in_dim3A_1328 : vector<128x784xi1>, vector<128x784xf32>
    %get3A_1330 = arith.constant 7 : index
    %get3A_1331 = arith.constant 0 : index
    %get3A_1332 = arith.constant 0 : index
    %get3A_1333 = vector.load %arg3[%get3A_1330, %get3A_1331, %get3A_1332] : memref<9x128x1xf32, #tpu.memory_space<vmem>>, vector<1x128x1xf32>
    %get3A_1334 = vector.shape_cast %get3A_1333 : vector<1x128x1xf32> to vector<128x1xf32>
    %mul3A_1335 = vector.broadcast %get3A_1334 : vector<128x1xf32> to vector<128x784xf32>
    %mul3A_1336 = arith.mulf %mul3A_1335, %select_n3A_1329 : vector<128x784xf32>
    %add3A_1337 = arith.addf %add3A_1259, %mul3A_1336 : vector<128x784xf32>
    %slice3A_1338 = vector.extract_strided_slice %get3A_4 {offsets = [2, 0, 0], sizes = [1, 128, 784], strides = [1, 1, 1]} : vector<4x128x784xbf16> to vector<1x128x784xbf16>
    %squeeze3A_1339 = vector.shape_cast %slice3A_1338 : vector<1x128x784xbf16> to vector<128x784xbf16>
    %convert_element_type3A_1340 = arith.extf %squeeze3A_1339 : vector<128x784xbf16> to vector<128x784xf32>
    %roll3A_1341 = arith.constant 783 : i32
    %roll3A_1342 = tpu.dynamic_rotate %convert_element_type3A_1340 by %roll3A_1341 dim 1 : vector<128x784xf32>, i32 -> vector<128x784xf32>
    %iota3A_1343 = tpu.iota {dimensions = array<i32: 1>} : vector<1x784xi32>
    %jit3A_1344 = arith.constant 28 : i32
    %div3A_1345 = vector.broadcast %jit3A_1344 : i32 to vector<1x784xi32>
    %div3A_1346 = arith.divsi %iota3A_1343, %div3A_1345 : vector<1x784xi32>
    %sign3A_1347 = arith.constant 0 : i32
    %sign3A_1348 = vector.broadcast %sign3A_1347 : i32 to vector<1x784xi32>
    %sign3A_1349 = arith.cmpi sgt, %iota3A_1343, %sign3A_1348 : vector<1x784xi32>
    %sign3A_1350 = arith.extui %sign3A_1349 : vector<1x784xi1> to vector<1x784xi32>
    %sign3A_1351 = arith.constant 0 : i32
    %sign3A_1352 = vector.broadcast %sign3A_1351 : i32 to vector<1x784xi32>
    %sign3A_1353 = arith.cmpi slt, %iota3A_1343, %sign3A_1352 : vector<1x784xi32>
    %sign3A_1354 = arith.extui %sign3A_1353 : vector<1x784xi1> to vector<1x784xi32>
    %sign3A_1355 = arith.subi %sign3A_1350, %sign3A_1354 : vector<1x784xi32>
    %sign3A_1356 = arith.constant 0 : i32
    %sign3A_1357 = arith.cmpi sgt, %jit3A_1344, %sign3A_1356 : i32
    %sign3A_1358 = arith.extui %sign3A_1357 : i1 to i32
    %sign3A_1359 = arith.constant 0 : i32
    %sign3A_1360 = arith.cmpi slt, %jit3A_1344, %sign3A_1359 : i32
    %sign3A_1361 = arith.extui %sign3A_1360 : i1 to i32
    %sign3A_1362 = arith.subi %sign3A_1358, %sign3A_1361 : i32
    %ne3A_1363 = vector.broadcast %sign3A_1362 : i32 to vector<1x784xi32>
    %ne3A_1364 = arith.cmpi ne, %sign3A_1355, %ne3A_1363 : vector<1x784xi32>
    %rem3A_1365 = vector.broadcast %jit3A_1344 : i32 to vector<1x784xi32>
    %rem3A_1366 = arith.remsi %iota3A_1343, %rem3A_1365 : vector<1x784xi32>
    %ne3A_1367 = arith.constant 0 : i32
    %ne3A_1368 = vector.broadcast %ne3A_1367 : i32 to vector<1x784xi32>
    %ne3A_1369 = arith.cmpi ne, %rem3A_1366, %ne3A_1368 : vector<1x784xi32>
    %and3A_1370 = arith.andi %ne3A_1364, %ne3A_1369 : vector<1x784xi1>
    %sub3A_1371 = arith.constant 1 : i32
    %sub3A_1372 = vector.broadcast %sub3A_1371 : i32 to vector<1x784xi32>
    %sub3A_1373 = arith.subi %div3A_1346, %sub3A_1372 : vector<1x784xi32>
    %select_n3A_1374 = arith.select %and3A_1370, %sub3A_1373, %div3A_1346 : vector<1x784xi1>, vector<1x784xi32>
    %mul3A_1375 = arith.constant 28 : i32
    %mul3A_1376 = vector.broadcast %mul3A_1375 : i32 to vector<1x784xi32>
    %mul3A_1377 = arith.muli %select_n3A_1374, %mul3A_1376 : vector<1x784xi32>
    %sub3A_1378 = arith.subi %iota3A_1343, %mul3A_1377 : vector<1x784xi32>
    %add3A_1379 = arith.constant 1 : i32
    %add3A_1380 = vector.broadcast %add3A_1379 : i32 to vector<1x784xi32>
    %add3A_1381 = arith.addi %iota3A_1343, %add3A_1380 : vector<1x784xi32>
    %ge3A_1382 = arith.constant 0 : i32
    %ge3A_1383 = vector.broadcast %ge3A_1382 : i32 to vector<1x784xi32>
    %ge3A_1384 = arith.cmpi sge, %add3A_1381, %ge3A_1383 : vector<1x784xi32>
    %lt3A_1385 = arith.constant 784 : i32
    %lt3A_1386 = vector.broadcast %lt3A_1385 : i32 to vector<1x784xi32>
    %lt3A_1387 = arith.cmpi slt, %add3A_1381, %lt3A_1386 : vector<1x784xi32>
    %and3A_1388 = arith.andi %ge3A_1384, %lt3A_1387 : vector<1x784xi1>
    %add3A_1389 = arith.constant 1 : i32
    %add3A_1390 = vector.broadcast %add3A_1389 : i32 to vector<1x784xi32>
    %add3A_1391 = arith.addi %sub3A_1378, %add3A_1390 : vector<1x784xi32>
    %ge3A_1392 = arith.constant 0 : i32
    %ge3A_1393 = vector.broadcast %ge3A_1392 : i32 to vector<1x784xi32>
    %ge3A_1394 = arith.cmpi sge, %add3A_1391, %ge3A_1393 : vector<1x784xi32>
    %add3A_1395 = arith.constant 1 : i32
    %add3A_1396 = vector.broadcast %add3A_1395 : i32 to vector<1x784xi32>
    %add3A_1397 = arith.addi %sub3A_1378, %add3A_1396 : vector<1x784xi32>
    %lt3A_1398 = arith.constant 28 : i32
    %lt3A_1399 = vector.broadcast %lt3A_1398 : i32 to vector<1x784xi32>
    %lt3A_1400 = arith.cmpi slt, %add3A_1397, %lt3A_1399 : vector<1x784xi32>
    %and3A_1401 = arith.andi %ge3A_1394, %lt3A_1400 : vector<1x784xi1>
    %and3A_1402 = arith.andi %and3A_1388, %and3A_1401 : vector<1x784xi1>
    %jit3A_1403 = arith.constant 0.000000e+00 : f32
    %broadcast_in_dim3A_1404 = vector.shape_cast %and3A_1402 : vector<1x784xi1> to vector<1x784xi1>
    %broadcast_in_dim3A_1405 = vector.broadcast %broadcast_in_dim3A_1404 : vector<1x784xi1> to vector<128x784xi1>
    %broadcast_in_dim3A_1406 = vector.broadcast %jit3A_1403 : f32 to vector<128x784xf32>
    %select_n3A_1407 = arith.select %broadcast_in_dim3A_1405, %roll3A_1342, %broadcast_in_dim3A_1406 : vector<128x784xi1>, vector<128x784xf32>
    %get3A_1408 = arith.constant 8 : index
    %get3A_1409 = arith.constant 0 : index
    %get3A_1410 = arith.constant 0 : index
    %get3A_1411 = vector.load %arg3[%get3A_1408, %get3A_1409, %get3A_1410] : memref<9x128x1xf32, #tpu.memory_space<vmem>>, vector<1x128x1xf32>
    %get3A_1412 = vector.shape_cast %get3A_1411 : vector<1x128x1xf32> to vector<128x1xf32>
    %mul3A_1413 = vector.broadcast %get3A_1412 : vector<128x1xf32> to vector<128x784xf32>
    %mul3A_1414 = arith.mulf %mul3A_1413, %select_n3A_1407 : vector<128x784xf32>
    %add3A_1415 = arith.addf %add3A_1337, %mul3A_1414 : vector<128x784xf32>
    %get3A_1416 = arith.constant 0 : index
    %get3A_1417 = arith.constant 0 : index
    %get3A_1418 = vector.load %arg4[%get3A_1416, %get3A_1417] : memref<128x1xf32, #tpu.memory_space<vmem>>, vector<128x1xf32>
    %mul3A_1419 = vector.broadcast %get3A_1418 : vector<128x1xf32> to vector<128x784xf32>
    %mul3A_1420 = arith.mulf %add3A_1415, %mul3A_1419 : vector<128x784xf32>
    %get3A_1421 = arith.constant 0 : index
    %get3A_1422 = arith.constant 0 : index
    %get3A_1423 = vector.load %arg5[%get3A_1421, %get3A_1422] : memref<128x1xf32, #tpu.memory_space<vmem>>, vector<128x1xf32>
    %add3A_1424 = vector.broadcast %get3A_1423 : vector<128x1xf32> to vector<128x784xf32>
    %add3A_1425 = arith.addf %mul3A_1420, %add3A_1424 : vector<128x784xf32>
    %jit3A_1426 = arith.constant 0.000000e+00 : f32
    %jit3A_1427 = arith.constant 6.000000e+00 : f32
    %max3A_1428 = vector.broadcast %jit3A_1426 : f32 to vector<128x784xf32>
    %max3A_1429 = arith.maximumf %max3A_1428, %add3A_1425 : vector<128x784xf32>
    %min3A_1430 = vector.broadcast %jit3A_1427 : f32 to vector<128x784xf32>
    %min3A_1431 = arith.minimumf %min3A_1430, %max3A_1429 : vector<128x784xf32>
    %convert_element_type3A_1432 = arith.truncf %min3A_1431 : vector<128x784xf32> to vector<128x784xbf16>
    %swap3A_1433 = arith.constant 0 : index
    %swap3A_1434 = arith.constant 1 : index
    %swap3A_1435 = arith.constant 0 : index
    %swap3A_1436 = arith.constant 0 : index
    %swap3A_1437 = vector.load %arg6[%swap3A_1433, %swap3A_1434, %swap3A_1435, %swap3A_1436] : memref<1x4x128x784xbf16, #tpu.memory_space<vmem>>, vector<1x1x128x784xbf16>
    %swap3A_1438 = vector.shape_cast %swap3A_1437 : vector<1x1x128x784xbf16> to vector<128x784xbf16>
    %swap3A_1439 = vector.shape_cast %convert_element_type3A_1432 : vector<128x784xbf16> to vector<1x1x128x784xbf16>
    tpu.vector_store %arg6[%swap3A_1433, %swap3A_1434, %swap3A_1435, %swap3A_1436], %swap3A_1439 {strides = array<i32>} : memref<1x4x128x784xbf16, #tpu.memory_space<vmem>>, vector<1x1x128x784xbf16>,
    %broadcast_in_dim3A_1440 = arith.constant 0.000000e+00 : f32
    %broadcast_in_dim3A_1441 = vector.broadcast %broadcast_in_dim3A_1440 : f32 to vector<128x784xf32>
    %slice3A_1442 = vector.extract_strided_slice %get3A_4 {offsets = [1, 0, 0], sizes = [1, 128, 784], strides = [1, 1, 1]} : vector<4x128x784xbf16> to vector<1x128x784xbf16>
    %squeeze3A_1443 = vector.shape_cast %slice3A_1442 : vector<1x128x784xbf16> to vector<128x784xbf16>
    %convert_element_type3A_1444 = arith.extf %squeeze3A_1443 : vector<128x784xbf16> to vector<128x784xf32>
    %roll3A_1445 = arith.constant 1 : i32
    %roll3A_1446 = tpu.dynamic_rotate %convert_element_type3A_1444 by %roll3A_1445 dim 1 : vector<128x784xf32>, i32 -> vector<128x784xf32>
    %iota3A_1447 = tpu.iota {dimensions = array<i32: 1>} : vector<1x784xi32>
    %jit3A_1448 = arith.constant 28 : i32
    %div3A_1449 = vector.broadcast %jit3A_1448 : i32 to vector<1x784xi32>
    %div3A_1450 = arith.divsi %iota3A_1447, %div3A_1449 : vector<1x784xi32>
    %sign3A_1451 = arith.constant 0 : i32
    %sign3A_1452 = vector.broadcast %sign3A_1451 : i32 to vector<1x784xi32>
    %sign3A_1453 = arith.cmpi sgt, %iota3A_1447, %sign3A_1452 : vector<1x784xi32>
    %sign3A_1454 = arith.extui %sign3A_1453 : vector<1x784xi1> to vector<1x784xi32>
    %sign3A_1455 = arith.constant 0 : i32
    %sign3A_1456 = vector.broadcast %sign3A_1455 : i32 to vector<1x784xi32>
    %sign3A_1457 = arith.cmpi slt, %iota3A_1447, %sign3A_1456 : vector<1x784xi32>
    %sign3A_1458 = arith.extui %sign3A_1457 : vector<1x784xi1> to vector<1x784xi32>
    %sign3A_1459 = arith.subi %sign3A_1454, %sign3A_1458 : vector<1x784xi32>
    %sign3A_1460 = arith.constant 0 : i32
    %sign3A_1461 = arith.cmpi sgt, %jit3A_1448, %sign3A_1460 : i32
    %sign3A_1462 = arith.extui %sign3A_1461 : i1 to i32
    %sign3A_1463 = arith.constant 0 : i32
    %sign3A_1464 = arith.cmpi slt, %jit3A_1448, %sign3A_1463 : i32
    %sign3A_1465 = arith.extui %sign3A_1464 : i1 to i32
    %sign3A_1466 = arith.subi %sign3A_1462, %sign3A_1465 : i32
    %ne3A_1467 = vector.broadcast %sign3A_1466 : i32 to vector<1x784xi32>
    %ne3A_1468 = arith.cmpi ne, %sign3A_1459, %ne3A_1467 : vector<1x784xi32>
    %rem3A_1469 = vector.broadcast %jit3A_1448 : i32 to vector<1x784xi32>
    %rem3A_1470 = arith.remsi %iota3A_1447, %rem3A_1469 : vector<1x784xi32>
    %ne3A_1471 = arith.constant 0 : i32
    %ne3A_1472 = vector.broadcast %ne3A_1471 : i32 to vector<1x784xi32>
    %ne3A_1473 = arith.cmpi ne, %rem3A_1470, %ne3A_1472 : vector<1x784xi32>
    %and3A_1474 = arith.andi %ne3A_1468, %ne3A_1473 : vector<1x784xi1>
    %sub3A_1475 = arith.constant 1 : i32
    %sub3A_1476 = vector.broadcast %sub3A_1475 : i32 to vector<1x784xi32>
    %sub3A_1477 = arith.subi %div3A_1450, %sub3A_1476 : vector<1x784xi32>
    %select_n3A_1478 = arith.select %and3A_1474, %sub3A_1477, %div3A_1450 : vector<1x784xi1>, vector<1x784xi32>
    %mul3A_1479 = arith.constant 28 : i32
    %mul3A_1480 = vector.broadcast %mul3A_1479 : i32 to vector<1x784xi32>
    %mul3A_1481 = arith.muli %select_n3A_1478, %mul3A_1480 : vector<1x784xi32>
    %sub3A_1482 = arith.subi %iota3A_1447, %mul3A_1481 : vector<1x784xi32>
    %add3A_1483 = arith.constant -1 : i32
    %add3A_1484 = vector.broadcast %add3A_1483 : i32 to vector<1x784xi32>
    %add3A_1485 = arith.addi %iota3A_1447, %add3A_1484 : vector<1x784xi32>
    %ge3A_1486 = arith.constant 0 : i32
    %ge3A_1487 = vector.broadcast %ge3A_1486 : i32 to vector<1x784xi32>
    %ge3A_1488 = arith.cmpi sge, %add3A_1485, %ge3A_1487 : vector<1x784xi32>
    %lt3A_1489 = arith.constant 784 : i32
    %lt3A_1490 = vector.broadcast %lt3A_1489 : i32 to vector<1x784xi32>
    %lt3A_1491 = arith.cmpi slt, %add3A_1485, %lt3A_1490 : vector<1x784xi32>
    %and3A_1492 = arith.andi %ge3A_1488, %lt3A_1491 : vector<1x784xi1>
    %add3A_1493 = arith.constant -1 : i32
    %add3A_1494 = vector.broadcast %add3A_1493 : i32 to vector<1x784xi32>
    %add3A_1495 = arith.addi %sub3A_1482, %add3A_1494 : vector<1x784xi32>
    %ge3A_1496 = arith.constant 0 : i32
    %ge3A_1497 = vector.broadcast %ge3A_1496 : i32 to vector<1x784xi32>
    %ge3A_1498 = arith.cmpi sge, %add3A_1495, %ge3A_1497 : vector<1x784xi32>
    %add3A_1499 = arith.constant -1 : i32
    %add3A_1500 = vector.broadcast %add3A_1499 : i32 to vector<1x784xi32>
    %add3A_1501 = arith.addi %sub3A_1482, %add3A_1500 : vector<1x784xi32>
    %lt3A_1502 = arith.constant 28 : i32
    %lt3A_1503 = vector.broadcast %lt3A_1502 : i32 to vector<1x784xi32>
    %lt3A_1504 = arith.cmpi slt, %add3A_1501, %lt3A_1503 : vector<1x784xi32>
    %and3A_1505 = arith.andi %ge3A_1498, %lt3A_1504 : vector<1x784xi1>
    %and3A_1506 = arith.andi %and3A_1492, %and3A_1505 : vector<1x784xi1>
    %jit3A_1507 = arith.constant 0.000000e+00 : f32
    %broadcast_in_dim3A_1508 = vector.shape_cast %and3A_1506 : vector<1x784xi1> to vector<1x784xi1>
    %broadcast_in_dim3A_1509 = vector.broadcast %broadcast_in_dim3A_1508 : vector<1x784xi1> to vector<128x784xi1>
    %broadcast_in_dim3A_1510 = vector.broadcast %jit3A_1507 : f32 to vector<128x784xf32>
    %select_n3A_1511 = arith.select %broadcast_in_dim3A_1509, %roll3A_1446, %broadcast_in_dim3A_1510 : vector<128x784xi1>, vector<128x784xf32>
    %get3A_1512 = arith.constant 0 : index
    %get3A_1513 = arith.constant 0 : index
    %get3A_1514 = arith.constant 0 : index
    %get3A_1515 = vector.load %arg3[%get3A_1512, %get3A_1513, %get3A_1514] : memref<9x128x1xf32, #tpu.memory_space<vmem>>, vector<1x128x1xf32>
    %get3A_1516 = vector.shape_cast %get3A_1515 : vector<1x128x1xf32> to vector<128x1xf32>
    %mul3A_1517 = vector.broadcast %get3A_1516 : vector<128x1xf32> to vector<128x784xf32>
    %mul3A_1518 = arith.mulf %mul3A_1517, %select_n3A_1511 : vector<128x784xf32>
    %add3A_1519 = arith.addf %broadcast_in_dim3A_1441, %mul3A_1518 : vector<128x784xf32>
    %slice3A_1520 = vector.extract_strided_slice %get3A_4 {offsets = [0, 0, 0], sizes = [1, 128, 784], strides = [1, 1, 1]} : vector<4x128x784xbf16> to vector<1x128x784xbf16>
    %squeeze3A_1521 = vector.shape_cast %slice3A_1520 : vector<1x128x784xbf16> to vector<128x784xbf16>
    %convert_element_type3A_1522 = arith.extf %squeeze3A_1521 : vector<128x784xbf16> to vector<128x784xf32>
    %roll3A_1523 = arith.constant 0 : i32
    %roll3A_1524 = tpu.dynamic_rotate %convert_element_type3A_1522 by %roll3A_1523 dim 1 : vector<128x784xf32>, i32 -> vector<128x784xf32>
    %iota3A_1525 = tpu.iota {dimensions = array<i32: 1>} : vector<1x784xi32>
    %jit3A_1526 = arith.constant 28 : i32
    %div3A_1527 = vector.broadcast %jit3A_1526 : i32 to vector<1x784xi32>
    %div3A_1528 = arith.divsi %iota3A_1525, %div3A_1527 : vector<1x784xi32>
    %sign3A_1529 = arith.constant 0 : i32
    %sign3A_1530 = vector.broadcast %sign3A_1529 : i32 to vector<1x784xi32>
    %sign3A_1531 = arith.cmpi sgt, %iota3A_1525, %sign3A_1530 : vector<1x784xi32>
    %sign3A_1532 = arith.extui %sign3A_1531 : vector<1x784xi1> to vector<1x784xi32>
    %sign3A_1533 = arith.constant 0 : i32
    %sign3A_1534 = vector.broadcast %sign3A_1533 : i32 to vector<1x784xi32>
    %sign3A_1535 = arith.cmpi slt, %iota3A_1525, %sign3A_1534 : vector<1x784xi32>
    %sign3A_1536 = arith.extui %sign3A_1535 : vector<1x784xi1> to vector<1x784xi32>
    %sign3A_1537 = arith.subi %sign3A_1532, %sign3A_1536 : vector<1x784xi32>
    %sign3A_1538 = arith.constant 0 : i32
    %sign3A_1539 = arith.cmpi sgt, %jit3A_1526, %sign3A_1538 : i32
    %sign3A_1540 = arith.extui %sign3A_1539 : i1 to i32
    %sign3A_1541 = arith.constant 0 : i32
    %sign3A_1542 = arith.cmpi slt, %jit3A_1526, %sign3A_1541 : i32
    %sign3A_1543 = arith.extui %sign3A_1542 : i1 to i32
    %sign3A_1544 = arith.subi %sign3A_1540, %sign3A_1543 : i32
    %ne3A_1545 = vector.broadcast %sign3A_1544 : i32 to vector<1x784xi32>
    %ne3A_1546 = arith.cmpi ne, %sign3A_1537, %ne3A_1545 : vector<1x784xi32>
    %rem3A_1547 = vector.broadcast %jit3A_1526 : i32 to vector<1x784xi32>
    %rem3A_1548 = arith.remsi %iota3A_1525, %rem3A_1547 : vector<1x784xi32>
    %ne3A_1549 = arith.constant 0 : i32
    %ne3A_1550 = vector.broadcast %ne3A_1549 : i32 to vector<1x784xi32>
    %ne3A_1551 = arith.cmpi ne, %rem3A_1548, %ne3A_1550 : vector<1x784xi32>
    %and3A_1552 = arith.andi %ne3A_1546, %ne3A_1551 : vector<1x784xi1>
    %sub3A_1553 = arith.constant 1 : i32
    %sub3A_1554 = vector.broadcast %sub3A_1553 : i32 to vector<1x784xi32>
    %sub3A_1555 = arith.subi %div3A_1528, %sub3A_1554 : vector<1x784xi32>
    %select_n3A_1556 = arith.select %and3A_1552, %sub3A_1555, %div3A_1528 : vector<1x784xi1>, vector<1x784xi32>
    %mul3A_1557 = arith.constant 28 : i32
    %mul3A_1558 = vector.broadcast %mul3A_1557 : i32 to vector<1x784xi32>
    %mul3A_1559 = arith.muli %select_n3A_1556, %mul3A_1558 : vector<1x784xi32>
    %sub3A_1560 = arith.subi %iota3A_1525, %mul3A_1559 : vector<1x784xi32>
    %add3A_1561 = arith.constant 0 : i32
    %add3A_1562 = vector.broadcast %add3A_1561 : i32 to vector<1x784xi32>
    %add3A_1563 = arith.addi %iota3A_1525, %add3A_1562 : vector<1x784xi32>
    %ge3A_1564 = arith.constant 0 : i32
    %ge3A_1565 = vector.broadcast %ge3A_1564 : i32 to vector<1x784xi32>
    %ge3A_1566 = arith.cmpi sge, %add3A_1563, %ge3A_1565 : vector<1x784xi32>
    %lt3A_1567 = arith.constant 784 : i32
    %lt3A_1568 = vector.broadcast %lt3A_1567 : i32 to vector<1x784xi32>
    %lt3A_1569 = arith.cmpi slt, %add3A_1563, %lt3A_1568 : vector<1x784xi32>
    %and3A_1570 = arith.andi %ge3A_1566, %lt3A_1569 : vector<1x784xi1>
    %add3A_1571 = arith.constant 0 : i32
    %add3A_1572 = vector.broadcast %add3A_1571 : i32 to vector<1x784xi32>
    %add3A_1573 = arith.addi %sub3A_1560, %add3A_1572 : vector<1x784xi32>
    %ge3A_1574 = arith.constant 0 : i32
    %ge3A_1575 = vector.broadcast %ge3A_1574 : i32 to vector<1x784xi32>
    %ge3A_1576 = arith.cmpi sge, %add3A_1573, %ge3A_1575 : vector<1x784xi32>
    %add3A_1577 = arith.constant 0 : i32
    %add3A_1578 = vector.broadcast %add3A_1577 : i32 to vector<1x784xi32>
    %add3A_1579 = arith.addi %sub3A_1560, %add3A_1578 : vector<1x784xi32>
    %lt3A_1580 = arith.constant 28 : i32
    %lt3A_1581 = vector.broadcast %lt3A_1580 : i32 to vector<1x784xi32>
    %lt3A_1582 = arith.cmpi slt, %add3A_1579, %lt3A_1581 : vector<1x784xi32>
    %and3A_1583 = arith.andi %ge3A_1576, %lt3A_1582 : vector<1x784xi1>
    %and3A_1584 = arith.andi %and3A_1570, %and3A_1583 : vector<1x784xi1>
    %jit3A_1585 = arith.constant 0.000000e+00 : f32
    %broadcast_in_dim3A_1586 = vector.shape_cast %and3A_1584 : vector<1x784xi1> to vector<1x784xi1>
    %broadcast_in_dim3A_1587 = vector.broadcast %broadcast_in_dim3A_1586 : vector<1x784xi1> to vector<128x784xi1>
    %broadcast_in_dim3A_1588 = vector.broadcast %jit3A_1585 : f32 to vector<128x784xf32>
    %select_n3A_1589 = arith.select %broadcast_in_dim3A_1587, %roll3A_1524, %broadcast_in_dim3A_1588 : vector<128x784xi1>, vector<128x784xf32>
    %get3A_1590 = arith.constant 1 : index
    %get3A_1591 = arith.constant 0 : index
    %get3A_1592 = arith.constant 0 : index
    %get3A_1593 = vector.load %arg3[%get3A_1590, %get3A_1591, %get3A_1592] : memref<9x128x1xf32, #tpu.memory_space<vmem>>, vector<1x128x1xf32>
    %get3A_1594 = vector.shape_cast %get3A_1593 : vector<1x128x1xf32> to vector<128x1xf32>
    %mul3A_1595 = vector.broadcast %get3A_1594 : vector<128x1xf32> to vector<128x784xf32>
    %mul3A_1596 = arith.mulf %mul3A_1595, %select_n3A_1589 : vector<128x784xf32>
    %add3A_1597 = arith.addf %add3A_1519, %mul3A_1596 : vector<128x784xf32>
    %slice3A_1598 = vector.extract_strided_slice %get3A_4 {offsets = [1, 0, 0], sizes = [1, 128, 784], strides = [1, 1, 1]} : vector<4x128x784xbf16> to vector<1x128x784xbf16>
    %squeeze3A_1599 = vector.shape_cast %slice3A_1598 : vector<1x128x784xbf16> to vector<128x784xbf16>
    %convert_element_type3A_1600 = arith.extf %squeeze3A_1599 : vector<128x784xbf16> to vector<128x784xf32>
    %roll3A_1601 = arith.constant 0 : i32
    %roll3A_1602 = tpu.dynamic_rotate %convert_element_type3A_1600 by %roll3A_1601 dim 1 : vector<128x784xf32>, i32 -> vector<128x784xf32>
    %iota3A_1603 = tpu.iota {dimensions = array<i32: 1>} : vector<1x784xi32>
    %jit3A_1604 = arith.constant 28 : i32
    %div3A_1605 = vector.broadcast %jit3A_1604 : i32 to vector<1x784xi32>
    %div3A_1606 = arith.divsi %iota3A_1603, %div3A_1605 : vector<1x784xi32>
    %sign3A_1607 = arith.constant 0 : i32
    %sign3A_1608 = vector.broadcast %sign3A_1607 : i32 to vector<1x784xi32>
    %sign3A_1609 = arith.cmpi sgt, %iota3A_1603, %sign3A_1608 : vector<1x784xi32>
    %sign3A_1610 = arith.extui %sign3A_1609 : vector<1x784xi1> to vector<1x784xi32>
    %sign3A_1611 = arith.constant 0 : i32
    %sign3A_1612 = vector.broadcast %sign3A_1611 : i32 to vector<1x784xi32>
    %sign3A_1613 = arith.cmpi slt, %iota3A_1603, %sign3A_1612 : vector<1x784xi32>
    %sign3A_1614 = arith.extui %sign3A_1613 : vector<1x784xi1> to vector<1x784xi32>
    %sign3A_1615 = arith.subi %sign3A_1610, %sign3A_1614 : vector<1x784xi32>
    %sign3A_1616 = arith.constant 0 : i32
    %sign3A_1617 = arith.cmpi sgt, %jit3A_1604, %sign3A_1616 : i32
    %sign3A_1618 = arith.extui %sign3A_1617 : i1 to i32
    %sign3A_1619 = arith.constant 0 : i32
    %sign3A_1620 = arith.cmpi slt, %jit3A_1604, %sign3A_1619 : i32
    %sign3A_1621 = arith.extui %sign3A_1620 : i1 to i32
    %sign3A_1622 = arith.subi %sign3A_1618, %sign3A_1621 : i32
    %ne3A_1623 = vector.broadcast %sign3A_1622 : i32 to vector<1x784xi32>
    %ne3A_1624 = arith.cmpi ne, %sign3A_1615, %ne3A_1623 : vector<1x784xi32>
    %rem3A_1625 = vector.broadcast %jit3A_1604 : i32 to vector<1x784xi32>
    %rem3A_1626 = arith.remsi %iota3A_1603, %rem3A_1625 : vector<1x784xi32>
    %ne3A_1627 = arith.constant 0 : i32
    %ne3A_1628 = vector.broadcast %ne3A_1627 : i32 to vector<1x784xi32>
    %ne3A_1629 = arith.cmpi ne, %rem3A_1626, %ne3A_1628 : vector<1x784xi32>
    %and3A_1630 = arith.andi %ne3A_1624, %ne3A_1629 : vector<1x784xi1>
    %sub3A_1631 = arith.constant 1 : i32
    %sub3A_1632 = vector.broadcast %sub3A_1631 : i32 to vector<1x784xi32>
    %sub3A_1633 = arith.subi %div3A_1606, %sub3A_1632 : vector<1x784xi32>
    %select_n3A_1634 = arith.select %and3A_1630, %sub3A_1633, %div3A_1606 : vector<1x784xi1>, vector<1x784xi32>
    %mul3A_1635 = arith.constant 28 : i32
    %mul3A_1636 = vector.broadcast %mul3A_1635 : i32 to vector<1x784xi32>
    %mul3A_1637 = arith.muli %select_n3A_1634, %mul3A_1636 : vector<1x784xi32>
    %sub3A_1638 = arith.subi %iota3A_1603, %mul3A_1637 : vector<1x784xi32>
    %add3A_1639 = arith.constant 0 : i32
    %add3A_1640 = vector.broadcast %add3A_1639 : i32 to vector<1x784xi32>
    %add3A_1641 = arith.addi %iota3A_1603, %add3A_1640 : vector<1x784xi32>
    %ge3A_1642 = arith.constant 0 : i32
    %ge3A_1643 = vector.broadcast %ge3A_1642 : i32 to vector<1x784xi32>
    %ge3A_1644 = arith.cmpi sge, %add3A_1641, %ge3A_1643 : vector<1x784xi32>
    %lt3A_1645 = arith.constant 784 : i32
    %lt3A_1646 = vector.broadcast %lt3A_1645 : i32 to vector<1x784xi32>
    %lt3A_1647 = arith.cmpi slt, %add3A_1641, %lt3A_1646 : vector<1x784xi32>
    %and3A_1648 = arith.andi %ge3A_1644, %lt3A_1647 : vector<1x784xi1>
    %add3A_1649 = arith.constant 0 : i32
    %add3A_1650 = vector.broadcast %add3A_1649 : i32 to vector<1x784xi32>
    %add3A_1651 = arith.addi %sub3A_1638, %add3A_1650 : vector<1x784xi32>
    %ge3A_1652 = arith.constant 0 : i32
    %ge3A_1653 = vector.broadcast %ge3A_1652 : i32 to vector<1x784xi32>
    %ge3A_1654 = arith.cmpi sge, %add3A_1651, %ge3A_1653 : vector<1x784xi32>
    %add3A_1655 = arith.constant 0 : i32
    %add3A_1656 = vector.broadcast %add3A_1655 : i32 to vector<1x784xi32>
    %add3A_1657 = arith.addi %sub3A_1638, %add3A_1656 : vector<1x784xi32>
    %lt3A_1658 = arith.constant 28 : i32
    %lt3A_1659 = vector.broadcast %lt3A_1658 : i32 to vector<1x784xi32>
    %lt3A_1660 = arith.cmpi slt, %add3A_1657, %lt3A_1659 : vector<1x784xi32>
    %and3A_1661 = arith.andi %ge3A_1654, %lt3A_1660 : vector<1x784xi1>
    %and3A_1662 = arith.andi %and3A_1648, %and3A_1661 : vector<1x784xi1>
    %jit3A_1663 = arith.constant 0.000000e+00 : f32
    %broadcast_in_dim3A_1664 = vector.shape_cast %and3A_1662 : vector<1x784xi1> to vector<1x784xi1>
    %broadcast_in_dim3A_1665 = vector.broadcast %broadcast_in_dim3A_1664 : vector<1x784xi1> to vector<128x784xi1>
    %broadcast_in_dim3A_1666 = vector.broadcast %jit3A_1663 : f32 to vector<128x784xf32>
    %select_n3A_1667 = arith.select %broadcast_in_dim3A_1665, %roll3A_1602, %broadcast_in_dim3A_1666 : vector<128x784xi1>, vector<128x784xf32>
    %get3A_1668 = arith.constant 2 : index
    %get3A_1669 = arith.constant 0 : index
    %get3A_1670 = arith.constant 0 : index
    %get3A_1671 = vector.load %arg3[%get3A_1668, %get3A_1669, %get3A_1670] : memref<9x128x1xf32, #tpu.memory_space<vmem>>, vector<1x128x1xf32>
    %get3A_1672 = vector.shape_cast %get3A_1671 : vector<1x128x1xf32> to vector<128x1xf32>
    %mul3A_1673 = vector.broadcast %get3A_1672 : vector<128x1xf32> to vector<128x784xf32>
    %mul3A_1674 = arith.mulf %mul3A_1673, %select_n3A_1667 : vector<128x784xf32>
    %add3A_1675 = arith.addf %add3A_1597, %mul3A_1674 : vector<128x784xf32>
    %slice3A_1676 = vector.extract_strided_slice %get3A_4 {offsets = [3, 0, 0], sizes = [1, 128, 784], strides = [1, 1, 1]} : vector<4x128x784xbf16> to vector<1x128x784xbf16>
    %squeeze3A_1677 = vector.shape_cast %slice3A_1676 : vector<1x128x784xbf16> to vector<128x784xbf16>
    %convert_element_type3A_1678 = arith.extf %squeeze3A_1677 : vector<128x784xbf16> to vector<128x784xf32>
    %roll3A_1679 = arith.constant 1 : i32
    %roll3A_1680 = tpu.dynamic_rotate %convert_element_type3A_1678 by %roll3A_1679 dim 1 : vector<128x784xf32>, i32 -> vector<128x784xf32>
    %iota3A_1681 = tpu.iota {dimensions = array<i32: 1>} : vector<1x784xi32>
    %jit3A_1682 = arith.constant 28 : i32
    %div3A_1683 = vector.broadcast %jit3A_1682 : i32 to vector<1x784xi32>
    %div3A_1684 = arith.divsi %iota3A_1681, %div3A_1683 : vector<1x784xi32>
    %sign3A_1685 = arith.constant 0 : i32
    %sign3A_1686 = vector.broadcast %sign3A_1685 : i32 to vector<1x784xi32>
    %sign3A_1687 = arith.cmpi sgt, %iota3A_1681, %sign3A_1686 : vector<1x784xi32>
    %sign3A_1688 = arith.extui %sign3A_1687 : vector<1x784xi1> to vector<1x784xi32>
    %sign3A_1689 = arith.constant 0 : i32
    %sign3A_1690 = vector.broadcast %sign3A_1689 : i32 to vector<1x784xi32>
    %sign3A_1691 = arith.cmpi slt, %iota3A_1681, %sign3A_1690 : vector<1x784xi32>
    %sign3A_1692 = arith.extui %sign3A_1691 : vector<1x784xi1> to vector<1x784xi32>
    %sign3A_1693 = arith.subi %sign3A_1688, %sign3A_1692 : vector<1x784xi32>
    %sign3A_1694 = arith.constant 0 : i32
    %sign3A_1695 = arith.cmpi sgt, %jit3A_1682, %sign3A_1694 : i32
    %sign3A_1696 = arith.extui %sign3A_1695 : i1 to i32
    %sign3A_1697 = arith.constant 0 : i32
    %sign3A_1698 = arith.cmpi slt, %jit3A_1682, %sign3A_1697 : i32
    %sign3A_1699 = arith.extui %sign3A_1698 : i1 to i32
    %sign3A_1700 = arith.subi %sign3A_1696, %sign3A_1699 : i32
    %ne3A_1701 = vector.broadcast %sign3A_1700 : i32 to vector<1x784xi32>
    %ne3A_1702 = arith.cmpi ne, %sign3A_1693, %ne3A_1701 : vector<1x784xi32>
    %rem3A_1703 = vector.broadcast %jit3A_1682 : i32 to vector<1x784xi32>
    %rem3A_1704 = arith.remsi %iota3A_1681, %rem3A_1703 : vector<1x784xi32>
    %ne3A_1705 = arith.constant 0 : i32
    %ne3A_1706 = vector.broadcast %ne3A_1705 : i32 to vector<1x784xi32>
    %ne3A_1707 = arith.cmpi ne, %rem3A_1704, %ne3A_1706 : vector<1x784xi32>
    %and3A_1708 = arith.andi %ne3A_1702, %ne3A_1707 : vector<1x784xi1>
    %sub3A_1709 = arith.constant 1 : i32
    %sub3A_1710 = vector.broadcast %sub3A_1709 : i32 to vector<1x784xi32>
    %sub3A_1711 = arith.subi %div3A_1684, %sub3A_1710 : vector<1x784xi32>
    %select_n3A_1712 = arith.select %and3A_1708, %sub3A_1711, %div3A_1684 : vector<1x784xi1>, vector<1x784xi32>
    %mul3A_1713 = arith.constant 28 : i32
    %mul3A_1714 = vector.broadcast %mul3A_1713 : i32 to vector<1x784xi32>
    %mul3A_1715 = arith.muli %select_n3A_1712, %mul3A_1714 : vector<1x784xi32>
    %sub3A_1716 = arith.subi %iota3A_1681, %mul3A_1715 : vector<1x784xi32>
    %add3A_1717 = arith.constant -1 : i32
    %add3A_1718 = vector.broadcast %add3A_1717 : i32 to vector<1x784xi32>
    %add3A_1719 = arith.addi %iota3A_1681, %add3A_1718 : vector<1x784xi32>
    %ge3A_1720 = arith.constant 0 : i32
    %ge3A_1721 = vector.broadcast %ge3A_1720 : i32 to vector<1x784xi32>
    %ge3A_1722 = arith.cmpi sge, %add3A_1719, %ge3A_1721 : vector<1x784xi32>
    %lt3A_1723 = arith.constant 784 : i32
    %lt3A_1724 = vector.broadcast %lt3A_1723 : i32 to vector<1x784xi32>
    %lt3A_1725 = arith.cmpi slt, %add3A_1719, %lt3A_1724 : vector<1x784xi32>
    %and3A_1726 = arith.andi %ge3A_1722, %lt3A_1725 : vector<1x784xi1>
    %add3A_1727 = arith.constant -1 : i32
    %add3A_1728 = vector.broadcast %add3A_1727 : i32 to vector<1x784xi32>
    %add3A_1729 = arith.addi %sub3A_1716, %add3A_1728 : vector<1x784xi32>
    %ge3A_1730 = arith.constant 0 : i32
    %ge3A_1731 = vector.broadcast %ge3A_1730 : i32 to vector<1x784xi32>
    %ge3A_1732 = arith.cmpi sge, %add3A_1729, %ge3A_1731 : vector<1x784xi32>
    %add3A_1733 = arith.constant -1 : i32
    %add3A_1734 = vector.broadcast %add3A_1733 : i32 to vector<1x784xi32>
    %add3A_1735 = arith.addi %sub3A_1716, %add3A_1734 : vector<1x784xi32>
    %lt3A_1736 = arith.constant 28 : i32
    %lt3A_1737 = vector.broadcast %lt3A_1736 : i32 to vector<1x784xi32>
    %lt3A_1738 = arith.cmpi slt, %add3A_1735, %lt3A_1737 : vector<1x784xi32>
    %and3A_1739 = arith.andi %ge3A_1732, %lt3A_1738 : vector<1x784xi1>
    %and3A_1740 = arith.andi %and3A_1726, %and3A_1739 : vector<1x784xi1>
    %jit3A_1741 = arith.constant 0.000000e+00 : f32
    %broadcast_in_dim3A_1742 = vector.shape_cast %and3A_1740 : vector<1x784xi1> to vector<1x784xi1>
    %broadcast_in_dim3A_1743 = vector.broadcast %broadcast_in_dim3A_1742 : vector<1x784xi1> to vector<128x784xi1>
    %broadcast_in_dim3A_1744 = vector.broadcast %jit3A_1741 : f32 to vector<128x784xf32>
    %select_n3A_1745 = arith.select %broadcast_in_dim3A_1743, %roll3A_1680, %broadcast_in_dim3A_1744 : vector<128x784xi1>, vector<128x784xf32>
    %get3A_1746 = arith.constant 3 : index
    %get3A_1747 = arith.constant 0 : index
    %get3A_1748 = arith.constant 0 : index
    %get3A_1749 = vector.load %arg3[%get3A_1746, %get3A_1747, %get3A_1748] : memref<9x128x1xf32, #tpu.memory_space<vmem>>, vector<1x128x1xf32>
    %get3A_1750 = vector.shape_cast %get3A_1749 : vector<1x128x1xf32> to vector<128x1xf32>
    %mul3A_1751 = vector.broadcast %get3A_1750 : vector<128x1xf32> to vector<128x784xf32>
    %mul3A_1752 = arith.mulf %mul3A_1751, %select_n3A_1745 : vector<128x784xf32>
    %add3A_1753 = arith.addf %add3A_1675, %mul3A_1752 : vector<128x784xf32>
    %slice3A_1754 = vector.extract_strided_slice %get3A_4 {offsets = [2, 0, 0], sizes = [1, 128, 784], strides = [1, 1, 1]} : vector<4x128x784xbf16> to vector<1x128x784xbf16>
    %squeeze3A_1755 = vector.shape_cast %slice3A_1754 : vector<1x128x784xbf16> to vector<128x784xbf16>
    %convert_element_type3A_1756 = arith.extf %squeeze3A_1755 : vector<128x784xbf16> to vector<128x784xf32>
    %roll3A_1757 = arith.constant 0 : i32
    %roll3A_1758 = tpu.dynamic_rotate %convert_element_type3A_1756 by %roll3A_1757 dim 1 : vector<128x784xf32>, i32 -> vector<128x784xf32>
    %iota3A_1759 = tpu.iota {dimensions = array<i32: 1>} : vector<1x784xi32>
    %jit3A_1760 = arith.constant 28 : i32
    %div3A_1761 = vector.broadcast %jit3A_1760 : i32 to vector<1x784xi32>
    %div3A_1762 = arith.divsi %iota3A_1759, %div3A_1761 : vector<1x784xi32>
    %sign3A_1763 = arith.constant 0 : i32
    %sign3A_1764 = vector.broadcast %sign3A_1763 : i32 to vector<1x784xi32>
    %sign3A_1765 = arith.cmpi sgt, %iota3A_1759, %sign3A_1764 : vector<1x784xi32>
    %sign3A_1766 = arith.extui %sign3A_1765 : vector<1x784xi1> to vector<1x784xi32>
    %sign3A_1767 = arith.constant 0 : i32
    %sign3A_1768 = vector.broadcast %sign3A_1767 : i32 to vector<1x784xi32>
    %sign3A_1769 = arith.cmpi slt, %iota3A_1759, %sign3A_1768 : vector<1x784xi32>
    %sign3A_1770 = arith.extui %sign3A_1769 : vector<1x784xi1> to vector<1x784xi32>
    %sign3A_1771 = arith.subi %sign3A_1766, %sign3A_1770 : vector<1x784xi32>
    %sign3A_1772 = arith.constant 0 : i32
    %sign3A_1773 = arith.cmpi sgt, %jit3A_1760, %sign3A_1772 : i32
    %sign3A_1774 = arith.extui %sign3A_1773 : i1 to i32
    %sign3A_1775 = arith.constant 0 : i32
    %sign3A_1776 = arith.cmpi slt, %jit3A_1760, %sign3A_1775 : i32
    %sign3A_1777 = arith.extui %sign3A_1776 : i1 to i32
    %sign3A_1778 = arith.subi %sign3A_1774, %sign3A_1777 : i32
    %ne3A_1779 = vector.broadcast %sign3A_1778 : i32 to vector<1x784xi32>
    %ne3A_1780 = arith.cmpi ne, %sign3A_1771, %ne3A_1779 : vector<1x784xi32>
    %rem3A_1781 = vector.broadcast %jit3A_1760 : i32 to vector<1x784xi32>
    %rem3A_1782 = arith.remsi %iota3A_1759, %rem3A_1781 : vector<1x784xi32>
    %ne3A_1783 = arith.constant 0 : i32
    %ne3A_1784 = vector.broadcast %ne3A_1783 : i32 to vector<1x784xi32>
    %ne3A_1785 = arith.cmpi ne, %rem3A_1782, %ne3A_1784 : vector<1x784xi32>
    %and3A_1786 = arith.andi %ne3A_1780, %ne3A_1785 : vector<1x784xi1>
    %sub3A_1787 = arith.constant 1 : i32
    %sub3A_1788 = vector.broadcast %sub3A_1787 : i32 to vector<1x784xi32>
    %sub3A_1789 = arith.subi %div3A_1762, %sub3A_1788 : vector<1x784xi32>
    %select_n3A_1790 = arith.select %and3A_1786, %sub3A_1789, %div3A_1762 : vector<1x784xi1>, vector<1x784xi32>
    %mul3A_1791 = arith.constant 28 : i32
    %mul3A_1792 = vector.broadcast %mul3A_1791 : i32 to vector<1x784xi32>
    %mul3A_1793 = arith.muli %select_n3A_1790, %mul3A_1792 : vector<1x784xi32>
    %sub3A_1794 = arith.subi %iota3A_1759, %mul3A_1793 : vector<1x784xi32>
    %add3A_1795 = arith.constant 0 : i32
    %add3A_1796 = vector.broadcast %add3A_1795 : i32 to vector<1x784xi32>
    %add3A_1797 = arith.addi %iota3A_1759, %add3A_1796 : vector<1x784xi32>
    %ge3A_1798 = arith.constant 0 : i32
    %ge3A_1799 = vector.broadcast %ge3A_1798 : i32 to vector<1x784xi32>
    %ge3A_1800 = arith.cmpi sge, %add3A_1797, %ge3A_1799 : vector<1x784xi32>
    %lt3A_1801 = arith.constant 784 : i32
    %lt3A_1802 = vector.broadcast %lt3A_1801 : i32 to vector<1x784xi32>
    %lt3A_1803 = arith.cmpi slt, %add3A_1797, %lt3A_1802 : vector<1x784xi32>
    %and3A_1804 = arith.andi %ge3A_1800, %lt3A_1803 : vector<1x784xi1>
    %add3A_1805 = arith.constant 0 : i32
    %add3A_1806 = vector.broadcast %add3A_1805 : i32 to vector<1x784xi32>
    %add3A_1807 = arith.addi %sub3A_1794, %add3A_1806 : vector<1x784xi32>
    %ge3A_1808 = arith.constant 0 : i32
    %ge3A_1809 = vector.broadcast %ge3A_1808 : i32 to vector<1x784xi32>
    %ge3A_1810 = arith.cmpi sge, %add3A_1807, %ge3A_1809 : vector<1x784xi32>
    %add3A_1811 = arith.constant 0 : i32
    %add3A_1812 = vector.broadcast %add3A_1811 : i32 to vector<1x784xi32>
    %add3A_1813 = arith.addi %sub3A_1794, %add3A_1812 : vector<1x784xi32>
    %lt3A_1814 = arith.constant 28 : i32
    %lt3A_1815 = vector.broadcast %lt3A_1814 : i32 to vector<1x784xi32>
    %lt3A_1816 = arith.cmpi slt, %add3A_1813, %lt3A_1815 : vector<1x784xi32>
    %and3A_1817 = arith.andi %ge3A_1810, %lt3A_1816 : vector<1x784xi1>
    %and3A_1818 = arith.andi %and3A_1804, %and3A_1817 : vector<1x784xi1>
    %jit3A_1819 = arith.constant 0.000000e+00 : f32
    %broadcast_in_dim3A_1820 = vector.shape_cast %and3A_1818 : vector<1x784xi1> to vector<1x784xi1>
    %broadcast_in_dim3A_1821 = vector.broadcast %broadcast_in_dim3A_1820 : vector<1x784xi1> to vector<128x784xi1>
    %broadcast_in_dim3A_1822 = vector.broadcast %jit3A_1819 : f32 to vector<128x784xf32>
    %select_n3A_1823 = arith.select %broadcast_in_dim3A_1821, %roll3A_1758, %broadcast_in_dim3A_1822 : vector<128x784xi1>, vector<128x784xf32>
    %get3A_1824 = arith.constant 4 : index
    %get3A_1825 = arith.constant 0 : index
    %get3A_1826 = arith.constant 0 : index
    %get3A_1827 = vector.load %arg3[%get3A_1824, %get3A_1825, %get3A_1826] : memref<9x128x1xf32, #tpu.memory_space<vmem>>, vector<1x128x1xf32>
    %get3A_1828 = vector.shape_cast %get3A_1827 : vector<1x128x1xf32> to vector<128x1xf32>
    %mul3A_1829 = vector.broadcast %get3A_1828 : vector<128x1xf32> to vector<128x784xf32>
    %mul3A_1830 = arith.mulf %mul3A_1829, %select_n3A_1823 : vector<128x784xf32>
    %add3A_1831 = arith.addf %add3A_1753, %mul3A_1830 : vector<128x784xf32>
    %slice3A_1832 = vector.extract_strided_slice %get3A_4 {offsets = [3, 0, 0], sizes = [1, 128, 784], strides = [1, 1, 1]} : vector<4x128x784xbf16> to vector<1x128x784xbf16>
    %squeeze3A_1833 = vector.shape_cast %slice3A_1832 : vector<1x128x784xbf16> to vector<128x784xbf16>
    %convert_element_type3A_1834 = arith.extf %squeeze3A_1833 : vector<128x784xbf16> to vector<128x784xf32>
    %roll3A_1835 = arith.constant 0 : i32
    %roll3A_1836 = tpu.dynamic_rotate %convert_element_type3A_1834 by %roll3A_1835 dim 1 : vector<128x784xf32>, i32 -> vector<128x784xf32>
    %iota3A_1837 = tpu.iota {dimensions = array<i32: 1>} : vector<1x784xi32>
    %jit3A_1838 = arith.constant 28 : i32
    %div3A_1839 = vector.broadcast %jit3A_1838 : i32 to vector<1x784xi32>
    %div3A_1840 = arith.divsi %iota3A_1837, %div3A_1839 : vector<1x784xi32>
    %sign3A_1841 = arith.constant 0 : i32
    %sign3A_1842 = vector.broadcast %sign3A_1841 : i32 to vector<1x784xi32>
    %sign3A_1843 = arith.cmpi sgt, %iota3A_1837, %sign3A_1842 : vector<1x784xi32>
    %sign3A_1844 = arith.extui %sign3A_1843 : vector<1x784xi1> to vector<1x784xi32>
    %sign3A_1845 = arith.constant 0 : i32
    %sign3A_1846 = vector.broadcast %sign3A_1845 : i32 to vector<1x784xi32>
    %sign3A_1847 = arith.cmpi slt, %iota3A_1837, %sign3A_1846 : vector<1x784xi32>
    %sign3A_1848 = arith.extui %sign3A_1847 : vector<1x784xi1> to vector<1x784xi32>
    %sign3A_1849 = arith.subi %sign3A_1844, %sign3A_1848 : vector<1x784xi32>
    %sign3A_1850 = arith.constant 0 : i32
    %sign3A_1851 = arith.cmpi sgt, %jit3A_1838, %sign3A_1850 : i32
    %sign3A_1852 = arith.extui %sign3A_1851 : i1 to i32
    %sign3A_1853 = arith.constant 0 : i32
    %sign3A_1854 = arith.cmpi slt, %jit3A_1838, %sign3A_1853 : i32
    %sign3A_1855 = arith.extui %sign3A_1854 : i1 to i32
    %sign3A_1856 = arith.subi %sign3A_1852, %sign3A_1855 : i32
    %ne3A_1857 = vector.broadcast %sign3A_1856 : i32 to vector<1x784xi32>
    %ne3A_1858 = arith.cmpi ne, %sign3A_1849, %ne3A_1857 : vector<1x784xi32>
    %rem3A_1859 = vector.broadcast %jit3A_1838 : i32 to vector<1x784xi32>
    %rem3A_1860 = arith.remsi %iota3A_1837, %rem3A_1859 : vector<1x784xi32>
    %ne3A_1861 = arith.constant 0 : i32
    %ne3A_1862 = vector.broadcast %ne3A_1861 : i32 to vector<1x784xi32>
    %ne3A_1863 = arith.cmpi ne, %rem3A_1860, %ne3A_1862 : vector<1x784xi32>
    %and3A_1864 = arith.andi %ne3A_1858, %ne3A_1863 : vector<1x784xi1>
    %sub3A_1865 = arith.constant 1 : i32
    %sub3A_1866 = vector.broadcast %sub3A_1865 : i32 to vector<1x784xi32>
    %sub3A_1867 = arith.subi %div3A_1840, %sub3A_1866 : vector<1x784xi32>
    %select_n3A_1868 = arith.select %and3A_1864, %sub3A_1867, %div3A_1840 : vector<1x784xi1>, vector<1x784xi32>
    %mul3A_1869 = arith.constant 28 : i32
    %mul3A_1870 = vector.broadcast %mul3A_1869 : i32 to vector<1x784xi32>
    %mul3A_1871 = arith.muli %select_n3A_1868, %mul3A_1870 : vector<1x784xi32>
    %sub3A_1872 = arith.subi %iota3A_1837, %mul3A_1871 : vector<1x784xi32>
    %add3A_1873 = arith.constant 0 : i32
    %add3A_1874 = vector.broadcast %add3A_1873 : i32 to vector<1x784xi32>
    %add3A_1875 = arith.addi %iota3A_1837, %add3A_1874 : vector<1x784xi32>
    %ge3A_1876 = arith.constant 0 : i32
    %ge3A_1877 = vector.broadcast %ge3A_1876 : i32 to vector<1x784xi32>
    %ge3A_1878 = arith.cmpi sge, %add3A_1875, %ge3A_1877 : vector<1x784xi32>
    %lt3A_1879 = arith.constant 784 : i32
    %lt3A_1880 = vector.broadcast %lt3A_1879 : i32 to vector<1x784xi32>
    %lt3A_1881 = arith.cmpi slt, %add3A_1875, %lt3A_1880 : vector<1x784xi32>
    %and3A_1882 = arith.andi %ge3A_1878, %lt3A_1881 : vector<1x784xi1>
    %add3A_1883 = arith.constant 0 : i32
    %add3A_1884 = vector.broadcast %add3A_1883 : i32 to vector<1x784xi32>
    %add3A_1885 = arith.addi %sub3A_1872, %add3A_1884 : vector<1x784xi32>
    %ge3A_1886 = arith.constant 0 : i32
    %ge3A_1887 = vector.broadcast %ge3A_1886 : i32 to vector<1x784xi32>
    %ge3A_1888 = arith.cmpi sge, %add3A_1885, %ge3A_1887 : vector<1x784xi32>
    %add3A_1889 = arith.constant 0 : i32
    %add3A_1890 = vector.broadcast %add3A_1889 : i32 to vector<1x784xi32>
    %add3A_1891 = arith.addi %sub3A_1872, %add3A_1890 : vector<1x784xi32>
    %lt3A_1892 = arith.constant 28 : i32
    %lt3A_1893 = vector.broadcast %lt3A_1892 : i32 to vector<1x784xi32>
    %lt3A_1894 = arith.cmpi slt, %add3A_1891, %lt3A_1893 : vector<1x784xi32>
    %and3A_1895 = arith.andi %ge3A_1888, %lt3A_1894 : vector<1x784xi1>
    %and3A_1896 = arith.andi %and3A_1882, %and3A_1895 : vector<1x784xi1>
    %jit3A_1897 = arith.constant 0.000000e+00 : f32
    %broadcast_in_dim3A_1898 = vector.shape_cast %and3A_1896 : vector<1x784xi1> to vector<1x784xi1>
    %broadcast_in_dim3A_1899 = vector.broadcast %broadcast_in_dim3A_1898 : vector<1x784xi1> to vector<128x784xi1>
    %broadcast_in_dim3A_1900 = vector.broadcast %jit3A_1897 : f32 to vector<128x784xf32>
    %select_n3A_1901 = arith.select %broadcast_in_dim3A_1899, %roll3A_1836, %broadcast_in_dim3A_1900 : vector<128x784xi1>, vector<128x784xf32>
    %get3A_1902 = arith.constant 5 : index
    %get3A_1903 = arith.constant 0 : index
    %get3A_1904 = arith.constant 0 : index
    %get3A_1905 = vector.load %arg3[%get3A_1902, %get3A_1903, %get3A_1904] : memref<9x128x1xf32, #tpu.memory_space<vmem>>, vector<1x128x1xf32>
    %get3A_1906 = vector.shape_cast %get3A_1905 : vector<1x128x1xf32> to vector<128x1xf32>
    %mul3A_1907 = vector.broadcast %get3A_1906 : vector<128x1xf32> to vector<128x784xf32>
    %mul3A_1908 = arith.mulf %mul3A_1907, %select_n3A_1901 : vector<128x784xf32>
    %add3A_1909 = arith.addf %add3A_1831, %mul3A_1908 : vector<128x784xf32>
    %slice3A_1910 = vector.extract_strided_slice %get3A_4 {offsets = [1, 0, 0], sizes = [1, 128, 784], strides = [1, 1, 1]} : vector<4x128x784xbf16> to vector<1x128x784xbf16>
    %squeeze3A_1911 = vector.shape_cast %slice3A_1910 : vector<1x128x784xbf16> to vector<128x784xbf16>
    %convert_element_type3A_1912 = arith.extf %squeeze3A_1911 : vector<128x784xbf16> to vector<128x784xf32>
    %roll3A_1913 = arith.constant 757 : i32
    %roll3A_1914 = tpu.dynamic_rotate %convert_element_type3A_1912 by %roll3A_1913 dim 1 : vector<128x784xf32>, i32 -> vector<128x784xf32>
    %iota3A_1915 = tpu.iota {dimensions = array<i32: 1>} : vector<1x784xi32>
    %jit3A_1916 = arith.constant 28 : i32
    %div3A_1917 = vector.broadcast %jit3A_1916 : i32 to vector<1x784xi32>
    %div3A_1918 = arith.divsi %iota3A_1915, %div3A_1917 : vector<1x784xi32>
    %sign3A_1919 = arith.constant 0 : i32
    %sign3A_1920 = vector.broadcast %sign3A_1919 : i32 to vector<1x784xi32>
    %sign3A_1921 = arith.cmpi sgt, %iota3A_1915, %sign3A_1920 : vector<1x784xi32>
    %sign3A_1922 = arith.extui %sign3A_1921 : vector<1x784xi1> to vector<1x784xi32>
    %sign3A_1923 = arith.constant 0 : i32
    %sign3A_1924 = vector.broadcast %sign3A_1923 : i32 to vector<1x784xi32>
    %sign3A_1925 = arith.cmpi slt, %iota3A_1915, %sign3A_1924 : vector<1x784xi32>
    %sign3A_1926 = arith.extui %sign3A_1925 : vector<1x784xi1> to vector<1x784xi32>
    %sign3A_1927 = arith.subi %sign3A_1922, %sign3A_1926 : vector<1x784xi32>
    %sign3A_1928 = arith.constant 0 : i32
    %sign3A_1929 = arith.cmpi sgt, %jit3A_1916, %sign3A_1928 : i32
    %sign3A_1930 = arith.extui %sign3A_1929 : i1 to i32
    %sign3A_1931 = arith.constant 0 : i32
    %sign3A_1932 = arith.cmpi slt, %jit3A_1916, %sign3A_1931 : i32
    %sign3A_1933 = arith.extui %sign3A_1932 : i1 to i32
    %sign3A_1934 = arith.subi %sign3A_1930, %sign3A_1933 : i32
    %ne3A_1935 = vector.broadcast %sign3A_1934 : i32 to vector<1x784xi32>
    %ne3A_1936 = arith.cmpi ne, %sign3A_1927, %ne3A_1935 : vector<1x784xi32>
    %rem3A_1937 = vector.broadcast %jit3A_1916 : i32 to vector<1x784xi32>
    %rem3A_1938 = arith.remsi %iota3A_1915, %rem3A_1937 : vector<1x784xi32>
    %ne3A_1939 = arith.constant 0 : i32
    %ne3A_1940 = vector.broadcast %ne3A_1939 : i32 to vector<1x784xi32>
    %ne3A_1941 = arith.cmpi ne, %rem3A_1938, %ne3A_1940 : vector<1x784xi32>
    %and3A_1942 = arith.andi %ne3A_1936, %ne3A_1941 : vector<1x784xi1>
    %sub3A_1943 = arith.constant 1 : i32
    %sub3A_1944 = vector.broadcast %sub3A_1943 : i32 to vector<1x784xi32>
    %sub3A_1945 = arith.subi %div3A_1918, %sub3A_1944 : vector<1x784xi32>
    %select_n3A_1946 = arith.select %and3A_1942, %sub3A_1945, %div3A_1918 : vector<1x784xi1>, vector<1x784xi32>
    %mul3A_1947 = arith.constant 28 : i32
    %mul3A_1948 = vector.broadcast %mul3A_1947 : i32 to vector<1x784xi32>
    %mul3A_1949 = arith.muli %select_n3A_1946, %mul3A_1948 : vector<1x784xi32>
    %sub3A_1950 = arith.subi %iota3A_1915, %mul3A_1949 : vector<1x784xi32>
    %add3A_1951 = arith.constant 27 : i32
    %add3A_1952 = vector.broadcast %add3A_1951 : i32 to vector<1x784xi32>
    %add3A_1953 = arith.addi %iota3A_1915, %add3A_1952 : vector<1x784xi32>
    %ge3A_1954 = arith.constant 0 : i32
    %ge3A_1955 = vector.broadcast %ge3A_1954 : i32 to vector<1x784xi32>
    %ge3A_1956 = arith.cmpi sge, %add3A_1953, %ge3A_1955 : vector<1x784xi32>
    %lt3A_1957 = arith.constant 784 : i32
    %lt3A_1958 = vector.broadcast %lt3A_1957 : i32 to vector<1x784xi32>
    %lt3A_1959 = arith.cmpi slt, %add3A_1953, %lt3A_1958 : vector<1x784xi32>
    %and3A_1960 = arith.andi %ge3A_1956, %lt3A_1959 : vector<1x784xi1>
    %add3A_1961 = arith.constant -1 : i32
    %add3A_1962 = vector.broadcast %add3A_1961 : i32 to vector<1x784xi32>
    %add3A_1963 = arith.addi %sub3A_1950, %add3A_1962 : vector<1x784xi32>
    %ge3A_1964 = arith.constant 0 : i32
    %ge3A_1965 = vector.broadcast %ge3A_1964 : i32 to vector<1x784xi32>
    %ge3A_1966 = arith.cmpi sge, %add3A_1963, %ge3A_1965 : vector<1x784xi32>
    %add3A_1967 = arith.constant -1 : i32
    %add3A_1968 = vector.broadcast %add3A_1967 : i32 to vector<1x784xi32>
    %add3A_1969 = arith.addi %sub3A_1950, %add3A_1968 : vector<1x784xi32>
    %lt3A_1970 = arith.constant 28 : i32
    %lt3A_1971 = vector.broadcast %lt3A_1970 : i32 to vector<1x784xi32>
    %lt3A_1972 = arith.cmpi slt, %add3A_1969, %lt3A_1971 : vector<1x784xi32>
    %and3A_1973 = arith.andi %ge3A_1966, %lt3A_1972 : vector<1x784xi1>
    %and3A_1974 = arith.andi %and3A_1960, %and3A_1973 : vector<1x784xi1>
    %jit3A_1975 = arith.constant 0.000000e+00 : f32
    %broadcast_in_dim3A_1976 = vector.shape_cast %and3A_1974 : vector<1x784xi1> to vector<1x784xi1>
    %broadcast_in_dim3A_1977 = vector.broadcast %broadcast_in_dim3A_1976 : vector<1x784xi1> to vector<128x784xi1>
    %broadcast_in_dim3A_1978 = vector.broadcast %jit3A_1975 : f32 to vector<128x784xf32>
    %select_n3A_1979 = arith.select %broadcast_in_dim3A_1977, %roll3A_1914, %broadcast_in_dim3A_1978 : vector<128x784xi1>, vector<128x784xf32>
    %get3A_1980 = arith.constant 6 : index
    %get3A_1981 = arith.constant 0 : index
    %get3A_1982 = arith.constant 0 : index
    %get3A_1983 = vector.load %arg3[%get3A_1980, %get3A_1981, %get3A_1982] : memref<9x128x1xf32, #tpu.memory_space<vmem>>, vector<1x128x1xf32>
    %get3A_1984 = vector.shape_cast %get3A_1983 : vector<1x128x1xf32> to vector<128x1xf32>
    %mul3A_1985 = vector.broadcast %get3A_1984 : vector<128x1xf32> to vector<128x784xf32>
    %mul3A_1986 = arith.mulf %mul3A_1985, %select_n3A_1979 : vector<128x784xf32>
    %add3A_1987 = arith.addf %add3A_1909, %mul3A_1986 : vector<128x784xf32>
    %slice3A_1988 = vector.extract_strided_slice %get3A_4 {offsets = [0, 0, 0], sizes = [1, 128, 784], strides = [1, 1, 1]} : vector<4x128x784xbf16> to vector<1x128x784xbf16>
    %squeeze3A_1989 = vector.shape_cast %slice3A_1988 : vector<1x128x784xbf16> to vector<128x784xbf16>
    %convert_element_type3A_1990 = arith.extf %squeeze3A_1989 : vector<128x784xbf16> to vector<128x784xf32>
    %roll3A_1991 = arith.constant 756 : i32
    %roll3A_1992 = tpu.dynamic_rotate %convert_element_type3A_1990 by %roll3A_1991 dim 1 : vector<128x784xf32>, i32 -> vector<128x784xf32>
    %iota3A_1993 = tpu.iota {dimensions = array<i32: 1>} : vector<1x784xi32>
    %jit3A_1994 = arith.constant 28 : i32
    %div3A_1995 = vector.broadcast %jit3A_1994 : i32 to vector<1x784xi32>
    %div3A_1996 = arith.divsi %iota3A_1993, %div3A_1995 : vector<1x784xi32>
    %sign3A_1997 = arith.constant 0 : i32
    %sign3A_1998 = vector.broadcast %sign3A_1997 : i32 to vector<1x784xi32>
    %sign3A_1999 = arith.cmpi sgt, %iota3A_1993, %sign3A_1998 : vector<1x784xi32>
    %sign3A_2000 = arith.extui %sign3A_1999 : vector<1x784xi1> to vector<1x784xi32>
    %sign3A_2001 = arith.constant 0 : i32
    %sign3A_2002 = vector.broadcast %sign3A_2001 : i32 to vector<1x784xi32>
    %sign3A_2003 = arith.cmpi slt, %iota3A_1993, %sign3A_2002 : vector<1x784xi32>
    %sign3A_2004 = arith.extui %sign3A_2003 : vector<1x784xi1> to vector<1x784xi32>
    %sign3A_2005 = arith.subi %sign3A_2000, %sign3A_2004 : vector<1x784xi32>
    %sign3A_2006 = arith.constant 0 : i32
    %sign3A_2007 = arith.cmpi sgt, %jit3A_1994, %sign3A_2006 : i32
    %sign3A_2008 = arith.extui %sign3A_2007 : i1 to i32
    %sign3A_2009 = arith.constant 0 : i32
    %sign3A_2010 = arith.cmpi slt, %jit3A_1994, %sign3A_2009 : i32
    %sign3A_2011 = arith.extui %sign3A_2010 : i1 to i32
    %sign3A_2012 = arith.subi %sign3A_2008, %sign3A_2011 : i32
    %ne3A_2013 = vector.broadcast %sign3A_2012 : i32 to vector<1x784xi32>
    %ne3A_2014 = arith.cmpi ne, %sign3A_2005, %ne3A_2013 : vector<1x784xi32>
    %rem3A_2015 = vector.broadcast %jit3A_1994 : i32 to vector<1x784xi32>
    %rem3A_2016 = arith.remsi %iota3A_1993, %rem3A_2015 : vector<1x784xi32>
    %ne3A_2017 = arith.constant 0 : i32
    %ne3A_2018 = vector.broadcast %ne3A_2017 : i32 to vector<1x784xi32>
    %ne3A_2019 = arith.cmpi ne, %rem3A_2016, %ne3A_2018 : vector<1x784xi32>
    %and3A_2020 = arith.andi %ne3A_2014, %ne3A_2019 : vector<1x784xi1>
    %sub3A_2021 = arith.constant 1 : i32
    %sub3A_2022 = vector.broadcast %sub3A_2021 : i32 to vector<1x784xi32>
    %sub3A_2023 = arith.subi %div3A_1996, %sub3A_2022 : vector<1x784xi32>
    %select_n3A_2024 = arith.select %and3A_2020, %sub3A_2023, %div3A_1996 : vector<1x784xi1>, vector<1x784xi32>
    %mul3A_2025 = arith.constant 28 : i32
    %mul3A_2026 = vector.broadcast %mul3A_2025 : i32 to vector<1x784xi32>
    %mul3A_2027 = arith.muli %select_n3A_2024, %mul3A_2026 : vector<1x784xi32>
    %sub3A_2028 = arith.subi %iota3A_1993, %mul3A_2027 : vector<1x784xi32>
    %add3A_2029 = arith.constant 28 : i32
    %add3A_2030 = vector.broadcast %add3A_2029 : i32 to vector<1x784xi32>
    %add3A_2031 = arith.addi %iota3A_1993, %add3A_2030 : vector<1x784xi32>
    %ge3A_2032 = arith.constant 0 : i32
    %ge3A_2033 = vector.broadcast %ge3A_2032 : i32 to vector<1x784xi32>
    %ge3A_2034 = arith.cmpi sge, %add3A_2031, %ge3A_2033 : vector<1x784xi32>
    %lt3A_2035 = arith.constant 784 : i32
    %lt3A_2036 = vector.broadcast %lt3A_2035 : i32 to vector<1x784xi32>
    %lt3A_2037 = arith.cmpi slt, %add3A_2031, %lt3A_2036 : vector<1x784xi32>
    %and3A_2038 = arith.andi %ge3A_2034, %lt3A_2037 : vector<1x784xi1>
    %add3A_2039 = arith.constant 0 : i32
    %add3A_2040 = vector.broadcast %add3A_2039 : i32 to vector<1x784xi32>
    %add3A_2041 = arith.addi %sub3A_2028, %add3A_2040 : vector<1x784xi32>
    %ge3A_2042 = arith.constant 0 : i32
    %ge3A_2043 = vector.broadcast %ge3A_2042 : i32 to vector<1x784xi32>
    %ge3A_2044 = arith.cmpi sge, %add3A_2041, %ge3A_2043 : vector<1x784xi32>
    %add3A_2045 = arith.constant 0 : i32
    %add3A_2046 = vector.broadcast %add3A_2045 : i32 to vector<1x784xi32>
    %add3A_2047 = arith.addi %sub3A_2028, %add3A_2046 : vector<1x784xi32>
    %lt3A_2048 = arith.constant 28 : i32
    %lt3A_2049 = vector.broadcast %lt3A_2048 : i32 to vector<1x784xi32>
    %lt3A_2050 = arith.cmpi slt, %add3A_2047, %lt3A_2049 : vector<1x784xi32>
    %and3A_2051 = arith.andi %ge3A_2044, %lt3A_2050 : vector<1x784xi1>
    %and3A_2052 = arith.andi %and3A_2038, %and3A_2051 : vector<1x784xi1>
    %jit3A_2053 = arith.constant 0.000000e+00 : f32
    %broadcast_in_dim3A_2054 = vector.shape_cast %and3A_2052 : vector<1x784xi1> to vector<1x784xi1>
    %broadcast_in_dim3A_2055 = vector.broadcast %broadcast_in_dim3A_2054 : vector<1x784xi1> to vector<128x784xi1>
    %broadcast_in_dim3A_2056 = vector.broadcast %jit3A_2053 : f32 to vector<128x784xf32>
    %select_n3A_2057 = arith.select %broadcast_in_dim3A_2055, %roll3A_1992, %broadcast_in_dim3A_2056 : vector<128x784xi1>, vector<128x784xf32>
    %get3A_2058 = arith.constant 7 : index
    %get3A_2059 = arith.constant 0 : index
    %get3A_2060 = arith.constant 0 : index
    %get3A_2061 = vector.load %arg3[%get3A_2058, %get3A_2059, %get3A_2060] : memref<9x128x1xf32, #tpu.memory_space<vmem>>, vector<1x128x1xf32>
    %get3A_2062 = vector.shape_cast %get3A_2061 : vector<1x128x1xf32> to vector<128x1xf32>
    %mul3A_2063 = vector.broadcast %get3A_2062 : vector<128x1xf32> to vector<128x784xf32>
    %mul3A_2064 = arith.mulf %mul3A_2063, %select_n3A_2057 : vector<128x784xf32>
    %add3A_2065 = arith.addf %add3A_1987, %mul3A_2064 : vector<128x784xf32>
    %slice3A_2066 = vector.extract_strided_slice %get3A_4 {offsets = [1, 0, 0], sizes = [1, 128, 784], strides = [1, 1, 1]} : vector<4x128x784xbf16> to vector<1x128x784xbf16>
    %squeeze3A_2067 = vector.shape_cast %slice3A_2066 : vector<1x128x784xbf16> to vector<128x784xbf16>
    %convert_element_type3A_2068 = arith.extf %squeeze3A_2067 : vector<128x784xbf16> to vector<128x784xf32>
    %roll3A_2069 = arith.constant 756 : i32
    %roll3A_2070 = tpu.dynamic_rotate %convert_element_type3A_2068 by %roll3A_2069 dim 1 : vector<128x784xf32>, i32 -> vector<128x784xf32>
    %iota3A_2071 = tpu.iota {dimensions = array<i32: 1>} : vector<1x784xi32>
    %jit3A_2072 = arith.constant 28 : i32
    %div3A_2073 = vector.broadcast %jit3A_2072 : i32 to vector<1x784xi32>
    %div3A_2074 = arith.divsi %iota3A_2071, %div3A_2073 : vector<1x784xi32>
    %sign3A_2075 = arith.constant 0 : i32
    %sign3A_2076 = vector.broadcast %sign3A_2075 : i32 to vector<1x784xi32>
    %sign3A_2077 = arith.cmpi sgt, %iota3A_2071, %sign3A_2076 : vector<1x784xi32>
    %sign3A_2078 = arith.extui %sign3A_2077 : vector<1x784xi1> to vector<1x784xi32>
    %sign3A_2079 = arith.constant 0 : i32
    %sign3A_2080 = vector.broadcast %sign3A_2079 : i32 to vector<1x784xi32>
    %sign3A_2081 = arith.cmpi slt, %iota3A_2071, %sign3A_2080 : vector<1x784xi32>
    %sign3A_2082 = arith.extui %sign3A_2081 : vector<1x784xi1> to vector<1x784xi32>
    %sign3A_2083 = arith.subi %sign3A_2078, %sign3A_2082 : vector<1x784xi32>
    %sign3A_2084 = arith.constant 0 : i32
    %sign3A_2085 = arith.cmpi sgt, %jit3A_2072, %sign3A_2084 : i32
    %sign3A_2086 = arith.extui %sign3A_2085 : i1 to i32
    %sign3A_2087 = arith.constant 0 : i32
    %sign3A_2088 = arith.cmpi slt, %jit3A_2072, %sign3A_2087 : i32
    %sign3A_2089 = arith.extui %sign3A_2088 : i1 to i32
    %sign3A_2090 = arith.subi %sign3A_2086, %sign3A_2089 : i32
    %ne3A_2091 = vector.broadcast %sign3A_2090 : i32 to vector<1x784xi32>
    %ne3A_2092 = arith.cmpi ne, %sign3A_2083, %ne3A_2091 : vector<1x784xi32>
    %rem3A_2093 = vector.broadcast %jit3A_2072 : i32 to vector<1x784xi32>
    %rem3A_2094 = arith.remsi %iota3A_2071, %rem3A_2093 : vector<1x784xi32>
    %ne3A_2095 = arith.constant 0 : i32
    %ne3A_2096 = vector.broadcast %ne3A_2095 : i32 to vector<1x784xi32>
    %ne3A_2097 = arith.cmpi ne, %rem3A_2094, %ne3A_2096 : vector<1x784xi32>
    %and3A_2098 = arith.andi %ne3A_2092, %ne3A_2097 : vector<1x784xi1>
    %sub3A_2099 = arith.constant 1 : i32
    %sub3A_2100 = vector.broadcast %sub3A_2099 : i32 to vector<1x784xi32>
    %sub3A_2101 = arith.subi %div3A_2074, %sub3A_2100 : vector<1x784xi32>
    %select_n3A_2102 = arith.select %and3A_2098, %sub3A_2101, %div3A_2074 : vector<1x784xi1>, vector<1x784xi32>
    %mul3A_2103 = arith.constant 28 : i32
    %mul3A_2104 = vector.broadcast %mul3A_2103 : i32 to vector<1x784xi32>
    %mul3A_2105 = arith.muli %select_n3A_2102, %mul3A_2104 : vector<1x784xi32>
    %sub3A_2106 = arith.subi %iota3A_2071, %mul3A_2105 : vector<1x784xi32>
    %add3A_2107 = arith.constant 28 : i32
    %add3A_2108 = vector.broadcast %add3A_2107 : i32 to vector<1x784xi32>
    %add3A_2109 = arith.addi %iota3A_2071, %add3A_2108 : vector<1x784xi32>
    %ge3A_2110 = arith.constant 0 : i32
    %ge3A_2111 = vector.broadcast %ge3A_2110 : i32 to vector<1x784xi32>
    %ge3A_2112 = arith.cmpi sge, %add3A_2109, %ge3A_2111 : vector<1x784xi32>
    %lt3A_2113 = arith.constant 784 : i32
    %lt3A_2114 = vector.broadcast %lt3A_2113 : i32 to vector<1x784xi32>
    %lt3A_2115 = arith.cmpi slt, %add3A_2109, %lt3A_2114 : vector<1x784xi32>
    %and3A_2116 = arith.andi %ge3A_2112, %lt3A_2115 : vector<1x784xi1>
    %add3A_2117 = arith.constant 0 : i32
    %add3A_2118 = vector.broadcast %add3A_2117 : i32 to vector<1x784xi32>
    %add3A_2119 = arith.addi %sub3A_2106, %add3A_2118 : vector<1x784xi32>
    %ge3A_2120 = arith.constant 0 : i32
    %ge3A_2121 = vector.broadcast %ge3A_2120 : i32 to vector<1x784xi32>
    %ge3A_2122 = arith.cmpi sge, %add3A_2119, %ge3A_2121 : vector<1x784xi32>
    %add3A_2123 = arith.constant 0 : i32
    %add3A_2124 = vector.broadcast %add3A_2123 : i32 to vector<1x784xi32>
    %add3A_2125 = arith.addi %sub3A_2106, %add3A_2124 : vector<1x784xi32>
    %lt3A_2126 = arith.constant 28 : i32
    %lt3A_2127 = vector.broadcast %lt3A_2126 : i32 to vector<1x784xi32>
    %lt3A_2128 = arith.cmpi slt, %add3A_2125, %lt3A_2127 : vector<1x784xi32>
    %and3A_2129 = arith.andi %ge3A_2122, %lt3A_2128 : vector<1x784xi1>
    %and3A_2130 = arith.andi %and3A_2116, %and3A_2129 : vector<1x784xi1>
    %jit3A_2131 = arith.constant 0.000000e+00 : f32
    %broadcast_in_dim3A_2132 = vector.shape_cast %and3A_2130 : vector<1x784xi1> to vector<1x784xi1>
    %broadcast_in_dim3A_2133 = vector.broadcast %broadcast_in_dim3A_2132 : vector<1x784xi1> to vector<128x784xi1>
    %broadcast_in_dim3A_2134 = vector.broadcast %jit3A_2131 : f32 to vector<128x784xf32>
    %select_n3A_2135 = arith.select %broadcast_in_dim3A_2133, %roll3A_2070, %broadcast_in_dim3A_2134 : vector<128x784xi1>, vector<128x784xf32>
    %get3A_2136 = arith.constant 8 : index
    %get3A_2137 = arith.constant 0 : index
    %get3A_2138 = arith.constant 0 : index
    %get3A_2139 = vector.load %arg3[%get3A_2136, %get3A_2137, %get3A_2138] : memref<9x128x1xf32, #tpu.memory_space<vmem>>, vector<1x128x1xf32>
    %get3A_2140 = vector.shape_cast %get3A_2139 : vector<1x128x1xf32> to vector<128x1xf32>
    %mul3A_2141 = vector.broadcast %get3A_2140 : vector<128x1xf32> to vector<128x784xf32>
    %mul3A_2142 = arith.mulf %mul3A_2141, %select_n3A_2135 : vector<128x784xf32>
    %add3A_2143 = arith.addf %add3A_2065, %mul3A_2142 : vector<128x784xf32>
    %get3A_2144 = arith.constant 0 : index
    %get3A_2145 = arith.constant 0 : index
    %get3A_2146 = vector.load %arg4[%get3A_2144, %get3A_2145] : memref<128x1xf32, #tpu.memory_space<vmem>>, vector<128x1xf32>
    %mul3A_2147 = vector.broadcast %get3A_2146 : vector<128x1xf32> to vector<128x784xf32>
    %mul3A_2148 = arith.mulf %add3A_2143, %mul3A_2147 : vector<128x784xf32>
    %get3A_2149 = arith.constant 0 : index
    %get3A_2150 = arith.constant 0 : index
    %get3A_2151 = vector.load %arg5[%get3A_2149, %get3A_2150] : memref<128x1xf32, #tpu.memory_space<vmem>>, vector<128x1xf32>
    %add3A_2152 = vector.broadcast %get3A_2151 : vector<128x1xf32> to vector<128x784xf32>
    %add3A_2153 = arith.addf %mul3A_2148, %add3A_2152 : vector<128x784xf32>
    %jit3A_2154 = arith.constant 0.000000e+00 : f32
    %jit3A_2155 = arith.constant 6.000000e+00 : f32
    %max3A_2156 = vector.broadcast %jit3A_2154 : f32 to vector<128x784xf32>
    %max3A_2157 = arith.maximumf %max3A_2156, %add3A_2153 : vector<128x784xf32>
    %min3A_2158 = vector.broadcast %jit3A_2155 : f32 to vector<128x784xf32>
    %min3A_2159 = arith.minimumf %min3A_2158, %max3A_2157 : vector<128x784xf32>
    %convert_element_type3A_2160 = arith.truncf %min3A_2159 : vector<128x784xf32> to vector<128x784xbf16>
    %swap3A_2161 = arith.constant 0 : index
    %swap3A_2162 = arith.constant 2 : index
    %swap3A_2163 = arith.constant 0 : index
    %swap3A_2164 = arith.constant 0 : index
    %swap3A_2165 = vector.load %arg6[%swap3A_2161, %swap3A_2162, %swap3A_2163, %swap3A_2164] : memref<1x4x128x784xbf16, #tpu.memory_space<vmem>>, vector<1x1x128x784xbf16>
    %swap3A_2166 = vector.shape_cast %swap3A_2165 : vector<1x1x128x784xbf16> to vector<128x784xbf16>
    %swap3A_2167 = vector.shape_cast %convert_element_type3A_2160 : vector<128x784xbf16> to vector<1x1x128x784xbf16>
    tpu.vector_store %arg6[%swap3A_2161, %swap3A_2162, %swap3A_2163, %swap3A_2164], %swap3A_2167 {strides = array<i32>} : memref<1x4x128x784xbf16, #tpu.memory_space<vmem>>, vector<1x1x128x784xbf16>,
    %broadcast_in_dim3A_2168 = arith.constant 0.000000e+00 : f32
    %broadcast_in_dim3A_2169 = vector.broadcast %broadcast_in_dim3A_2168 : f32 to vector<128x784xf32>
    %slice3A_2170 = vector.extract_strided_slice %get3A_4 {offsets = [0, 0, 0], sizes = [1, 128, 784], strides = [1, 1, 1]} : vector<4x128x784xbf16> to vector<1x128x784xbf16>
    %squeeze3A_2171 = vector.shape_cast %slice3A_2170 : vector<1x128x784xbf16> to vector<128x784xbf16>
    %convert_element_type3A_2172 = arith.extf %squeeze3A_2171 : vector<128x784xbf16> to vector<128x784xf32>
    %roll3A_2173 = arith.constant 0 : i32
    %roll3A_2174 = tpu.dynamic_rotate %convert_element_type3A_2172 by %roll3A_2173 dim 1 : vector<128x784xf32>, i32 -> vector<128x784xf32>
    %iota3A_2175 = tpu.iota {dimensions = array<i32: 1>} : vector<1x784xi32>
    %jit3A_2176 = arith.constant 28 : i32
    %div3A_2177 = vector.broadcast %jit3A_2176 : i32 to vector<1x784xi32>
    %div3A_2178 = arith.divsi %iota3A_2175, %div3A_2177 : vector<1x784xi32>
    %sign3A_2179 = arith.constant 0 : i32
    %sign3A_2180 = vector.broadcast %sign3A_2179 : i32 to vector<1x784xi32>
    %sign3A_2181 = arith.cmpi sgt, %iota3A_2175, %sign3A_2180 : vector<1x784xi32>
    %sign3A_2182 = arith.extui %sign3A_2181 : vector<1x784xi1> to vector<1x784xi32>
    %sign3A_2183 = arith.constant 0 : i32
    %sign3A_2184 = vector.broadcast %sign3A_2183 : i32 to vector<1x784xi32>
    %sign3A_2185 = arith.cmpi slt, %iota3A_2175, %sign3A_2184 : vector<1x784xi32>
    %sign3A_2186 = arith.extui %sign3A_2185 : vector<1x784xi1> to vector<1x784xi32>
    %sign3A_2187 = arith.subi %sign3A_2182, %sign3A_2186 : vector<1x784xi32>
    %sign3A_2188 = arith.constant 0 : i32
    %sign3A_2189 = arith.cmpi sgt, %jit3A_2176, %sign3A_2188 : i32
    %sign3A_2190 = arith.extui %sign3A_2189 : i1 to i32
    %sign3A_2191 = arith.constant 0 : i32
    %sign3A_2192 = arith.cmpi slt, %jit3A_2176, %sign3A_2191 : i32
    %sign3A_2193 = arith.extui %sign3A_2192 : i1 to i32
    %sign3A_2194 = arith.subi %sign3A_2190, %sign3A_2193 : i32
    %ne3A_2195 = vector.broadcast %sign3A_2194 : i32 to vector<1x784xi32>
    %ne3A_2196 = arith.cmpi ne, %sign3A_2187, %ne3A_2195 : vector<1x784xi32>
    %rem3A_2197 = vector.broadcast %jit3A_2176 : i32 to vector<1x784xi32>
    %rem3A_2198 = arith.remsi %iota3A_2175, %rem3A_2197 : vector<1x784xi32>
    %ne3A_2199 = arith.constant 0 : i32
    %ne3A_2200 = vector.broadcast %ne3A_2199 : i32 to vector<1x784xi32>
    %ne3A_2201 = arith.cmpi ne, %rem3A_2198, %ne3A_2200 : vector<1x784xi32>
    %and3A_2202 = arith.andi %ne3A_2196, %ne3A_2201 : vector<1x784xi1>
    %sub3A_2203 = arith.constant 1 : i32
    %sub3A_2204 = vector.broadcast %sub3A_2203 : i32 to vector<1x784xi32>
    %sub3A_2205 = arith.subi %div3A_2178, %sub3A_2204 : vector<1x784xi32>
    %select_n3A_2206 = arith.select %and3A_2202, %sub3A_2205, %div3A_2178 : vector<1x784xi1>, vector<1x784xi32>
    %mul3A_2207 = arith.constant 28 : i32
    %mul3A_2208 = vector.broadcast %mul3A_2207 : i32 to vector<1x784xi32>
    %mul3A_2209 = arith.muli %select_n3A_2206, %mul3A_2208 : vector<1x784xi32>
    %sub3A_2210 = arith.subi %iota3A_2175, %mul3A_2209 : vector<1x784xi32>
    %add3A_2211 = arith.constant 0 : i32
    %add3A_2212 = vector.broadcast %add3A_2211 : i32 to vector<1x784xi32>
    %add3A_2213 = arith.addi %iota3A_2175, %add3A_2212 : vector<1x784xi32>
    %ge3A_2214 = arith.constant 0 : i32
    %ge3A_2215 = vector.broadcast %ge3A_2214 : i32 to vector<1x784xi32>
    %ge3A_2216 = arith.cmpi sge, %add3A_2213, %ge3A_2215 : vector<1x784xi32>
    %lt3A_2217 = arith.constant 784 : i32
    %lt3A_2218 = vector.broadcast %lt3A_2217 : i32 to vector<1x784xi32>
    %lt3A_2219 = arith.cmpi slt, %add3A_2213, %lt3A_2218 : vector<1x784xi32>
    %and3A_2220 = arith.andi %ge3A_2216, %lt3A_2219 : vector<1x784xi1>
    %add3A_2221 = arith.constant 0 : i32
    %add3A_2222 = vector.broadcast %add3A_2221 : i32 to vector<1x784xi32>
    %add3A_2223 = arith.addi %sub3A_2210, %add3A_2222 : vector<1x784xi32>
    %ge3A_2224 = arith.constant 0 : i32
    %ge3A_2225 = vector.broadcast %ge3A_2224 : i32 to vector<1x784xi32>
    %ge3A_2226 = arith.cmpi sge, %add3A_2223, %ge3A_2225 : vector<1x784xi32>
    %add3A_2227 = arith.constant 0 : i32
    %add3A_2228 = vector.broadcast %add3A_2227 : i32 to vector<1x784xi32>
    %add3A_2229 = arith.addi %sub3A_2210, %add3A_2228 : vector<1x784xi32>
    %lt3A_2230 = arith.constant 28 : i32
    %lt3A_2231 = vector.broadcast %lt3A_2230 : i32 to vector<1x784xi32>
    %lt3A_2232 = arith.cmpi slt, %add3A_2229, %lt3A_2231 : vector<1x784xi32>
    %and3A_2233 = arith.andi %ge3A_2226, %lt3A_2232 : vector<1x784xi1>
    %and3A_2234 = arith.andi %and3A_2220, %and3A_2233 : vector<1x784xi1>
    %jit3A_2235 = arith.constant 0.000000e+00 : f32
    %broadcast_in_dim3A_2236 = vector.shape_cast %and3A_2234 : vector<1x784xi1> to vector<1x784xi1>
    %broadcast_in_dim3A_2237 = vector.broadcast %broadcast_in_dim3A_2236 : vector<1x784xi1> to vector<128x784xi1>
    %broadcast_in_dim3A_2238 = vector.broadcast %jit3A_2235 : f32 to vector<128x784xf32>
    %select_n3A_2239 = arith.select %broadcast_in_dim3A_2237, %roll3A_2174, %broadcast_in_dim3A_2238 : vector<128x784xi1>, vector<128x784xf32>
    %get3A_2240 = arith.constant 0 : index
    %get3A_2241 = arith.constant 0 : index
    %get3A_2242 = arith.constant 0 : index
    %get3A_2243 = vector.load %arg3[%get3A_2240, %get3A_2241, %get3A_2242] : memref<9x128x1xf32, #tpu.memory_space<vmem>>, vector<1x128x1xf32>
    %get3A_2244 = vector.shape_cast %get3A_2243 : vector<1x128x1xf32> to vector<128x1xf32>
    %mul3A_2245 = vector.broadcast %get3A_2244 : vector<128x1xf32> to vector<128x784xf32>
    %mul3A_2246 = arith.mulf %mul3A_2245, %select_n3A_2239 : vector<128x784xf32>
    %add3A_2247 = arith.addf %broadcast_in_dim3A_2169, %mul3A_2246 : vector<128x784xf32>
    %slice3A_2248 = vector.extract_strided_slice %get3A_4 {offsets = [1, 0, 0], sizes = [1, 128, 784], strides = [1, 1, 1]} : vector<4x128x784xbf16> to vector<1x128x784xbf16>
    %squeeze3A_2249 = vector.shape_cast %slice3A_2248 : vector<1x128x784xbf16> to vector<128x784xbf16>
    %convert_element_type3A_2250 = arith.extf %squeeze3A_2249 : vector<128x784xbf16> to vector<128x784xf32>
    %roll3A_2251 = arith.constant 0 : i32
    %roll3A_2252 = tpu.dynamic_rotate %convert_element_type3A_2250 by %roll3A_2251 dim 1 : vector<128x784xf32>, i32 -> vector<128x784xf32>
    %iota3A_2253 = tpu.iota {dimensions = array<i32: 1>} : vector<1x784xi32>
    %jit3A_2254 = arith.constant 28 : i32
    %div3A_2255 = vector.broadcast %jit3A_2254 : i32 to vector<1x784xi32>
    %div3A_2256 = arith.divsi %iota3A_2253, %div3A_2255 : vector<1x784xi32>
    %sign3A_2257 = arith.constant 0 : i32
    %sign3A_2258 = vector.broadcast %sign3A_2257 : i32 to vector<1x784xi32>
    %sign3A_2259 = arith.cmpi sgt, %iota3A_2253, %sign3A_2258 : vector<1x784xi32>
    %sign3A_2260 = arith.extui %sign3A_2259 : vector<1x784xi1> to vector<1x784xi32>
    %sign3A_2261 = arith.constant 0 : i32
    %sign3A_2262 = vector.broadcast %sign3A_2261 : i32 to vector<1x784xi32>
    %sign3A_2263 = arith.cmpi slt, %iota3A_2253, %sign3A_2262 : vector<1x784xi32>
    %sign3A_2264 = arith.extui %sign3A_2263 : vector<1x784xi1> to vector<1x784xi32>
    %sign3A_2265 = arith.subi %sign3A_2260, %sign3A_2264 : vector<1x784xi32>
    %sign3A_2266 = arith.constant 0 : i32
    %sign3A_2267 = arith.cmpi sgt, %jit3A_2254, %sign3A_2266 : i32
    %sign3A_2268 = arith.extui %sign3A_2267 : i1 to i32
    %sign3A_2269 = arith.constant 0 : i32
    %sign3A_2270 = arith.cmpi slt, %jit3A_2254, %sign3A_2269 : i32
    %sign3A_2271 = arith.extui %sign3A_2270 : i1 to i32
    %sign3A_2272 = arith.subi %sign3A_2268, %sign3A_2271 : i32
    %ne3A_2273 = vector.broadcast %sign3A_2272 : i32 to vector<1x784xi32>
    %ne3A_2274 = arith.cmpi ne, %sign3A_2265, %ne3A_2273 : vector<1x784xi32>
    %rem3A_2275 = vector.broadcast %jit3A_2254 : i32 to vector<1x784xi32>
    %rem3A_2276 = arith.remsi %iota3A_2253, %rem3A_2275 : vector<1x784xi32>
    %ne3A_2277 = arith.constant 0 : i32
    %ne3A_2278 = vector.broadcast %ne3A_2277 : i32 to vector<1x784xi32>
    %ne3A_2279 = arith.cmpi ne, %rem3A_2276, %ne3A_2278 : vector<1x784xi32>
    %and3A_2280 = arith.andi %ne3A_2274, %ne3A_2279 : vector<1x784xi1>
    %sub3A_2281 = arith.constant 1 : i32
    %sub3A_2282 = vector.broadcast %sub3A_2281 : i32 to vector<1x784xi32>
    %sub3A_2283 = arith.subi %div3A_2256, %sub3A_2282 : vector<1x784xi32>
    %select_n3A_2284 = arith.select %and3A_2280, %sub3A_2283, %div3A_2256 : vector<1x784xi1>, vector<1x784xi32>
    %mul3A_2285 = arith.constant 28 : i32
    %mul3A_2286 = vector.broadcast %mul3A_2285 : i32 to vector<1x784xi32>
    %mul3A_2287 = arith.muli %select_n3A_2284, %mul3A_2286 : vector<1x784xi32>
    %sub3A_2288 = arith.subi %iota3A_2253, %mul3A_2287 : vector<1x784xi32>
    %add3A_2289 = arith.constant 0 : i32
    %add3A_2290 = vector.broadcast %add3A_2289 : i32 to vector<1x784xi32>
    %add3A_2291 = arith.addi %iota3A_2253, %add3A_2290 : vector<1x784xi32>
    %ge3A_2292 = arith.constant 0 : i32
    %ge3A_2293 = vector.broadcast %ge3A_2292 : i32 to vector<1x784xi32>
    %ge3A_2294 = arith.cmpi sge, %add3A_2291, %ge3A_2293 : vector<1x784xi32>
    %lt3A_2295 = arith.constant 784 : i32
    %lt3A_2296 = vector.broadcast %lt3A_2295 : i32 to vector<1x784xi32>
    %lt3A_2297 = arith.cmpi slt, %add3A_2291, %lt3A_2296 : vector<1x784xi32>
    %and3A_2298 = arith.andi %ge3A_2294, %lt3A_2297 : vector<1x784xi1>
    %add3A_2299 = arith.constant 0 : i32
    %add3A_2300 = vector.broadcast %add3A_2299 : i32 to vector<1x784xi32>
    %add3A_2301 = arith.addi %sub3A_2288, %add3A_2300 : vector<1x784xi32>
    %ge3A_2302 = arith.constant 0 : i32
    %ge3A_2303 = vector.broadcast %ge3A_2302 : i32 to vector<1x784xi32>
    %ge3A_2304 = arith.cmpi sge, %add3A_2301, %ge3A_2303 : vector<1x784xi32>
    %add3A_2305 = arith.constant 0 : i32
    %add3A_2306 = vector.broadcast %add3A_2305 : i32 to vector<1x784xi32>
    %add3A_2307 = arith.addi %sub3A_2288, %add3A_2306 : vector<1x784xi32>
    %lt3A_2308 = arith.constant 28 : i32
    %lt3A_2309 = vector.broadcast %lt3A_2308 : i32 to vector<1x784xi32>
    %lt3A_2310 = arith.cmpi slt, %add3A_2307, %lt3A_2309 : vector<1x784xi32>
    %and3A_2311 = arith.andi %ge3A_2304, %lt3A_2310 : vector<1x784xi1>
    %and3A_2312 = arith.andi %and3A_2298, %and3A_2311 : vector<1x784xi1>
    %jit3A_2313 = arith.constant 0.000000e+00 : f32
    %broadcast_in_dim3A_2314 = vector.shape_cast %and3A_2312 : vector<1x784xi1> to vector<1x784xi1>
    %broadcast_in_dim3A_2315 = vector.broadcast %broadcast_in_dim3A_2314 : vector<1x784xi1> to vector<128x784xi1>
    %broadcast_in_dim3A_2316 = vector.broadcast %jit3A_2313 : f32 to vector<128x784xf32>
    %select_n3A_2317 = arith.select %broadcast_in_dim3A_2315, %roll3A_2252, %broadcast_in_dim3A_2316 : vector<128x784xi1>, vector<128x784xf32>
    %get3A_2318 = arith.constant 1 : index
    %get3A_2319 = arith.constant 0 : index
    %get3A_2320 = arith.constant 0 : index
    %get3A_2321 = vector.load %arg3[%get3A_2318, %get3A_2319, %get3A_2320] : memref<9x128x1xf32, #tpu.memory_space<vmem>>, vector<1x128x1xf32>
    %get3A_2322 = vector.shape_cast %get3A_2321 : vector<1x128x1xf32> to vector<128x1xf32>
    %mul3A_2323 = vector.broadcast %get3A_2322 : vector<128x1xf32> to vector<128x784xf32>
    %mul3A_2324 = arith.mulf %mul3A_2323, %select_n3A_2317 : vector<128x784xf32>
    %add3A_2325 = arith.addf %add3A_2247, %mul3A_2324 : vector<128x784xf32>
    %slice3A_2326 = vector.extract_strided_slice %get3A_4 {offsets = [0, 0, 0], sizes = [1, 128, 784], strides = [1, 1, 1]} : vector<4x128x784xbf16> to vector<1x128x784xbf16>
    %squeeze3A_2327 = vector.shape_cast %slice3A_2326 : vector<1x128x784xbf16> to vector<128x784xbf16>
    %convert_element_type3A_2328 = arith.extf %squeeze3A_2327 : vector<128x784xbf16> to vector<128x784xf32>
    %roll3A_2329 = arith.constant 783 : i32
    %roll3A_2330 = tpu.dynamic_rotate %convert_element_type3A_2328 by %roll3A_2329 dim 1 : vector<128x784xf32>, i32 -> vector<128x784xf32>
    %iota3A_2331 = tpu.iota {dimensions = array<i32: 1>} : vector<1x784xi32>
    %jit3A_2332 = arith.constant 28 : i32
    %div3A_2333 = vector.broadcast %jit3A_2332 : i32 to vector<1x784xi32>
    %div3A_2334 = arith.divsi %iota3A_2331, %div3A_2333 : vector<1x784xi32>
    %sign3A_2335 = arith.constant 0 : i32
    %sign3A_2336 = vector.broadcast %sign3A_2335 : i32 to vector<1x784xi32>
    %sign3A_2337 = arith.cmpi sgt, %iota3A_2331, %sign3A_2336 : vector<1x784xi32>
    %sign3A_2338 = arith.extui %sign3A_2337 : vector<1x784xi1> to vector<1x784xi32>
    %sign3A_2339 = arith.constant 0 : i32
    %sign3A_2340 = vector.broadcast %sign3A_2339 : i32 to vector<1x784xi32>
    %sign3A_2341 = arith.cmpi slt, %iota3A_2331, %sign3A_2340 : vector<1x784xi32>
    %sign3A_2342 = arith.extui %sign3A_2341 : vector<1x784xi1> to vector<1x784xi32>
    %sign3A_2343 = arith.subi %sign3A_2338, %sign3A_2342 : vector<1x784xi32>
    %sign3A_2344 = arith.constant 0 : i32
    %sign3A_2345 = arith.cmpi sgt, %jit3A_2332, %sign3A_2344 : i32
    %sign3A_2346 = arith.extui %sign3A_2345 : i1 to i32
    %sign3A_2347 = arith.constant 0 : i32
    %sign3A_2348 = arith.cmpi slt, %jit3A_2332, %sign3A_2347 : i32
    %sign3A_2349 = arith.extui %sign3A_2348 : i1 to i32
    %sign3A_2350 = arith.subi %sign3A_2346, %sign3A_2349 : i32
    %ne3A_2351 = vector.broadcast %sign3A_2350 : i32 to vector<1x784xi32>
    %ne3A_2352 = arith.cmpi ne, %sign3A_2343, %ne3A_2351 : vector<1x784xi32>
    %rem3A_2353 = vector.broadcast %jit3A_2332 : i32 to vector<1x784xi32>
    %rem3A_2354 = arith.remsi %iota3A_2331, %rem3A_2353 : vector<1x784xi32>
    %ne3A_2355 = arith.constant 0 : i32
    %ne3A_2356 = vector.broadcast %ne3A_2355 : i32 to vector<1x784xi32>
    %ne3A_2357 = arith.cmpi ne, %rem3A_2354, %ne3A_2356 : vector<1x784xi32>
    %and3A_2358 = arith.andi %ne3A_2352, %ne3A_2357 : vector<1x784xi1>
    %sub3A_2359 = arith.constant 1 : i32
    %sub3A_2360 = vector.broadcast %sub3A_2359 : i32 to vector<1x784xi32>
    %sub3A_2361 = arith.subi %div3A_2334, %sub3A_2360 : vector<1x784xi32>
    %select_n3A_2362 = arith.select %and3A_2358, %sub3A_2361, %div3A_2334 : vector<1x784xi1>, vector<1x784xi32>
    %mul3A_2363 = arith.constant 28 : i32
    %mul3A_2364 = vector.broadcast %mul3A_2363 : i32 to vector<1x784xi32>
    %mul3A_2365 = arith.muli %select_n3A_2362, %mul3A_2364 : vector<1x784xi32>
    %sub3A_2366 = arith.subi %iota3A_2331, %mul3A_2365 : vector<1x784xi32>
    %add3A_2367 = arith.constant 1 : i32
    %add3A_2368 = vector.broadcast %add3A_2367 : i32 to vector<1x784xi32>
    %add3A_2369 = arith.addi %iota3A_2331, %add3A_2368 : vector<1x784xi32>
    %ge3A_2370 = arith.constant 0 : i32
    %ge3A_2371 = vector.broadcast %ge3A_2370 : i32 to vector<1x784xi32>
    %ge3A_2372 = arith.cmpi sge, %add3A_2369, %ge3A_2371 : vector<1x784xi32>
    %lt3A_2373 = arith.constant 784 : i32
    %lt3A_2374 = vector.broadcast %lt3A_2373 : i32 to vector<1x784xi32>
    %lt3A_2375 = arith.cmpi slt, %add3A_2369, %lt3A_2374 : vector<1x784xi32>
    %and3A_2376 = arith.andi %ge3A_2372, %lt3A_2375 : vector<1x784xi1>
    %add3A_2377 = arith.constant 1 : i32
    %add3A_2378 = vector.broadcast %add3A_2377 : i32 to vector<1x784xi32>
    %add3A_2379 = arith.addi %sub3A_2366, %add3A_2378 : vector<1x784xi32>
    %ge3A_2380 = arith.constant 0 : i32
    %ge3A_2381 = vector.broadcast %ge3A_2380 : i32 to vector<1x784xi32>
    %ge3A_2382 = arith.cmpi sge, %add3A_2379, %ge3A_2381 : vector<1x784xi32>
    %add3A_2383 = arith.constant 1 : i32
    %add3A_2384 = vector.broadcast %add3A_2383 : i32 to vector<1x784xi32>
    %add3A_2385 = arith.addi %sub3A_2366, %add3A_2384 : vector<1x784xi32>
    %lt3A_2386 = arith.constant 28 : i32
    %lt3A_2387 = vector.broadcast %lt3A_2386 : i32 to vector<1x784xi32>
    %lt3A_2388 = arith.cmpi slt, %add3A_2385, %lt3A_2387 : vector<1x784xi32>
    %and3A_2389 = arith.andi %ge3A_2382, %lt3A_2388 : vector<1x784xi1>
    %and3A_2390 = arith.andi %and3A_2376, %and3A_2389 : vector<1x784xi1>
    %jit3A_2391 = arith.constant 0.000000e+00 : f32
    %broadcast_in_dim3A_2392 = vector.shape_cast %and3A_2390 : vector<1x784xi1> to vector<1x784xi1>
    %broadcast_in_dim3A_2393 = vector.broadcast %broadcast_in_dim3A_2392 : vector<1x784xi1> to vector<128x784xi1>
    %broadcast_in_dim3A_2394 = vector.broadcast %jit3A_2391 : f32 to vector<128x784xf32>
    %select_n3A_2395 = arith.select %broadcast_in_dim3A_2393, %roll3A_2330, %broadcast_in_dim3A_2394 : vector<128x784xi1>, vector<128x784xf32>
    %get3A_2396 = arith.constant 2 : index
    %get3A_2397 = arith.constant 0 : index
    %get3A_2398 = arith.constant 0 : index
    %get3A_2399 = vector.load %arg3[%get3A_2396, %get3A_2397, %get3A_2398] : memref<9x128x1xf32, #tpu.memory_space<vmem>>, vector<1x128x1xf32>
    %get3A_2400 = vector.shape_cast %get3A_2399 : vector<1x128x1xf32> to vector<128x1xf32>
    %mul3A_2401 = vector.broadcast %get3A_2400 : vector<128x1xf32> to vector<128x784xf32>
    %mul3A_2402 = arith.mulf %mul3A_2401, %select_n3A_2395 : vector<128x784xf32>
    %add3A_2403 = arith.addf %add3A_2325, %mul3A_2402 : vector<128x784xf32>
    %slice3A_2404 = vector.extract_strided_slice %get3A_4 {offsets = [2, 0, 0], sizes = [1, 128, 784], strides = [1, 1, 1]} : vector<4x128x784xbf16> to vector<1x128x784xbf16>
    %squeeze3A_2405 = vector.shape_cast %slice3A_2404 : vector<1x128x784xbf16> to vector<128x784xbf16>
    %convert_element_type3A_2406 = arith.extf %squeeze3A_2405 : vector<128x784xbf16> to vector<128x784xf32>
    %roll3A_2407 = arith.constant 0 : i32
    %roll3A_2408 = tpu.dynamic_rotate %convert_element_type3A_2406 by %roll3A_2407 dim 1 : vector<128x784xf32>, i32 -> vector<128x784xf32>
    %iota3A_2409 = tpu.iota {dimensions = array<i32: 1>} : vector<1x784xi32>
    %jit3A_2410 = arith.constant 28 : i32
    %div3A_2411 = vector.broadcast %jit3A_2410 : i32 to vector<1x784xi32>
    %div3A_2412 = arith.divsi %iota3A_2409, %div3A_2411 : vector<1x784xi32>
    %sign3A_2413 = arith.constant 0 : i32
    %sign3A_2414 = vector.broadcast %sign3A_2413 : i32 to vector<1x784xi32>
    %sign3A_2415 = arith.cmpi sgt, %iota3A_2409, %sign3A_2414 : vector<1x784xi32>
    %sign3A_2416 = arith.extui %sign3A_2415 : vector<1x784xi1> to vector<1x784xi32>
    %sign3A_2417 = arith.constant 0 : i32
    %sign3A_2418 = vector.broadcast %sign3A_2417 : i32 to vector<1x784xi32>
    %sign3A_2419 = arith.cmpi slt, %iota3A_2409, %sign3A_2418 : vector<1x784xi32>
    %sign3A_2420 = arith.extui %sign3A_2419 : vector<1x784xi1> to vector<1x784xi32>
    %sign3A_2421 = arith.subi %sign3A_2416, %sign3A_2420 : vector<1x784xi32>
    %sign3A_2422 = arith.constant 0 : i32
    %sign3A_2423 = arith.cmpi sgt, %jit3A_2410, %sign3A_2422 : i32
    %sign3A_2424 = arith.extui %sign3A_2423 : i1 to i32
    %sign3A_2425 = arith.constant 0 : i32
    %sign3A_2426 = arith.cmpi slt, %jit3A_2410, %sign3A_2425 : i32
    %sign3A_2427 = arith.extui %sign3A_2426 : i1 to i32
    %sign3A_2428 = arith.subi %sign3A_2424, %sign3A_2427 : i32
    %ne3A_2429 = vector.broadcast %sign3A_2428 : i32 to vector<1x784xi32>
    %ne3A_2430 = arith.cmpi ne, %sign3A_2421, %ne3A_2429 : vector<1x784xi32>
    %rem3A_2431 = vector.broadcast %jit3A_2410 : i32 to vector<1x784xi32>
    %rem3A_2432 = arith.remsi %iota3A_2409, %rem3A_2431 : vector<1x784xi32>
    %ne3A_2433 = arith.constant 0 : i32
    %ne3A_2434 = vector.broadcast %ne3A_2433 : i32 to vector<1x784xi32>
    %ne3A_2435 = arith.cmpi ne, %rem3A_2432, %ne3A_2434 : vector<1x784xi32>
    %and3A_2436 = arith.andi %ne3A_2430, %ne3A_2435 : vector<1x784xi1>
    %sub3A_2437 = arith.constant 1 : i32
    %sub3A_2438 = vector.broadcast %sub3A_2437 : i32 to vector<1x784xi32>
    %sub3A_2439 = arith.subi %div3A_2412, %sub3A_2438 : vector<1x784xi32>
    %select_n3A_2440 = arith.select %and3A_2436, %sub3A_2439, %div3A_2412 : vector<1x784xi1>, vector<1x784xi32>
    %mul3A_2441 = arith.constant 28 : i32
    %mul3A_2442 = vector.broadcast %mul3A_2441 : i32 to vector<1x784xi32>
    %mul3A_2443 = arith.muli %select_n3A_2440, %mul3A_2442 : vector<1x784xi32>
    %sub3A_2444 = arith.subi %iota3A_2409, %mul3A_2443 : vector<1x784xi32>
    %add3A_2445 = arith.constant 0 : i32
    %add3A_2446 = vector.broadcast %add3A_2445 : i32 to vector<1x784xi32>
    %add3A_2447 = arith.addi %iota3A_2409, %add3A_2446 : vector<1x784xi32>
    %ge3A_2448 = arith.constant 0 : i32
    %ge3A_2449 = vector.broadcast %ge3A_2448 : i32 to vector<1x784xi32>
    %ge3A_2450 = arith.cmpi sge, %add3A_2447, %ge3A_2449 : vector<1x784xi32>
    %lt3A_2451 = arith.constant 784 : i32
    %lt3A_2452 = vector.broadcast %lt3A_2451 : i32 to vector<1x784xi32>
    %lt3A_2453 = arith.cmpi slt, %add3A_2447, %lt3A_2452 : vector<1x784xi32>
    %and3A_2454 = arith.andi %ge3A_2450, %lt3A_2453 : vector<1x784xi1>
    %add3A_2455 = arith.constant 0 : i32
    %add3A_2456 = vector.broadcast %add3A_2455 : i32 to vector<1x784xi32>
    %add3A_2457 = arith.addi %sub3A_2444, %add3A_2456 : vector<1x784xi32>
    %ge3A_2458 = arith.constant 0 : i32
    %ge3A_2459 = vector.broadcast %ge3A_2458 : i32 to vector<1x784xi32>
    %ge3A_2460 = arith.cmpi sge, %add3A_2457, %ge3A_2459 : vector<1x784xi32>
    %add3A_2461 = arith.constant 0 : i32
    %add3A_2462 = vector.broadcast %add3A_2461 : i32 to vector<1x784xi32>
    %add3A_2463 = arith.addi %sub3A_2444, %add3A_2462 : vector<1x784xi32>
    %lt3A_2464 = arith.constant 28 : i32
    %lt3A_2465 = vector.broadcast %lt3A_2464 : i32 to vector<1x784xi32>
    %lt3A_2466 = arith.cmpi slt, %add3A_2463, %lt3A_2465 : vector<1x784xi32>
    %and3A_2467 = arith.andi %ge3A_2460, %lt3A_2466 : vector<1x784xi1>
    %and3A_2468 = arith.andi %and3A_2454, %and3A_2467 : vector<1x784xi1>
    %jit3A_2469 = arith.constant 0.000000e+00 : f32
    %broadcast_in_dim3A_2470 = vector.shape_cast %and3A_2468 : vector<1x784xi1> to vector<1x784xi1>
    %broadcast_in_dim3A_2471 = vector.broadcast %broadcast_in_dim3A_2470 : vector<1x784xi1> to vector<128x784xi1>
    %broadcast_in_dim3A_2472 = vector.broadcast %jit3A_2469 : f32 to vector<128x784xf32>
    %select_n3A_2473 = arith.select %broadcast_in_dim3A_2471, %roll3A_2408, %broadcast_in_dim3A_2472 : vector<128x784xi1>, vector<128x784xf32>
    %get3A_2474 = arith.constant 3 : index
    %get3A_2475 = arith.constant 0 : index
    %get3A_2476 = arith.constant 0 : index
    %get3A_2477 = vector.load %arg3[%get3A_2474, %get3A_2475, %get3A_2476] : memref<9x128x1xf32, #tpu.memory_space<vmem>>, vector<1x128x1xf32>
    %get3A_2478 = vector.shape_cast %get3A_2477 : vector<1x128x1xf32> to vector<128x1xf32>
    %mul3A_2479 = vector.broadcast %get3A_2478 : vector<128x1xf32> to vector<128x784xf32>
    %mul3A_2480 = arith.mulf %mul3A_2479, %select_n3A_2473 : vector<128x784xf32>
    %add3A_2481 = arith.addf %add3A_2403, %mul3A_2480 : vector<128x784xf32>
    %slice3A_2482 = vector.extract_strided_slice %get3A_4 {offsets = [3, 0, 0], sizes = [1, 128, 784], strides = [1, 1, 1]} : vector<4x128x784xbf16> to vector<1x128x784xbf16>
    %squeeze3A_2483 = vector.shape_cast %slice3A_2482 : vector<1x128x784xbf16> to vector<128x784xbf16>
    %convert_element_type3A_2484 = arith.extf %squeeze3A_2483 : vector<128x784xbf16> to vector<128x784xf32>
    %roll3A_2485 = arith.constant 0 : i32
    %roll3A_2486 = tpu.dynamic_rotate %convert_element_type3A_2484 by %roll3A_2485 dim 1 : vector<128x784xf32>, i32 -> vector<128x784xf32>
    %iota3A_2487 = tpu.iota {dimensions = array<i32: 1>} : vector<1x784xi32>
    %jit3A_2488 = arith.constant 28 : i32
    %div3A_2489 = vector.broadcast %jit3A_2488 : i32 to vector<1x784xi32>
    %div3A_2490 = arith.divsi %iota3A_2487, %div3A_2489 : vector<1x784xi32>
    %sign3A_2491 = arith.constant 0 : i32
    %sign3A_2492 = vector.broadcast %sign3A_2491 : i32 to vector<1x784xi32>
    %sign3A_2493 = arith.cmpi sgt, %iota3A_2487, %sign3A_2492 : vector<1x784xi32>
    %sign3A_2494 = arith.extui %sign3A_2493 : vector<1x784xi1> to vector<1x784xi32>
    %sign3A_2495 = arith.constant 0 : i32
    %sign3A_2496 = vector.broadcast %sign3A_2495 : i32 to vector<1x784xi32>
    %sign3A_2497 = arith.cmpi slt, %iota3A_2487, %sign3A_2496 : vector<1x784xi32>
    %sign3A_2498 = arith.extui %sign3A_2497 : vector<1x784xi1> to vector<1x784xi32>
    %sign3A_2499 = arith.subi %sign3A_2494, %sign3A_2498 : vector<1x784xi32>
    %sign3A_2500 = arith.constant 0 : i32
    %sign3A_2501 = arith.cmpi sgt, %jit3A_2488, %sign3A_2500 : i32
    %sign3A_2502 = arith.extui %sign3A_2501 : i1 to i32
    %sign3A_2503 = arith.constant 0 : i32
    %sign3A_2504 = arith.cmpi slt, %jit3A_2488, %sign3A_2503 : i32
    %sign3A_2505 = arith.extui %sign3A_2504 : i1 to i32
    %sign3A_2506 = arith.subi %sign3A_2502, %sign3A_2505 : i32
    %ne3A_2507 = vector.broadcast %sign3A_2506 : i32 to vector<1x784xi32>
    %ne3A_2508 = arith.cmpi ne, %sign3A_2499, %ne3A_2507 : vector<1x784xi32>
    %rem3A_2509 = vector.broadcast %jit3A_2488 : i32 to vector<1x784xi32>
    %rem3A_2510 = arith.remsi %iota3A_2487, %rem3A_2509 : vector<1x784xi32>
    %ne3A_2511 = arith.constant 0 : i32
    %ne3A_2512 = vector.broadcast %ne3A_2511 : i32 to vector<1x784xi32>
    %ne3A_2513 = arith.cmpi ne, %rem3A_2510, %ne3A_2512 : vector<1x784xi32>
    %and3A_2514 = arith.andi %ne3A_2508, %ne3A_2513 : vector<1x784xi1>
    %sub3A_2515 = arith.constant 1 : i32
    %sub3A_2516 = vector.broadcast %sub3A_2515 : i32 to vector<1x784xi32>
    %sub3A_2517 = arith.subi %div3A_2490, %sub3A_2516 : vector<1x784xi32>
    %select_n3A_2518 = arith.select %and3A_2514, %sub3A_2517, %div3A_2490 : vector<1x784xi1>, vector<1x784xi32>
    %mul3A_2519 = arith.constant 28 : i32
    %mul3A_2520 = vector.broadcast %mul3A_2519 : i32 to vector<1x784xi32>
    %mul3A_2521 = arith.muli %select_n3A_2518, %mul3A_2520 : vector<1x784xi32>
    %sub3A_2522 = arith.subi %iota3A_2487, %mul3A_2521 : vector<1x784xi32>
    %add3A_2523 = arith.constant 0 : i32
    %add3A_2524 = vector.broadcast %add3A_2523 : i32 to vector<1x784xi32>
    %add3A_2525 = arith.addi %iota3A_2487, %add3A_2524 : vector<1x784xi32>
    %ge3A_2526 = arith.constant 0 : i32
    %ge3A_2527 = vector.broadcast %ge3A_2526 : i32 to vector<1x784xi32>
    %ge3A_2528 = arith.cmpi sge, %add3A_2525, %ge3A_2527 : vector<1x784xi32>
    %lt3A_2529 = arith.constant 784 : i32
    %lt3A_2530 = vector.broadcast %lt3A_2529 : i32 to vector<1x784xi32>
    %lt3A_2531 = arith.cmpi slt, %add3A_2525, %lt3A_2530 : vector<1x784xi32>
    %and3A_2532 = arith.andi %ge3A_2528, %lt3A_2531 : vector<1x784xi1>
    %add3A_2533 = arith.constant 0 : i32
    %add3A_2534 = vector.broadcast %add3A_2533 : i32 to vector<1x784xi32>
    %add3A_2535 = arith.addi %sub3A_2522, %add3A_2534 : vector<1x784xi32>
    %ge3A_2536 = arith.constant 0 : i32
    %ge3A_2537 = vector.broadcast %ge3A_2536 : i32 to vector<1x784xi32>
    %ge3A_2538 = arith.cmpi sge, %add3A_2535, %ge3A_2537 : vector<1x784xi32>
    %add3A_2539 = arith.constant 0 : i32
    %add3A_2540 = vector.broadcast %add3A_2539 : i32 to vector<1x784xi32>
    %add3A_2541 = arith.addi %sub3A_2522, %add3A_2540 : vector<1x784xi32>
    %lt3A_2542 = arith.constant 28 : i32
    %lt3A_2543 = vector.broadcast %lt3A_2542 : i32 to vector<1x784xi32>
    %lt3A_2544 = arith.cmpi slt, %add3A_2541, %lt3A_2543 : vector<1x784xi32>
    %and3A_2545 = arith.andi %ge3A_2538, %lt3A_2544 : vector<1x784xi1>
    %and3A_2546 = arith.andi %and3A_2532, %and3A_2545 : vector<1x784xi1>
    %jit3A_2547 = arith.constant 0.000000e+00 : f32
    %broadcast_in_dim3A_2548 = vector.shape_cast %and3A_2546 : vector<1x784xi1> to vector<1x784xi1>
    %broadcast_in_dim3A_2549 = vector.broadcast %broadcast_in_dim3A_2548 : vector<1x784xi1> to vector<128x784xi1>
    %broadcast_in_dim3A_2550 = vector.broadcast %jit3A_2547 : f32 to vector<128x784xf32>
    %select_n3A_2551 = arith.select %broadcast_in_dim3A_2549, %roll3A_2486, %broadcast_in_dim3A_2550 : vector<128x784xi1>, vector<128x784xf32>
    %get3A_2552 = arith.constant 4 : index
    %get3A_2553 = arith.constant 0 : index
    %get3A_2554 = arith.constant 0 : index
    %get3A_2555 = vector.load %arg3[%get3A_2552, %get3A_2553, %get3A_2554] : memref<9x128x1xf32, #tpu.memory_space<vmem>>, vector<1x128x1xf32>
    %get3A_2556 = vector.shape_cast %get3A_2555 : vector<1x128x1xf32> to vector<128x1xf32>
    %mul3A_2557 = vector.broadcast %get3A_2556 : vector<128x1xf32> to vector<128x784xf32>
    %mul3A_2558 = arith.mulf %mul3A_2557, %select_n3A_2551 : vector<128x784xf32>
    %add3A_2559 = arith.addf %add3A_2481, %mul3A_2558 : vector<128x784xf32>
    %slice3A_2560 = vector.extract_strided_slice %get3A_4 {offsets = [2, 0, 0], sizes = [1, 128, 784], strides = [1, 1, 1]} : vector<4x128x784xbf16> to vector<1x128x784xbf16>
    %squeeze3A_2561 = vector.shape_cast %slice3A_2560 : vector<1x128x784xbf16> to vector<128x784xbf16>
    %convert_element_type3A_2562 = arith.extf %squeeze3A_2561 : vector<128x784xbf16> to vector<128x784xf32>
    %roll3A_2563 = arith.constant 783 : i32
    %roll3A_2564 = tpu.dynamic_rotate %convert_element_type3A_2562 by %roll3A_2563 dim 1 : vector<128x784xf32>, i32 -> vector<128x784xf32>
    %iota3A_2565 = tpu.iota {dimensions = array<i32: 1>} : vector<1x784xi32>
    %jit3A_2566 = arith.constant 28 : i32
    %div3A_2567 = vector.broadcast %jit3A_2566 : i32 to vector<1x784xi32>
    %div3A_2568 = arith.divsi %iota3A_2565, %div3A_2567 : vector<1x784xi32>
    %sign3A_2569 = arith.constant 0 : i32
    %sign3A_2570 = vector.broadcast %sign3A_2569 : i32 to vector<1x784xi32>
    %sign3A_2571 = arith.cmpi sgt, %iota3A_2565, %sign3A_2570 : vector<1x784xi32>
    %sign3A_2572 = arith.extui %sign3A_2571 : vector<1x784xi1> to vector<1x784xi32>
    %sign3A_2573 = arith.constant 0 : i32
    %sign3A_2574 = vector.broadcast %sign3A_2573 : i32 to vector<1x784xi32>
    %sign3A_2575 = arith.cmpi slt, %iota3A_2565, %sign3A_2574 : vector<1x784xi32>
    %sign3A_2576 = arith.extui %sign3A_2575 : vector<1x784xi1> to vector<1x784xi32>
    %sign3A_2577 = arith.subi %sign3A_2572, %sign3A_2576 : vector<1x784xi32>
    %sign3A_2578 = arith.constant 0 : i32
    %sign3A_2579 = arith.cmpi sgt, %jit3A_2566, %sign3A_2578 : i32
    %sign3A_2580 = arith.extui %sign3A_2579 : i1 to i32
    %sign3A_2581 = arith.constant 0 : i32
    %sign3A_2582 = arith.cmpi slt, %jit3A_2566, %sign3A_2581 : i32
    %sign3A_2583 = arith.extui %sign3A_2582 : i1 to i32
    %sign3A_2584 = arith.subi %sign3A_2580, %sign3A_2583 : i32
    %ne3A_2585 = vector.broadcast %sign3A_2584 : i32 to vector<1x784xi32>
    %ne3A_2586 = arith.cmpi ne, %sign3A_2577, %ne3A_2585 : vector<1x784xi32>
    %rem3A_2587 = vector.broadcast %jit3A_2566 : i32 to vector<1x784xi32>
    %rem3A_2588 = arith.remsi %iota3A_2565, %rem3A_2587 : vector<1x784xi32>
    %ne3A_2589 = arith.constant 0 : i32
    %ne3A_2590 = vector.broadcast %ne3A_2589 : i32 to vector<1x784xi32>
    %ne3A_2591 = arith.cmpi ne, %rem3A_2588, %ne3A_2590 : vector<1x784xi32>
    %and3A_2592 = arith.andi %ne3A_2586, %ne3A_2591 : vector<1x784xi1>
    %sub3A_2593 = arith.constant 1 : i32
    %sub3A_2594 = vector.broadcast %sub3A_2593 : i32 to vector<1x784xi32>
    %sub3A_2595 = arith.subi %div3A_2568, %sub3A_2594 : vector<1x784xi32>
    %select_n3A_2596 = arith.select %and3A_2592, %sub3A_2595, %div3A_2568 : vector<1x784xi1>, vector<1x784xi32>
    %mul3A_2597 = arith.constant 28 : i32
    %mul3A_2598 = vector.broadcast %mul3A_2597 : i32 to vector<1x784xi32>
    %mul3A_2599 = arith.muli %select_n3A_2596, %mul3A_2598 : vector<1x784xi32>
    %sub3A_2600 = arith.subi %iota3A_2565, %mul3A_2599 : vector<1x784xi32>
    %add3A_2601 = arith.constant 1 : i32
    %add3A_2602 = vector.broadcast %add3A_2601 : i32 to vector<1x784xi32>
    %add3A_2603 = arith.addi %iota3A_2565, %add3A_2602 : vector<1x784xi32>
    %ge3A_2604 = arith.constant 0 : i32
    %ge3A_2605 = vector.broadcast %ge3A_2604 : i32 to vector<1x784xi32>
    %ge3A_2606 = arith.cmpi sge, %add3A_2603, %ge3A_2605 : vector<1x784xi32>
    %lt3A_2607 = arith.constant 784 : i32
    %lt3A_2608 = vector.broadcast %lt3A_2607 : i32 to vector<1x784xi32>
    %lt3A_2609 = arith.cmpi slt, %add3A_2603, %lt3A_2608 : vector<1x784xi32>
    %and3A_2610 = arith.andi %ge3A_2606, %lt3A_2609 : vector<1x784xi1>
    %add3A_2611 = arith.constant 1 : i32
    %add3A_2612 = vector.broadcast %add3A_2611 : i32 to vector<1x784xi32>
    %add3A_2613 = arith.addi %sub3A_2600, %add3A_2612 : vector<1x784xi32>
    %ge3A_2614 = arith.constant 0 : i32
    %ge3A_2615 = vector.broadcast %ge3A_2614 : i32 to vector<1x784xi32>
    %ge3A_2616 = arith.cmpi sge, %add3A_2613, %ge3A_2615 : vector<1x784xi32>
    %add3A_2617 = arith.constant 1 : i32
    %add3A_2618 = vector.broadcast %add3A_2617 : i32 to vector<1x784xi32>
    %add3A_2619 = arith.addi %sub3A_2600, %add3A_2618 : vector<1x784xi32>
    %lt3A_2620 = arith.constant 28 : i32
    %lt3A_2621 = vector.broadcast %lt3A_2620 : i32 to vector<1x784xi32>
    %lt3A_2622 = arith.cmpi slt, %add3A_2619, %lt3A_2621 : vector<1x784xi32>
    %and3A_2623 = arith.andi %ge3A_2616, %lt3A_2622 : vector<1x784xi1>
    %and3A_2624 = arith.andi %and3A_2610, %and3A_2623 : vector<1x784xi1>
    %jit3A_2625 = arith.constant 0.000000e+00 : f32
    %broadcast_in_dim3A_2626 = vector.shape_cast %and3A_2624 : vector<1x784xi1> to vector<1x784xi1>
    %broadcast_in_dim3A_2627 = vector.broadcast %broadcast_in_dim3A_2626 : vector<1x784xi1> to vector<128x784xi1>
    %broadcast_in_dim3A_2628 = vector.broadcast %jit3A_2625 : f32 to vector<128x784xf32>
    %select_n3A_2629 = arith.select %broadcast_in_dim3A_2627, %roll3A_2564, %broadcast_in_dim3A_2628 : vector<128x784xi1>, vector<128x784xf32>
    %get3A_2630 = arith.constant 5 : index
    %get3A_2631 = arith.constant 0 : index
    %get3A_2632 = arith.constant 0 : index
    %get3A_2633 = vector.load %arg3[%get3A_2630, %get3A_2631, %get3A_2632] : memref<9x128x1xf32, #tpu.memory_space<vmem>>, vector<1x128x1xf32>
    %get3A_2634 = vector.shape_cast %get3A_2633 : vector<1x128x1xf32> to vector<128x1xf32>
    %mul3A_2635 = vector.broadcast %get3A_2634 : vector<128x1xf32> to vector<128x784xf32>
    %mul3A_2636 = arith.mulf %mul3A_2635, %select_n3A_2629 : vector<128x784xf32>
    %add3A_2637 = arith.addf %add3A_2559, %mul3A_2636 : vector<128x784xf32>
    %slice3A_2638 = vector.extract_strided_slice %get3A_4 {offsets = [0, 0, 0], sizes = [1, 128, 784], strides = [1, 1, 1]} : vector<4x128x784xbf16> to vector<1x128x784xbf16>
    %squeeze3A_2639 = vector.shape_cast %slice3A_2638 : vector<1x128x784xbf16> to vector<128x784xbf16>
    %convert_element_type3A_2640 = arith.extf %squeeze3A_2639 : vector<128x784xbf16> to vector<128x784xf32>
    %roll3A_2641 = arith.constant 756 : i32
    %roll3A_2642 = tpu.dynamic_rotate %convert_element_type3A_2640 by %roll3A_2641 dim 1 : vector<128x784xf32>, i32 -> vector<128x784xf32>
    %iota3A_2643 = tpu.iota {dimensions = array<i32: 1>} : vector<1x784xi32>
    %jit3A_2644 = arith.constant 28 : i32
    %div3A_2645 = vector.broadcast %jit3A_2644 : i32 to vector<1x784xi32>
    %div3A_2646 = arith.divsi %iota3A_2643, %div3A_2645 : vector<1x784xi32>
    %sign3A_2647 = arith.constant 0 : i32
    %sign3A_2648 = vector.broadcast %sign3A_2647 : i32 to vector<1x784xi32>
    %sign3A_2649 = arith.cmpi sgt, %iota3A_2643, %sign3A_2648 : vector<1x784xi32>
    %sign3A_2650 = arith.extui %sign3A_2649 : vector<1x784xi1> to vector<1x784xi32>
    %sign3A_2651 = arith.constant 0 : i32
    %sign3A_2652 = vector.broadcast %sign3A_2651 : i32 to vector<1x784xi32>
    %sign3A_2653 = arith.cmpi slt, %iota3A_2643, %sign3A_2652 : vector<1x784xi32>
    %sign3A_2654 = arith.extui %sign3A_2653 : vector<1x784xi1> to vector<1x784xi32>
    %sign3A_2655 = arith.subi %sign3A_2650, %sign3A_2654 : vector<1x784xi32>
    %sign3A_2656 = arith.constant 0 : i32
    %sign3A_2657 = arith.cmpi sgt, %jit3A_2644, %sign3A_2656 : i32
    %sign3A_2658 = arith.extui %sign3A_2657 : i1 to i32
    %sign3A_2659 = arith.constant 0 : i32
    %sign3A_2660 = arith.cmpi slt, %jit3A_2644, %sign3A_2659 : i32
    %sign3A_2661 = arith.extui %sign3A_2660 : i1 to i32
    %sign3A_2662 = arith.subi %sign3A_2658, %sign3A_2661 : i32
    %ne3A_2663 = vector.broadcast %sign3A_2662 : i32 to vector<1x784xi32>
    %ne3A_2664 = arith.cmpi ne, %sign3A_2655, %ne3A_2663 : vector<1x784xi32>
    %rem3A_2665 = vector.broadcast %jit3A_2644 : i32 to vector<1x784xi32>
    %rem3A_2666 = arith.remsi %iota3A_2643, %rem3A_2665 : vector<1x784xi32>
    %ne3A_2667 = arith.constant 0 : i32
    %ne3A_2668 = vector.broadcast %ne3A_2667 : i32 to vector<1x784xi32>
    %ne3A_2669 = arith.cmpi ne, %rem3A_2666, %ne3A_2668 : vector<1x784xi32>
    %and3A_2670 = arith.andi %ne3A_2664, %ne3A_2669 : vector<1x784xi1>
    %sub3A_2671 = arith.constant 1 : i32
    %sub3A_2672 = vector.broadcast %sub3A_2671 : i32 to vector<1x784xi32>
    %sub3A_2673 = arith.subi %div3A_2646, %sub3A_2672 : vector<1x784xi32>
    %select_n3A_2674 = arith.select %and3A_2670, %sub3A_2673, %div3A_2646 : vector<1x784xi1>, vector<1x784xi32>
    %mul3A_2675 = arith.constant 28 : i32
    %mul3A_2676 = vector.broadcast %mul3A_2675 : i32 to vector<1x784xi32>
    %mul3A_2677 = arith.muli %select_n3A_2674, %mul3A_2676 : vector<1x784xi32>
    %sub3A_2678 = arith.subi %iota3A_2643, %mul3A_2677 : vector<1x784xi32>
    %add3A_2679 = arith.constant 28 : i32
    %add3A_2680 = vector.broadcast %add3A_2679 : i32 to vector<1x784xi32>
    %add3A_2681 = arith.addi %iota3A_2643, %add3A_2680 : vector<1x784xi32>
    %ge3A_2682 = arith.constant 0 : i32
    %ge3A_2683 = vector.broadcast %ge3A_2682 : i32 to vector<1x784xi32>
    %ge3A_2684 = arith.cmpi sge, %add3A_2681, %ge3A_2683 : vector<1x784xi32>
    %lt3A_2685 = arith.constant 784 : i32
    %lt3A_2686 = vector.broadcast %lt3A_2685 : i32 to vector<1x784xi32>
    %lt3A_2687 = arith.cmpi slt, %add3A_2681, %lt3A_2686 : vector<1x784xi32>
    %and3A_2688 = arith.andi %ge3A_2684, %lt3A_2687 : vector<1x784xi1>
    %add3A_2689 = arith.constant 0 : i32
    %add3A_2690 = vector.broadcast %add3A_2689 : i32 to vector<1x784xi32>
    %add3A_2691 = arith.addi %sub3A_2678, %add3A_2690 : vector<1x784xi32>
    %ge3A_2692 = arith.constant 0 : i32
    %ge3A_2693 = vector.broadcast %ge3A_2692 : i32 to vector<1x784xi32>
    %ge3A_2694 = arith.cmpi sge, %add3A_2691, %ge3A_2693 : vector<1x784xi32>
    %add3A_2695 = arith.constant 0 : i32
    %add3A_2696 = vector.broadcast %add3A_2695 : i32 to vector<1x784xi32>
    %add3A_2697 = arith.addi %sub3A_2678, %add3A_2696 : vector<1x784xi32>
    %lt3A_2698 = arith.constant 28 : i32
    %lt3A_2699 = vector.broadcast %lt3A_2698 : i32 to vector<1x784xi32>
    %lt3A_2700 = arith.cmpi slt, %add3A_2697, %lt3A_2699 : vector<1x784xi32>
    %and3A_2701 = arith.andi %ge3A_2694, %lt3A_2700 : vector<1x784xi1>
    %and3A_2702 = arith.andi %and3A_2688, %and3A_2701 : vector<1x784xi1>
    %jit3A_2703 = arith.constant 0.000000e+00 : f32
    %broadcast_in_dim3A_2704 = vector.shape_cast %and3A_2702 : vector<1x784xi1> to vector<1x784xi1>
    %broadcast_in_dim3A_2705 = vector.broadcast %broadcast_in_dim3A_2704 : vector<1x784xi1> to vector<128x784xi1>
    %broadcast_in_dim3A_2706 = vector.broadcast %jit3A_2703 : f32 to vector<128x784xf32>
    %select_n3A_2707 = arith.select %broadcast_in_dim3A_2705, %roll3A_2642, %broadcast_in_dim3A_2706 : vector<128x784xi1>, vector<128x784xf32>
    %get3A_2708 = arith.constant 6 : index
    %get3A_2709 = arith.constant 0 : index
    %get3A_2710 = arith.constant 0 : index
    %get3A_2711 = vector.load %arg3[%get3A_2708, %get3A_2709, %get3A_2710] : memref<9x128x1xf32, #tpu.memory_space<vmem>>, vector<1x128x1xf32>
    %get3A_2712 = vector.shape_cast %get3A_2711 : vector<1x128x1xf32> to vector<128x1xf32>
    %mul3A_2713 = vector.broadcast %get3A_2712 : vector<128x1xf32> to vector<128x784xf32>
    %mul3A_2714 = arith.mulf %mul3A_2713, %select_n3A_2707 : vector<128x784xf32>
    %add3A_2715 = arith.addf %add3A_2637, %mul3A_2714 : vector<128x784xf32>
    %slice3A_2716 = vector.extract_strided_slice %get3A_4 {offsets = [1, 0, 0], sizes = [1, 128, 784], strides = [1, 1, 1]} : vector<4x128x784xbf16> to vector<1x128x784xbf16>
    %squeeze3A_2717 = vector.shape_cast %slice3A_2716 : vector<1x128x784xbf16> to vector<128x784xbf16>
    %convert_element_type3A_2718 = arith.extf %squeeze3A_2717 : vector<128x784xbf16> to vector<128x784xf32>
    %roll3A_2719 = arith.constant 756 : i32
    %roll3A_2720 = tpu.dynamic_rotate %convert_element_type3A_2718 by %roll3A_2719 dim 1 : vector<128x784xf32>, i32 -> vector<128x784xf32>
    %iota3A_2721 = tpu.iota {dimensions = array<i32: 1>} : vector<1x784xi32>
    %jit3A_2722 = arith.constant 28 : i32
    %div3A_2723 = vector.broadcast %jit3A_2722 : i32 to vector<1x784xi32>
    %div3A_2724 = arith.divsi %iota3A_2721, %div3A_2723 : vector<1x784xi32>
    %sign3A_2725 = arith.constant 0 : i32
    %sign3A_2726 = vector.broadcast %sign3A_2725 : i32 to vector<1x784xi32>
    %sign3A_2727 = arith.cmpi sgt, %iota3A_2721, %sign3A_2726 : vector<1x784xi32>
    %sign3A_2728 = arith.extui %sign3A_2727 : vector<1x784xi1> to vector<1x784xi32>
    %sign3A_2729 = arith.constant 0 : i32
    %sign3A_2730 = vector.broadcast %sign3A_2729 : i32 to vector<1x784xi32>
    %sign3A_2731 = arith.cmpi slt, %iota3A_2721, %sign3A_2730 : vector<1x784xi32>
    %sign3A_2732 = arith.extui %sign3A_2731 : vector<1x784xi1> to vector<1x784xi32>
    %sign3A_2733 = arith.subi %sign3A_2728, %sign3A_2732 : vector<1x784xi32>
    %sign3A_2734 = arith.constant 0 : i32
    %sign3A_2735 = arith.cmpi sgt, %jit3A_2722, %sign3A_2734 : i32
    %sign3A_2736 = arith.extui %sign3A_2735 : i1 to i32
    %sign3A_2737 = arith.constant 0 : i32
    %sign3A_2738 = arith.cmpi slt, %jit3A_2722, %sign3A_2737 : i32
    %sign3A_2739 = arith.extui %sign3A_2738 : i1 to i32
    %sign3A_2740 = arith.subi %sign3A_2736, %sign3A_2739 : i32
    %ne3A_2741 = vector.broadcast %sign3A_2740 : i32 to vector<1x784xi32>
    %ne3A_2742 = arith.cmpi ne, %sign3A_2733, %ne3A_2741 : vector<1x784xi32>
    %rem3A_2743 = vector.broadcast %jit3A_2722 : i32 to vector<1x784xi32>
    %rem3A_2744 = arith.remsi %iota3A_2721, %rem3A_2743 : vector<1x784xi32>
    %ne3A_2745 = arith.constant 0 : i32
    %ne3A_2746 = vector.broadcast %ne3A_2745 : i32 to vector<1x784xi32>
    %ne3A_2747 = arith.cmpi ne, %rem3A_2744, %ne3A_2746 : vector<1x784xi32>
    %and3A_2748 = arith.andi %ne3A_2742, %ne3A_2747 : vector<1x784xi1>
    %sub3A_2749 = arith.constant 1 : i32
    %sub3A_2750 = vector.broadcast %sub3A_2749 : i32 to vector<1x784xi32>
    %sub3A_2751 = arith.subi %div3A_2724, %sub3A_2750 : vector<1x784xi32>
    %select_n3A_2752 = arith.select %and3A_2748, %sub3A_2751, %div3A_2724 : vector<1x784xi1>, vector<1x784xi32>
    %mul3A_2753 = arith.constant 28 : i32
    %mul3A_2754 = vector.broadcast %mul3A_2753 : i32 to vector<1x784xi32>
    %mul3A_2755 = arith.muli %select_n3A_2752, %mul3A_2754 : vector<1x784xi32>
    %sub3A_2756 = arith.subi %iota3A_2721, %mul3A_2755 : vector<1x784xi32>
    %add3A_2757 = arith.constant 28 : i32
    %add3A_2758 = vector.broadcast %add3A_2757 : i32 to vector<1x784xi32>
    %add3A_2759 = arith.addi %iota3A_2721, %add3A_2758 : vector<1x784xi32>
    %ge3A_2760 = arith.constant 0 : i32
    %ge3A_2761 = vector.broadcast %ge3A_2760 : i32 to vector<1x784xi32>
    %ge3A_2762 = arith.cmpi sge, %add3A_2759, %ge3A_2761 : vector<1x784xi32>
    %lt3A_2763 = arith.constant 784 : i32
    %lt3A_2764 = vector.broadcast %lt3A_2763 : i32 to vector<1x784xi32>
    %lt3A_2765 = arith.cmpi slt, %add3A_2759, %lt3A_2764 : vector<1x784xi32>
    %and3A_2766 = arith.andi %ge3A_2762, %lt3A_2765 : vector<1x784xi1>
    %add3A_2767 = arith.constant 0 : i32
    %add3A_2768 = vector.broadcast %add3A_2767 : i32 to vector<1x784xi32>
    %add3A_2769 = arith.addi %sub3A_2756, %add3A_2768 : vector<1x784xi32>
    %ge3A_2770 = arith.constant 0 : i32
    %ge3A_2771 = vector.broadcast %ge3A_2770 : i32 to vector<1x784xi32>
    %ge3A_2772 = arith.cmpi sge, %add3A_2769, %ge3A_2771 : vector<1x784xi32>
    %add3A_2773 = arith.constant 0 : i32
    %add3A_2774 = vector.broadcast %add3A_2773 : i32 to vector<1x784xi32>
    %add3A_2775 = arith.addi %sub3A_2756, %add3A_2774 : vector<1x784xi32>
    %lt3A_2776 = arith.constant 28 : i32
    %lt3A_2777 = vector.broadcast %lt3A_2776 : i32 to vector<1x784xi32>
    %lt3A_2778 = arith.cmpi slt, %add3A_2775, %lt3A_2777 : vector<1x784xi32>
    %and3A_2779 = arith.andi %ge3A_2772, %lt3A_2778 : vector<1x784xi1>
    %and3A_2780 = arith.andi %and3A_2766, %and3A_2779 : vector<1x784xi1>
    %jit3A_2781 = arith.constant 0.000000e+00 : f32
    %broadcast_in_dim3A_2782 = vector.shape_cast %and3A_2780 : vector<1x784xi1> to vector<1x784xi1>
    %broadcast_in_dim3A_2783 = vector.broadcast %broadcast_in_dim3A_2782 : vector<1x784xi1> to vector<128x784xi1>
    %broadcast_in_dim3A_2784 = vector.broadcast %jit3A_2781 : f32 to vector<128x784xf32>
    %select_n3A_2785 = arith.select %broadcast_in_dim3A_2783, %roll3A_2720, %broadcast_in_dim3A_2784 : vector<128x784xi1>, vector<128x784xf32>
    %get3A_2786 = arith.constant 7 : index
    %get3A_2787 = arith.constant 0 : index
    %get3A_2788 = arith.constant 0 : index
    %get3A_2789 = vector.load %arg3[%get3A_2786, %get3A_2787, %get3A_2788] : memref<9x128x1xf32, #tpu.memory_space<vmem>>, vector<1x128x1xf32>
    %get3A_2790 = vector.shape_cast %get3A_2789 : vector<1x128x1xf32> to vector<128x1xf32>
    %mul3A_2791 = vector.broadcast %get3A_2790 : vector<128x1xf32> to vector<128x784xf32>
    %mul3A_2792 = arith.mulf %mul3A_2791, %select_n3A_2785 : vector<128x784xf32>
    %add3A_2793 = arith.addf %add3A_2715, %mul3A_2792 : vector<128x784xf32>
    %slice3A_2794 = vector.extract_strided_slice %get3A_4 {offsets = [0, 0, 0], sizes = [1, 128, 784], strides = [1, 1, 1]} : vector<4x128x784xbf16> to vector<1x128x784xbf16>
    %squeeze3A_2795 = vector.shape_cast %slice3A_2794 : vector<1x128x784xbf16> to vector<128x784xbf16>
    %convert_element_type3A_2796 = arith.extf %squeeze3A_2795 : vector<128x784xbf16> to vector<128x784xf32>
    %roll3A_2797 = arith.constant 755 : i32
    %roll3A_2798 = tpu.dynamic_rotate %convert_element_type3A_2796 by %roll3A_2797 dim 1 : vector<128x784xf32>, i32 -> vector<128x784xf32>
    %iota3A_2799 = tpu.iota {dimensions = array<i32: 1>} : vector<1x784xi32>
    %jit3A_2800 = arith.constant 28 : i32
    %div3A_2801 = vector.broadcast %jit3A_2800 : i32 to vector<1x784xi32>
    %div3A_2802 = arith.divsi %iota3A_2799, %div3A_2801 : vector<1x784xi32>
    %sign3A_2803 = arith.constant 0 : i32
    %sign3A_2804 = vector.broadcast %sign3A_2803 : i32 to vector<1x784xi32>
    %sign3A_2805 = arith.cmpi sgt, %iota3A_2799, %sign3A_2804 : vector<1x784xi32>
    %sign3A_2806 = arith.extui %sign3A_2805 : vector<1x784xi1> to vector<1x784xi32>
    %sign3A_2807 = arith.constant 0 : i32
    %sign3A_2808 = vector.broadcast %sign3A_2807 : i32 to vector<1x784xi32>
    %sign3A_2809 = arith.cmpi slt, %iota3A_2799, %sign3A_2808 : vector<1x784xi32>
    %sign3A_2810 = arith.extui %sign3A_2809 : vector<1x784xi1> to vector<1x784xi32>
    %sign3A_2811 = arith.subi %sign3A_2806, %sign3A_2810 : vector<1x784xi32>
    %sign3A_2812 = arith.constant 0 : i32
    %sign3A_2813 = arith.cmpi sgt, %jit3A_2800, %sign3A_2812 : i32
    %sign3A_2814 = arith.extui %sign3A_2813 : i1 to i32
    %sign3A_2815 = arith.constant 0 : i32
    %sign3A_2816 = arith.cmpi slt, %jit3A_2800, %sign3A_2815 : i32
    %sign3A_2817 = arith.extui %sign3A_2816 : i1 to i32
    %sign3A_2818 = arith.subi %sign3A_2814, %sign3A_2817 : i32
    %ne3A_2819 = vector.broadcast %sign3A_2818 : i32 to vector<1x784xi32>
    %ne3A_2820 = arith.cmpi ne, %sign3A_2811, %ne3A_2819 : vector<1x784xi32>
    %rem3A_2821 = vector.broadcast %jit3A_2800 : i32 to vector<1x784xi32>
    %rem3A_2822 = arith.remsi %iota3A_2799, %rem3A_2821 : vector<1x784xi32>
    %ne3A_2823 = arith.constant 0 : i32
    %ne3A_2824 = vector.broadcast %ne3A_2823 : i32 to vector<1x784xi32>
    %ne3A_2825 = arith.cmpi ne, %rem3A_2822, %ne3A_2824 : vector<1x784xi32>
    %and3A_2826 = arith.andi %ne3A_2820, %ne3A_2825 : vector<1x784xi1>
    %sub3A_2827 = arith.constant 1 : i32
    %sub3A_2828 = vector.broadcast %sub3A_2827 : i32 to vector<1x784xi32>
    %sub3A_2829 = arith.subi %div3A_2802, %sub3A_2828 : vector<1x784xi32>
    %select_n3A_2830 = arith.select %and3A_2826, %sub3A_2829, %div3A_2802 : vector<1x784xi1>, vector<1x784xi32>
    %mul3A_2831 = arith.constant 28 : i32
    %mul3A_2832 = vector.broadcast %mul3A_2831 : i32 to vector<1x784xi32>
    %mul3A_2833 = arith.muli %select_n3A_2830, %mul3A_2832 : vector<1x784xi32>
    %sub3A_2834 = arith.subi %iota3A_2799, %mul3A_2833 : vector<1x784xi32>
    %add3A_2835 = arith.constant 29 : i32
    %add3A_2836 = vector.broadcast %add3A_2835 : i32 to vector<1x784xi32>
    %add3A_2837 = arith.addi %iota3A_2799, %add3A_2836 : vector<1x784xi32>
    %ge3A_2838 = arith.constant 0 : i32
    %ge3A_2839 = vector.broadcast %ge3A_2838 : i32 to vector<1x784xi32>
    %ge3A_2840 = arith.cmpi sge, %add3A_2837, %ge3A_2839 : vector<1x784xi32>
    %lt3A_2841 = arith.constant 784 : i32
    %lt3A_2842 = vector.broadcast %lt3A_2841 : i32 to vector<1x784xi32>
    %lt3A_2843 = arith.cmpi slt, %add3A_2837, %lt3A_2842 : vector<1x784xi32>
    %and3A_2844 = arith.andi %ge3A_2840, %lt3A_2843 : vector<1x784xi1>
    %add3A_2845 = arith.constant 1 : i32
    %add3A_2846 = vector.broadcast %add3A_2845 : i32 to vector<1x784xi32>
    %add3A_2847 = arith.addi %sub3A_2834, %add3A_2846 : vector<1x784xi32>
    %ge3A_2848 = arith.constant 0 : i32
    %ge3A_2849 = vector.broadcast %ge3A_2848 : i32 to vector<1x784xi32>
    %ge3A_2850 = arith.cmpi sge, %add3A_2847, %ge3A_2849 : vector<1x784xi32>
    %add3A_2851 = arith.constant 1 : i32
    %add3A_2852 = vector.broadcast %add3A_2851 : i32 to vector<1x784xi32>
    %add3A_2853 = arith.addi %sub3A_2834, %add3A_2852 : vector<1x784xi32>
    %lt3A_2854 = arith.constant 28 : i32
    %lt3A_2855 = vector.broadcast %lt3A_2854 : i32 to vector<1x784xi32>
    %lt3A_2856 = arith.cmpi slt, %add3A_2853, %lt3A_2855 : vector<1x784xi32>
    %and3A_2857 = arith.andi %ge3A_2850, %lt3A_2856 : vector<1x784xi1>
    %and3A_2858 = arith.andi %and3A_2844, %and3A_2857 : vector<1x784xi1>
    %jit3A_2859 = arith.constant 0.000000e+00 : f32
    %broadcast_in_dim3A_2860 = vector.shape_cast %and3A_2858 : vector<1x784xi1> to vector<1x784xi1>
    %broadcast_in_dim3A_2861 = vector.broadcast %broadcast_in_dim3A_2860 : vector<1x784xi1> to vector<128x784xi1>
    %broadcast_in_dim3A_2862 = vector.broadcast %jit3A_2859 : f32 to vector<128x784xf32>
    %select_n3A_2863 = arith.select %broadcast_in_dim3A_2861, %roll3A_2798, %broadcast_in_dim3A_2862 : vector<128x784xi1>, vector<128x784xf32>
    %get3A_2864 = arith.constant 8 : index
    %get3A_2865 = arith.constant 0 : index
    %get3A_2866 = arith.constant 0 : index
    %get3A_2867 = vector.load %arg3[%get3A_2864, %get3A_2865, %get3A_2866] : memref<9x128x1xf32, #tpu.memory_space<vmem>>, vector<1x128x1xf32>
    %get3A_2868 = vector.shape_cast %get3A_2867 : vector<1x128x1xf32> to vector<128x1xf32>
    %mul3A_2869 = vector.broadcast %get3A_2868 : vector<128x1xf32> to vector<128x784xf32>
    %mul3A_2870 = arith.mulf %mul3A_2869, %select_n3A_2863 : vector<128x784xf32>
    %add3A_2871 = arith.addf %add3A_2793, %mul3A_2870 : vector<128x784xf32>
    %get3A_2872 = arith.constant 0 : index
    %get3A_2873 = arith.constant 0 : index
    %get3A_2874 = vector.load %arg4[%get3A_2872, %get3A_2873] : memref<128x1xf32, #tpu.memory_space<vmem>>, vector<128x1xf32>
    %mul3A_2875 = vector.broadcast %get3A_2874 : vector<128x1xf32> to vector<128x784xf32>
    %mul3A_2876 = arith.mulf %add3A_2871, %mul3A_2875 : vector<128x784xf32>
    %get3A_2877 = arith.constant 0 : index
    %get3A_2878 = arith.constant 0 : index
    %get3A_2879 = vector.load %arg5[%get3A_2877, %get3A_2878] : memref<128x1xf32, #tpu.memory_space<vmem>>, vector<128x1xf32>
    %add3A_2880 = vector.broadcast %get3A_2879 : vector<128x1xf32> to vector<128x784xf32>
    %add3A_2881 = arith.addf %mul3A_2876, %add3A_2880 : vector<128x784xf32>
    %jit3A_2882 = arith.constant 0.000000e+00 : f32
    %jit3A_2883 = arith.constant 6.000000e+00 : f32
    %max3A_2884 = vector.broadcast %jit3A_2882 : f32 to vector<128x784xf32>
    %max3A_2885 = arith.maximumf %max3A_2884, %add3A_2881 : vector<128x784xf32>
    %min3A_2886 = vector.broadcast %jit3A_2883 : f32 to vector<128x784xf32>
    %min3A_2887 = arith.minimumf %min3A_2886, %max3A_2885 : vector<128x784xf32>
    %convert_element_type3A_2888 = arith.truncf %min3A_2887 : vector<128x784xf32> to vector<128x784xbf16>
    %swap3A_2889 = arith.constant 0 : index
    %swap3A_2890 = arith.constant 3 : index
    %swap3A_2891 = arith.constant 0 : index
    %swap3A_2892 = arith.constant 0 : index
    %swap3A_2893 = vector.load %arg6[%swap3A_2889, %swap3A_2890, %swap3A_2891, %swap3A_2892] : memref<1x4x128x784xbf16, #tpu.memory_space<vmem>>, vector<1x1x128x784xbf16>
    %swap3A_2894 = vector.shape_cast %swap3A_2893 : vector<1x1x128x784xbf16> to vector<128x784xbf16>
    %swap3A_2895 = vector.shape_cast %convert_element_type3A_2888 : vector<128x784xbf16> to vector<1x1x128x784xbf16>
    tpu.vector_store %arg6[%swap3A_2889, %swap3A_2890, %swap3A_2891, %swap3A_2892], %swap3A_2895 {strides = array<i32>} : memref<1x4x128x784xbf16, #tpu.memory_space<vmem>>, vector<1x1x128x784xbf16>,
    return
  }
  func.func @transform_0(%arg0: i32, %arg1: i32) -> (i32, i32, i32, i32) {
    %c0_i32 = arith.constant 0 : i32
    %c0_i32_0 = arith.constant 0 : i32
    %c0_i32_1 = arith.constant 0 : i32
    return %arg0, %c0_i32, %arg1, %c0_i32_0 : i32, i32, i32, i32
  }
  func.func @transform_1(%arg0: i32, %arg1: i32) -> (i32, i32, i32) {
    %c0_i32 = arith.constant 0 : i32
    %c0_i32_0 = arith.constant 0 : i32
    %c0_i32_1 = arith.constant 0 : i32
    return %c0_i32, %arg1, %c0_i32_0 : i32, i32, i32
  }
  func.func @transform_2(%arg0: i32, %arg1: i32) -> (i32, i32) {
    %c0_i32 = arith.constant 0 : i32
    %c0_i32_0 = arith.constant 0 : i32
    return %arg1, %c0_i32 : i32, i32
  }
  func.func @transform_3(%arg0: i32, %arg1: i32) -> (i32, i32) {
    %c0_i32 = arith.constant 0 : i32
    %c0_i32_0 = arith.constant 0 : i32
    return %arg1, %c0_i32 : i32, i32
  }
  func.func @transform_4(%arg0: i32, %arg1: i32) -> (i32, i32, i32, i32) {
    %c0_i32 = arith.constant 0 : i32
    %c0_i32_0 = arith.constant 0 : i32
    %c0_i32_1 = arith.constant 0 : i32
    return %arg0, %c0_i32, %arg1, %c0_i32_0 : i32, i32, i32, i32
  }
}

module attributes {stable_mosaic.version = 14 : i64} {
  func.func @_pw_body(%arg0: i32, %arg1: i32, %arg2: memref<1x1x768x784xbf16, #tpu.memory_space<vmem>>, %arg3: memref<768x768xbf16, #tpu.memory_space<vmem>>, %arg4: memref<768x1xf32, #tpu.memory_space<vmem>>, %arg5: memref<768x1xf32, #tpu.memory_space<vmem>>, %arg6: memref<1x1x768x784xf32, #tpu.memory_space<vmem>>) attributes {dimension_semantics = [#tpu.dimension_semantics<arbitrary>, #tpu.dimension_semantics<arbitrary>], iteration_bounds = array<i64: 4, 4>, scalar_prefetch = 0 : i64, scratch_operands = 0 : i64, tpu.core_type = #tpu.core_type<tc>, window_params = [{transform_indices = @transform_0, window_bounds = array<i64: 1, 1, 768, 784>}, {pipeline_mode = #tpu.pipeline_mode<synchronous>, transform_indices = @transform_1, window_bounds = array<i64: 768, 768>}, {pipeline_mode = #tpu.pipeline_mode<synchronous>, transform_indices = @transform_2, window_bounds = array<i64: 768, 1>}, {pipeline_mode = #tpu.pipeline_mode<synchronous>, transform_indices = @transform_3, window_bounds = array<i64: 768, 1>}, {transform_indices = @transform_4, window_bounds = array<i64: 1, 1, 768, 784>}]} {
    %get3A = arith.constant 0 : index
    %get3A_0 = arith.constant 0 : index
    %get3A_1 = vector.load %arg3[%get3A, %get3A_0] : memref<768x768xbf16, #tpu.memory_space<vmem>>, vector<768x768xbf16>
    %get3A_2 = arith.constant 0 : index
    %get3A_3 = arith.constant 0 : index
    %get3A_4 = arith.constant 0 : index
    %get3A_5 = arith.constant 0 : index
    %get3A_6 = vector.load %arg2[%get3A_2, %get3A_3, %get3A_4, %get3A_5] : memref<1x1x768x784xbf16, #tpu.memory_space<vmem>>, vector<1x1x768x784xbf16>
    %get3A_7 = vector.shape_cast %get3A_6 : vector<1x1x768x784xbf16> to vector<768x784xbf16>
    %dot_general3A = arith.constant dense<0.000000e+00> : vector<768x784xf32>
    %dot_general3A_8 = tpu.matmul %get3A_1, %get3A_7, %dot_general3A {dimension_numbers = #tpu.dot_dimension_numbers<[1], [0], [0], [1], [0, 0, 1, 1], [], []>, transpose_lhs_hint = false} : vector<768x768xbf16>, vector<768x784xbf16>, vector<768x784xf32> -> vector<768x784xf32>
    %get3A_9 = arith.constant 0 : index
    %get3A_10 = arith.constant 0 : index
    %get3A_11 = vector.load %arg4[%get3A_9, %get3A_10] : memref<768x1xf32, #tpu.memory_space<vmem>>, vector<768x1xf32>
    %mul3A = vector.broadcast %get3A_11 : vector<768x1xf32> to vector<768x784xf32>
    %mul3A_12 = arith.mulf %dot_general3A_8, %mul3A : vector<768x784xf32>
    %get3A_13 = arith.constant 0 : index
    %get3A_14 = arith.constant 0 : index
    %get3A_15 = vector.load %arg5[%get3A_13, %get3A_14] : memref<768x1xf32, #tpu.memory_space<vmem>>, vector<768x1xf32>
    %add3A = vector.broadcast %get3A_15 : vector<768x1xf32> to vector<768x784xf32>
    %add3A_16 = arith.addf %mul3A_12, %add3A : vector<768x784xf32>
    %jit3A = arith.constant 0.000000e+00 : f32
    %jit3A_17 = arith.constant 6.000000e+00 : f32
    %max3A = vector.broadcast %jit3A : f32 to vector<768x784xf32>
    %max3A_18 = arith.maximumf %max3A, %add3A_16 : vector<768x784xf32>
    %min3A = vector.broadcast %jit3A_17 : f32 to vector<768x784xf32>
    %min3A_19 = arith.minimumf %min3A, %max3A_18 : vector<768x784xf32>
    %swap3A = arith.constant 0 : index
    %swap3A_20 = arith.constant 0 : index
    %swap3A_21 = arith.constant 0 : index
    %swap3A_22 = arith.constant 0 : index
    %swap3A_23 = vector.load %arg6[%swap3A, %swap3A_20, %swap3A_21, %swap3A_22] : memref<1x1x768x784xf32, #tpu.memory_space<vmem>>, vector<1x1x768x784xf32>
    %swap3A_24 = vector.shape_cast %swap3A_23 : vector<1x1x768x784xf32> to vector<768x784xf32>
    %swap3A_25 = vector.shape_cast %min3A_19 : vector<768x784xf32> to vector<1x1x768x784xf32>
    tpu.vector_store %arg6[%swap3A, %swap3A_20, %swap3A_21, %swap3A_22], %swap3A_25 {strides = array<i32>} : memref<1x1x768x784xf32, #tpu.memory_space<vmem>>, vector<1x1x768x784xf32>,
    return
  }
  func.func @transform_0(%arg0: i32, %arg1: i32) -> (i32, i32, i32, i32) {
    %c0_i32 = arith.constant 0 : i32
    %c0_i32_0 = arith.constant 0 : i32
    %c0_i32_1 = arith.constant 0 : i32
    return %arg0, %arg1, %c0_i32, %c0_i32_0 : i32, i32, i32, i32
  }
  func.func @transform_1(%arg0: i32, %arg1: i32) -> (i32, i32) {
    %c0_i32 = arith.constant 0 : i32
    %c0_i32_0 = arith.constant 0 : i32
    %c0_i32_1 = arith.constant 0 : i32
    return %c0_i32, %c0_i32_0 : i32, i32
  }
  func.func @transform_2(%arg0: i32, %arg1: i32) -> (i32, i32) {
    %c0_i32 = arith.constant 0 : i32
    %c0_i32_0 = arith.constant 0 : i32
    %c0_i32_1 = arith.constant 0 : i32
    return %c0_i32, %c0_i32_0 : i32, i32
  }
  func.func @transform_3(%arg0: i32, %arg1: i32) -> (i32, i32) {
    %c0_i32 = arith.constant 0 : i32
    %c0_i32_0 = arith.constant 0 : i32
    %c0_i32_1 = arith.constant 0 : i32
    return %c0_i32, %c0_i32_0 : i32, i32
  }
  func.func @transform_4(%arg0: i32, %arg1: i32) -> (i32, i32, i32, i32) {
    %c0_i32 = arith.constant 0 : i32
    %c0_i32_0 = arith.constant 0 : i32
    %c0_i32_1 = arith.constant 0 : i32
    return %arg0, %arg1, %c0_i32, %c0_i32_0 : i32, i32, i32, i32
  }
}

</mosaic_0001>

<sc_bundles>
// kernel: kernel.9.cloned.1.call-start
scs
__scs_entry_jumppad:
0x0: {  	(pc) =	sbr.rel $0x88, $3  }
0x1: {  	(tag) =	ssettag $0x0;
	lr =	simm.s32 $0x1  }
0x2: {  	[smem:$0x3F92] =	sst lr;
	_ =	strace $0xD0000000  }
0x3: {  	_ = 	snop  }
0x4: {  	_ = 	snop  }
0x5: {  	_ = 	snop  }
0x6: {  	_ = 	snop  }
0x7: {  	_ = 	snop  }
__scs_overlays_trampoline_lowered:
0x8: {  	[smem:$0x3FA1] =	sst s0  }
0x9: {  	[smem:$0x3FA2] =	sst s1  }
0xa: {  	[smem:$0x3FA3] =	sst s2  }
0xb: {  	[smem:$0x3FA4] =	sst s3  }
0xc: {  	[smem:$0x3FA5] =	sst s4  }
0xd: {  	[smem:$0x3FA6] =	sst s5  }
0xe: {  	[smem:$0x3FA7] =	sst s6  }
0xf: {  	[smem:$0x3FA8] =	sst s7  }
0x10: {  	[smem:$0x3FA9] =	sst s8  }
0x11: {  	[smem:$0x3FAA] =	sst s9;
	s0 =	simm.s32 @!p0 $0x0  }
0x12: {  	s1 =	sld [smem:$0x3F90];
	s0 =	simm.s32 @p0 $0x1  }
0x13: {  	[smem:$0x3FAB] =	sst s0;
	s0 =	simm.s32 @!p1 $0x0  }
0x14: {  	s2 =	sld [smem:$0x3F8F];
	s0 =	simm.s32 @p1 $0x1  }
0x15: {  	[smem:$0x3FAC] =	sst s0;
	s0 =	simm.s32 @!p2 $0x0  }
0x16: {  	s3 =	sld [smem:$0x3FDB];
	s0 =	simm.s32 @p2 $0x1  }
0x17: {  	s4 =	simm.s32 $0x1BF5;
	[smem:$0x3FAE] =	sst s0  }
0x18: {  	s0 =	sld [smem:$0x3F91];
	_ =	swait.ge [sflag:s4], $0x0  }
0x19: {  	s7 =	sld [smem:$0x3F92]  }
0x1a: {  	s8 =	sadd.s32 $0xFFFFE003, lr  }
0x1b: {  	s9 =	sadd.s32 $0xFFFFFEF7, lr;
	s5 =	simm.s32 $0xFFFFFFFF;
	p2 =	slt.u32 s8, $0xFFFFF086  }
0x1c: {  	p1 =	slt.u32 s9, $0xF7A;
	s5 =	simm.s32 @!p2 $0x0  }
0x1d: {  	s5 =	simm.s32 @p1 $0x1;
	p0 =	seq.s32 s7, s2  }
0x1e: {  	s7 =	smul.u32 @!p0 $0xF7A, s2;
	p2 =	seq.s32 @!p0 s5, $0x0  }
0x1f: {  	s9 =	smul.u32 $0xF7A, s1;
	s8 =	simm.s32 @!p0 $0x1BF5;
	p2 =	por !p2, p0  }
0x20: {  	[sflag:s8] =	ssyncset.s32 @!p0 $0xFFFFF086;
	s6 =	sadd.s32 @!p0 s3, s7;
	s7 =	simm.s32 @!p0 $0x108  }
0x21: {  	s3 =	sadd.s32 s3, s9;
	s6 =	sadd.s32 @!p0 $0x88, s6;
	s7 =	simm.s32 @p2 $0x1082  }
0x22: {  	[simem:s7], [sflag:s8] =	dma.local @!p0 [hbm:s6], $0xF7A  }
0x23: {  	s9 =	sor.u32 $0xD0000000, s2;
	s6 =	simm.s32 $0x108;
	_ =	swait.ge @!p0 [sflag:s8], $0x0  }
0x24: {  	s3 =	sadd.s32 $0x88, s3;
	s6 =	simm.s32 @!p1 $0x1082;
	[sflag:s4] =	ssyncset.s32 $0xFFFFF086  }
0x25: {  	[simem:s6], [sflag:s4] =	dma.local [hbm:s3], $0xF7A  }
0x26: {  	[smem:$0x3F92] =	sst s1;
	(tag) =	ssettag s2;
	_ =	strace s9  }
0x27: {  	s1 =	sld [smem:$0x3FA2]  }
0x28: {  	s2 =	sld [smem:$0x3FA3]  }
0x29: {  	s4 =	sld [smem:$0x3FA5]  }
0x2a: {  	p0 =	seq.s32 s5, $0x0;
	s5 =	sld [smem:$0x3FA6]  }
0x2b: {  	s6 =	sld [smem:$0x3FA7]  }
0x2c: {  	s7 =	sld [smem:$0x3FA8]  }
0x2d: {  	s3 =	simm.s32 $0x108;
	s8 =	sld [smem:$0x3FA9]  }
0x2e: {  	s3 =	simm.s32 @!p0 $0x1082;
	s9 =	sld [smem:$0x3FAA]  }
0x2f: {  	lr =	sadd.s32 s0, s3;
	s0 =	sld [smem:$0x3FA1]  }
0x30: {  	s3 =	sld [smem:$0x3FA4]  }
0x31: {  	[smem:$0x3FAD] =	sst s10  }
0x32: {  	s10 =	sld [smem:$0x3FAB];
	_ =	sdelay $0x3  }
0x33: {  	p0 =	seq.s32 s10, $0x1;
	s10 =	sld [smem:$0x3FAD];
	_ =	sdelay $0x3  }
0x34: {  	[smem:$0x3FAD] =	sst s10  }
0x35: {  	s10 =	sld [smem:$0x3FAC];
	_ =	sdelay $0x3  }
0x36: {  	p1 =	seq.s32 s10, $0x1;
	s10 =	sld [smem:$0x3FAD];
	_ =	sdelay $0x3  }
0x37: {  	[smem:$0x3FAD] =	sst s10  }
0x38: {  	s10 =	sld [smem:$0x3FAE]  }
0x39: {  	_ = 	snop;
	(pc) =	sbr.ind lr, $3  }
0x3a: {  	_ = 	snop  }
0x3b: {  	_ = 	snop  }
0x3c: {  	p2 =	seq.s32 s10, $0x1;
	s10 =	sld [smem:$0x3FAD]  }
0x3d: {  	_ =	shalt  }
0x3e: {  	_ =	shalt  }
0x3f: {  	_ =	shalt  }
0x40: {  	_ =	shalt  }
0x41: {  	_ =	shalt  }
0x42: {  	_ =	shalt  }
0x43: {  	_ =	shalt  }
0x44: {  	_ =	shalt  }
0x45: {  	_ =	shalt  }
0x46: {  	_ =	shalt  }
0x47: {  	_ =	shalt  }
0x48: {  	_ =	shalt  }
0x49: {  	_ =	shalt  }
0x4a: {  	_ =	shalt  }
0x4b: {  	_ =	shalt  }
0x4c: {  	_ =	shalt  }
0x4d: {  	_ =	shalt  }
0x4e: {  	_ =	shalt  }
0x4f: {  	_ =	shalt  }
0x50: {  	_ =	shalt  }
0x51: {  	_ =	shalt  }
0x52: {  	_ =	shalt  }
0x53: {  	_ =	shalt  }
0x54: {  	_ =	shalt  }
0x55: {  	_ =	shalt  }
0x56: {  	_ =	shalt  }
0x57: {  	_ =	shalt  }
0x58: {  	_ =	shalt  }
0x59: {  	_ =	shalt  }
0x5a: {  	_ =	shalt  }
0x5b: {  	_ =	shalt  }
0x5c: {  	_ =	shalt  }
0x5d: {  	_ =	shalt  }
0x5e: {  	_ =	shalt  }
0x5f: {  	_ =	shalt  }
0x60: {  	_ =	shalt  }
0x61: {  	_ =	shalt  }
0x62: {  	_ =	shalt  }
0x63: {  	_ =	shalt  }
0x64: {  	_ =	shalt  }
0x65: {  	_ =	shalt  }
0x66: {  	_ =	shalt  }
0x67: {  	_ =	shalt  }
0x68: {  	_ =	shalt  }
0x69: {  	_ =	shalt  }
0x6a: {  	_ =	shalt  }
0x6b: {  	_ =	shalt  }
0x6c: {  	_ =	shalt  }
0x6d: {  	_ =	shalt  }
0x6e: {  	_ =	shalt  }
0x6f: {  	_ =	shalt  }
0x70: {  	_ =	shalt  }
0x71: {  	_ =	shalt  }
0x72: {  	_ =	shalt  }
0x73: {  	_ =	shalt  }
0x74: {  	_ =	shalt  }
0x75: {  	_ =	shalt  }
0x76: {  	_ =	shalt  }
0x77: {  	_ =	shalt  }
0x78: {  	_ =	shalt  }
0x79: {  	_ =	shalt  }
0x7a: {  	_ =	shalt  }
0x7b: {  	_ =	shalt  }
0x7c: {  	_ =	shalt  }
0x7d: {  	_ =	shalt  }
0x7e: {  	_ =	shalt  }
0x7f: {  	_ =	shalt  }
0x80: {  	_ =	shalt  }
0x81: {  	_ =	shalt  }
0x82: {  	_ =	shalt  }
0x83: {  	_ =	shalt  }
0x84: {  	_ =	shalt  }
0x85: {  	_ =	shalt  }
0x86: {  	_ =	shalt  }
0x87: {  	_ =	shalt  }
.Lfunc_end0:
.L_simem_size_0:
called_computation.4_lowered:
.L_overlay_start_0:
0x88: {  	s2 =	sld [smem:$0x3FD9]  }
0x89: {  	s3 =	sld [smem:$0x3FFE];
	_ =	sdelay $0x1  }
0x8a: {  	s1 =	srdreg.scid  }
0x8b: {  	s0 =	sand.u32 $0x1, s1  }
0x8c: {  	s16 =	sshll.u32 s0, $0xA;
	s2 =	sadd.s32 s3, s2  }
0x8d: {  	s2 =	sadd.s32 s2, s16  }
0x8e: {  	[smem:$0x3FB9] =	sst s2  }
0x8f: {  	_ = 	snop  }
0x90: {  	(tm) =	ssettm $0x1  }
0x91: {  	s17 =	sld [smem:$0x3FFB];
	_ =	sdelay $0x3  }
0x92: {  	_ =	strace s17  }
0x93: {  	s2 =	sld [smem:$0x3FFC];
	_ =	sdelay $0x3  }
0x94: {  	_ =	strace s2  }
0x95: {  	s2 =	sld [smem:$0x3FFD];
	_ =	sdelay $0x3  }
0x96: {  	_ =	strace s2  }
0x97: {  	_ =	strace $0x8FFFFFFF  }
0x98: {  	s18 =	sld [smem:$0x3FDB];
	_ =	sdelay $0x1  }
0x99: {  	s19 =	simm.s32 $_scs_section_size  }
0x9a: {  	s4 =	simm.s32 $_size__tile_overlayer_lowered;
	s5 =	simm.s32 $_tile_overlayer_lowered  }
0x9b: {  	s22 =	simm.s32 $0x1BFF;
	s21 =	sshll.u32 s5, $0x1;
	s2 =	sadd.s32 s19, s18  }
0x9c: {  	s6 =	simm.s32 $0x0;
	s20 =	sshll.u32 s4, $0x1;
	s4 =	sadd.s32 s21, s2  }
0x9d: {  	[timem:s6], [sflag:s22] =	dma.local [hbm:s4], s20  }
0x9e: {  	_ =	swait.ge [sflag:s22], s20  }
0x9f: {  	s3 =	ssub.s32 $0x0, s20;
	[sflag:s22] =	ssyncset.done $0x0  }
0xa0: {  	[sflag:s22] =	ssyncadd.s32 s3;
	_ =	sdelay $0x1  }
0xa1: {  	s23 =	simm.s32 $0x1B8B  }
0xa2: {  	_ =	swait.ge [sflag:s23], $0x1  }
0xa3: {  	[sflag:s23] =	ssyncset.done $0x0  }
0xa4: {  	s25 =	simm.s32 $0x1B8E;
	s24 =	sld [smem:$0x3FFE];
	[sflag:s23] =	ssyncadd.s32 $0xFFFFFFFF  }
0xa5: {  	s26 =	simm.s32 $execute0_lowered;
	[smem:$0x3FD2] =	sst s25  }
0xa6: {  	s4 =	sshll.u32 s26, $0x1;
	_ =	strace $0x8000004C;
	[dreg:$0x1] =	wrdreg $0xFFFFFFFF  }
0xa7: {  	s28 =	simm.s32 $_size_execute0_lowered;
	s2 =	sadd.s32 s2, s4;
	[dreg:$0x0] =	wrdreg $0x0  }
0xa8: {  	s4 =	sshll.u32 s28, $0x1;
	[dreg:$0x2] =	wrdreg s2  }
0xa9: {  	[dreg:$0x3] =	wrdreg s4  }
0xaa: {  	[dreg:$0x4] =	wrdreg $0xC0  }
0xab: {  	_ =	task [dreg:s6], $0x5FFFF  }
0xac: {  	[dreg:$0x1] =	wrdreg $0xFFFFFFFF  }
0xad: {  	[dreg:$0x0] =	wrdreg $0x60  }
0xae: {  	[dreg:$0x2] =	wrdreg s24  }
0xaf: {  	[dreg:$0x3] =	wrdreg $0x9  }
0xb0: {  	_ =	task.clear_ibuf [dreg:s6], $0x4FFFF;
	_ =	strace $0x9000004C  }
0xb1: {  	s29 =	simm.s32 $0x9;
	_ =	strace $0x8000004E  }
0xb2: {  	_ =	swait.ge [sflag:s29], $0x1  }
0xb3: {  	[sflag:s29] =	ssyncadd.s32 $0xFFFFFFFF  }
0xb4: {  	_ =	strace $0x9000004E  }
0xb5: {  	_ =	sfence  }
0xb6: {  	s30 =	sld [smem:$0x0];
	_ =	sdelay $0x2  }
0xb7: {  	s31 =	sshll.u32 s1, $0xD;
	s1 =	sshrl.u32 s1, $0x2  }
0xb8: {  	s3 =	sand.u32 $0x4000, s31;
	s1 =	sadd.s32 s1, s30  }
0xb9: {  	s0 =	sor.u32 s3, s0;
	s1 =	sshll.u32 s1, $0x11  }
0xba: {  	s0 =	sor.u32 s1, s0  }
0xbb: {  	s0 =	sadd.s32 $0x8F2B, s0  }
0xbc: {  	[sflag:s0] =	ssyncadd.remote.s32 $0x1  }
0xbd: {  	_ =	sfence.sel $0xFFFF  }
0xbe: {  	[dreg:$0x0] =	wrdreg $0xFFFFFFFF;
	(pc) =	sbr.abs _section_cstart, $3  }
0xbf: {  	[dreg:$0x1] =	wrdreg $0xFFFFFFFF  }
0xc0: {  	_ =	task.clear_ibuf [dreg:s6], $0x2FFFF;
	_ =	strace $0x9FFFFFFF  }
0xc1: {  	(tm) =	ssettm $0x7FFFFFFF  }
tec
execute0_lowered:
.L_overlay_start_1:
0x0: {  	(tag) =	ssettag $0x1  }
0x1: {  	s3 =	rddreg [dreg:$0x0]  }
0x2: {  	s1 =	srdreg.scid;
	s0 =	rddreg [dreg:$0x1]  }
0x3: {  	s2 =	simm.s32 $0x0;
	s10 =	simm.s32 $0x1;
	s11 =	simm.s32 $0x40000000  }
0x4: {  	s13 =	simm.s32 $0x0;
	s12 =	sand.u32 $0x1, s1;
	[smem:$0x7FF] =	sst s2  }
0x5: {  	s1 =	stileid.u32;
	s7 =	sadd.s32 $0x3600, s3;
	s8 =	sadd.s32 $0x4C00, s3  }
0x6: {  	s4 =	sshll.u32 s12, $0x4;
	_ =	strace $0x8000004D;
	s5 =	sshrl.u32 s1, $0x3  }
0x7: {  	s6 =	sshll.u32 s1, $0x7;
	s4 =	sor.u32 s1, s4;
	s5 =	smul.u32 $0x1C00, s5  }
0x8: {  	s30 =	ssub.s32 $0x2, s12;
	s6 =	sand.u32 $0x380, s6;
	s4 =	sshrl.u32 s4, $0x3  }
0x9: {  	p0 =	sne.s32 s12, $0x0;
	s4 =	smul.u32 $0x1C00, s4;
	s5 =	sor.u32 s6, s5  }
.Ltmp0:
0xa: {  	s12 =	simm.s32 $0x380;
	s5 =	sadd.s32 $0x7000, s5;
	(pc) =	sbr.rel .LBB2_1-.Ltmp0, $4  }
0xb: {  	s9 =	sshrl.u32 s30, $0x1;
	s4 =	sor.u32 s6, s4;
	s31 =	sshrl.u32 s5, $0x3  }
0xc: {  	s9 =	ssub.s32 s30, s9;
	s4 =	sshrl.u32 s4, $0x3;
	s5 =	sadd.s32 s7, s31  }
0xd: {  	s6 =	sadd.s32 s8, s31;
	s3 =	sadd.s32 s7, s4;
	s4 =	sadd.s32 s8, s4  }
0xe: {  	v0 =	vimm.s32 $0x0;
	s7 =	smax.u32 s9, $0x1;
	s8 =	simm.s32 $0x80;
	s9 =	simm.s32 $0x400  }
.LBB2_15:
0xf: {  	s13 =	sadd.s32 $0x1, s13  }
0x10: {  	p1 =	sne.s32 s13, s7  }
.Ltmp1:
0x11: {  	_ = 	snop;
	(pc) =	sbr.rel @!p1 .LBB2_16-.Ltmp1, $1  }
0x12: {  	_ =	sdelay $0x3  }
.LBB2_1:
0x13: {  	[tilespmem:s2], [sflag:$0x1] =	stream.strided.gather [hbm4b:s3+s8], $0x380, s9, s8, $0x38;
	[tilespmem:$0x700] =	vst v63  }
0x14: {  	_ =	swait.ge [sflag:s10], $0x380  }
0x15: {  	[sflag:s10] =	ssyncset.done $0x0  }
0x16: {  	s14 =	simm.s32 $0x0;
	s15 =	simm.s32 $0x0;
	[sflag:s10] =	ssyncadd.s32 $0xFFFFFC80  }
.LBB2_2:
0x17: {  	s16 =	sshrl.u32 s11, s15;
	s18 =	simm.s32 $0x0  }
0x18: {  	s16 =	sor.u32 s16, s14;
	v3 =	vld [tilespmem:s18+$0x0]  }
0x19: {  	v1 =	vimm.s32 $0x0;
	s17 =	simm.s32 $0x40;
	v2 =	vmov s16  }
.LBB2_3:
0x1a: {  	p1 =	sne.s32 s17, $0xC00  }
.Ltmp2:
0x1b: {  	_ = 	snop;
	(pc) =	sbr.rel @p1 .LBB2_3-.Ltmp2, $4  }
0x1c: {  	_ = 	snop  }
0x1d: {  	s18 =	sshra.s32 s17, $0x2;
	s17 =	sadd.s32 $0x40, s17;
	vm0 =	vge.s32 v3, v2  }
0x1e: {  	v3 =	vld [tilespmem:s18+$0x0];
	v4 =	vsel vm0, $0x1, v0  }
0x1f: {  	v1 =	vadd.s32 v4, v1  }
0x20: {  	_ =	sdelay $0x2  }
0x21: {  	vm0 =	vge.s32 v3, v2  }
0x22: {  	v2 =	vsel vm0, $0x1, v0  }
0x23: {  	v1 =	vadd.s32 v2, v1  }
0x24: {  	(v2sf) =	vpush v1, $0x0  }
0x25: {  	(v2sf) =	vpush v1, $0x1  }
0x26: {  	(v2sf) =	vpush v1, $0x2  }
0x27: {  	(v2sf) =	vpush v1, $0x3  }
0x28: {  	(v2sf) =	vpush v1, $0x4  }
0x29: {  	(v2sf) =	vpush v1, $0x5  }
0x2a: {  	(v2sf) =	vpush v1, $0x6  }
0x2b: {  	(v2sf) =	vpush v1, $0x7  }
0x2c: {  	(v2sf) =	vpush v1, $0x8  }
0x2d: {  	(v2sf) =	vpush v1, $0x9  }
0x2e: {  	(v2sf) =	vpush v1, $0xA  }
0x2f: {  	(v2sf) =	vpush v1, $0xB  }
0x30: {  	(v2sf) =	vpush v1, $0xC  }
0x31: {  	(v2sf) =	vpush v1, $0xD  }
0x32: {  	(v2sf) =	vpush v1, $0xE  }
0x33: {  	s17 =	spop (v2sf);
	(v2sf) =	vpush v1, $0xF  }
0x34: {  	s18 =	spop (v2sf)  }
0x35: {  	s17 =	sadd.s32 s18, s17;
	s30 =	spop (v2sf)  }
0x36: {  	s17 =	sadd.s32 s30, s17;
	s31 =	spop (v2sf)  }
0x37: {  	s17 =	sadd.s32 s31, s17;
	s19 =	spop (v2sf)  }
0x38: {  	s17 =	sadd.s32 s19, s17;
	s20 =	spop (v2sf)  }
0x39: {  	s17 =	sadd.s32 s20, s17;
	s21 =	spop (v2sf)  }
0x3a: {  	s17 =	sadd.s32 s21, s17;
	s22 =	spop (v2sf)  }
0x3b: {  	s17 =	sadd.s32 s22, s17;
	s23 =	spop (v2sf)  }
0x3c: {  	s17 =	sadd.s32 s23, s17;
	s24 =	spop (v2sf)  }
0x3d: {  	s17 =	sadd.s32 s24, s17;
	s25 =	spop (v2sf)  }
0x3e: {  	s17 =	sadd.s32 s25, s17;
	s26 =	spop (v2sf)  }
0x3f: {  	s15 =	sadd.s32 $0x1, s15;
	s17 =	sadd.s32 s26, s17;
	s28 =	spop (v2sf)  }
0x40: {  	p2 =	sne.s32 s15, $0x1F;
	s17 =	sadd.s32 s28, s17;
	s29 =	spop (v2sf)  }
.Ltmp3:
0x41: {  	s17 =	sadd.s32 s29, s17;
	s30 =	spop (v2sf);
	(pc) =	sbr.rel @p2 .LBB2_2-.Ltmp3, $4  }
0x42: {  	s17 =	sadd.s32 s30, s17;
	s31 =	spop (v2sf)  }
0x43: {  	s17 =	sadd.s32 s31, s17  }
0x44: {  	p1 =	sgt.s32 s17, $0xC3  }
0x45: {  	s14 =	smov.u32 @p1 s16  }
0x46: {  	s15 =	simm.s32 $0x0  }
0x47: {  	v1 =	vmov s14;
	s14 =	simm.s32 $0x40;
	v2 =	vld [tilespmem:s15+$0x0]  }
.LBB2_6:
0x48: {  	_ =	sdelay $0x1  }
0x49: {  	p1 =	sne.s32 s14, $0xC00  }
.Ltmp4:
0x4a: {  	_ = 	snop;
	(pc) =	sbr.rel @p1 .LBB2_6-.Ltmp4, $4  }
0x4b: {  	vm0 =	veq.s32 v2, v1  }
0x4c: {  	vm1 =	vgt.s32 v2, v1;
	v3 =	vsel vm0, $0x1, v0  }
0x4d: {  	s16 =	sshra.s32 s14, $0x2;
	v3 =	vsel vm1, $0x2, v3  }
0x4e: {  	s14 =	sadd.s32 $0x40, s14;
	v2 =	vld [tilespmem:s16+$0x0];
	[tilespmem:s15+$0x380] =	vst v3;
	s15 =	smov.u32 s16  }
0x4f: {  	_ =	sdelay $0x3  }
0x50: {  	vm0 =	veq.s32 v2, v1  }
0x51: {  	vm1 =	vgt.s32 v2, v1;
	v1 =	vsel vm0, $0x1, v0  }
0x52: {  	v1 =	vsel vm1, $0x2, v1  }
.Ltmp5:
0x53: {  	[tilespmem:s15+$0x380] =	vst v1;
	(pc) =	sbr.rel @p0 .LBB2_15-.Ltmp5, $4  }
0x54: {  	[hbm4b:s4+s8] =	stream.strided.scatter [tilespmem:s12], [sflag:$0x1], $0x380, s9, s8, $0x38;
	[tilespmem:$0x700] =	vst v63  }
0x55: {  	_ =	swait.ge [sflag:s10], $0x380  }
0x56: {  	[sflag:s10] =	ssyncset.done $0x0  }
0x57: {  	[sflag:s10] =	ssyncadd.s32 $0xFFFFFC80  }
0x58: {  	s14 =	simm.s32 $0x0  }
0x59: {  	[tilespmem:s14], [sflag:$0x1] =	stream.strided.gather [hbm4b:s5+s8], $0x380, s9, s8, $0x38;
	[tilespmem:$0x700] =	vst v63  }
0x5a: {  	_ =	swait.ge [sflag:s10], $0x380  }
0x5b: {  	[sflag:s10] =	ssyncset.done $0x0  }
0x5c: {  	s15 =	simm.s32 $0x0;
	[sflag:s10] =	ssyncadd.s32 $0xFFFFFC80  }
.LBB2_9:
0x5d: {  	s16 =	sshrl.u32 s11, s15;
	s18 =	simm.s32 $0x0  }
0x5e: {  	s16 =	sor.u32 s16, s14;
	v3 =	vld [tilespmem:s18+$0x0]  }
0x5f: {  	v1 =	vimm.s32 $0x0;
	s17 =	simm.s32 $0x40;
	v2 =	vmov s16  }
.LBB2_10:
0x60: {  	p1 =	sne.s32 s17, $0xC00  }
.Ltmp6:
0x61: {  	_ = 	snop;
	(pc) =	sbr.rel @p1 .LBB2_10-.Ltmp6, $4  }
0x62: {  	_ = 	snop  }
0x63: {  	s18 =	sshra.s32 s17, $0x2;
	s17 =	sadd.s32 $0x40, s17;
	vm0 =	vge.s32 v3, v2  }
0x64: {  	v3 =	vld [tilespmem:s18+$0x0];
	v4 =	vsel vm0, $0x1, v0  }
0x65: {  	v1 =	vadd.s32 v4, v1  }
0x66: {  	_ =	sdelay $0x2  }
0x67: {  	vm0 =	vge.s32 v3, v2  }
0x68: {  	v2 =	vsel vm0, $0x1, v0  }
0x69: {  	v1 =	vadd.s32 v2, v1  }
0x6a: {  	(v2sf) =	vpush v1, $0x0  }
0x6b: {  	(v2sf) =	vpush v1, $0x1  }
0x6c: {  	(v2sf) =	vpush v1, $0x2  }
0x6d: {  	(v2sf) =	vpush v1, $0x3  }
0x6e: {  	(v2sf) =	vpush v1, $0x4  }
0x6f: {  	(v2sf) =	vpush v1, $0x5  }
0x70: {  	(v2sf) =	vpush v1, $0x6  }
0x71: {  	(v2sf) =	vpush v1, $0x7  }
0x72: {  	(v2sf) =	vpush v1, $0x8  }
0x73: {  	(v2sf) =	vpush v1, $0x9  }
0x74: {  	(v2sf) =	vpush v1, $0xA  }
0x75: {  	(v2sf) =	vpush v1, $0xB  }
0x76: {  	(v2sf) =	vpush v1, $0xC  }
0x77: {  	(v2sf) =	vpush v1, $0xD  }
0x78: {  	(v2sf) =	vpush v1, $0xE  }
0x79: {  	s17 =	spop (v2sf);
	(v2sf) =	vpush v1, $0xF  }
0x7a: {  	s18 =	spop (v2sf)  }
0x7b: {  	s17 =	sadd.s32 s18, s17;
	s30 =	spop (v2sf)  }
0x7c: {  	s17 =	sadd.s32 s30, s17;
	s31 =	spop (v2sf)  }
0x7d: {  	s17 =	sadd.s32 s31, s17;
	s19 =	spop (v2sf)  }
0x7e: {  	s17 =	sadd.s32 s19, s17;
	s20 =	spop (v2sf)  }
0x7f: {  	s17 =	sadd.s32 s20, s17;
	s21 =	spop (v2sf)  }
0x80: {  	s17 =	sadd.s32 s21, s17;
	s22 =	spop (v2sf)  }
0x81: {  	s17 =	sadd.s32 s22, s17;
	s23 =	spop (v2sf)  }
0x82: {  	s17 =	sadd.s32 s23, s17;
	s24 =	spop (v2sf)  }
0x83: {  	s17 =	sadd.s32 s24, s17;
	s25 =	spop (v2sf)  }
0x84: {  	s17 =	sadd.s32 s25, s17;
	s26 =	spop (v2sf)  }
0x85: {  	s15 =	sadd.s32 $0x1, s15;
	s17 =	sadd.s32 s26, s17;
	s28 =	spop (v2sf)  }
0x86: {  	p2 =	sne.s32 s15, $0x1F;
	s17 =	sadd.s32 s28, s17;
	s29 =	spop (v2sf)  }
.Ltmp7:
0x87: {  	s17 =	sadd.s32 s29, s17;
	s30 =	spop (v2sf);
	(pc) =	sbr.rel @p2 .LBB2_9-.Ltmp7, $4  }
0x88: {  	s17 =	sadd.s32 s30, s17;
	s31 =	spop (v2sf)  }
0x89: {  	s17 =	sadd.s32 s31, s17  }
0x8a: {  	p1 =	sgt.s32 s17, $0xC3  }
0x8b: {  	s14 =	smov.u32 @p1 s16  }
0x8c: {  	s15 =	simm.s32 $0x0  }
0x8d: {  	v1 =	vmov s14;
	s14 =	simm.s32 $0x40;
	v2 =	vld [tilespmem:s15+$0x0]  }
.LBB2_13:
0x8e: {  	_ =	sdelay $0x1  }
0x8f: {  	p1 =	sne.s32 s14, $0xC00  }
.Ltmp8:
0x90: {  	_ = 	snop;
	(pc) =	sbr.rel @p1 .LBB2_13-.Ltmp8, $4  }
0x91: {  	vm0 =	veq.s32 v2, v1  }
0x92: {  	vm1 =	vgt.s32 v2, v1;
	v3 =	vsel vm0, $0x1, v0  }
0x93: {  	s16 =	sshra.s32 s14, $0x2;
	v3 =	vsel vm1, $0x2, v3  }
0x94: {  	s14 =	sadd.s32 $0x40, s14;
	v2 =	vld [tilespmem:s16+$0x0];
	[tilespmem:s15+$0x380] =	vst v3;
	s15 =	smov.u32 s16  }
0x95: {  	_ =	sdelay $0x3  }
0x96: {  	vm0 =	veq.s32 v2, v1  }
0x97: {  	vm1 =	vgt.s32 v2, v1;
	v1 =	vsel vm0, $0x1, v0  }
0x98: {  	v1 =	vsel vm1, $0x2, v1  }
.Ltmp9:
0x99: {  	[tilespmem:s15+$0x380] =	vst v1;
	(pc) =	sbr.rel .LBB2_15-.Ltmp9, $4  }
0x9a: {  	[hbm4b:s6+s8] =	stream.strided.scatter [tilespmem:s12], [sflag:$0x1], $0x380, s9, s8, $0x38;
	[tilespmem:$0x700] =	vst v63  }
0x9b: {  	_ =	swait.ge [sflag:s10], $0x380  }
0x9c: {  	[sflag:s10] =	ssyncset.done $0x0  }
0x9d: {  	[sflag:s10] =	ssyncadd.s32 $0xFFFFFC80  }
.LBB2_16:
0x9e: {  	_ =	sfence.sel $0x180000  }
0x9f: {  	[bflag:$0x0] =	sbarrier.arrive $0xFFFF  }
0xa0: {  	p0 =	sne.s32 s1, $0x0;
	_ =	strace $0x9000004D  }
0xa1: {  	s0 =	sadd.s32 @!p0 $0x100000, s0;
	[bflag:$0x2] =	sbarrier.arrive $0xFFFF  }
0xa2: {  	[sflag:s0] =	ssyncadd.tile.s32 @!p0 $0x1;
	_ =	shalt  }
.Lfunc_end2:
_tile_overlayer_lowered:
.L_overlay_start_2:
0xa3: {  	(tag) =	ssettag $0x2  }
0xa4: {  	s0 =	rddreg [dreg:$0x0];
	s2 =	stileid.u32  }
0xa5: {  	s1 =	rddreg [dreg:$0x1];
	p0 =	sne.s32 s2, $0x0  }
0xa6: {  	s3 =	rddreg [dreg:$0x2];
	[bflag:$0x3] =	sbarrier.arrive $0xFFFF;
	s2 =	simm.s32 @!p0 $0x1C02  }
0xa7: {  	[timem:s3], [sflag:s2] =	dma.local @!p0 [hbm:s0], s1  }
0xa8: {  	s0 =	simm.s32 @!p0 $0x2  }
0xa9: {  	_ =	swait.ge @!p0 [sflag:s0], s1  }
0xaa: {  	s1 =	ssub.s32 @!p0 $0x0, s1;
	[sflag:s0] =	ssyncset.done @!p0 $0x0  }
0xab: {  	[sflag:s0] =	ssyncadd.s32 @!p0 s1  }
0xac: {  	[bflag:$0x3] =	sbarrier.arrive $0xFFFF  }
0xad: {  	_ =	shalt  }

// kernel: sparse-core-data-format-call.1.cloned.1.call-start
scs
called_computation.1_lowered:
.L_overlay_start_0:
0x0: {  	s2 =	sld [smem:$0x3FD9]  }
0x1: {  	s3 =	sld [smem:$0x3FFE];
	_ =	sdelay $0x1  }
0x2: {  	s1 =	srdreg.scid  }
0x3: {  	s0 =	sand.u32 $0x1, s1  }
0x4: {  	s18 =	sshll.u32 s0, $0xA;
	s2 =	sadd.s32 s3, s2  }
0x5: {  	s2 =	sadd.s32 s2, s18  }
0x6: {  	[smem:$0x3FB9] =	sst s2  }
0x7: {  	_ = 	snop  }
0x8: {  	s2 =	sld [smem:$0x3FD0];
	(tm) =	ssettm $0x1  }
0x9: {  	s19 =	sld [smem:$0x3FFB];
	_ =	sdelay $0x3  }
0xa: {  	_ =	strace s19  }
0xb: {  	s3 =	sld [smem:$0x3FFC];
	_ =	sdelay $0x3  }
0xc: {  	_ =	strace s3  }
0xd: {  	s3 =	sld [smem:$0x3FFD];
	_ =	sdelay $0x3  }
0xe: {  	_ =	strace s3  }
0xf: {  	_ =	strace $0x8FFFFFFF  }
0x10: {  	s20 =	sld [smem:$0x3FDB];
	_ =	sdelay $0x1  }
0x11: {  	s4 =	simm.s32 $_scs_section_size  }
0x12: {  	s5 =	simm.s32 $_size__tile_overlayer_lowered;
	s6 =	simm.s32 $_tile_overlayer_lowered  }
0x13: {  	s23 =	simm.s32 $0x1BFF;
	s22 =	sshll.u32 s6, $0x1;
	s3 =	sadd.s32 s4, s20  }
0x14: {  	s7 =	simm.s32 $0x0;
	s21 =	sshll.u32 s5, $0x1;
	s5 =	sadd.s32 s22, s3  }
0x15: {  	[timem:s7], [sflag:s23] =	dma.local [hbm:s5], s21  }
0x16: {  	_ =	swait.ge [sflag:s23], s21  }
0x17: {  	s4 =	ssub.s32 $0x0, s21;
	[sflag:s23] =	ssyncset.done $0x0  }
0x18: {  	[sflag:s23] =	ssyncadd.s32 s4;
	_ =	sdelay $0x1  }
0x19: {  	s24 =	simm.s32 $0x1B8B  }
0x1a: {  	_ =	swait.ge [sflag:s24], $0x1  }
0x1b: {  	[sflag:s24] =	ssyncset.done $0x0  }
0x1c: {  	s26 =	simm.s32 $0x1B8E;
	s25 =	sld [smem:$0x3FFE];
	[sflag:s24] =	ssyncadd.s32 $0xFFFFFFFF  }
0x1d: {  	s27 =	simm.s32 $execute0_lowered;
	[smem:$0x3FD2] =	sst s26  }
0x1e: {  	s5 =	sshll.u32 s27, $0x1;
	_ =	strace $0x8000004F;
	[dreg:$0x1] =	wrdreg $0xFFFFFFFF  }
0x1f: {  	s28 =	simm.s32 $_size_execute0_lowered;
	s3 =	sadd.s32 s3, s5;
	[dreg:$0x0] =	wrdreg $0x0  }
0x20: {  	s5 =	sshll.u32 s28, $0x1;
	[dreg:$0x2] =	wrdreg s3  }
0x21: {  	[dreg:$0x3] =	wrdreg s5  }
0x22: {  	[dreg:$0x4] =	wrdreg $0xC0  }
0x23: {  	_ =	task [dreg:s7], $0x5FFFF  }
0x24: {  	[dreg:$0x1] =	wrdreg $0xFFFFFFFF  }
0x25: {  	[dreg:$0x0] =	wrdreg $0x60  }
0x26: {  	[dreg:$0x2] =	wrdreg s2  }
0x27: {  	[dreg:$0x3] =	wrdreg s25  }
0x28: {  	[dreg:$0x4] =	wrdreg $0x9  }
0x29: {  	_ =	task.clear_ibuf [dreg:s7], $0x5FFFF;
	_ =	strace $0x9000004F  }
0x2a: {  	s29 =	simm.s32 $0x9;
	_ =	strace $0x80000051  }
0x2b: {  	_ =	swait.ge [sflag:s29], $0x1  }
0x2c: {  	[sflag:s29] =	ssyncadd.s32 $0xFFFFFFFF  }
0x2d: {  	_ =	strace $0x90000051  }
0x2e: {  	_ =	sfence  }
0x2f: {  	s30 =	sld [smem:$0x0];
	_ =	sdelay $0x2  }
0x30: {  	s31 =	sshll.u32 s1, $0xD;
	s1 =	sshrl.u32 s1, $0x2  }
0x31: {  	s3 =	sand.u32 $0x4000, s31;
	s1 =	sadd.s32 s1, s30  }
0x32: {  	s0 =	sor.u32 s3, s0;
	s1 =	sshll.u32 s1, $0x11  }
0x33: {  	s0 =	sor.u32 s1, s0  }
0x34: {  	s0 =	sadd.s32 $0x8F2B, s0  }
0x35: {  	[sflag:s0] =	ssyncadd.remote.s32 $0x1  }
0x36: {  	_ =	sfence.sel $0xFFFF  }
0x37: {  	[dreg:$0x0] =	wrdreg $0xFFFFFFFF;
	(pc) =	sbr.abs _section_cstart, $3  }
0x38: {  	[dreg:$0x1] =	wrdreg $0xFFFFFFFF  }
0x39: {  	_ =	task.clear_ibuf [dreg:s7], $0x2FFFF;
	_ =	strace $0x9FFFFFFF  }
0x3a: {  	(tm) =	ssettm $0x7FFFFFFF  }
0x3b: {  	_ =	shalt  }
tec
execute0_lowered:
.L_overlay_start_1:
0x0: {  	(tag) =	ssettag $0x1  }
0x1: {  	s1 =	rddreg [dreg:$0x1];
	s18 =	simm.s32 $0x0  }
0x2: {  	_ =	strace $0x80000050;
	s19 =	simm.s32 $0x0;
	[dreg:$0x1c] =	wrdreg s18  }
0x3: {  	s20 =	simm.s32 $0x0;
	[dreg:$0x1d] =	wrdreg s19  }
0x4: {  	s21 =	simm.s32 $0x0;
	[dreg:$0x1f] =	wrdreg s20  }
0x5: {  	s22 =	simm.s32 $0x0;
	[smem:$0x7FC] =	sst s21  }
0x6: {  	s23 =	simm.s32 $0x0;
	[dreg:$0x1e] =	wrdreg s22  }
0x7: {  	s24 =	simm.s32 $0x0;
	[smem:$0x7FD] =	sst s23  }
0x8: {  	s25 =	simm.s32 $0x0;
	[dreg:$0xf] =	wrdreg s24  }
0x9: {  	s26 =	simm.s32 $0x0;
	[dreg:$0x10] =	wrdreg s25  }
0xa: {  	s27 =	simm.s32 $0x0;
	[dreg:$0x11] =	wrdreg s26  }
0xb: {  	s28 =	simm.s32 $0x0;
	[dreg:$0x12] =	wrdreg s27  }
0xc: {  	s29 =	simm.s32 $0x0;
	[dreg:$0x13] =	wrdreg s28  }
0xd: {  	s5 =	stileid.u32;
	s30 =	simm.s32 $0x0;
	[dreg:$0x15] =	wrdreg s29  }
0xe: {  	s13 =	srdreg.scid;
	s31 =	simm.s32 $0x0;
	[dreg:$0x14] =	wrdreg s30  }
0xf: {  	s6 =	sand.u32 $0x1, s5;
	s1 =	sadd.s32 $0x3600, s1;
	[dreg:$0x16] =	wrdreg s31  }
0x10: {  	s0 =	sshrl.u32 s5, $0x1;
	s17 =	sshrl.u32 s5, $0x2;
	[dreg:$0xa] =	wrdreg s1  }
0x11: {  	s14 =	sshll.u32 s13, $0x4;
	s7 =	sand.u32 $0x1, s0;
	[dreg:$0xc] =	wrdreg s17  }
0x12: {  	s11 =	ssub.s32 $0x2, s6;
	s1 =	sand.u32 $0x10, s14;
	[dreg:$0x18] =	wrdreg s17  }
0x13: {  	[dreg:$0x8] =	wrdreg s6;
	s2 =	sshrl.u32 s11, $0x1;
	s3 =	ssub.s32 $0x2, s7  }
0x14: {  	s0 =	sand.u32 $0x1, s11;
	s4 =	sshrl.u32 s3, $0x1;
	s3 =	sand.u32 $0x1, s3  }
0x15: {  	[dreg:$0x1a] =	wrdreg s6;
	s0 =	sadd.s32 s0, s2;
	s12 =	sadd.s32 s3, s4  }
0x16: {  	[dreg:$0xd] =	wrdreg s1;
	s0 =	smul.u32 s12, s0  }
.Ltmp0:
0x17: {  	[dreg:$0x17] =	wrdreg s1;
	(pc) =	sbr.rel .LBB1_1-.Ltmp0, $4  }
0x18: {  	[dreg:$0x9] =	wrdreg s7;
	s0 =	smul.u32 $0x15, s0  }
0x19: {  	s15 =	simm.s32 $0x1;
	s16 =	simm.s32 $0x2;
	[dreg:$0x19] =	wrdreg s7  }
0x1a: {  	[sflag:s15] =	ssyncpa.u1 $0x0;
	[dreg:$0xb] =	wrdreg s0;
	s0 =	sadd.s32 $0x1, s0  }
0x1b: {  	[sflag:s16] =	ssyncpa.u1 $0x0;
	s3 =	simm.s32 $0x0;
	[dreg:$0xe] =	wrdreg s0  }
.LBB1_22:
0x1c: {  	s2 =	rddreg [dreg:$0x10]  }
0x1d: {  	s3 =	rddreg [dreg:$0xf];
	s0 =	sshrl.u32 s2, $0x2  }
0x1e: {  	s23 =	rddreg [dreg:$0x15];
	s1 =	sshll.u32 s3, $0x2;
	s0 =	smul.u32 $0xC00, s0  }
0x1f: {  	s4 =	rddreg [dreg:$0x13];
	s2 =	sshll.u32 s2, $0x7;
	s1 =	sand.u32 $0xFFFFFE00, s1  }
0x20: {  	s5 =	rddreg [dreg:$0x12];
	s21 =	sand.u32 $0x180, s2;
	s0 =	sadd.s32 s0, s1  }
0x21: {  	s22 =	sand.u32 $0x7F, s3;
	s3 =	smul.u32 $0x5400, s23;
	s0 =	sor.u32 s21, s0  }
0x22: {  	s6 =	rddreg [dreg:$0xa];
	s4 =	smul.u32 $0x180, s4;
	s1 =	sor.u32 s22, s0  }
0x23: {  	s24 =	rddreg [dreg:$0x11];
	s2 =	smulhi.u32 $0xAAAAAAAB, s1  }
0x24: {  	s28 =	sld [smem:$0x7FB];
	s0 =	smulhi.u32 $0xAAAAAAAB, s0  }
0x25: {  	s30 =	simm.s32 $0x1800;
	s5 =	smul.u32 $0xA800, s5;
	s2 =	sshrl.u32 s2, $0x9  }
0x26: {  	s3 =	sadd.s32 s6, s3;
	s0 =	sshrl.u32 s0, $0x9;
	s2 =	smul.u32 $0x300, s2  }
0x27: {  	s6 =	smul.u32 $0x300, s24;
	s3 =	sadd.s32 s4, s3;
	s0 =	sand.u32 $0x3, s0  }
0x28: {  	s25 =	sadd.s32 s5, s3;
	s0 =	smul.u32 $0x60, s0;
	s1 =	ssub.s32 s1, s2  }
0x29: {  	s31 =	sld [smem:$0x7FA];
	s2 =	sadd.s32 s6, s25;
	s26 =	sand.u32 $0x7, s1  }
0x2a: {  	s1 =	sshrl.u32 s1, $0x3;
	s0 =	sadd.s32 s0, s2;
	s27 =	sshll.u32 s26, $0x12  }
0x2b: {  	s3 =	sor.u32 $0x8000, s28;
	s0 =	sadd.s32 s1, s0;
	s29 =	sor.u32 $0x400, s27  }
0x2c: {  	[hbm4b:s0+s29] =	stream.strided.scatter [tilespmem:s3], [sflag:$0x2], s31, s30, s29, $0x38;
	[tilespmem:$0x10000] =	vst v63  }
0x2d: {  	s3 =	rddreg [dreg:$0x1b]  }
.LBB1_23:
0x2e: {  	s2 =	sld [smem:$0x7FC]  }
0x2f: {  	s4 =	sld [smem:$0x7FD]  }
0x30: {  	s5 =	rddreg [dreg:$0x1e]  }
0x31: {  	s7 =	rddreg [dreg:$0x1c]  }
0x32: {  	s9 =	rddreg [dreg:$0x14]  }
0x33: {  	s10 =	rddreg [dreg:$0x16]  }
0x34: {  	s11 =	rddreg [dreg:$0x17]  }
0x35: {  	s12 =	rddreg [dreg:$0x18]  }
0x36: {  	p0 =	slt.u32 s3, $0x2;
	s13 =	rddreg [dreg:$0x19]  }
0x37: {  	s15 =	smov.u32 s3;
	s14 =	rddreg [dreg:$0x1a];
	p1 =	sgt.s32 @!p0 s2, $0x1B  }
0x38: {  	s0 =	smov.u32 s2;
	s1 =	sshra.s32 @!p0 s2, $0x1F;
	p1 =	por !p1, p0  }
0x39: {  	s8 =	rddreg [dreg:$0xc];
	s1 =	sand.u32 @!p0 s1, s2;
	s0 =	simm.s32 @p1 $0x1B  }
0x3a: {  	s6 =	sshra.s32 @!p0 s7, $0x1F;
	p2 =	sgt.s32 @!p0 s4, $0x1;
	s0 =	ssub.s32 @!p0 s0, s1  }
0x3b: {  	s6 =	sand.u32 @!p0 s6, s7;
	p2 =	por !p2, p0;
	s1 =	sadd.s32 @!p0 $0xFFFFFFE5, s0  }
0x3c: {  	s2 =	smov.u32 s4;
	p1 =	sgt.s32 @!p0 s1, $0x0;
	s1 =	sshra.s32 @!p0 s4, $0x1F  }
0x3d: {  	s2 =	simm.s32 @p2 $0x1;
	s0 =	ssub.s32 @!p0 $0x1C, s0;
	s1 =	sand.u32 @!p0 s1, s4  }
0x3e: {  	p1 =	por !p1, p0;
	s4 =	rddreg [dreg:$0x1f];
	s1 =	sxor.u32 @!p0 $0xFFFFFFFF, s1  }
0x3f: {  	s0 =	simm.s32 @!p1 $0x0;
	p2 =	sgt.s32 @!p0 s4, $0xC;
	s3 =	sshra.s32 @!p0 s4, $0x1F  }
0x40: {  	s1 =	sadd.s32 @!p0 s1, s2;
	p2 =	por !p2, p0;
	s2 =	smov.u32 s4  }
0x41: {  	s3 =	sand.u32 @!p0 s3, s4;
	p1 =	sgt.s32 @!p0 s1, $0x0;
	s2 =	simm.s32 @p2 $0xC  }
0x42: {  	s1 =	ssub.s32 @!p0 $0x1, s1;
	p1 =	por !p1, p0;
	s2 =	ssub.s32 @!p0 s2, s3  }
0x43: {  	s3 =	sshra.s32 @!p0 s5, $0x1F;
	s1 =	simm.s32 @!p1 $0x0;
	p1 =	sgt.s32 @!p0 s5, $0x1  }
0x44: {  	s4 =	sadd.s32 @!p0 $0xFFFFFFF4, s2;
	s3 =	sand.u32 @!p0 s3, s5;
	s2 =	ssub.s32 @!p0 $0x1C, s2  }
0x45: {  	p1 =	por !p1, p0;
	p2 =	sgt.s32 @!p0 s4, $0xF;
	s3 =	sxor.u32 @!p0 $0xFFFFFFFF, s3  }
0x46: {  	s5 =	simm.s32 @p1 $0x1;
	p1 =	por !p2, p0;
	p2 =	sgt.s32 @!p0 s7, $0x200  }
0x47: {  	s3 =	sadd.s32 @!p0 s3, s5;
	s2 =	simm.s32 @!p1 $0x0;
	s5 =	rddreg [dreg:$0x1d]  }
0x48: {  	p2 =	por !p2, p0;
	p1 =	sgt.s32 @!p0 s3, $0x0;
	s4 =	ssub.s32 @!p0 $0x0, s5  }
0x49: {  	s3 =	ssub.s32 @!p0 $0x1, s3;
	s4 =	smin.u32 @!p0 s5, s4;
	s5 =	smov.u32 s7  }
0x4a: {  	p1 =	por !p1, p0;
	s7 =	smov.u32 s10;
	s5 =	simm.s32 @p2 $0x200  }
0x4b: {  	p2 =	sgt.s32 @!p0 s4, $0x3;
	s4 =	ssub.s32 @!p0 $0x4, s4;
	s3 =	simm.s32 @!p1 $0x0  }
0x4c: {  	p2 =	por !p2, p0;
	s5 =	ssub.s32 @!p0 s5, s6;
	s1 =	smul.u32 @!p0 s1, s3  }
0x4d: {  	s3 =	sadd.s32 $0x100, s9;
	s4 =	simm.s32 @!p2 $0x0;
	s6 =	sadd.s32 @!p0 $0xFFFFFE00, s5  }
0x4e: {  	s5 =	ssub.s32 @!p0 $0x300, s5;
	p2 =	sgt.s32 s3, $0x2FF;
	p1 =	sgt.s32 @!p0 s6, $0xFF  }
0x4f: {  	s6 =	sadd.s32 $0x4, s10;
	s0 =	smul.u32 @!p0 s0, s1;
	s1 =	sadd.s32 $0x20, s11  }
0x50: {  	p1 =	por !p1, p0;
	s7 =	smov.u32 @p2 s6;
	s6 =	smov.u32 s11  }
0x51: {  	s5 =	simm.s32 @!p1 $0x0;
	p1 =	sgt.s32 s7, $0x3;
	s0 =	smul.u32 @!p0 s2, s0  }
0x52: {  	s3 =	simm.s32 @p2 $0x0;
	s2 =	smov.u32 s12;
	s6 =	smov.u32 @p1 s1  }
0x53: {  	s1 =	sadd.s32 $0x4, s12;
	p2 =	sgt.s32 s6, $0x1B;
	s0 =	smul.u32 @!p0 s4, s0  }
0x54: {  	s7 =	simm.s32 @p1 $0x0;
	s4 =	smov.u32 s13;
	s2 =	smov.u32 @p2 s1  }
0x55: {  	s1 =	sadd.s32 $0x2, s13;
	p1 =	sgt.s32 s2, $0x1B;
	s0 =	smul.u32 @!p0 s5, s0  }
0x56: {  	s5 =	smov.u32 s14;
	s4 =	smov.u32 @p1 s1;
	s1 =	rddreg [dreg:$0xd]  }
0x57: {  	s6 =	smov.u32 @p2 s1;
	p2 =	sgt.s32 s4, $0x1;
	s1 =	sadd.s32 $0x2, s14  }
0x58: {  	s0 =	sand.u32 @!p0 $0x3FFFFFFF, s0;
	s5 =	smov.u32 @p2 s1;
	s1 =	simm.s32 @!p0 $0x2  }
0x59: {  	_ =	swait.ge @!p0 [sflag:s1], s0;
	[dreg:$0x14] =	wrdreg s3  }
0x5a: {  	[dreg:$0x16] =	wrdreg s7  }
0x5b: {  	s2 =	smov.u32 @p1 s8;
	[dreg:$0x17] =	wrdreg s6  }
0x5c: {  	[dreg:$0x18] =	wrdreg s2  }
0x5d: {  	s8 =	rddreg [dreg:$0x9]  }
0x5e: {  	s24 =	rddreg [dreg:$0xf]  }
0x5f: {  	s25 =	rddreg [dreg:$0x10]  }
0x60: {  	s26 =	rddreg [dreg:$0x11]  }
0x61: {  	s27 =	rddreg [dreg:$0x12]  }
0x62: {  	s28 =	rddreg [dreg:$0x13]  }
0x63: {  	s29 =	rddreg [dreg:$0x15]  }
0x64: {  	s30 =	rddreg [dreg:$0xe]  }
0x65: {  	[dreg:$0xf] =	wrdreg s9  }
0x66: {  	[dreg:$0x10] =	wrdreg s10  }
0x67: {  	[dreg:$0x11] =	wrdreg s11  }
0x68: {  	[dreg:$0x12] =	wrdreg s12  }
0x69: {  	[dreg:$0x13] =	wrdreg s13  }
0x6a: {  	[dreg:$0x15] =	wrdreg s14  }
0x6b: {  	[dreg:$0x1c] =	wrdreg s24  }
0x6c: {  	[dreg:$0x1d] =	wrdreg s25  }
0x6d: {  	p1 =	sgt.s32 s5, $0x1;
	s4 =	smov.u32 @p2 s8;
	s8 =	rddreg [dreg:$0x8]  }
0x6e: {  	[dreg:$0x1f] =	wrdreg s26;
	s5 =	smov.u32 @p1 s8;
	p1 =	sne.s32 s15, s30  }
.Ltmp1:
0x6f: {  	[smem:$0x7FC] =	sst s27;
	(pc) =	sbr.rel @!p1 .LBB1_24-.Ltmp1, $4  }
0x70: {  	[dreg:$0x1e] =	wrdreg s28  }
0x71: {  	s31 =	sadd.s32 $0x1, s15;
	[smem:$0x7FD] =	sst s29  }
0x72: {  	s0 =	ssub.s32 @!p0 $0x0, s0;
	[sflag:s1] =	ssyncset.done @!p0 $0x0;
	[dreg:$0x19] =	wrdreg s4  }
0x73: {  	s3 =	smov.u32 s31;
	[sflag:s1] =	ssyncadd.s32 @!p0 s0;
	[dreg:$0x1a] =	wrdreg s5  }
.LBB1_1:
0x74: {  	s0 =	rddreg [dreg:$0xb]  }
0x75: {  	p0 =	sge.u32 s3, s0  }
.Ltmp2:
0x76: {  	_ = 	snop;
	(pc) =	sbr.rel @p0 .LBB1_3-.Ltmp2, $1  }
0x77: {  	_ =	sdelay $0x3  }
0x78: {  	s10 =	rddreg [dreg:$0x16]  }
0x79: {  	s9 =	rddreg [dreg:$0x14]  }
0x7a: {  	s14 =	rddreg [dreg:$0x1a]  }
0x7b: {  	s13 =	rddreg [dreg:$0x19]  }
0x7c: {  	s27 =	sxor.u32 $0xFFFFFFFF, s3;
	s12 =	rddreg [dreg:$0x18]  }
0x7d: {  	s15 =	smov.u32 s3;
	s11 =	rddreg [dreg:$0x17];
	s0 =	sshrl.u32 s10, $0x2  }
0x7e: {  	s1 =	sshll.u32 s9, $0x2;
	s2 =	sshll.u32 s10, $0x7;
	s26 =	sand.u32 $0x7F, s9  }
0x7f: {  	p0 =	sgt.s32 s14, $0x1;
	s4 =	smov.u32 s14;
	s5 =	sshra.s32 s14, $0x1F  }
0x80: {  	s6 =	sshra.s32 s13, $0x1F;
	s7 =	smov.u32 s13;
	s21 =	smul.u32 $0x93000, s14  }
0x81: {  	s30 =	sshra.s32 s12, $0x1F;
	s8 =	sshra.s32 s11, $0x1F;
	s23 =	smul.u32 $0x49800, s13  }
0x82: {  	s18 =	ssub.s32 $0x0, s10;
	s19 =	sshra.s32 s9, $0x1F;
	s24 =	smul.u32 $0x2A00, s12  }
0x83: {  	s0 =	smul.u32 $0xC00, s0;
	s1 =	sand.u32 $0xFFFFFE00, s1;
	s25 =	sand.u32 $0x180, s2  }
0x84: {  	s2 =	sshll.u32 s27, $0xE;
	s4 =	simm.s32 @!p0 $0x1;
	s5 =	sand.u32 s5, s14  }
0x85: {  	p0 =	sgt.s32 s13, $0x1;
	s6 =	sand.u32 s6, s13;
	s8 =	sand.u32 s8, s11  }
0x86: {  	s20 =	sand.u32 s19, s9;
	s5 =	sxor.u32 $0xFFFFFFFF, s5;
	s7 =	simm.s32 @!p0 $0x1  }
0x87: {  	s29 =	sxor.u32 $0xFFFFFFFF, s6;
	s6 =	smov.u32 s12;
	s2 =	sand.u32 $0x4000, s2  }
0x88: {  	s0 =	sadd.s32 s0, s1;
	s4 =	sadd.s32 s5, s4;
	s5 =	sadd.s32 s29, s7  }
0x89: {  	s0 =	sor.u32 s25, s0;
	p0 =	sgt.s32 s4, $0x0;
	s4 =	ssub.s32 $0x1, s4  }
0x8a: {  	s7 =	sand.u32 s30, s12;
	s1 =	sor.u32 s26, s0;
	s4 =	simm.s32 @p0 $0x0  }
0x8b: {  	p0 =	sgt.s32 s5, $0x0;
	s5 =	ssub.s32 $0x1, s5;
	s0 =	smulhi.u32 $0xAAAAAAAB, s0  }
0x8c: {  	s28 =	smulhi.u32 $0xAAAAAAAB, s1;
	s5 =	simm.s32 @p0 $0x0;
	p0 =	sgt.s32 s12, $0x1B  }
0x8d: {  	s25 =	rddreg [dreg:$0x0];
	s6 =	simm.s32 @!p0 $0x1B;
	s4 =	smul.u32 s4, s5  }
0x8e: {  	p0 =	sgt.s32 s11, $0xC;
	s31 =	ssub.s32 s6, s7;
	s6 =	smov.u32 s11  }
0x8f: {  	s3 =	sshrl.u32 s28, $0x9;
	s7 =	sadd.s32 $0xFFFFFFE5, s31;
	s6 =	simm.s32 @!p0 $0xC  }
0x90: {  	s5 =	ssub.s32 $0x1C, s31;
	p0 =	sgt.s32 s7, $0x0;
	s6 =	ssub.s32 s6, s8  }
0x91: {  	s3 =	smul.u32 $0x300, s3;
	s5 =	simm.s32 @p0 $0x0;
	s17 =	sadd.s32 $0xFFFFFFF4, s6  }
0x92: {  	s16 =	smul.u32 s5, s4;
	p0 =	sgt.s32 s17, $0xF;
	s4 =	ssub.s32 $0x1C, s6  }
0x93: {  	s1 =	ssub.s32 s1, s3;
	s5 =	smin.u32 s10, s18;
	s4 =	simm.s32 @p0 $0x0  }
0x94: {  	p0 =	sgt.s32 s5, $0x3;
	s3 =	smul.u32 s4, s16;
	s4 =	ssub.s32 $0x4, s5  }
0x95: {  	s5 =	smov.u32 s9;
	s4 =	simm.s32 @p0 $0x0;
	p0 =	sgt.s32 s9, $0x200  }
0x96: {  	s26 =	smul.u32 $0x180, s11;
	s0 =	sshrl.u32 s0, $0x9;
	s5 =	simm.s32 @!p0 $0x200  }
0x97: {  	s0 =	sand.u32 $0x3, s0;
	s3 =	smul.u32 s4, s3;
	s4 =	ssub.s32 s5, s20  }
0x98: {  	s0 =	smul.u32 $0x60, s0;
	s5 =	sadd.s32 s25, s21;
	s22 =	sadd.s32 $0xFFFFFE00, s4  }
0x99: {  	s4 =	ssub.s32 $0x300, s4;
	s5 =	sadd.s32 s23, s5;
	p0 =	sgt.s32 s22, $0xFF  }
0x9a: {  	s31 =	simm.s32 $0xC00;
	s5 =	sadd.s32 s24, s5;
	s4 =	simm.s32 @p0 $0x0  }
0x9b: {  	s28 =	sand.u32 $0x7, s1;
	s27 =	sadd.s32 s26, s5;
	s3 =	smul.u32 s4, s3  }
0x9c: {  	s1 =	sshrl.u32 s1, $0x3;
	s29 =	sshll.u32 s28, $0x12;
	s0 =	sadd.s32 s0, s27  }
0x9d: {  	s30 =	sor.u32 $0x400, s29;
	s0 =	sadd.s32 s1, s0;
	s3 =	sand.u32 $0x3FFFFFFF, s3  }
0x9e: {  	[tilespmem:s2], [sflag:$0x1] =	stream.strided.gather [hbm4b:s0+s30], s3, s31, s30, $0x38;
	[tilespmem:$0x10000] =	vst v63  }
0x9f: {  	s3 =	smov.u32 s15  }
.LBB1_3:
0xa0: {  	s0 =	sadd.s32 $0xFFFFFFFF, s3;
	s1 =	rddreg [dreg:$0xb]  }
0xa1: {  	p0 =	sge.u32 s0, s1  }
.Ltmp3:
0xa2: {  	_ = 	snop;
	(pc) =	sbr.rel @p0 .LBB1_23-.Ltmp3, $1  }
0xa3: {  	_ =	sdelay $0x3  }
0xa4: {  	s9 =	rddreg [dreg:$0x15]  }
0xa5: {  	s8 =	rddreg [dreg:$0x13]  }
0xa6: {  	s7 =	rddreg [dreg:$0x12]  }
0xa7: {  	s6 =	rddreg [dreg:$0x11]  }
0xa8: {  	s5 =	rddreg [dreg:$0x10]  }
0xa9: {  	s10 =	smov.u32 s3;
	s25 =	rddreg [dreg:$0xf];
	p0 =	sgt.s32 s9, $0x1  }
0xaa: {  	s0 =	smov.u32 s9;
	s1 =	sshra.s32 s9, $0x1F;
	s2 =	sshra.s32 s8, $0x1F  }
0xab: {  	s3 =	smov.u32 s8;
	s20 =	sshra.s32 s7, $0x1F;
	s22 =	sshra.s32 s6, $0x1F  }
0xac: {  	s23 =	ssub.s32 $0x0, s5;
	s0 =	simm.s32 @!p0 $0x1;
	s1 =	sand.u32 s1, s9  }
0xad: {  	p0 =	sgt.s32 s8, $0x1;
	s2 =	sand.u32 s2, s8;
	s1 =	sxor.u32 $0xFFFFFFFF, s1  }
0xae: {  	s3 =	simm.s32 @!p0 $0x1;
	s19 =	sxor.u32 $0xFFFFFFFF, s2;
	s0 =	sadd.s32 s1, s0  }
0xaf: {  	s1 =	sadd.s32 s19, s3;
	p0 =	sgt.s32 s0, $0x0;
	s0 =	ssub.s32 $0x1, s0  }
0xb0: {  	s0 =	simm.s32 @p0 $0x0;
	p0 =	sgt.s32 s1, $0x0;
	s1 =	ssub.s32 $0x1, s1  }
0xb1: {  	s2 =	smov.u32 s7;
	s1 =	simm.s32 @p0 $0x0;
	p0 =	sgt.s32 s7, $0x1B  }
0xb2: {  	p1 =	sgt.s32 s25, $0x200;
	s21 =	sand.u32 s20, s7;
	s2 =	simm.s32 @!p0 $0x1B  }
0xb3: {  	s3 =	sand.u32 s22, s6;
	s0 =	smul.u32 s0, s1;
	s1 =	ssub.s32 s2, s21  }
0xb4: {  	p0 =	sgt.s32 s6, $0xC;
	s2 =	smov.u32 s6;
	s4 =	sadd.s32 $0xFFFFFFE5, s1  }
0xb5: {  	s2 =	simm.s32 @!p0 $0xC;
	s1 =	ssub.s32 $0x1C, s1;
	p0 =	sgt.s32 s4, $0x0  }
0xb6: {  	s26 =	sshra.s32 s25, $0x1F;
	s2 =	ssub.s32 s2, s3;
	s1 =	simm.s32 @p0 $0x0  }
0xb7: {  	s24 =	smin.u32 s5, s23;
	s3 =	sadd.s32 $0xFFFFFFF4, s2;
	s0 =	smul.u32 s1, s0  }
0xb8: {  	p0 =	sgt.s32 s3, $0xF;
	s1 =	ssub.s32 $0x1C, s2;
	s2 =	smov.u32 s25  }
0xb9: {  	s3 =	sand.u32 s26, s25;
	s1 =	simm.s32 @p0 $0x0;
	p0 =	sgt.s32 s24, $0x3  }
0xba: {  	s2 =	simm.s32 @!p1 $0x200;
	s0 =	smul.u32 s1, s0;
	s1 =	ssub.s32 $0x4, s24  }
0xbb: {  	s2 =	ssub.s32 s2, s3;
	s1 =	simm.s32 @p0 $0x0  }
0xbc: {  	s27 =	sadd.s32 $0xFFFFFE00, s2;
	s0 =	smul.u32 s1, s0  }
0xbd: {  	p0 =	sgt.s32 s27, $0xFF;
	s1 =	ssub.s32 $0x300, s2;
	s2 =	sadd.s32 $0x1, s9  }
0xbe: {  	s3 =	sadd.s32 $0x1, s8;
	s1 =	simm.s32 @p0 $0x0;
	p0 =	slt.s32 s2, $0x2  }
0xbf: {  	s2 =	simm.s32 @!p0 $0x2;
	p0 =	slt.s32 s3, $0x2  }
0xc0: {  	s0 =	smul.u32 s1, s0;
	s1 =	sadd.s32 $0x1, s7;
	s3 =	simm.s32 @!p0 $0x2  }
0xc1: {  	s2 =	ssub.s32 s2, s9;
	p1 =	slt.s32 s1, $0x1C;
	s3 =	ssub.s32 s3, s8  }
0xc2: {  	[smem:$0x7F6] =	sst s2;
	p0 =	slt.s32 s2, $0x1;
	s1 =	simm.s32 @!p1 $0x1C  }
0xc3: {  	s2 =	sadd.s32 $0x10, s6;
	[smem:$0x7F7] =	sst s3;
	p1 =	slt.s32 @!p0 s3, $0x1  }
0xc4: {  	s3 =	ssub.s32 s1, s7;
	p2 =	slt.s32 s2, $0x1C;
	p1 =	por p0, p1  }
0xc5: {  	s1 =	sadd.s32 $0x4, s5;
	s2 =	simm.s32 @!p2 $0x1C;
	p2 =	slt.s32 @!p1 s3, $0x1  }
0xc6: {  	s2 =	ssub.s32 s2, s6;
	p1 =	por p1, p2;
	p2 =	slt.s32 s1, $0x4  }
0xc7: {  	s1 =	simm.s32 @!p2 $0x4;
	p2 =	slt.s32 @!p1 s2, $0x1  }
0xc8: {  	s7 =	ssub.s32 s1, s5;
	p1 =	por p1, p2  }
0xc9: {  	s28 =	sand.u32 $0x3FFFFFFF, s0;
	p2 =	slt.s32 @!p1 s7, $0x1  }
0xca: {  	[smem:$0x7FA] =	sst s28;
	p1 =	por p1, p2  }
.Ltmp4:
0xcb: {  	[smem:$0x7F8] =	sst s3;
	(pc) =	sbr.rel @p1 .LBB1_22-.Ltmp4, $4  }
0xcc: {  	s29 =	simm.s32 $0x1;
	s30 =	sshll.u32 s10, $0xE;
	[smem:$0x7F9] =	sst s2  }
0xcd: {  	s31 =	sand.u32 $0x4000, s30;
	_ =	swait.ge [sflag:s29], s28  }
0xce: {  	s0 =	ssub.s32 $0x0, s28;
	[dreg:$0x1b] =	wrdreg s10;
	[sflag:s29] =	ssyncset.done $0x0  }
0xcf: {  	[smem:$0x7FB] =	sst s31;
	[sflag:s29] =	ssyncadd.s32 s0  }
0xd0: {  	s1 =	rddreg [dreg:$0xf]  }
0xd1: {  	s0 =	sadd.s32 $0x100, s1  }
0xd2: {  	p1 =	slt.s32 s0, $0x300  }
0xd3: {  	s0 =	simm.s32 @!p1 $0x300  }
0xd4: {  	s31 =	simm.s32 $0x0;
	s0 =	ssub.s32 s0, s1;
	s1 =	sld [smem:$0x7FB]  }
.Ltmp5:
0xd5: {  	[smem:$0x7F4] =	sst s7;
	s0 =	sadd.s32 $0xF, s0;
	(pc) =	sbr.rel .LBB1_6-.Ltmp5, $4  }
0xd6: {  	[smem:$0x7F3] =	sst s31;
	s8 =	sand.u32 $0xFFFFFFF0, s0  }
0xd7: {  	s2 =	sshll.u32 s0, $0x2;
	s1 =	sor.u32 @!p0 $0x8000, s1;
	[smem:$0x7F5] =	sst s8  }
0xd8: {  	s29 =	sand.u32 @!p0 $0xFFFFFF00, s0;
	s30 =	sand.u32 $0xFFFFFC00, s2;
	[smem:$0x7F1] =	sst s1  }
0xd9: {  	p0 =	slt.s32 s0, $0x100;
	p1 =	sge.s32 s29, s8;
	[smem:$0x7F2] =	sst s30  }
.LBB1_21:
0xda: {  	s1 =	sld [smem:$0x7F3]  }
0xdb: {  	s0 =	sld [smem:$0x7F6];
	_ =	sdelay $0x1  }
0xdc: {  	s1 =	sadd.s32 $0x1, s1  }
0xdd: {  	p2 =	sne.s32 s1, s0  }
.Ltmp6:
0xde: {  	_ = 	snop;
	(pc) =	sbr.rel @!p2 .LBB1_22-.Ltmp6, $2  }
0xdf: {  	_ =	sdelay $0x2  }
0xe0: {  	[smem:$0x7F3] =	sst s1  }
.LBB1_6:
.Ltmp7:
0xe1: {  	(pc) =	sbr.rel .LBB1_7-.Ltmp7, $2  }
0xe2: {  	_ =	sdelay $0x2  }
0xe3: {  	s2 =	simm.s32 $0x0  }
.LBB1_20:
0xe4: {  	s2 =	sld [smem:$0x7EE]  }
0xe5: {  	s0 =	sld [smem:$0x7F7];
	_ =	sdelay $0x1  }
0xe6: {  	s2 =	sadd.s32 $0x1, s2  }
0xe7: {  	p2 =	sne.s32 s2, s0  }
.Ltmp8:
0xe8: {  	_ = 	snop;
	(pc) =	sbr.rel @!p2 .LBB1_21-.Ltmp8, $1  }
0xe9: {  	_ =	sdelay $0x3  }
.LBB1_7:
0xea: {  	s1 =	sld [smem:$0x7F3]  }
.Ltmp9:
0xeb: {  	s31 =	sld [smem:$0x7F1];
	(pc) =	sbr.rel .LBB1_8-.Ltmp9, $4  }
0xec: {  	s0 =	sshll.u32 s2, $0xC  }
0xed: {  	[smem:$0x7EE] =	sst s2;
	s0 =	sshra.s32 s0, $0x2;
	s1 =	sadd.s32 s1, s2  }
0xee: {  	s0 =	sadd.s32 s0, s31;
	[smem:$0x7EF] =	sst s1  }
0xef: {  	s2 =	simm.s32 $0x0;
	[smem:$0x7F0] =	sst s0  }
.LBB1_19:
0xf0: {  	s2 =	sld [smem:$0x7EB]  }
0xf1: {  	s0 =	sld [smem:$0x7F8];
	_ =	sdelay $0x1  }
0xf2: {  	s2 =	sadd.s32 $0x1, s2  }
0xf3: {  	p2 =	sne.s32 s2, s0  }
.Ltmp10:
0xf4: {  	_ = 	snop;
	(pc) =	sbr.rel @!p2 .LBB1_20-.Ltmp10, $1  }
0xf5: {  	_ =	sdelay $0x3  }
.LBB1_8:
0xf6: {  	s0 =	sld [smem:$0x7EF]  }
0xf7: {  	s1 =	sld [smem:$0x7F3]  }
0xf8: {  	s30 =	sld [smem:$0x7FB]  }
0xf9: {  	s31 =	sld [smem:$0x7F0];
	s0 =	sadd.s32 s2, s0  }
.Ltmp11:
0xfa: {  	s28 =	sadd.s32 s1, s2;
	s0 =	sshll.u32 s0, $0x10;
	(pc) =	sbr.rel .LBB1_9-.Ltmp11, $4  }
0xfb: {  	[smem:$0x7EB] =	sst s2;
	s2 =	sshll.u32 s28, $0x10;
	s0 =	sshra.s32 s0, $0x2  }
0xfc: {  	s2 =	sshra.s32 s2, $0x2;
	s0 =	sadd.s32 s0, s30  }
0xfd: {  	[smem:$0x7EC] =	sst s0;
	s0 =	sadd.s32 s2, s31  }
0xfe: {  	s1 =	simm.s32 $0x0;
	[smem:$0x7ED] =	sst s0  }
.LBB1_18:
0xff: {  	s1 =	sld [smem:$0x7E8]  }
0x100: {  	s0 =	sld [smem:$0x7F9];
	_ =	sdelay $0x1  }
0x101: {  	s1 =	sadd.s32 $0x1, s1  }
0x102: {  	p2 =	sne.s32 s1, s0  }
.Ltmp12:
0x103: {  	_ = 	snop;
	(pc) =	sbr.rel @!p2 .LBB1_19-.Ltmp12, $1  }
0x104: {  	_ =	sdelay $0x3  }
.LBB1_9:
0x105: {  	s30 =	sld [smem:$0x7EC]  }
.Ltmp13:
0x106: {  	s31 =	sld [smem:$0x7ED];
	(pc) =	sbr.rel .LBB1_10-.Ltmp13, $4  }
0x107: {  	s0 =	sshll.u32 s1, $0xA  }
0x108: {  	[smem:$0x7E8] =	sst s1;
	s10 =	sadd.s32 s0, s30  }
0x109: {  	s12 =	sadd.s32 s0, s31;
	[smem:$0x7E9] =	sst s10  }
0x10a: {  	s9 =	simm.s32 $0x0;
	[smem:$0x7EA] =	sst s12  }
.LBB1_17:
0x10b: {  	s9 =	sadd.s32 $0x1, s9  }
0x10c: {  	p2 =	sne.s32 s9, s7  }
.Ltmp14:
0x10d: {  	_ = 	snop;
	(pc) =	sbr.rel @!p2 .LBB1_18-.Ltmp14, $1  }
0x10e: {  	_ =	sdelay $0x3  }
.LBB1_10:
.Ltmp15:
0x10f: {  	(pc) =	sbr.rel @p0 .LBB1_14-.Ltmp15, $2  }
0x110: {  	_ =	sdelay $0x2  }
0x111: {  	s1 =	sshll.u32 s9, $0x7  }
0x112: {  	[smem:$0x7E6] =	sst s9  }
0x113: {  	s0 =	sand.u32 $0x100, s1;
	[smem:$0x7E7] =	sst s1  }
0x114: {  	s2 =	sand.u32 $0x80, s1;
	s4 =	sadd.s32 s0, s10;
	s5 =	sadd.s32 s0, s12  }
0x115: {  	s14 =	sor.u32 $0x10, s2;
	s8 =	sor.u32 $0x20, s2;
	s15 =	sor.u32 $0x30, s2  }
0x116: {  	s16 =	sor.u32 $0x40, s2;
	s6 =	sor.u32 $0x50, s2;
	s28 =	sor.u32 $0x60, s2  }
0x117: {  	s0 =	sor.u32 $0x200, s0;
	s3 =	sadd.s32 s2, s4;
	s13 =	sadd.s32 s2, s5  }
0x118: {  	s17 =	sadd.s32 s14, s4;
	s1 =	sadd.s32 s14, s5;
	s18 =	sadd.s32 s8, s4  }
0x119: {  	s19 =	sadd.s32 s15, s4;
	s31 =	sadd.s32 s15, s5;
	[dreg:$0x3] =	wrdreg s3  }
0x11a: {  	s22 =	sadd.s32 s16, s4;
	s21 =	sadd.s32 s16, s5;
	[dreg:$0x4] =	wrdreg s13  }
0x11b: {  	s23 =	sadd.s32 s6, s4;
	s24 =	sadd.s32 s6, s5;
	[dreg:$0x5] =	wrdreg s17  }
0x11c: {  	s25 =	sadd.s32 s28, s4;
	s20 =	sadd.s32 s0, s12;
	[dreg:$0x6] =	wrdreg s18  }
0x11d: {  	s18 =	sadd.s32 s8, s5;
	[dreg:$0x7] =	wrdreg s19;
	s17 =	sor.u32 $0x70, s2  }
0x11e: {  	s3 =	sadd.s32 s28, s5;
	s13 =	sadd.s32 s0, s10;
	s0 =	sadd.s32 s2, s20  }
0x11f: {  	s9 =	sadd.s32 s14, s20;
	s27 =	sadd.s32 s8, s20;
	s11 =	sadd.s32 s17, s4  }
0x120: {  	s4 =	sadd.s32 s17, s5;
	s7 =	sadd.s32 s2, s13;
	s12 =	sadd.s32 s14, s13  }
0x121: {  	s2 =	sadd.s32 s8, s13;
	s14 =	sadd.s32 s15, s13;
	s5 =	sadd.s32 s15, s20  }
0x122: {  	s26 =	sadd.s32 s16, s13;
	s15 =	sadd.s32 s16, s20;
	s16 =	sadd.s32 s6, s13  }
0x123: {  	s8 =	sadd.s32 s6, s20;
	s6 =	sadd.s32 s28, s13;
	s13 =	sadd.s32 s17, s13  }
0x124: {  	v0 =	vld [tilespmem:s13+$0x0]  }
0x125: {  	v1 =	vld [tilespmem:s6+$0x0]  }
0x126: {  	v2 =	vld [tilespmem:s16+$0x0]  }
0x127: {  	v3 =	vld [tilespmem:s26+$0x0]  }
0x128: {  	s10 =	sadd.s32 s17, s20;
	v4 =	vld [tilespmem:s14+$0x0]  }
0x129: {  	s28 =	sadd.s32 s28, s20;
	v5 =	vld [tilespmem:s2+$0x0];
	[tilespmem:s10+$0x0] =	vst v0  }
0x12a: {  	[tilespmem:s28+$0x0] =	vst v1;
	v0 =	vld [tilespmem:s12+$0x0]  }
0x12b: {  	[tilespmem:s8+$0x0] =	vst v2;
	v2 =	vld [tilespmem:s7+$0x0]  }
0x12c: {  	[tilespmem:s15+$0x0] =	vst v3;
	v3 =	vld [tilespmem:s11+$0x0]  }
0x12d: {  	[tilespmem:s5+$0x0] =	vst v4;
	v4 =	vld [tilespmem:s25+$0x0]  }
0x12e: {  	[tilespmem:s27+$0x0] =	vst v5  }
0x12f: {  	s30 =	rddreg [dreg:$0x5];
	[tilespmem:s9+$0x0] =	vst v0  }
0x130: {  	v5 =	vld [tilespmem:s23+$0x0];
	s19 =	rddreg [dreg:$0x3];
	[tilespmem:s0+$0x0] =	vst v2  }
0x131: {  	p2 =	sgt.s32 s29, $0x100;
	v1 =	vld [tilespmem:s22+$0x0];
	s20 =	rddreg [dreg:$0x7];
	[tilespmem:s4+$0x0] =	vst v3  }
.Ltmp16:
0x132: {  	[tilespmem:s3+$0x0] =	vst v4;
	v2 =	vld [tilespmem:s20+$0x0];
	(pc) =	sbr.rel @!p2 .LBB1_13-.Ltmp16, $3  }
0x133: {  	v0 =	vld [tilespmem:s30+$0x0];
	s30 =	rddreg [dreg:$0x6]  }
0x134: {  	v4 =	vld [tilespmem:s30+$0x0];
	_ =	sdelay $0x1  }
0x135: {  	s17 =	simm.s32 $0x100;
	v3 =	vld [tilespmem:s19+$0x0];
	[tilespmem:s24+$0x0] =	vst v5  }
.LBB1_12:
0x136: {  	v5 =	vld [tilespmem:s13+$0x0];
	[tilespmem:s31+$0x0] =	vst v2  }
0x137: {  	v6 =	vld [tilespmem:s7+$0x0];
	[tilespmem:s21+$0x0] =	vst v1  }
0x138: {  	v7 =	vld [tilespmem:s11+$0x0];
	[tilespmem:s18+$0x0] =	vst v4  }
0x139: {  	s19 =	rddreg [dreg:$0x4];
	v8 =	vld [tilespmem:s25+$0x0];
	[tilespmem:s1+$0x0] =	vst v0  }
0x13a: {  	v9 =	vld [tilespmem:s23+$0x0];
	[tilespmem:s19+$0x0] =	vst v3  }
0x13b: {  	v2 =	vld [tilespmem:s16+$0x0];
	[tilespmem:s10+$0x0] =	vst v5  }
0x13c: {  	v1 =	vld [tilespmem:s6+$0x0];
	[tilespmem:s0+$0x0] =	vst v6  }
0x13d: {  	v4 =	vld [tilespmem:s26+$0x0];
	[tilespmem:s4+$0x0] =	vst v7  }
0x13e: {  	v0 =	vld [tilespmem:s14+$0x0];
	[tilespmem:s3+$0x0] =	vst v8  }
0x13f: {  	s17 =	sadd.s32 $0x100, s17;
	v3 =	vld [tilespmem:s2+$0x0];
	[tilespmem:s24+$0x0] =	vst v9  }
0x140: {  	s20 =	rddreg [dreg:$0x7];
	p2 =	slt.s32 s17, s29;
	v5 =	vld [tilespmem:s12+$0x0];
	[tilespmem:s8+$0x0] =	vst v2  }
.Ltmp17:
0x141: {  	v2 =	vld [tilespmem:s20+$0x0];
	[tilespmem:s28+$0x0] =	vst v1;
	(pc) =	sbr.rel @p2 .LBB1_12-.Ltmp17, $4  }
0x142: {  	s20 =	rddreg [dreg:$0x6];
	[tilespmem:s15+$0x0] =	vst v4;
	v1 =	vld [tilespmem:s22+$0x0]  }
0x143: {  	s19 =	rddreg [dreg:$0x5];
	[tilespmem:s5+$0x0] =	vst v0;
	v4 =	vld [tilespmem:s20+$0x0]  }
0x144: {  	s30 =	smov.u32 s18;
	s18 =	smov.u32 s1;
	s1 =	rddreg [dreg:$0x3];
	[tilespmem:s27+$0x0] =	vst v3;
	v0 =	vld [tilespmem:s19+$0x0]  }
0x145: {  	v3 =	vld [tilespmem:s1+$0x0];
	s1 =	smov.u32 s18;
	s18 =	smov.u32 s30;
	[tilespmem:s9+$0x0] =	vst v5  }
.LBB1_13:
0x146: {  	_ = 	snop  }
0x147: {  	[tilespmem:s21+$0x0] =	vst v1  }
0x148: {  	s0 =	rddreg [dreg:$0x4];
	[tilespmem:s31+$0x0] =	vst v2  }
0x149: {  	[tilespmem:s18+$0x0] =	vst v4  }
0x14a: {  	[tilespmem:s1+$0x0] =	vst v0  }
0x14b: {  	[tilespmem:s0+$0x0] =	vst v3  }
0x14c: {  	s7 =	sld [smem:$0x7F4]  }
0x14d: {  	s8 =	sld [smem:$0x7F5]  }
0x14e: {  	s10 =	sld [smem:$0x7E9]  }
0x14f: {  	s12 =	sld [smem:$0x7EA]  }
0x150: {  	s9 =	sld [smem:$0x7E6]  }
0x151: {  	s1 =	sld [smem:$0x7E7]  }
.LBB1_14:
.Ltmp18:
0x152: {  	(pc) =	sbr.rel @p1 .LBB1_17-.Ltmp18, $1  }
0x153: {  	_ =	sdelay $0x3  }
0x154: {  	s3 =	sld [smem:$0x7F2];
	_ =	sdelay $0x1  }
0x155: {  	s4 =	smov.u32 s29;
	s0 =	sand.u32 $0x100, s1;
	s2 =	sand.u32 $0x80, s1  }
.LBB1_16:
0x156: {  	s1 =	sand.u32 $0x200, s3  }
0x157: {  	s5 =	sand.u32 $0x70, s4;
	s1 =	sor.u32 s0, s1  }
0x158: {  	s5 =	sor.u32 s2, s5;
	s6 =	sadd.s32 s1, s10  }
0x159: {  	s4 =	sadd.s32 $0x10, s4;
	s6 =	sadd.s32 s5, s6  }
0x15a: {  	p2 =	slt.s32 s4, s8;
	v0 =	vld [tilespmem:s6+$0x0]  }
.Ltmp19:
0x15b: {  	_ = 	snop;
	(pc) =	sbr.rel @p2 .LBB1_16-.Ltmp19, $4  }
0x15c: {  	_ = 	snop  }
0x15d: {  	s1 =	sadd.s32 s1, s12  }
0x15e: {  	s1 =	sadd.s32 s5, s1  }
0x15f: {  	s3 =	sadd.s32 $0x40, s3;
	[tilespmem:s1+$0x0] =	vst v0  }
.Ltmp20:
0x160: {  	_ = 	snop;
	(pc) =	sbr.rel .LBB1_17-.Ltmp20, $1  }
0x161: {  	_ =	sdelay $0x3  }
.LBB1_24:
0x162: {  	_ =	sfence.sel $0x180000  }
0x163: {  	s0 =	simm.s32 $0x1;
	[bflag:$0x0] =	sbarrier.arrive $0xFFFF  }
0x164: {  	s30 =	simm.s32 $0x2;
	[sflag:s0] =	ssyncpa.u1 $0x1  }
0x165: {  	[sflag:s30] =	ssyncpa.u1 $0x1  }
0x166: {  	_ =	strace $0x90000050  }
0x167: {  	s31 =	stileid.u32;
	[bflag:$0x2] =	sbarrier.arrive $0xFFFF  }
0x168: {  	p0 =	sne.s32 s31, $0x0;
	s0 =	rddreg [dreg:$0x2]  }
0x169: {  	s0 =	sadd.s32 @!p0 $0x100000, s0  }
0x16a: {  	[sflag:s0] =	ssyncadd.tile.s32 @!p0 $0x1;
	_ =	shalt  }
.Lfunc_end1:
_tile_overlayer_lowered:
.L_overlay_start_2:
0x16b: {  	(tag) =	ssettag $0x2  }
0x16c: {  	s0 =	rddreg [dreg:$0x0];
	s2 =	stileid.u32  }
0x16d: {  	s1 =	rddreg [dreg:$0x1];
	p0 =	sne.s32 s2, $0x0  }
0x16e: {  	s3 =	rddreg [dreg:$0x2];
	[bflag:$0x3] =	sbarrier.arrive $0xFFFF;
	s2 =	simm.s32 @!p0 $0x1C01  }
0x16f: {  	[timem:s3], [sflag:s2] =	dma.local @!p0 [hbm:s0], s1  }
0x170: {  	s0 =	simm.s32 @!p0 $0x1  }
0x171: {  	_ =	swait.ge @!p0 [sflag:s0], s1  }
0x172: {  	s1 =	ssub.s32 @!p0 $0x0, s1;
	[sflag:s0] =	ssyncset.done @!p0 $0x0  }
0x173: {  	[sflag:s0] =	ssyncadd.s32 @!p0 s1  }
0x174: {  	[bflag:$0x3] =	sbarrier.arrive $0xFFFF  }
0x175: {  	_ =	shalt  }

// kernel: sparse-core-data-format-call.2.cloned.1.call-start
scs
called_computation.2_lowered:
.L_overlay_start_0:
0x0: {  	s2 =	sld [smem:$0x3FD9]  }
0x1: {  	s3 =	sld [smem:$0x3FFE];
	_ =	sdelay $0x1  }
0x2: {  	s1 =	srdreg.scid  }
0x3: {  	s0 =	sand.u32 $0x1, s1  }
0x4: {  	s18 =	sshll.u32 s0, $0xA;
	s2 =	sadd.s32 s3, s2  }
0x5: {  	s2 =	sadd.s32 s2, s18  }
0x6: {  	[smem:$0x3FB9] =	sst s2  }
0x7: {  	_ = 	snop  }
0x8: {  	s19 =	sld [smem:$0x3FC8];
	(tm) =	ssettm $0x1  }
0x9: {  	s20 =	sld [smem:$0x3FFB];
	_ =	sdelay $0x3  }
0xa: {  	_ =	strace s20  }
0xb: {  	s2 =	sld [smem:$0x3FFC];
	_ =	sdelay $0x3  }
0xc: {  	_ =	strace s2  }
0xd: {  	s2 =	sld [smem:$0x3FFD];
	_ =	sdelay $0x3  }
0xe: {  	_ =	strace s2  }
0xf: {  	_ =	strace $0x8FFFFFFF  }
0x10: {  	s21 =	sld [smem:$0x3FDB];
	_ =	sdelay $0x1  }
0x11: {  	s4 =	simm.s32 $_scs_section_size  }
0x12: {  	s5 =	simm.s32 $_size__tile_overlayer_lowered;
	s6 =	simm.s32 $_tile_overlayer_lowered  }
0x13: {  	s7 =	simm.s32 $0x1BFF;
	s22 =	sshll.u32 s6, $0x1;
	s4 =	sadd.s32 s4, s21  }
0x14: {  	s23 =	simm.s32 $0x0;
	s5 =	sshll.u32 s5, $0x1;
	s6 =	sadd.s32 s22, s4  }
0x15: {  	[timem:s23], [sflag:s7] =	dma.local [hbm:s6], s5  }
0x16: {  	_ =	swait.ge [sflag:s7], s5  }
0x17: {  	s5 =	ssub.s32 $0x0, s5;
	[sflag:s7] =	ssyncset.done $0x0  }
0x18: {  	[sflag:s7] =	ssyncadd.s32 s5;
	_ =	sdelay $0x1  }
0x19: {  	s24 =	simm.s32 $0x1B8B  }
0x1a: {  	_ =	swait.ge [sflag:s24], $0x1  }
0x1b: {  	[sflag:s24] =	ssyncset.done $0x0  }
0x1c: {  	[sflag:s24] =	ssyncadd.s32 $0xFFFFFFFF  }
0x1d: {  	s5 =	sld [smem:$0x0]  }
0x1e: {  	s6 =	sand.u32 $0xFFFFFFFE, s1  }
0x1f: {  	p0 =	sne.s32 s1, s6  }
0x20: {  	s6 =	sshll.u32 @p0 s6, $0xE  }
0x21: {  	s6 =	sadd.s32 @p0 $0x11B8D, s6;
	s7 =	sshll.u32 @p0 s5, $0x11  }
0x22: {  	s6 =	sor.u32 @p0 s7, s6  }
0x23: {  	[sflag:s6] =	ssyncadd.remote.s32 @p0 $0x1;
	_ =	sdelay $0x1  }
0x24: {  	s6 =	simm.s32 @p0 $0x1B8D  }
0x25: {  	_ =	swait.eq @p0 [sflag:s6], $0x1  }
0x26: {  	[sflag:s6] =	ssyncadd.s32 @p0 $0xFFFFFFFF  }
0x27: {  	s7 =	sshll.u32 @!p0 s1, $0xE  }
0x28: {  	s7 =	sor.u32 @!p0 $0x4000, s7;
	s6 =	simm.s32 @!p0 $0x1B8D  }
0x29: {  	s5 =	sshll.u32 @!p0 s5, $0x11;
	s7 =	sadd.s32 @!p0 $0x11B8D, s7;
	_ =	swait.eq @!p0 [sflag:s6], $0x1  }
0x2a: {  	s5 =	sor.u32 @!p0 s5, s7;
	[sflag:s6] =	ssyncadd.s32 @!p0 $0xFFFFFFFF  }
0x2b: {  	s26 =	simm.s32 $0x1B8E;
	s25 =	sld [smem:$0x3FFE];
	[sflag:s5] =	ssyncadd.remote.s32 @!p0 $0x1  }
0x2c: {  	s27 =	simm.s32 $execute0_lowered;
	[smem:$0x3FD2] =	sst s26  }
0x2d: {  	s6 =	sshll.u32 s27, $0x1;
	_ =	strace $0x80000049;
	[dreg:$0x1] =	wrdreg $0xFFFFFFFF  }
0x2e: {  	s28 =	simm.s32 $_size_execute0_lowered;
	s4 =	sadd.s32 s4, s6;
	[dreg:$0x0] =	wrdreg $0x0  }
0x2f: {  	s6 =	sshll.u32 s28, $0x1;
	[dreg:$0x2] =	wrdreg s4  }
0x30: {  	[dreg:$0x3] =	wrdreg s6  }
0x31: {  	[dreg:$0x4] =	wrdreg $0xC0  }
0x32: {  	_ =	task [dreg:s23], $0x5FFFF  }
0x33: {  	[dreg:$0x1] =	wrdreg $0xFFFFFFFF  }
0x34: {  	[dreg:$0x0] =	wrdreg $0x60  }
0x35: {  	[dreg:$0x2] =	wrdreg s19  }
0x36: {  	[dreg:$0x3] =	wrdreg s25  }
0x37: {  	[dreg:$0x4] =	wrdreg $0x9  }
0x38: {  	_ =	task.clear_ibuf [dreg:s23], $0x5FFFF;
	_ =	strace $0x90000049  }
0x39: {  	s29 =	simm.s32 $0x9;
	_ =	strace $0x8000004B  }
0x3a: {  	_ =	swait.ge [sflag:s29], $0x1  }
0x3b: {  	[sflag:s29] =	ssyncadd.s32 $0xFFFFFFFF  }
0x3c: {  	_ =	strace $0x9000004B  }
0x3d: {  	_ =	sfence  }
0x3e: {  	s30 =	sld [smem:$0x0];
	_ =	sdelay $0x2  }
0x3f: {  	s31 =	sshll.u32 s1, $0xD;
	s1 =	sshrl.u32 s1, $0x2  }
0x40: {  	s4 =	sand.u32 $0x4000, s31;
	s1 =	sadd.s32 s1, s30  }
0x41: {  	s0 =	sor.u32 s4, s0;
	s1 =	sshll.u32 s1, $0x11  }
0x42: {  	s0 =	sor.u32 s1, s0  }
0x43: {  	s0 =	sadd.s32 $0x8F2B, s0  }
0x44: {  	[sflag:s0] =	ssyncadd.remote.s32 $0x1  }
0x45: {  	_ =	sfence.sel $0xFFFF  }
0x46: {  	[dreg:$0x0] =	wrdreg $0xFFFFFFFF;
	(pc) =	sbr.abs _section_cstart, $3  }
0x47: {  	[dreg:$0x1] =	wrdreg $0xFFFFFFFF  }
0x48: {  	_ =	task.clear_ibuf [dreg:s23], $0x2FFFF;
	_ =	strace $0x9FFFFFFF  }
0x49: {  	(tm) =	ssettm $0x7FFFFFFF  }
tec
execute0_lowered:
.L_overlay_start_1:
0x0: {  	(tag) =	ssettag $0x1  }
0x1: {  	s0 =	srdreg.scid  }
0x2: {  	s3 =	rddreg [dreg:$0x0];
	s1 =	sshll.u32 s0, $0x4  }
0x3: {  	s6 =	rddreg [dreg:$0x1];
	s0 =	stileid.u32;
	s1 =	sand.u32 $0x10, s1  }
0x4: {  	s7 =	simm.s32 $0x2;
	s17 =	simm.s32 $0x0;
	s1 =	sor.u32 s0, s1  }
0x5: {  	s8 =	simm.s32 $0x90000;
	s9 =	simm.s32 $0x0;
	s2 =	sshll.u32 s1, $0x3  }
0x6: {  	s15 =	simm.s32 $0x0;
	s16 =	simm.s32 $0x0;
	s1 =	ssub.s32 $0x300, s2  }
0x7: {  	s18 =	simm.s32 $0x0;
	s10 =	simm.s32 $0x0;
	s4 =	sand.u32 $0xF8, s1  }
0x8: {  	s11 =	simm.s32 $0x0;
	p0 =	sne.s32 s4, $0x0;
	s4 =	simm.s32 $0x1  }
.Ltmp0:
0x9: {  	s5 =	sshrl.u32 s1, $0x8;
	s4 =	simm.s32 @!p0 $0x0;
	(pc) =	sbr.rel .LBB1_1-.Ltmp0, $4  }
0xa: {  	s12 =	simm.s32 $0x0;
	s1 =	rddreg [dreg:$0x2];
	s5 =	sadd.s32 s4, s5  }
0xb: {  	_ =	strace $0x8000004A;
	s4 =	simm.s32 $0x1;
	s5 =	smul.u32 $0x6, s5  }
0xc: {  	s14 =	simm.s32 $0x0;
	s6 =	sadd.s32 $0x129600, s6;
	[sflag:s4] =	ssyncpa.u1 $0x0  }
0xd: {  	s13 =	smov.u32 s2;
	[sflag:s7] =	ssyncpa.u1 $0x0;
	s7 =	sor.u32 $0x1, s5  }
.LBB1_9:
0xe: {  	s19 =	sadd.s32 $0x80, s10  }
0xf: {  	s15 =	sadd.s32 $0x4, s11;
	s20 =	smov.u32 s11;
	p1 =	sgt.s32 s19, $0x2FF  }
0x10: {  	s20 =	smov.u32 @p1 s15  }
0x11: {  	s21 =	smov.u32 s12;
	s15 =	sadd.s32 $0x4, s12;
	p2 =	sgt.s32 s20, $0x3  }
0x12: {  	s21 =	smov.u32 @p2 s15  }
0x13: {  	s22 =	smov.u32 s13;
	s15 =	sadd.s32 $0x100, s13;
	p3 =	sgt.s32 s21, $0x3  }
0x14: {  	p0 =	slt.u32 s14, $0x2;
	s22 =	smov.u32 @p3 s15  }
0x15: {  	s17 =	smov.u32 s10;
	s19 =	simm.s32 @p1 $0x0;
	p1 =	sgt.s32 s22, $0x2FF  }
0x16: {  	s23 =	simm.s32 @!p0 $0x2;
	s22 =	smov.u32 @p1 s2;
	p1 =	sne.s32 s14, s7  }
.Ltmp1:
0x17: {  	s16 =	smov.u32 s12;
	_ =	swait.ge @!p0 [sflag:s23], $0x4000;
	(pc) =	sbr.rel @!p1 .LBB1_10-.Ltmp1, $4  }
0x18: {  	s18 =	smov.u32 s13;
	s9 =	sadd.s32 $0x4000, s9;
	[sflag:s23] =	ssyncset.done @!p0 $0x0  }
0x19: {  	s10 =	smov.u32 s19;
	s20 =	simm.s32 @p2 $0x0;
	[sflag:s23] =	ssyncadd.s32 @!p0 $0xFFFFC000  }
0x1a: {  	s21 =	simm.s32 @p3 $0x0;
	s15 =	smov.u32 s11;
	s11 =	smov.u32 s20  }
0x1b: {  	s12 =	smov.u32 s21;
	s14 =	sadd.s32 $0x1, s14;
	s13 =	smov.u32 s22  }
.LBB1_1:
0x1c: {  	p0 =	sge.u32 s14, s5  }
0x1d: {  	s19 =	sshrl.u32 @!p0 s11, $0x2  }
0x1e: {  	s20 =	sshll.u32 @!p0 s10, $0x2;
	s19 =	smul.u32 @!p0 $0xC00, s19  }
0x1f: {  	s21 =	sshll.u32 @!p0 s11, $0x7;
	s20 =	sand.u32 @!p0 $0xFFFFFE00, s20  }
0x20: {  	s19 =	sadd.s32 @!p0 s19, s20;
	s20 =	sand.u32 @!p0 $0x180, s21  }
0x21: {  	s21 =	sand.u32 @!p0 $0x7F, s10;
	s19 =	sor.u32 @!p0 s20, s19  }
0x22: {  	s20 =	sor.u32 @!p0 s21, s19  }
0x23: {  	s21 =	smulhi.u32 @!p0 $0xAAAAAAAB, s20  }
0x24: {  	s19 =	smulhi.u32 @!p0 $0xAAAAAAAB, s19  }
0x25: {  	s31 =	sadd.s32 $0xFFFFFFFF, s14;
	s23 =	smul.u32 @!p0 $0x600, s13;
	s21 =	sshrl.u32 @!p0 s21, $0x9  }
0x26: {  	s22 =	sxor.u32 @!p0 $0xFFFFFFFF, s14;
	s19 =	sshrl.u32 @!p0 s19, $0x9;
	s21 =	smul.u32 @!p0 $0x300, s21  }
0x27: {  	s24 =	smul.u32 @!p0 $0x180, s12;
	s22 =	sshll.u32 @!p0 s22, $0xE;
	s19 =	sand.u32 @!p0 $0x3, s19  }
0x28: {  	s19 =	smul.u32 @!p0 $0x60, s19;
	s20 =	ssub.s32 @!p0 s20, s21;
	s21 =	sadd.s32 @!p0 s3, s23  }
0x29: {  	s22 =	sand.u32 @!p0 $0x4000, s22;
	s21 =	sadd.s32 @!p0 s24, s21;
	s23 =	sand.u32 @!p0 $0x7, s20  }
0x2a: {  	s20 =	sshrl.u32 @!p0 s20, $0x3;
	s19 =	sadd.s32 @!p0 s19, s21;
	s21 =	sshll.u32 @!p0 s23, $0x12  }
0x2b: {  	s19 =	sadd.s32 @!p0 s20, s19;
	s20 =	sor.u32 @!p0 $0x200, s21;
	s21 =	simm.s32 @!p0 $0xC00  }
0x2c: {  	[tilespmem:s22], [sflag:$0x1] =	stream.strided.gather @!p0 [hbm4b:s19+s20], $0x4000, s21, s20, $0x38;
	[tilespmem:$0x10000] =	vst v63  }
0x2d: {  	p0 =	sge.u32 s31, s5  }
.Ltmp2:
0x2e: {  	_ = 	snop;
	(pc) =	sbr.rel @p0 .LBB1_9-.Ltmp2, $1  }
0x2f: {  	_ =	sdelay $0x3  }
0x30: {  	s19 =	sand.u32 $0x4000, s9  }
0x31: {  	_ =	swait.ge [sflag:s4], $0x4000;
	s22 =	sshll.u32 s14, $0xE;
	s20 =	sor.u32 $0x8040, s19  }
0x32: {  	s21 =	sor.u32 $0x40, s19;
	[sflag:s4] =	ssyncset.done $0x0;
	s31 =	sand.u32 $0x4000, s22  }
0x33: {  	s22 =	simm.s32 $0x0;
	[sflag:s4] =	ssyncadd.s32 $0xFFFFC000;
	s19 =	sor.u32 $0x8000, s31  }
.LBB1_3:
0x34: {  	s23 =	smov.u32 s21;
	s24 =	smov.u32 s20;
	s25 =	simm.s32 $0x0  }
.LBB1_4:
0x35: {  	v0 =	vmov s23;
	_ =	sdelay $0x3  }
0x36: {  	s27 =	simm.s32 $0x0  }
0x37: {  	v6 =	vld.idx.msk [tilespmem:v0+s27+$0x30 ss:$0x1], $0xffff  }
0x38: {  	v7 =	vld.idx.msk [tilespmem:v0+s27+$0xFFFFFFC0 ss:$0x1], $0xffff  }
0x39: {  	v5 =	vld.idx.msk [tilespmem:v0+s27+$0xFFFFFFD0 ss:$0x1], $0xffff  }
0x3a: {  	v4 =	vld.idx.msk [tilespmem:v0+s27+$0xFFFFFFE0 ss:$0x1], $0xffff  }
0x3b: {  	v3 =	vld.idx.msk [tilespmem:v0+s27+$0xFFFFFFF0 ss:$0x1], $0xffff  }
0x3c: {  	v1 =	vld.idx.msk [tilespmem:v0+s27+$0x0 ss:$0x1], $0xffff  }
0x3d: {  	v2 =	vld.idx.msk [tilespmem:v0+s27+$0x10 ss:$0x1], $0xffff;
	[tilespmem:s24+$0x30] =	vst v6  }
0x3e: {  	s26 =	simm.s32 $0x80;
	s28 =	simm.s32 $0x400;
	[tilespmem:s24+$0xFFFFFFC0] =	vst v7;
	v6 =	vld.idx.msk [tilespmem:v0+s27+$0x20 ss:$0x1], $0xffff;
	s27 =	smov.u32 s24  }
.LBB1_5:
0x3f: {  	p0 =	sne.s32 s28, $0x600;
	v7 =	vld.idx.msk [tilespmem:v0+s26+$0x30 ss:$0x1], $0xffff;
	[tilespmem:s27+$0xFFFFFFD0] =	vst v5  }
0x40: {  	v8 =	vld.idx.msk [tilespmem:v0+s26+$0xFFFFFFC0 ss:$0x1], $0xffff;
	[tilespmem:s27+$0xFFFFFFE0] =	vst v4  }
0x41: {  	v5 =	vld.idx.msk [tilespmem:v0+s26+$0xFFFFFFD0 ss:$0x1], $0xffff;
	[tilespmem:s27+$0xFFFFFFF0] =	vst v3  }
.Ltmp3:
0x42: {  	v4 =	vld.idx.msk [tilespmem:v0+s26+$0xFFFFFFE0 ss:$0x1], $0xffff;
	[tilespmem:s27+$0x0] =	vst v1;
	(pc) =	sbr.rel @p0 .LBB1_5-.Ltmp3, $4  }
0x43: {  	v3 =	vld.idx.msk [tilespmem:v0+s26+$0xFFFFFFF0 ss:$0x1], $0xffff;
	[tilespmem:s27+$0x10] =	vst v2  }
0x44: {  	v1 =	vld.idx.msk [tilespmem:v0+s26+$0x0 ss:$0x1], $0xffff;
	[tilespmem:s27+$0x20] =	vst v6;
	s27 =	sadd.s32 $0x400, s27  }
0x45: {  	v2 =	vld.idx.msk [tilespmem:v0+s26+$0x10 ss:$0x1], $0xffff;
	[tilespmem:s27+$0x30] =	vst v7  }
0x46: {  	[tilespmem:s27+$0xFFFFFFC0] =	vst v8;
	v6 =	vld.idx.msk [tilespmem:v0+s26+$0x20 ss:$0x1], $0xffff;
	s26 =	sshra.s32 s28, $0x2;
	s28 =	sadd.s32 $0x200, s28  }
0x47: {  	_ =	sdelay $0x2  }
0x48: {  	[tilespmem:s27+$0xFFFFFFD0] =	vst v5  }
0x49: {  	v56 =	vld.idx.msk [tilespmem:v0+s26+$0x30 ss:$0x1], $0xffff;
	[tilespmem:s27+$0xFFFFFFE0] =	vst v4  }
0x4a: {  	v57 =	vld.idx.msk [tilespmem:v0+s26+$0xFFFFFFC0 ss:$0x1], $0xffff;
	[tilespmem:s27+$0xFFFFFFF0] =	vst v3  }
0x4b: {  	v58 =	vld.idx.msk [tilespmem:v0+s26+$0xFFFFFFD0 ss:$0x1], $0xffff;
	[tilespmem:s27+$0x0] =	vst v1  }
0x4c: {  	v59 =	vld.idx.msk [tilespmem:v0+s26+$0xFFFFFFE0 ss:$0x1], $0xffff;
	[tilespmem:s27+$0x10] =	vst v2  }
0x4d: {  	v60 =	vld.idx.msk [tilespmem:v0+s26+$0xFFFFFFF0 ss:$0x1], $0xffff;
	s31 =	sadd.s32 $0x400, s27;
	[tilespmem:s27+$0x20] =	vst v6  }
0x4e: {  	v61 =	vld.idx.msk [tilespmem:v0+s26+$0x0 ss:$0x1], $0xffff;
	[tilespmem:s31+$0x30] =	vst v56  }
0x4f: {  	v62 =	vld.idx.msk [tilespmem:v0+s26+$0x10 ss:$0x1], $0xffff;
	s25 =	sadd.s32 $0x1, s25;
	[tilespmem:s31+$0xFFFFFFC0] =	vst v57  }
0x50: {  	v63 =	vld.idx.msk [tilespmem:v0+s26+$0x20 ss:$0x1], $0xffff;
	p0 =	sne.s32 s25, $0x4;
	[tilespmem:s31+$0xFFFFFFD0] =	vst v58  }
.Ltmp4:
0x51: {  	[tilespmem:s31+$0xFFFFFFE0] =	vst v59;
	(pc) =	sbr.rel @p0 .LBB1_4-.Ltmp4, $4  }
0x52: {  	[tilespmem:s31+$0xFFFFFFF0] =	vst v60  }
0x53: {  	[tilespmem:s31+$0x0] =	vst v61  }
0x54: {  	[tilespmem:s31+$0x10] =	vst v62  }
0x55: {  	s24 =	sadd.s32 $0x1000, s24;
	s23 =	sadd.s32 $0x200, s23;
	[tilespmem:s31+$0x20] =	vst v63  }
0x56: {  	s22 =	sadd.s32 $0x1, s22  }
0x57: {  	p0 =	sne.s32 s22, $0x8  }
.Ltmp5:
0x58: {  	_ = 	snop;
	(pc) =	sbr.rel @p0 .LBB1_3-.Ltmp5, $2  }
0x59: {  	_ =	sdelay $0x2  }
0x5a: {  	s20 =	sadd.s32 $0x80, s20;
	s21 =	sadd.s32 $0x800, s21  }
0x5b: {  	s20 =	sshrl.u32 s18, $0x3  }
0x5c: {  	s21 =	sshll.u32 s17, $0x3;
	s20 =	smul.u32 $0x1800, s20  }
0x5d: {  	s27 =	sshll.u32 s18, $0x7;
	s21 =	sand.u32 $0xFFFFFC00, s21  }
0x5e: {  	s18 =	sand.u32 $0x380, s27;
	s20 =	sadd.s32 s20, s21  }
0x5f: {  	s28 =	sand.u32 $0x7F, s17;
	s18 =	sor.u32 s18, s20  }
0x60: {  	s17 =	sor.u32 s28, s18;
	s18 =	smulhi.u32 $0xAAAAAAAB, s18;
	_ =	sdelay $0x1  }
0x61: {  	s16 =	smul.u32 $0x48000, s16;
	s18 =	sshrl.u32 s18, $0x9  }
0x62: {  	s30 =	smulhi.u32 $0x555556, s18  }
0x63: {  	s29 =	smulhi.u32 $0xAAAAAAAB, s17  }
0x64: {  	s21 =	smul.u32 $0x300, s30  }
0x65: {  	s15 =	smul.u32 $0x12000, s15;
	s20 =	sshrl.u32 s29, $0x9  }
0x66: {  	s20 =	smul.u32 $0x300, s20;
	s18 =	ssub.s32 s18, s21  }
0x67: {  	s18 =	smul.u32 $0x60, s18  }
.Ltmp6:
0x68: {  	s16 =	sadd.s32 s6, s16;
	s17 =	ssub.s32 s17, s20;
	(pc) =	sbr.rel .LBB1_9-.Ltmp6, $4  }
0x69: {  	s15 =	sadd.s32 s15, s16;
	s31 =	sand.u32 $0x7, s17  }
0x6a: {  	s17 =	sshrl.u32 s17, $0x3;
	s16 =	sshll.u32 s31, $0x12;
	s15 =	sadd.s32 s18, s15  }
0x6b: {  	s16 =	sor.u32 $0x400, s16;
	s15 =	sadd.s32 s17, s15  }
0x6c: {  	[hbm4b:s15+s16] =	stream.strided.scatter [tilespmem:s19], [sflag:$0x2], $0x4000, s8, s16, $0x38;
	[tilespmem:$0x10000] =	vst v63  }
.LBB1_10:
0x6d: {  	_ =	sfence.sel $0x180000  }
0x6e: {  	s2 =	simm.s32 $0x1;
	[bflag:$0x0] =	sbarrier.arrive $0xFFFF  }
0x6f: {  	s31 =	simm.s32 $0x2;
	[sflag:s2] =	ssyncpa.u1 $0x1  }
0x70: {  	[sflag:s31] =	ssyncpa.u1 $0x1  }
0x71: {  	p0 =	sne.s32 s0, $0x0;
	_ =	strace $0x9000004A  }
0x72: {  	s0 =	sadd.s32 @!p0 $0x100000, s1;
	[bflag:$0x2] =	sbarrier.arrive $0xFFFF  }
0x73: {  	[sflag:s0] =	ssyncadd.tile.s32 @!p0 $0x1;
	_ =	shalt  }
.Lfunc_end1:
_tile_overlayer_lowered:
.L_overlay_start_2:
0x74: {  	(tag) =	ssettag $0x2  }
0x75: {  	s0 =	rddreg [dreg:$0x0];
	s2 =	stileid.u32  }
0x76: {  	s1 =	rddreg [dreg:$0x1];
	p0 =	sne.s32 s2, $0x0  }
0x77: {  	s3 =	rddreg [dreg:$0x2];
	[bflag:$0x3] =	sbarrier.arrive $0xFFFF;
	s2 =	simm.s32 @!p0 $0x1C01  }
0x78: {  	[timem:s3], [sflag:s2] =	dma.local @!p0 [hbm:s0], s1  }
0x79: {  	s0 =	simm.s32 @!p0 $0x1  }
0x7a: {  	_ =	swait.ge @!p0 [sflag:s0], s1  }
0x7b: {  	s1 =	ssub.s32 @!p0 $0x0, s1;
	[sflag:s0] =	ssyncset.done @!p0 $0x0  }
0x7c: {  	[sflag:s0] =	ssyncadd.s32 @!p0 s1  }
0x7d: {  	[bflag:$0x3] =	sbarrier.arrive $0xFFFF  }
0x7e: {  	_ =	shalt  }

// kernel: sparse-core-data-format-call.3.cloned.1.call-start
scs
called_computation.3_lowered:
.L_overlay_start_0:
0x0: {  	s2 =	sld [smem:$0x3FD9]  }
0x1: {  	s3 =	sld [smem:$0x3FFE];
	_ =	sdelay $0x1  }
0x2: {  	s1 =	srdreg.scid  }
0x3: {  	s0 =	sand.u32 $0x1, s1  }
0x4: {  	s18 =	sshll.u32 s0, $0xA;
	s2 =	sadd.s32 s3, s2  }
0x5: {  	s2 =	sadd.s32 s2, s18  }
0x6: {  	[smem:$0x3FB9] =	sst s2  }
0x7: {  	_ = 	snop  }
0x8: {  	s2 =	sld [smem:$0x3FD0];
	(tm) =	ssettm $0x1  }
0x9: {  	s19 =	sld [smem:$0x3FFB];
	_ =	sdelay $0x3  }
0xa: {  	_ =	strace s19  }
0xb: {  	s3 =	sld [smem:$0x3FFC];
	_ =	sdelay $0x3  }
0xc: {  	_ =	strace s3  }
0xd: {  	s3 =	sld [smem:$0x3FFD];
	_ =	sdelay $0x3  }
0xe: {  	_ =	strace s3  }
0xf: {  	_ =	strace $0x8FFFFFFF  }
0x10: {  	s20 =	sld [smem:$0x3FDB];
	_ =	sdelay $0x1  }
0x11: {  	s4 =	simm.s32 $_scs_section_size  }
0x12: {  	s5 =	simm.s32 $_size__tile_overlayer_lowered;
	s6 =	simm.s32 $_tile_overlayer_lowered  }
0x13: {  	s23 =	simm.s32 $0x1BFF;
	s22 =	sshll.u32 s6, $0x1;
	s3 =	sadd.s32 s4, s20  }
0x14: {  	s7 =	simm.s32 $0x0;
	s21 =	sshll.u32 s5, $0x1;
	s5 =	sadd.s32 s22, s3  }
0x15: {  	[timem:s7], [sflag:s23] =	dma.local [hbm:s5], s21  }
0x16: {  	_ =	swait.ge [sflag:s23], s21  }
0x17: {  	s4 =	ssub.s32 $0x0, s21;
	[sflag:s23] =	ssyncset.done $0x0  }
0x18: {  	[sflag:s23] =	ssyncadd.s32 s4;
	_ =	sdelay $0x1  }
0x19: {  	s24 =	simm.s32 $0x1B8B  }
0x1a: {  	_ =	swait.ge [sflag:s24], $0x1  }
0x1b: {  	[sflag:s24] =	ssyncset.done $0x0  }
0x1c: {  	s26 =	simm.s32 $0x1B8E;
	s25 =	sld [smem:$0x3FFE];
	[sflag:s24] =	ssyncadd.s32 $0xFFFFFFFF  }
0x1d: {  	s27 =	simm.s32 $execute0_lowered;
	[smem:$0x3FD2] =	sst s26  }
0x1e: {  	s5 =	sshll.u32 s27, $0x1;
	_ =	strace $0x80000046;
	[dreg:$0x1] =	wrdreg $0xFFFFFFFF  }
0x1f: {  	s28 =	simm.s32 $_size_execute0_lowered;
	s3 =	sadd.s32 s3, s5;
	[dreg:$0x0] =	wrdreg $0x0  }
0x20: {  	s5 =	sshll.u32 s28, $0x1;
	[dreg:$0x2] =	wrdreg s3  }
0x21: {  	[dreg:$0x3] =	wrdreg s5  }
0x22: {  	[dreg:$0x4] =	wrdreg $0xC0  }
0x23: {  	_ =	task [dreg:s7], $0x5FFFF  }
0x24: {  	[dreg:$0x1] =	wrdreg $0xFFFFFFFF  }
0x25: {  	[dreg:$0x0] =	wrdreg $0x60  }
0x26: {  	[dreg:$0x2] =	wrdreg s2  }
0x27: {  	[dreg:$0x3] =	wrdreg s25  }
0x28: {  	[dreg:$0x4] =	wrdreg $0xA  }
0x29: {  	_ =	task.clear_ibuf [dreg:s7], $0x5FFFF;
	_ =	strace $0x90000046  }
0x2a: {  	s29 =	simm.s32 $0xA;
	_ =	strace $0x80000048  }
0x2b: {  	_ =	swait.ge [sflag:s29], $0x1  }
0x2c: {  	[sflag:s29] =	ssyncadd.s32 $0xFFFFFFFF  }
0x2d: {  	_ =	strace $0x90000048  }
0x2e: {  	_ =	sfence  }
0x2f: {  	s30 =	sld [smem:$0x0];
	_ =	sdelay $0x2  }
0x30: {  	s31 =	sshll.u32 s1, $0xD;
	s1 =	sshrl.u32 s1, $0x2  }
0x31: {  	s3 =	sand.u32 $0x4000, s31;
	s1 =	sadd.s32 s1, s30  }
0x32: {  	s0 =	sor.u32 s3, s0;
	s1 =	sshll.u32 s1, $0x11  }
0x33: {  	s0 =	sor.u32 s1, s0  }
0x34: {  	s0 =	sadd.s32 $0x8F2B, s0  }
0x35: {  	[sflag:s0] =	ssyncadd.remote.s32 $0x1  }
0x36: {  	_ =	sfence.sel $0xFFFF  }
0x37: {  	[dreg:$0x0] =	wrdreg $0xFFFFFFFF;
	(pc) =	sbr.abs _section_cstart, $3  }
0x38: {  	[dreg:$0x1] =	wrdreg $0xFFFFFFFF  }
0x39: {  	_ =	task.clear_ibuf [dreg:s7], $0x2FFFF;
	_ =	strace $0x9FFFFFFF  }
0x3a: {  	(tm) =	ssettm $0x7FFFFFFF  }
0x3b: {  	_ =	shalt  }
tec
execute0_lowered:
.L_overlay_start_1:
0x0: {  	(tag) =	ssettag $0x1  }
0x1: {  	s0 =	srdreg.scid;
	s3 =	rddreg [dreg:$0x0]  }
0x2: {  	s29 =	stileid.u32;
	s10 =	rddreg [dreg:$0x1];
	_ =	strace $0x80000047  }
0x3: {  	s30 =	simm.s32 $0x2;
	s23 =	simm.s32 $0x0;
	s20 =	simm.s32 $0x0  }
0x4: {  	s21 =	simm.s32 $0x0;
	s22 =	simm.s32 $0x0;
	s2 =	sand.u32 $0x1, s0  }
0x5: {  	s24 =	simm.s32 $0x0;
	s25 =	simm.s32 $0x0;
	s1 =	ssub.s32 $0x2, s2  }
0x6: {  	s13 =	simm.s32 $0x0;
	s4 =	ssub.s32 $0x2B, s29;
	s5 =	sshrl.u32 s1, $0x1  }
0x7: {  	s14 =	simm.s32 $0x0;
	s6 =	sshrl.u32 s4, $0x4;
	s1 =	ssub.s32 s1, s5  }
0x8: {  	s15 =	simm.s32 $0x0;
	s17 =	stileid.u32;
	s1 =	smul.u32 s1, s6  }
.Ltmp0:
0x9: {  	s18 =	simm.s32 $0x0;
	s19 =	simm.s32 $0x0;
	(pc) =	sbr.rel .LBB1_1-.Ltmp0, $4  }
0xa: {  	s31 =	sadd.s32 $0x3600, s10;
	s7 =	sadd.s32 $0x49800, s3;
	s8 =	sadd.s32 $0x93000, s3  }
0xb: {  	s9 =	sadd.s32 $0xDC800, s3;
	s4 =	simm.s32 $0x1;
	s6 =	smul.u32 $0x15, s1  }
0xc: {  	s10 =	sadd.s32 $0x4CE00, s10;
	[dreg:$0x3] =	wrdreg s31;
	[sflag:s4] =	ssyncpa.u1 $0x0  }
0xd: {  	s16 =	smov.u32 s2;
	[sflag:s30] =	ssyncpa.u1 $0x0;
	s11 =	sadd.s32 $0x1, s6  }
.LBB1_9:
0xe: {  	s0 =	sadd.s32 $0x100, s13  }
0xf: {  	s1 =	sadd.s32 $0x2, s14;
	s3 =	smov.u32 s14;
	p1 =	sgt.s32 s0, $0x2FF  }
0x10: {  	s3 =	smov.u32 @p1 s1  }
0x11: {  	s5 =	smov.u32 s15;
	s1 =	sadd.s32 $0x4, s15;
	p2 =	sgt.s32 s3, $0x1  }
0x12: {  	s12 =	smov.u32 s16;
	s5 =	smov.u32 @p2 s1  }
0x13: {  	s26 =	smov.u32 s17;
	s1 =	sadd.s32 $0x2, s16;
	p3 =	sgt.s32 s5, $0x1B  }
0x14: {  	p0 =	slt.u32 s19, $0x2;
	s27 =	smov.u32 s18;
	s12 =	smov.u32 @p3 s1  }
0x15: {  	s20 =	stileid.u32;
	s1 =	sadd.s32 $0x10, s17;
	p4 =	sgt.s32 s12, $0x1  }
0x16: {  	s23 =	smov.u32 s13;
	s21 =	smov.u32 s15;
	s26 =	smov.u32 @p4 s1  }
0x17: {  	s0 =	simm.s32 @p1 $0x0;
	s1 =	sadd.s32 $0x4, s18;
	p1 =	sgt.s32 s26, $0x1B  }
0x18: {  	s22 =	smov.u32 s16;
	s24 =	smov.u32 s17;
	s27 =	smov.u32 @p1 s1  }
0x19: {  	s25 =	smov.u32 s18;
	s26 =	smov.u32 @p1 s20;
	p1 =	sgt.s32 s27, $0x3  }
0x1a: {  	s13 =	smov.u32 s0;
	s27 =	simm.s32 @p1 $0x0;
	p1 =	sne.s32 s19, s11  }
.Ltmp1:
0x1b: {  	s3 =	simm.s32 @p2 $0x0;
	s5 =	simm.s32 @p3 $0x0;
	(pc) =	sbr.rel @!p1 .LBB1_10-.Ltmp1, $4  }
0x1c: {  	s15 =	smov.u32 s5;
	s12 =	smov.u32 @p4 s2;
	s1 =	simm.s32 @!p0 $0x2  }
0x1d: {  	s16 =	smov.u32 s12;
	s20 =	smov.u32 s14;
	_ =	swait.ge @!p0 [sflag:s1], $0x2000  }
0x1e: {  	s14 =	smov.u32 s3;
	s17 =	smov.u32 s26;
	[sflag:s1] =	ssyncset.done @!p0 $0x0  }
0x1f: {  	s19 =	sadd.s32 $0x1, s19;
	[sflag:s1] =	ssyncadd.s32 @!p0 $0xFFFFE000;
	s18 =	smov.u32 s27  }
.LBB1_1:
0x20: {  	p0 =	sge.u32 s19, s6  }
0x21: {  	s1 =	sshrl.u32 @!p0 s14, $0x1  }
0x22: {  	s26 =	sshll.u32 @!p0 s13, $0x1;
	s27 =	sshll.u32 @!p0 s14, $0x7;
	s1 =	smul.u32 @!p0 $0x600, s1  }
0x23: {  	s28 =	sand.u32 @!p0 $0x7F, s13;
	s26 =	sand.u32 @!p0 $0xFFFFFF00, s26;
	s27 =	sand.u32 @!p0 $0x80, s27  }
0x24: {  	s1 =	sadd.s32 @!p0 s1, s26;
	s26 =	sor.u32 @!p0 s28, s27  }
0x25: {  	s26 =	sor.u32 @!p0 s1, s26  }
0x26: {  	s27 =	smulhi.u32 @!p0 $0xAAAAAAAB, s26  }
0x27: {  	s29 =	smul.u32 @!p0 $0x49800, s18  }
0x28: {  	s1 =	smulhi.u32 @!p0 $0xAAAAAAAB, s1;
	s27 =	sshrl.u32 @!p0 s27, $0x9  }
0x29: {  	s0 =	rddreg [dreg:$0x0];
	s27 =	smul.u32 @!p0 $0x300, s27  }
0x2a: {  	s30 =	smul.u32 @!p0 $0x1500, s16;
	s12 =	simm.s32 @!p0 $0x600;
	s31 =	sadd.s32 @!p0 s0, s29  }
0x2b: {  	s1 =	sshrl.u32 @!p0 s1, $0x9;
	s26 =	ssub.s32 @!p0 s26, s27;
	s27 =	smul.u32 @!p0 $0x2A00, s17  }
0x2c: {  	s0 =	smul.u32 @!p0 $0xC0, s15;
	s28 =	sxor.u32 @!p0 $0xFFFFFFFF, s19;
	s1 =	sand.u32 @!p0 $0x1, s1  }
0x2d: {  	s28 =	sshll.u32 @!p0 s28, $0xD;
	p1 =	seq.s32 @!p0 s1, $0x1;
	s1 =	sadd.s32 @!p0 s27, s31  }
0x2e: {  	p1 =	por !p1, p0;
	s31 =	simm.s32 @!p0 $0x60;
	s1 =	sadd.s32 @!p0 s30, s1  }
0x2f: {  	s5 =	sand.u32 @!p0 $0x7, s26;
	s31 =	simm.s32 @p1 $0x0;
	s1 =	sadd.s32 @!p0 s0, s1  }
0x30: {  	s26 =	sshrl.u32 @!p0 s26, $0x3;
	s5 =	sshll.u32 @!p0 s5, $0x12;
	s1 =	sadd.s32 @!p0 s31, s1  }
0x31: {  	s28 =	sand.u32 @!p0 $0x2000, s28;
	s5 =	sor.u32 @!p0 $0x200, s5;
	s1 =	sadd.s32 @!p0 s26, s1  }
0x32: {  	[tilespmem:s28], [sflag:$0x1] =	stream.strided.gather @!p0 [hbm4b:s1+s5], $0x800, s12, s5, $0x38;
	[tilespmem:$0x8000] =	vst v63  }
0x33: {  	s1 =	sadd.s32 @!p0 s29, s7  }
0x34: {  	s1 =	sadd.s32 @!p0 s27, s1  }
0x35: {  	s1 =	sadd.s32 @!p0 s30, s1  }
0x36: {  	s1 =	sadd.s32 @!p0 s0, s1  }
0x37: {  	s1 =	sadd.s32 @!p0 s31, s1  }
0x38: {  	s3 =	sor.u32 @!p0 $0x800, s28;
	s1 =	sadd.s32 @!p0 s26, s1  }
0x39: {  	[tilespmem:s3], [sflag:$0x1] =	stream.strided.gather @!p0 [hbm4b:s1+s5], $0x800, s12, s5, $0x38;
	[tilespmem:$0x8000] =	vst v63  }
0x3a: {  	s1 =	sadd.s32 @!p0 s29, s8  }
0x3b: {  	s1 =	sadd.s32 @!p0 s27, s1  }
0x3c: {  	s1 =	sadd.s32 @!p0 s30, s1  }
0x3d: {  	s1 =	sadd.s32 @!p0 s0, s1  }
0x3e: {  	s1 =	sadd.s32 @!p0 s31, s1  }
0x3f: {  	s3 =	sor.u32 @!p0 $0x1000, s28;
	s1 =	sadd.s32 @!p0 s26, s1  }
0x40: {  	[tilespmem:s3], [sflag:$0x1] =	stream.strided.gather @!p0 [hbm4b:s1+s5], $0x800, s12, s5, $0x38;
	[tilespmem:$0x8000] =	vst v63  }
0x41: {  	s1 =	sadd.s32 @!p0 s29, s9  }
0x42: {  	s1 =	sadd.s32 @!p0 s27, s1  }
0x43: {  	s1 =	sadd.s32 @!p0 s30, s1  }
0x44: {  	s0 =	sadd.s32 @!p0 s0, s1  }
0x45: {  	s0 =	sadd.s32 @!p0 s31, s0  }
0x46: {  	s1 =	sor.u32 @!p0 $0x1800, s28;
	s31 =	sadd.s32 $0xFFFFFFFF, s19;
	s0 =	sadd.s32 @!p0 s26, s0  }
0x47: {  	[tilespmem:s1], [sflag:$0x1] =	stream.strided.gather @!p0 [hbm4b:s0+s5], $0x800, s12, s5, $0x38;
	[tilespmem:$0x8000] =	vst v63  }
0x48: {  	p0 =	sge.u32 s31, s6  }
.Ltmp2:
0x49: {  	_ = 	snop;
	(pc) =	sbr.rel @p0 .LBB1_9-.Ltmp2, $1  }
0x4a: {  	_ =	sdelay $0x3  }
0x4b: {  	_ =	swait.ge [sflag:s4], $0x2000;
	s0 =	sshll.u32 s19, $0xD  }
0x4c: {  	[sflag:s4] =	ssyncset.done $0x0;
	s26 =	sand.u32 $0x2000, s0  }
0x4d: {  	s28 =	simm.s32 $0x0;
	[sflag:s4] =	ssyncadd.s32 $0xFFFFE000;
	s27 =	sor.u32 $0x4000, s26  }
.LBB1_3:
0x4e: {  	s0 =	sshll.u32 s28, $0x7  }
0x4f: {  	s1 =	sand.u32 $0x100, s0  }
0x50: {  	s3 =	sand.u32 $0x80, s0;
	s1 =	sadd.s32 s1, s27  }
0x51: {  	s5 =	sshll.u32 s28, $0xB;
	s1 =	sadd.s32 s3, s1  }
0x52: {  	s31 =	sand.u32 $0x3FFFF800, s5;
	s0 =	sadd.s32 s0, s27;
	s1 =	sadd.s32 $0x200, s1  }
0x53: {  	s30 =	simm.s32 $0x0;
	s29 =	sadd.s32 s31, s26;
	v0 =	vmov s0;
	v1 =	vmov s1  }
.LBB1_4:
0x54: {  	s0 =	sshll.u32 s30, $0x9  }
0x55: {  	s0 =	sand.u32 $0x3FFFFE00, s0  }
0x56: {  	s0 =	sadd.s32 s0, s29  }
0x57: {  	v2 =	vmov s0;
	_ =	sdelay $0x1  }
0x58: {  	s31 =	sshll.u32 s30, $0xA;
	s1 =	simm.s32 $0x0;
	p0 =	por $0x1, $0x1  }
.LBB1_5:
0x59: {  	s0 =	sshll.u32 s1, $0x7  }
0x5a: {  	s0 =	sand.u32 $0x3FFFFF80, s0  }
0x5b: {  	v3 =	vld.idx.msk [tilespmem:v2+s0+$0x0 ss:$0x1], $0xffff  }
0x5c: {  	v4 =	vld.idx.msk [tilespmem:v2+s0+$0x10 ss:$0x1], $0xffff  }
0x5d: {  	v5 =	vld.idx.msk [tilespmem:v2+s0+$0x20 ss:$0x1], $0xffff  }
0x5e: {  	s12 =	sshll.u32 s1, $0xC;
	v6 =	vld.idx.msk [tilespmem:v2+s0+$0x30 ss:$0x1], $0xffff  }
0x5f: {  	s1 =	sadd.s32 s31, s12;
	v7 =	vld.idx.msk [tilespmem:v2+s0+$0x40 ss:$0x1], $0xffff  }
0x60: {  	[tilespmem:v0+s1+$0x0 ss:$0x1] =	vst.idx.msk $0xffff, v3;
	v3 =	vld.idx.msk [tilespmem:v2+s0+$0x50 ss:$0x1], $0xffff  }
0x61: {  	v56 =	vld.idx.msk [tilespmem:v2+s0+$0x60 ss:$0x1], $0xffff;
	[tilespmem:v0+s1+$0x10 ss:$0x1] =	vst.idx.msk $0xffff, v4  }
0x62: {  	v57 =	vld.idx.msk [tilespmem:v2+s0+$0x70 ss:$0x1], $0xffff;
	[tilespmem:v0+s1+$0x20 ss:$0x1] =	vst.idx.msk $0xffff, v5  }
0x63: {  	v58 =	vld.idx.msk [tilespmem:v2+s0+$0x100 ss:$0x1], $0xffff;
	[tilespmem:v0+s1+$0x30 ss:$0x1] =	vst.idx.msk $0xffff, v6  }
0x64: {  	v59 =	vld.idx.msk [tilespmem:v2+s0+$0x110 ss:$0x1], $0xffff;
	[tilespmem:v0+s1+$0x40 ss:$0x1] =	vst.idx.msk $0xffff, v7  }
0x65: {  	[tilespmem:v0+s1+$0x50 ss:$0x1] =	vst.idx.msk $0xffff, v3;
	v3 =	vld.idx.msk [tilespmem:v2+s0+$0x120 ss:$0x1], $0xffff  }
0x66: {  	v60 =	vld.idx.msk [tilespmem:v2+s0+$0x130 ss:$0x1], $0xffff;
	[tilespmem:v0+s1+$0x60 ss:$0x1] =	vst.idx.msk $0xffff, v56  }
0x67: {  	v61 =	vld.idx.msk [tilespmem:v2+s0+$0x140 ss:$0x1], $0xffff;
	[tilespmem:v0+s1+$0x70 ss:$0x1] =	vst.idx.msk $0xffff, v57  }
0x68: {  	v62 =	vld.idx.msk [tilespmem:v2+s0+$0x150 ss:$0x1], $0xffff;
	[tilespmem:v1+s1+$0x0 ss:$0x1] =	vst.idx.msk $0xffff, v58  }
0x69: {  	v63 =	vld.idx.msk [tilespmem:v2+s0+$0x160 ss:$0x1], $0xffff;
	[tilespmem:v0+s1+$0x210 ss:$0x1] =	vst.idx.msk $0xffff, v59  }
0x6a: {  	p1 =	por p0, p0;
	[tilespmem:v0+s1+$0x220 ss:$0x1] =	vst.idx.msk $0xffff, v3;
	v3 =	vld.idx.msk [tilespmem:v2+s0+$0x170 ss:$0x1], $0xffff  }
.Ltmp3:
0x6b: {  	[tilespmem:v0+s1+$0x230 ss:$0x1] =	vst.idx.msk $0xffff, v60;
	(pc) =	sbr.rel @p1 .LBB1_5-.Ltmp3, $4  }
0x6c: {  	[tilespmem:v0+s1+$0x240 ss:$0x1] =	vst.idx.msk $0xffff, v61  }
0x6d: {  	[tilespmem:v0+s1+$0x250 ss:$0x1] =	vst.idx.msk $0xffff, v62  }
0x6e: {  	[tilespmem:v0+s1+$0x260 ss:$0x1] =	vst.idx.msk $0xffff, v63  }
0x6f: {  	p0 =	por $0x0, $0x0;
	[tilespmem:v0+s1+$0x270 ss:$0x1] =	vst.idx.msk $0xffff, v3;
	s1 =	simm.s32 $0x1  }
0x70: {  	s30 =	sadd.s32 $0x1, s30  }
0x71: {  	p0 =	sne.s32 s30, $0x4  }
.Ltmp4:
0x72: {  	_ = 	snop;
	(pc) =	sbr.rel @p0 .LBB1_4-.Ltmp4, $1  }
0x73: {  	_ =	sdelay $0x3  }
0x74: {  	s28 =	sadd.s32 $0x1, s28  }
0x75: {  	p0 =	sne.s32 s28, $0x4  }
.Ltmp5:
0x76: {  	_ = 	snop;
	(pc) =	sbr.rel @p0 .LBB1_3-.Ltmp5, $1  }
0x77: {  	_ =	sdelay $0x3  }
0x78: {  	s0 =	sshrl.u32 s25, $0x2  }
0x79: {  	s1 =	sshll.u32 s23, $0x2;
	s0 =	smul.u32 $0xC00, s0  }
0x7a: {  	s3 =	sshll.u32 s25, $0x7;
	s1 =	sand.u32 $0xFFFFFE00, s1  }
0x7b: {  	s12 =	sand.u32 $0x180, s3;
	s0 =	sadd.s32 s0, s1  }
0x7c: {  	s23 =	sand.u32 $0x7F, s23;
	s5 =	smul.u32 $0x2A00, s24;
	s0 =	sor.u32 s12, s0  }
0x7d: {  	s21 =	smul.u32 $0x180, s21;
	s1 =	sor.u32 s23, s0  }
0x7e: {  	s3 =	smulhi.u32 $0xAAAAAAAB, s1  }
0x7f: {  	s0 =	smulhi.u32 $0xAAAAAAAB, s0  }
0x80: {  	s24 =	rddreg [dreg:$0x3];
	s12 =	smul.u32 $0x93000, s22;
	s3 =	sshrl.u32 s3, $0x9  }
0x81: {  	s22 =	sadd.s32 s24, s5;
	s0 =	sshrl.u32 s0, $0x9;
	s3 =	smul.u32 $0x300, s3  }
0x82: {  	s20 =	smul.u32 $0x49800, s20;
	s22 =	sadd.s32 s12, s22;
	s0 =	sand.u32 $0x3, s0  }
0x83: {  	s25 =	sadd.s32 s21, s22;
	s0 =	smul.u32 $0x60, s0;
	s1 =	ssub.s32 s1, s3  }
0x84: {  	s29 =	simm.s32 $0xC00;
	s3 =	sadd.s32 s20, s25;
	s28 =	sand.u32 $0x7, s1  }
0x85: {  	s1 =	sshrl.u32 s1, $0x3;
	s3 =	sadd.s32 s0, s3;
	s22 =	sshll.u32 s28, $0x12  }
0x86: {  	s30 =	sadd.s32 s5, s10;
	s3 =	sadd.s32 s1, s3;
	s22 =	sor.u32 $0x400, s22  }
0x87: {  	[hbm4b:s3+s22] =	stream.strided.scatter [tilespmem:s27], [sflag:$0x2], $0x1000, s29, s22, $0x38;
	[tilespmem:$0x8000] =	vst v63  }
0x88: {  	s3 =	sadd.s32 s12, s30  }
.Ltmp6:
0x89: {  	s3 =	sadd.s32 s21, s3;
	(pc) =	sbr.rel .LBB1_9-.Ltmp6, $4  }
0x8a: {  	s3 =	sadd.s32 s20, s3  }
0x8b: {  	s0 =	sadd.s32 s0, s3  }
0x8c: {  	s31 =	sadd.s32 $0x5000, s26;
	s0 =	sadd.s32 s1, s0  }
0x8d: {  	[hbm4b:s0+s22] =	stream.strided.scatter [tilespmem:s31], [sflag:$0x2], $0x1000, s29, s22, $0x38;
	[tilespmem:$0x8000] =	vst v63  }
.LBB1_10:
0x8e: {  	_ =	sfence.sel $0x180000  }
0x8f: {  	s0 =	simm.s32 $0x1;
	[bflag:$0x0] =	sbarrier.arrive $0xFFFF  }
0x90: {  	s30 =	simm.s32 $0x2;
	[sflag:s0] =	ssyncpa.u1 $0x1  }
0x91: {  	[sflag:s30] =	ssyncpa.u1 $0x1  }
0x92: {  	_ =	strace $0x90000047  }
0x93: {  	s31 =	stileid.u32;
	[bflag:$0x2] =	sbarrier.arrive $0xFFFF  }
0x94: {  	p0 =	sne.s32 s31, $0x0;
	s0 =	rddreg [dreg:$0x2]  }
0x95: {  	s0 =	sadd.s32 @!p0 $0x100000, s0  }
0x96: {  	[sflag:s0] =	ssyncadd.tile.s32 @!p0 $0x1;
	_ =	shalt  }
.Lfunc_end1:
_tile_overlayer_lowered:
.L_overlay_start_2:
0x97: {  	(tag) =	ssettag $0x2  }
0x98: {  	s0 =	rddreg [dreg:$0x0];
	s2 =	stileid.u32  }
0x99: {  	s1 =	rddreg [dreg:$0x1];
	p0 =	sne.s32 s2, $0x0  }
0x9a: {  	s3 =	rddreg [dreg:$0x2];
	[bflag:$0x3] =	sbarrier.arrive $0xFFFF;
	s2 =	simm.s32 @!p0 $0x1C01  }
0x9b: {  	[timem:s3], [sflag:s2] =	dma.local @!p0 [hbm:s0], s1  }
0x9c: {  	s0 =	simm.s32 @!p0 $0x1  }
0x9d: {  	_ =	swait.ge @!p0 [sflag:s0], s1  }
0x9e: {  	s1 =	ssub.s32 @!p0 $0x0, s1;
	[sflag:s0] =	ssyncset.done @!p0 $0x0  }
0x9f: {  	[sflag:s0] =	ssyncadd.s32 @!p0 s1  }
0xa0: {  	[bflag:$0x3] =	sbarrier.arrive $0xFFFF  }
0xa1: {  	_ =	shalt  }

// kernel: sparse-core-data-format-call.cloned.1.call-start
scs
called_computation_lowered:
.L_overlay_start_0:
0x0: {  	s2 =	sld [smem:$0x3FD9]  }
0x1: {  	s3 =	sld [smem:$0x3FFE];
	_ =	sdelay $0x1  }
0x2: {  	s1 =	srdreg.scid  }
0x3: {  	s0 =	sand.u32 $0x1, s1  }
0x4: {  	s18 =	sshll.u32 s0, $0xA;
	s2 =	sadd.s32 s3, s2  }
0x5: {  	s2 =	sadd.s32 s2, s18  }
0x6: {  	[smem:$0x3FB9] =	sst s2  }
0x7: {  	_ = 	snop  }
0x8: {  	s2 =	sld [smem:$0x3FD0];
	(tm) =	ssettm $0x1  }
0x9: {  	s19 =	sld [smem:$0x3FFB];
	_ =	sdelay $0x3  }
0xa: {  	_ =	strace s19  }
0xb: {  	s3 =	sld [smem:$0x3FFC];
	_ =	sdelay $0x3  }
0xc: {  	_ =	strace s3  }
0xd: {  	s3 =	sld [smem:$0x3FFD];
	_ =	sdelay $0x3  }
0xe: {  	_ =	strace s3  }
0xf: {  	_ =	strace $0x8FFFFFFF  }
0x10: {  	s20 =	sld [smem:$0x3FDB];
	_ =	sdelay $0x1  }
0x11: {  	s4 =	simm.s32 $_scs_section_size  }
0x12: {  	s5 =	simm.s32 $_size__tile_overlayer_lowered;
	s6 =	simm.s32 $_tile_overlayer_lowered  }
0x13: {  	s23 =	simm.s32 $0x1BFF;
	s22 =	sshll.u32 s6, $0x1;
	s3 =	sadd.s32 s4, s20  }
0x14: {  	s7 =	simm.s32 $0x0;
	s21 =	sshll.u32 s5, $0x1;
	s5 =	sadd.s32 s22, s3  }
0x15: {  	[timem:s7], [sflag:s23] =	dma.local [hbm:s5], s21  }
0x16: {  	_ =	swait.ge [sflag:s23], s21  }
0x17: {  	s4 =	ssub.s32 $0x0, s21;
	[sflag:s23] =	ssyncset.done $0x0  }
0x18: {  	[sflag:s23] =	ssyncadd.s32 s4;
	_ =	sdelay $0x1  }
0x19: {  	s24 =	simm.s32 $0x1B8B  }
0x1a: {  	_ =	swait.ge [sflag:s24], $0x1  }
0x1b: {  	[sflag:s24] =	ssyncset.done $0x0  }
0x1c: {  	s26 =	simm.s32 $0x1B8E;
	s25 =	sld [smem:$0x3FFE];
	[sflag:s24] =	ssyncadd.s32 $0xFFFFFFFF  }
0x1d: {  	s27 =	simm.s32 $execute0_lowered;
	[smem:$0x3FD2] =	sst s26  }
0x1e: {  	s5 =	sshll.u32 s27, $0x1;
	_ =	strace $0x80000052;
	[dreg:$0x1] =	wrdreg $0xFFFFFFFF  }
0x1f: {  	s28 =	simm.s32 $_size_execute0_lowered;
	s3 =	sadd.s32 s3, s5;
	[dreg:$0x0] =	wrdreg $0x0  }
0x20: {  	s5 =	sshll.u32 s28, $0x1;
	[dreg:$0x2] =	wrdreg s3  }
0x21: {  	[dreg:$0x3] =	wrdreg s5  }
0x22: {  	[dreg:$0x4] =	wrdreg $0xC0  }
0x23: {  	_ =	task [dreg:s7], $0x5FFFF  }
0x24: {  	[dreg:$0x1] =	wrdreg $0xFFFFFFFF  }
0x25: {  	[dreg:$0x0] =	wrdreg $0x60  }
0x26: {  	[dreg:$0x2] =	wrdreg s25  }
0x27: {  	[dreg:$0x3] =	wrdreg s2  }
0x28: {  	[dreg:$0x4] =	wrdreg $0x9  }
0x29: {  	_ =	task.clear_ibuf [dreg:s7], $0x5FFFF;
	_ =	strace $0x90000052  }
0x2a: {  	s29 =	simm.s32 $0x9;
	_ =	strace $0x80000054  }
0x2b: {  	_ =	swait.ge [sflag:s29], $0x1  }
0x2c: {  	[sflag:s29] =	ssyncadd.s32 $0xFFFFFFFF  }
0x2d: {  	_ =	strace $0x90000054  }
0x2e: {  	_ =	sfence  }
0x2f: {  	s30 =	sld [smem:$0x0];
	_ =	sdelay $0x2  }
0x30: {  	s31 =	sshll.u32 s1, $0xD;
	s1 =	sshrl.u32 s1, $0x2  }
0x31: {  	s3 =	sand.u32 $0x4000, s31;
	s1 =	sadd.s32 s1, s30  }
0x32: {  	s0 =	sor.u32 s3, s0;
	s1 =	sshll.u32 s1, $0x11  }
0x33: {  	s0 =	sor.u32 s1, s0  }
0x34: {  	s0 =	sadd.s32 $0x8F2B, s0  }
0x35: {  	[sflag:s0] =	ssyncadd.remote.s32 $0x1  }
0x36: {  	_ =	sfence.sel $0xFFFF  }
0x37: {  	[dreg:$0x0] =	wrdreg $0xFFFFFFFF;
	(pc) =	sbr.abs _section_cstart, $3  }
0x38: {  	[dreg:$0x1] =	wrdreg $0xFFFFFFFF  }
0x39: {  	_ =	task.clear_ibuf [dreg:s7], $0x2FFFF;
	_ =	strace $0x9FFFFFFF  }
0x3a: {  	(tm) =	ssettm $0x7FFFFFFF  }
0x3b: {  	_ =	shalt  }
tec
execute0_lowered:
.L_overlay_start_1:
0x0: {  	(tag) =	ssettag $0x1  }
0x1: {  	s6 =	rddreg [dreg:$0x0]  }
0x2: {  	s0 =	srdreg.scid;
	s3 =	rddreg [dreg:$0x1]  }
0x3: {  	_ =	strace $0x80000053;
	s4 =	simm.s32 $0x1;
	s31 =	simm.s32 $0x2  }
0x4: {  	s17 =	simm.s32 $0x0;
	s8 =	simm.s32 $0x24C000;
	s1 =	sshll.u32 s0, $0x4  }
0x5: {  	s9 =	simm.s32 $0x0;
	s0 =	stileid.u32;
	s1 =	sand.u32 $0x10, s1  }
0x6: {  	s15 =	simm.s32 $0x0;
	s18 =	simm.s32 $0x0;
	s2 =	sor.u32 s0, s1  }
.Ltmp0:
0x7: {  	s16 =	simm.s32 $0x0;
	s1 =	ssub.s32 $0x57, s2;
	(pc) =	sbr.rel .LBB1_1-.Ltmp0, $4  }
0x8: {  	s10 =	simm.s32 $0x0;
	s11 =	simm.s32 $0x0;
	s1 =	sshrl.u32 s1, $0x5  }
0x9: {  	s12 =	simm.s32 $0x0;
	s14 =	simm.s32 $0x0;
	s5 =	smul.u32 $0x15, s1  }
0xa: {  	s24 =	simm.s32 $0x0;
	s6 =	sadd.s32 $0x3600, s6;
	[sflag:s4] =	ssyncpa.u1 $0x0  }
0xb: {  	[sflag:s31] =	ssyncpa.u1 $0x0;
	s13 =	smov.u32 s2;
	s7 =	sadd.s32 $0x1, s5  }
.LBB1_7:
0xc: {  	s1 =	sadd.s32 $0x100, s10  }
0xd: {  	s15 =	sadd.s32 $0x4, s11;
	s19 =	smov.u32 s11;
	p1 =	sgt.s32 s1, $0x2FF  }
0xe: {  	s19 =	smov.u32 @p1 s15  }
0xf: {  	s20 =	smov.u32 s12;
	s15 =	sadd.s32 $0x8, s12;
	p2 =	sgt.s32 s19, $0x3  }
0x10: {  	s20 =	smov.u32 @p2 s15  }
0x11: {  	s21 =	smov.u32 s13;
	s15 =	sadd.s32 $0x20, s13;
	p3 =	sgt.s32 s20, $0x37  }
0x12: {  	p0 =	slt.u32 s14, $0x2;
	s21 =	smov.u32 @p3 s15  }
0x13: {  	s17 =	smov.u32 s10;
	s1 =	simm.s32 @p1 $0x0;
	p1 =	sgt.s32 s21, $0x37  }
0x14: {  	s22 =	simm.s32 @!p0 $0x2;
	s21 =	smov.u32 @p1 s2;
	p1 =	sne.s32 s14, s7  }
.Ltmp1:
0x15: {  	s18 =	smov.u32 s12;
	_ =	swait.ge @!p0 [sflag:s22], $0x2000;
	(pc) =	sbr.rel @!p1 .LBB1_8-.Ltmp1, $4  }
0x16: {  	s16 =	smov.u32 s13;
	s9 =	sadd.s32 $0x2000, s9;
	[sflag:s22] =	ssyncset.done @!p0 $0x0  }
0x17: {  	s10 =	smov.u32 s1;
	s19 =	simm.s32 @p2 $0x0;
	[sflag:s22] =	ssyncadd.s32 @!p0 $0xFFFFE000  }
0x18: {  	s20 =	simm.s32 @p3 $0x0;
	s15 =	smov.u32 s11;
	s11 =	smov.u32 s19  }
0x19: {  	s12 =	smov.u32 s20;
	s14 =	sadd.s32 $0x1, s14;
	s13 =	smov.u32 s21  }
.LBB1_1:
0x1a: {  	p0 =	sge.u32 s14, s5  }
0x1b: {  	s1 =	sshrl.u32 @!p0 s11, $0x2  }
0x1c: {  	s19 =	sshll.u32 @!p0 s10, $0x2;
	s1 =	smul.u32 @!p0 $0xC00, s1  }
0x1d: {  	s20 =	sshll.u32 @!p0 s11, $0x7;
	s19 =	sand.u32 @!p0 $0xFFFFFE00, s19  }
0x1e: {  	s1 =	sadd.s32 @!p0 s1, s19;
	s19 =	sand.u32 @!p0 $0x180, s20  }
0x1f: {  	s20 =	sand.u32 @!p0 $0x7F, s10;
	s1 =	sor.u32 @!p0 s19, s1  }
0x20: {  	s19 =	sor.u32 @!p0 s20, s1  }
0x21: {  	s20 =	smulhi.u32 @!p0 $0xAAAAAAAB, s19  }
0x22: {  	s1 =	smulhi.u32 @!p0 $0xAAAAAAAB, s1  }
0x23: {  	s31 =	sadd.s32 $0xFFFFFFFF, s14;
	s22 =	smul.u32 @!p0 $0x5400, s13;
	s20 =	sshrl.u32 @!p0 s20, $0x9  }
0x24: {  	s21 =	sxor.u32 @!p0 $0xFFFFFFFF, s14;
	s1 =	sshrl.u32 @!p0 s1, $0x9;
	s20 =	smul.u32 @!p0 $0x300, s20  }
0x25: {  	s23 =	smul.u32 @!p0 $0x180, s12;
	s21 =	sshll.u32 @!p0 s21, $0xD;
	s1 =	sand.u32 @!p0 $0x3, s1  }
0x26: {  	s1 =	smul.u32 @!p0 $0x60, s1;
	s19 =	ssub.s32 @!p0 s19, s20;
	s20 =	sadd.s32 @!p0 s6, s22  }
0x27: {  	s21 =	sand.u32 @!p0 $0x2000, s21;
	s20 =	sadd.s32 @!p0 s23, s20;
	s22 =	sand.u32 @!p0 $0x7, s19  }
0x28: {  	s19 =	sshrl.u32 @!p0 s19, $0x3;
	s1 =	sadd.s32 @!p0 s1, s20;
	s20 =	sshll.u32 @!p0 s22, $0x12  }
0x29: {  	s1 =	sadd.s32 @!p0 s19, s1;
	s19 =	sor.u32 @!p0 $0x400, s20;
	s20 =	simm.s32 @!p0 $0xC00  }
0x2a: {  	[tilespmem:s21], [sflag:$0x1] =	stream.strided.gather @!p0 [hbm4b:s1+s19], $0x2000, s20, s19, $0x38;
	[tilespmem:$0x8000] =	vst v63  }
0x2b: {  	p0 =	sge.u32 s31, s5  }
.Ltmp2:
0x2c: {  	_ = 	snop;
	(pc) =	sbr.rel @p0 .LBB1_7-.Ltmp2, $1  }
0x2d: {  	_ =	sdelay $0x3  }
0x2e: {  	s1 =	sshll.u32 s9, $0x2;
	_ =	swait.ge [sflag:s4], $0x2000;
	s19 =	sshll.u32 s14, $0xD  }
0x2f: {  	p0 =	por $0x0, $0x0;
	s25 =	simm.s32 $0x0;
	s26 =	simm.s32 $0x0  }
0x30: {  	s1 =	sand.u32 $0x8000, s1;
	[sflag:s4] =	ssyncset.done $0x0;
	s22 =	sand.u32 $0x2000, s19  }
0x31: {  	s1 =	sshrl.u32 s1, $0x2;
	[sflag:s4] =	ssyncadd.s32 $0xFFFFE000;
	s19 =	sor.u32 $0x4000, s22  }
0x32: {  	s20 =	sor.u32 $0x40, s1;
	s21 =	sor.u32 $0x4410, s1;
	s23 =	sadd.s32 $0x4400, s1  }
.LBB1_3:
0x33: {  	v1 =	vld [tilespmem:s20+$0xFFFFFFD0]  }
0x34: {  	v2 =	vld [tilespmem:s20+$0x230]  }
0x35: {  	s1 =	sshll.u32 s26, $0xA;
	v4 =	vld [tilespmem:s20+$0xFFFFFFE0]  }
0x36: {  	v7 =	vld [tilespmem:s20+$0xFFFFFFF0];
	v0 =	vmov s1  }
0x37: {  	v8 =	vld [tilespmem:s20+$0x0]  }
0x38: {  	v9 =	vld [tilespmem:s20+$0x10];
	s1 =	sand.u32 $0x100, s24  }
0x39: {  	s27 =	sand.u32 $0x80, s24;
	v10 =	vld [tilespmem:s20+$0x20];
	s1 =	sadd.s32 s1, s22  }
0x3a: {  	v11 =	vld [tilespmem:s20+$0x30];
	s1 =	sadd.s32 s27, s1;
	s27 =	simm.s32 $0x1;
	[tilespmem:s21+$0x60] =	vst v2  }
0x3b: {  	s27 =	simm.s32 @!p0 $0x0;
	[tilespmem:s21+$0xFFFFFC00] =	vst v1;
	v3 =	vld.idx.msk [tilespmem:v0+s1+$0x200 ss:$0x1], $0xffff;
	s1 =	sshll.u32 s25, $0x2  }
0x3c: {  	v6 =	vld [tilespmem:s20+$0x1D0];
	s27 =	sshll.u32 s27, $0x9;
	[tilespmem:s21+$0xFFFFFC10] =	vst v4;
	s1 =	sand.u32 $0xFFFFFC00, s1  }
0x3d: {  	v5 =	vld [tilespmem:s20+$0x1E0];
	[tilespmem:s21+$0xFFFFFC20] =	vst v7;
	s1 =	sor.u32 s27, s1  }
0x3e: {  	[tilespmem:s21+$0xFFFFFC30] =	vst v8;
	v4 =	vld [tilespmem:s20+$0x200];
	s1 =	sshrl.u32 s1, $0x2  }
0x3f: {  	[tilespmem:s21+$0xFFFFFC40] =	vst v9;
	v1 =	vld [tilespmem:s20+$0x210];
	s27 =	sadd.s32 s1, s23  }
0x40: {  	[tilespmem:s27+$0x0] =	vst v3;
	v3 =	vld [tilespmem:s20+$0x1F0]  }
0x41: {  	s31 =	simm.s32 $0x80;
	s30 =	simm.s32 $0x100;
	[tilespmem:s21+$0xFFFFFC50] =	vst v10;
	v2 =	vld [tilespmem:s20+$0x220]  }
0x42: {  	s28 =	sadd.s32 $0x80, s20;
	s29 =	smov.u32 s21;
	v7 =	vld [tilespmem:s20+$0xFFFFFFC0];
	[tilespmem:s21+$0xFFFFFC60] =	vst v11;
	s1 =	sand.u32 $0x100, s31  }
.LBB1_4:
0x43: {  	p1 =	sne.s32 s30, $0x180;
	v8 =	vld [tilespmem:s28+$0xFFFFFFD0];
	s31 =	sand.u32 $0x80, s31;
	s1 =	sadd.s32 s1, s22;
	[tilespmem:s29+$0x0] =	vst v6  }
0x44: {  	s1 =	sadd.s32 s31, s1;
	v6 =	vld [tilespmem:s28+$0x230];
	[tilespmem:s29+$0x10] =	vst v5;
	s31 =	smov.u32 s30  }
0x45: {  	v5 =	vld.idx.msk [tilespmem:v0+s1+$0x200 ss:$0x1], $0xffff;
	[tilespmem:s29+$0x20] =	vst v3  }
0x46: {  	v3 =	vld [tilespmem:s28+$0xFFFFFFE0];
	[tilespmem:s29+$0x30] =	vst v4  }
0x47: {  	v4 =	vld [tilespmem:s28+$0xFFFFFFF0];
	[tilespmem:s29+$0xFFFFFBF0] =	vst v7  }
0x48: {  	v7 =	vld [tilespmem:s28+$0x0];
	[tilespmem:s29+$0x40] =	vst v1  }
0x49: {  	v1 =	vld [tilespmem:s28+$0x10];
	[tilespmem:s29+$0x50] =	vst v2;
	s29 =	sadd.s32 $0x800, s29  }
0x4a: {  	s27 =	sadd.s32 $0x800, s27;
	v2 =	vld [tilespmem:s28+$0x20];
	[tilespmem:s29+$0x60] =	vst v6  }
0x4b: {  	v9 =	vld [tilespmem:s28+$0x30];
	[tilespmem:s27+$0x0] =	vst v5  }
0x4c: {  	[tilespmem:s29+$0xFFFFFC00] =	vst v8;
	v6 =	vld [tilespmem:s28+$0x1D0]  }
0x4d: {  	[tilespmem:s29+$0xFFFFFC10] =	vst v3;
	v5 =	vld [tilespmem:s28+$0x1E0]  }
.Ltmp3:
0x4e: {  	[tilespmem:s29+$0xFFFFFC20] =	vst v4;
	v3 =	vld [tilespmem:s28+$0x1F0];
	(pc) =	sbr.rel @p1 .LBB1_4-.Ltmp3, $4  }
0x4f: {  	[tilespmem:s29+$0xFFFFFC30] =	vst v7;
	v4 =	vld [tilespmem:s28+$0x200]  }
0x50: {  	[tilespmem:s29+$0xFFFFFC40] =	vst v1;
	v1 =	vld [tilespmem:s28+$0x210]  }
0x51: {  	[tilespmem:s29+$0xFFFFFC50] =	vst v2;
	v2 =	vld [tilespmem:s28+$0x220]  }
0x52: {  	s30 =	sadd.s32 $0x80, s30;
	s1 =	sand.u32 $0x100, s31;
	v7 =	vld [tilespmem:s28+$0xFFFFFFC0];
	[tilespmem:s29+$0xFFFFFC60] =	vst v9;
	s28 =	sadd.s32 $0x80, s28  }
0x53: {  	[tilespmem:s29+$0x0] =	vst v6  }
0x54: {  	[tilespmem:s29+$0x10] =	vst v5  }
0x55: {  	v49 =	vld [tilespmem:s28+$0x230];
	[tilespmem:s29+$0x20] =	vst v3  }
0x56: {  	v50 =	vld [tilespmem:s28+$0xFFFFFFD0];
	[tilespmem:s29+$0x30] =	vst v4  }
0x57: {  	v51 =	vld [tilespmem:s28+$0xFFFFFFE0];
	[tilespmem:s29+$0x40] =	vst v1  }
0x58: {  	v52 =	vld [tilespmem:s28+$0xFFFFFFF0];
	[tilespmem:s29+$0x50] =	vst v2  }
0x59: {  	s30 =	sand.u32 $0x80, s31;
	s31 =	sadd.s32 $0x800, s29;
	v53 =	vld [tilespmem:s28+$0x0];
	[tilespmem:s29+$0xFFFFFBF0] =	vst v7  }
0x5a: {  	v54 =	vld [tilespmem:s28+$0x10];
	[tilespmem:s31+$0x60] =	vst v49  }
0x5b: {  	v55 =	vld [tilespmem:s28+$0x20];
	[tilespmem:s31+$0xFFFFFC00] =	vst v50  }
0x5c: {  	v56 =	vld [tilespmem:s28+$0x30];
	[tilespmem:s31+$0xFFFFFC10] =	vst v51  }
0x5d: {  	v57 =	vld [tilespmem:s28+$0x1D0];
	[tilespmem:s31+$0xFFFFFC20] =	vst v52  }
0x5e: {  	v58 =	vld [tilespmem:s28+$0x1E0];
	[tilespmem:s31+$0xFFFFFC30] =	vst v53  }
0x5f: {  	v59 =	vld [tilespmem:s28+$0x1F0];
	[tilespmem:s31+$0xFFFFFC40] =	vst v54  }
0x60: {  	v60 =	vld [tilespmem:s28+$0x200];
	[tilespmem:s31+$0xFFFFFC50] =	vst v55  }
0x61: {  	v61 =	vld [tilespmem:s28+$0xFFFFFFC0];
	[tilespmem:s31+$0xFFFFFC60] =	vst v56  }
0x62: {  	s1 =	sadd.s32 s1, s22;
	v62 =	vld [tilespmem:s28+$0x210];
	[tilespmem:s31+$0x0] =	vst v57  }
0x63: {  	v63 =	vld [tilespmem:s28+$0x220];
	s26 =	sadd.s32 $0x1, s26;
	s1 =	sadd.s32 s30, s1;
	[tilespmem:s31+$0x10] =	vst v58  }
0x64: {  	p1 =	sne.s32 s26, $0x8;
	v0 =	vld.idx.msk [tilespmem:v0+s1+$0x200 ss:$0x1], $0xffff;
	[tilespmem:s31+$0x20] =	vst v59  }
.Ltmp4:
0x65: {  	[tilespmem:s31+$0x30] =	vst v60;
	(pc) =	sbr.rel @p1 .LBB1_3-.Ltmp4, $4  }
0x66: {  	[tilespmem:s31+$0xFFFFFBF0] =	vst v61  }
0x67: {  	[tilespmem:s31+$0x40] =	vst v62  }
0x68: {  	s27 =	sadd.s32 $0x800, s27;
	s20 =	sadd.s32 $0x400, s20;
	[tilespmem:s31+$0x50] =	vst v63  }
0x69: {  	s25 =	sadd.s32 $0x80, s25;
	p0 =	por !p0, !p0;
	s21 =	sadd.s32 $0x80, s21;
	[tilespmem:s27+$0x0] =	vst v0  }
0x6a: {  	s1 =	sshrl.u32 s18, $0x3  }
0x6b: {  	s20 =	sshll.u32 s17, $0x3;
	s1 =	smul.u32 $0x1800, s1  }
0x6c: {  	s26 =	sshll.u32 s18, $0x7;
	s20 =	sand.u32 $0xFFFFFC00, s20  }
0x6d: {  	s18 =	sand.u32 $0x380, s26;
	s1 =	sadd.s32 s1, s20  }
0x6e: {  	s27 =	sand.u32 $0x7F, s17;
	s1 =	sor.u32 s18, s1  }
0x6f: {  	s17 =	sor.u32 s27, s1;
	s1 =	smulhi.u32 $0xAAAAAAAB, s1;
	_ =	sdelay $0x1  }
0x70: {  	s16 =	smul.u32 $0x1500, s16;
	s1 =	sshrl.u32 s1, $0x9  }
0x71: {  	s29 =	smulhi.u32 $0x4924925, s1  }
0x72: {  	s28 =	smulhi.u32 $0xAAAAAAAB, s17  }
0x73: {  	s20 =	smul.u32 $0x38, s29  }
0x74: {  	s15 =	smul.u32 $0x49800, s15;
	s18 =	sshrl.u32 s28, $0x9  }
0x75: {  	s18 =	smul.u32 $0x300, s18;
	s1 =	ssub.s32 s1, s20  }
0x76: {  	s1 =	smul.u32 $0x60, s1  }
.Ltmp5:
0x77: {  	s16 =	sadd.s32 s3, s16;
	s17 =	ssub.s32 s17, s18;
	(pc) =	sbr.rel .LBB1_7-.Ltmp5, $4  }
0x78: {  	s15 =	sadd.s32 s15, s16;
	s30 =	sand.u32 $0x7, s17  }
0x79: {  	s17 =	sshrl.u32 s17, $0x3;
	s31 =	sshll.u32 s30, $0x12;
	s1 =	sadd.s32 s1, s15  }
0x7a: {  	s15 =	sor.u32 $0x800, s31;
	s1 =	sadd.s32 s17, s1  }
0x7b: {  	[hbm4b:s1+s15] =	stream.strided.scatter [tilespmem:s19], [sflag:$0x2], $0x2000, s8, s15, $0x38;
	[tilespmem:$0x8000] =	vst v63  }
.LBB1_8:
0x7c: {  	_ =	sfence.sel $0x180000  }
0x7d: {  	s1 =	simm.s32 $0x1;
	[bflag:$0x0] =	sbarrier.arrive $0xFFFF  }
0x7e: {  	s31 =	simm.s32 $0x2;
	[sflag:s1] =	ssyncpa.u1 $0x1  }
0x7f: {  	[sflag:s31] =	ssyncpa.u1 $0x1  }
0x80: {  	_ =	strace $0x90000053  }
0x81: {  	[bflag:$0x2] =	sbarrier.arrive $0xFFFF  }
0x82: {  	p0 =	sne.s32 s0, $0x0;
	s0 =	rddreg [dreg:$0x2]  }
0x83: {  	s0 =	sadd.s32 @!p0 $0x100000, s0  }
0x84: {  	[sflag:s0] =	ssyncadd.tile.s32 @!p0 $0x1;
	_ =	shalt  }
.Lfunc_end1:
_tile_overlayer_lowered:
.L_overlay_start_2:
0x85: {  	(tag) =	ssettag $0x2  }
0x86: {  	s0 =	rddreg [dreg:$0x0];
	s2 =	stileid.u32  }
0x87: {  	s1 =	rddreg [dreg:$0x1];
	p0 =	sne.s32 s2, $0x0  }
0x88: {  	s3 =	rddreg [dreg:$0x2];
	[bflag:$0x3] =	sbarrier.arrive $0xFFFF;
	s2 =	simm.s32 @!p0 $0x1C01  }
0x89: {  	[timem:s3], [sflag:s2] =	dma.local @!p0 [hbm:s0], s1  }
0x8a: {  	s0 =	simm.s32 @!p0 $0x1  }
0x8b: {  	_ =	swait.ge @!p0 [sflag:s0], s1  }
0x8c: {  	s1 =	ssub.s32 @!p0 $0x0, s1;
	[sflag:s0] =	ssyncset.done @!p0 $0x0  }
0x8d: {  	[sflag:s0] =	ssyncadd.s32 @!p0 s1  }
0x8e: {  	[bflag:$0x3] =	sbarrier.arrive $0xFFFF  }
0x8f: {  	_ =	shalt  }

</sc_bundles>
